<compile_context>
chip_gen: v7x
topology: tpu7x:2x2x1
jax: 0.10.2.dev20260603
libtpu: 0.0.44.dev20260713+nightly
codegen_flags: <defaults>
</compile_context>

<pallas_src>
import jax
import jax.numpy as jnp
from jax import lax
from jax.experimental import pallas as pl
from jax.experimental.pallas import tpu as pltpu
from jax.experimental.pallas import tpu_sc as plsc

_K = 4
_L = 16
_NC = 2
_NS = 16
_NW = _NC * _NS
_NEG = -1.0e30


def _sort4(a, b, c, d):
    a, b = jnp.maximum(a, b), jnp.minimum(a, b)
    c, d = jnp.maximum(c, d), jnp.minimum(c, d)
    a, c = jnp.maximum(a, c), jnp.minimum(a, c)
    b, d = jnp.maximum(b, d), jnp.minimum(b, d)
    b, c = jnp.maximum(b, c), jnp.minimum(b, c)
    return a, b, c, d


def _merge44(ms, bs):
    a0, a1, a2, a3 = ms
    b0, b1, b2, b3 = bs
    m00 = jnp.minimum(a0, b0)
    m01 = jnp.minimum(a0, b1)
    m10 = jnp.minimum(a1, b0)
    m02 = jnp.minimum(a0, b2)
    m11 = jnp.minimum(a1, b1)
    m20 = jnp.minimum(a2, b0)
    c0 = jnp.maximum(a0, b0)
    c1 = jnp.maximum(m00, jnp.maximum(a1, b1))
    c2 = jnp.maximum(jnp.maximum(b2, a2), jnp.maximum(m01, m10))
    c3 = jnp.maximum(jnp.maximum(b3, a3),
                     jnp.maximum(m02, jnp.maximum(m11, m20)))
    return c0, c1, c2, c3


def _absorb4(ms, vs):
    return _merge44(ms, _sort4(*vs))


def _make_pool(n_b, n_c, n_c_sc, n_hw):
    b_per_w = n_b // _NW
    ct_per_b = n_c_sc // 128
    n_units = b_per_w * ct_per_b
    n_chunk = 4
    chunk_rows = n_hw // n_chunk
    n_tiles = chunk_rows // 8
    out_per_w = b_per_w * n_c_sc
    mesh = plsc.VectorSubcoreMesh(core_axis_name="c", subcore_axis_name="s")

    def body(y_hbm, w_hbm, out_hbm, wv, buf0, buf1, outv, sem0, sem1):
        cid = lax.axis_index("c")
        sid = lax.axis_index("s")
        wid = sid * _NC + cid
        row_base = wid * b_per_w * n_hw

        pltpu.sync_copy(w_hbm, wv)
        wr = [wv[t, :] for t in range(_K)]
        negv = jnp.full((_L,), _NEG, jnp.float32)
        bufs = (buf0, buf1)
        sems = (sem0, sem1)

        def src(row0, c0, q):
            r = pl.multiple_of(row0 + q * chunk_rows, chunk_rows)
            c = pl.multiple_of(c0, 128)
            return y_hbm.at[pl.ds(r, chunk_rows), pl.ds(c, 128)]

        def advance(row0, c0):
            wrap = c0 + 128 >= n_c_sc
            row0n = jnp.where(wrap, row0 + n_hw, row0)
            c0n = jnp.where(wrap, jnp.int32(0), c0 + 128)
            return row0n, c0n

        r00 = row_base + jnp.int32(0)
        c00 = jnp.int32(0)
        pltpu.async_copy(src(r00, c00, 0), buf0, sem0)
        pltpu.async_copy(src(r00, c00, 1), buf1, sem1)

        def unit_body(u, carry):
            row0, c0 = carry
            row0n, c0n = advance(row0, c0)
            ms = [(negv, negv, negv, negv) for _ in range(8)]
            for q in range(n_chunk):
                buf = bufs[q % 2]
                sem = sems[q % 2]
                pltpu.make_async_copy(src(r00, c00, 0), buf, sem).wait()
                for p in range(8):
                    def pass_body(t, m, _p=p, _buf=buf):
                        vs = []
                        for w8 in range(8):
                            vs.append(_buf[t * 8 + w8,
                                           pl.ds(_p * _L, _L)])
                            if len(vs) == 4:
                                m = _absorb4(m, tuple(vs))
                                vs = []
                        return m
                    ms[p] = lax.fori_loop(0, n_tiles, pass_body, ms[p])
                nq = q + 2
                if nq < n_chunk:
                    pltpu.async_copy(src(row0, c0, nq), buf, sem)
                else:
                    @pl.when(u + 1 < n_units)
                    def _():
                        pltpu.async_copy(src(row0n, c0n, nq - n_chunk),
                                         buf, sem)
            obase = u * 128
            for p in range(8):
                m0, m1, m2, m3 = ms[p]
                res = m0 * wr[0] + m1 * wr[1] + m2 * wr[2] + m3 * wr[3]
                outv[pl.ds(obase + p * _L, _L)] = res
            return row0n, c0n

        lax.fori_loop(0, n_units, unit_body, (r00, c00))

        pltpu.sync_copy(outv, out_hbm.at[pl.ds(wid * out_per_w, out_per_w)])

    return pl.kernel(
        body,
        out_type=jax.ShapeDtypeStruct((n_b * n_c_sc,), jnp.float32),
        mesh=mesh,
        compiler_params=pltpu.CompilerParams(needs_layout_passes=False),
        scratch_types=[
            pltpu.VMEM((_K, _L), jnp.float32),
            pltpu.VMEM((chunk_rows, 128), jnp.float32),
            pltpu.VMEM((chunk_rows, 128), jnp.float32),
            pltpu.VMEM((out_per_w,), jnp.float32),
            pltpu.SemaphoreType.DMA,
            pltpu.SemaphoreType.DMA,
        ],
    )


def _tc_block(w_ref, y_ref, o_ref):
    n_hw = y_ref.shape[0]
    negv = jnp.full((8, y_ref.shape[1]), _NEG, jnp.float32)

    n_acc = 4
    rows_per_iter = 32 * n_acc

    def body(i, st):
        out = []
        for a in range(n_acc):
            base = i * rows_per_iter + a * 32
            vs = tuple(y_ref[pl.ds(base + t * 8, 8), :] for t in range(4))
            out.append(_absorb4(st[a], vs))
        return tuple(out)

    neg4 = (negv, negv, negv, negv)
    sts = lax.fori_loop(0, n_hw // rows_per_iter, body, (neg4,) * n_acc)
    while len(sts) > 1:
        sts = tuple(_merge44(sts[2 * i], sts[2 * i + 1])
                    for i in range(len(sts) // 2))
    ms = sts[0]
    for h in (4, 2, 1):
        a = tuple(m[:h] for m in ms)
        b = tuple(m[h:2 * h] for m in ms)
        ms = _merge44(a, b)
    acc = ms[0] * w_ref[0]
    for r in range(1, _K):
        acc = acc + ms[r] * w_ref[r]
    o_ref[...] = acc.reshape(o_ref.shape)


def _make_tc_pool(n_b_tc, n_c, n_hw, b_off):
    grid = (n_b_tc,)
    return pl.pallas_call(
        _tc_block,
        grid=grid,
        in_specs=[
            pl.BlockSpec(memory_space=pltpu.SMEM),
            pl.BlockSpec((n_hw, n_c), lambda i: (b_off + i, 0)),
        ],
        out_specs=pl.BlockSpec((1, 1, n_c), lambda i: (i, 0, 0)),
        out_shape=jax.ShapeDtypeStruct((n_b_tc, 1, n_c), jnp.float32),
        compiler_params=pltpu.CompilerParams(
            dimension_semantics=("arbitrary",)),
    )


_B_SC = 32


def kernel(x, weights):
    b, c, h, w = x.shape
    n_hw = h * w
    assert c % 128 == 0 and b % _NW == 0 and n_hw % 32 == 0
    y = x.transpose(0, 2, 3, 1).reshape(b * n_hw, c)
    wmat = jnp.broadcast_to(
        weights.reshape(_K, 1).astype(jnp.float32) / _K, (_K, _L))
    n_b_sc = _B_SC if 0 < _B_SC < b else b
    pool = _make_pool(n_b_sc, c, c, n_hw)
    out_sc = pool(y, wmat).reshape(n_b_sc, c)
    if n_b_sc < b:
        wvec = weights.reshape(_K).astype(jnp.float32) / _K
        tc_pool = _make_tc_pool(b - n_b_sc, c, n_hw, n_b_sc)
        out_tc = tc_pool(wvec, y).reshape(b - n_b_sc, c)
        out = jnp.concatenate([out_sc, out_tc], axis=0)
    else:
        out = out_sc
    return out.reshape(b, c, 1, 1)

# --- scband reference (transcript-rebuilt; emitter-appended) ---
"""Pipeline reference for scband-global-kmax-pool2d-58265526338033 (READ-ONLY COPY).

The authoritative reference and input builder live on the scoring server;
editing this copy changes nothing except your own understanding.
"""

import jax, jax.numpy as jnp
import numpy as np

K = 4

def setup_inputs(seed: int = 0) -> dict:
    key = jax.random.key(seed)
    kx, kw = jax.random.split(key)
    x = jax.random.normal(kx, (64, 768, 32, 32), dtype=jnp.float32)
    # trainable weights parameter, initialized to ones as in the torch module
    weights = jnp.ones((1, 1, K), dtype=jnp.float32)
    return {"x": x, "weights": weights}

def reference(x, weights):
    B = x.shape[0]
    C = x.shape[1]
    inp = x.reshape(B, C, -1)
    kmax, _ = jax.lax.top_k(inp, K)
    kmax = (kmax * weights).mean(axis=2)
    # flatten=False -> reshape to (B, C, 1, 1)
    kmax = kmax.reshape(B, C, 1, 1)
    return kmax

if __name__ == "__main__":
    import jax
    _d = setup_inputs()
    print(jax.jit(kernel)(*tuple(_d.values())))

</pallas_src>

<mosaic_0001>
#map = affine_map<(d0, d1) -> (0, 0)>
#map1 = affine_map<(d0, d1) -> (0)>
module attributes {stable_mosaic.version = 14 : i64} {
  func.func @body(%arg0: i32, %arg1: i32, %arg2: memref<65536x768xf32, #tpu.memory_space<hbm>>, %arg3: memref<4x16xf32, #tpu.memory_space<hbm>>, %arg4: memref<24576xf32, #tpu.memory_space<hbm>>, %arg5: memref<4x16xf32, #tpu.memory_space<vmem>>, %arg6: memref<256x128xf32, #tpu.memory_space<vmem>>, %arg7: memref<256x128xf32, #tpu.memory_space<vmem>>, %arg8: memref<768xf32, #tpu.memory_space<vmem>>, %arg9: memref<!tpu.dma_semaphore, #tpu.memory_space<semaphore_mem>>, %arg10: memref<!tpu.dma_semaphore, #tpu.memory_space<semaphore_mem>>) attributes {dimension_semantics = [#tpu.dimension_semantics<core_parallel>, #tpu.dimension_semantics<subcore_parallel>], iteration_bounds = array<i64: 2, 16>, scalar_prefetch = 0 : i64, scratch_operands = 6 : i64, tpu.core_type = #tpu.core_type<sc_vector_subcore>, window_params = [{transform_indices = #map}, {transform_indices = #map}, {transform_indices = #map1}]} {
    %mul3A = arith.constant 2 : i32
    %mul3A_0 = arith.muli %arg1, %mul3A : i32
    %add3A = arith.addi %mul3A_0, %arg0 : i32
    %mul3A_1 = arith.constant 1 : i32
    %mul3A_2 = arith.muli %add3A, %mul3A_1 : i32
    %mul3A_3 = arith.constant 1024 : i32
    %mul3A_4 = arith.muli %mul3A_2, %mul3A_3 : i32
    "tpu.region"() ({
      %run_scoped3A = tpu.sem_alloc : memref<!tpu.dma_semaphore, #tpu.memory_space<semaphore_mem>>
      tpu.enqueue_dma source(%arg3 : memref<4x16xf32, #tpu.memory_space<hbm>>) target(%arg5 : memref<4x16xf32, #tpu.memory_space<vmem>>) target_semaphore(%run_scoped3A : memref<!tpu.dma_semaphore, #tpu.memory_space<semaphore_mem>>)
      tpu.wait_dma2 semaphore(%run_scoped3A : memref<!tpu.dma_semaphore, #tpu.memory_space<semaphore_mem>>) src(%arg3 : memref<4x16xf32, #tpu.memory_space<hbm>>) dst(%arg5 : memref<4x16xf32, #tpu.memory_space<vmem>>)
      tpu.yield
    }) : () -> ()
    %get3A = arith.constant 0 : i32
    %get3A_5 = arith.index_cast %get3A : i32 to index
    %get3A_6 = arith.constant 0 : index
    %get3A_7 = tpu.vector_load %arg5[%get3A_5, %get3A_6] {strides = array<i32>} : memref<4x16xf32, #tpu.memory_space<vmem>>, vector<16xf32>,
    %get3A_8 = arith.constant 1 : i32
    %get3A_9 = arith.index_cast %get3A_8 : i32 to index
    %get3A_10 = arith.constant 0 : index
    %get3A_11 = tpu.vector_load %arg5[%get3A_9, %get3A_10] {strides = array<i32>} : memref<4x16xf32, #tpu.memory_space<vmem>>, vector<16xf32>,
    %get3A_12 = arith.constant 2 : i32
    %get3A_13 = arith.index_cast %get3A_12 : i32 to index
    %get3A_14 = arith.constant 0 : index
    %get3A_15 = tpu.vector_load %arg5[%get3A_13, %get3A_14] {strides = array<i32>} : memref<4x16xf32, #tpu.memory_space<vmem>>, vector<16xf32>,
    %get3A_16 = arith.constant 3 : i32
    %get3A_17 = arith.index_cast %get3A_16 : i32 to index
    %get3A_18 = arith.constant 0 : index
    %get3A_19 = tpu.vector_load %arg5[%get3A_17, %get3A_18] {strides = array<i32>} : memref<4x16xf32, #tpu.memory_space<vmem>>, vector<16xf32>,
    %broadcast_in_dim3A = arith.constant -1.000000e+30 : f32
    %broadcast_in_dim3A_20 = vector.broadcast %broadcast_in_dim3A : f32 to vector<16xf32>
    %add3A_21 = arith.constant 0 : i32
    %add3A_22 = arith.addi %mul3A_4, %add3A_21 : i32
    %add3A_23 = arith.constant 0 : i32
    %add3A_24 = arith.addi %add3A_22, %add3A_23 : i32
    %multiple_of3A = tpu.assume_multiple %add3A_24, 256 : i32
    %multiple_of3A_25 = arith.constant 0 : i32
    %multiple_of3A_26 = tpu.assume_multiple %multiple_of3A_25, 128 : i32
    %dma_start3A = tpu.memref_slice %arg2[%multiple_of3A, %multiple_of3A_26] : memref<65536x768xf32, #tpu.memory_space<hbm>> -> memref<256x128xf32, #tpu.memory_space<hbm>>
    %dma_start3A_27 = tpu.memref_slice %arg2[%multiple_of3A, %multiple_of3A_26] : memref<65536x768xf32, #tpu.memory_space<hbm>> -> memref<256x128xf32, #tpu.memory_space<hbm>>
    tpu.enqueue_dma source(%dma_start3A_27 : memref<256x128xf32, #tpu.memory_space<hbm>>) target(%arg6 : memref<256x128xf32, #tpu.memory_space<vmem>>) target_semaphore(%arg9 : memref<!tpu.dma_semaphore, #tpu.memory_space<semaphore_mem>>)
    %add3A_28 = arith.constant 256 : i32
    %add3A_29 = arith.addi %add3A_22, %add3A_28 : i32
    %multiple_of3A_30 = tpu.assume_multiple %add3A_29, 256 : i32
    %multiple_of3A_31 = arith.constant 0 : i32
    %multiple_of3A_32 = tpu.assume_multiple %multiple_of3A_31, 128 : i32
    %dma_start3A_33 = tpu.memref_slice %arg2[%multiple_of3A_30, %multiple_of3A_32] : memref<65536x768xf32, #tpu.memory_space<hbm>> -> memref<256x128xf32, #tpu.memory_space<hbm>>
    %dma_start3A_34 = tpu.memref_slice %arg2[%multiple_of3A_30, %multiple_of3A_32] : memref<65536x768xf32, #tpu.memory_space<hbm>> -> memref<256x128xf32, #tpu.memory_space<hbm>>
    tpu.enqueue_dma source(%dma_start3A_34 : memref<256x128xf32, #tpu.memory_space<hbm>>) target(%arg7 : memref<256x128xf32, #tpu.memory_space<vmem>>) target_semaphore(%arg10 : memref<!tpu.dma_semaphore, #tpu.memory_space<semaphore_mem>>)
    %scan3A = arith.constant 0 : i32
    %scan3A_35 = arith.constant 0 : i32
    %scan3A_36 = arith.constant 0 : i32
    %scan3A_37 = arith.constant 6 : i32
    %scan3A_38 = arith.addi %scan3A_36, %scan3A_37 : i32
    %scan3A_39 = arith.constant 1 : i32
    %scan3A_40:2 = scf.for %scan3A_44 = %scan3A_36 to %scan3A_38 step %scan3A_39 iter_args(%scan3A_45 = %add3A_22, %scan3A_46 = %scan3A_35) -> (i32, i32)  : i32 {
      %add3A_47 = arith.constant 128 : i32
      %add3A_48 = arith.addi %scan3A_46, %add3A_47 : i32
      %ge3A = arith.constant 768 : i32
      %ge3A_49 = arith.cmpi sge, %add3A_48, %ge3A : i32
      %add3A_50 = arith.constant 1024 : i32
      %add3A_51 = arith.addi %scan3A_45, %add3A_50 : i32
      %select_n3A = arith.select %ge3A_49, %add3A_51, %scan3A_45 : i32
      %add3A_52 = arith.constant 128 : i32
      %add3A_53 = arith.addi %scan3A_46, %add3A_52 : i32
      %jit3A = arith.constant 0 : i32
      %select_n3A_54 = arith.select %ge3A_49, %jit3A, %add3A_53 : i32
      %add3A_55 = arith.constant 0 : i32
      %add3A_56 = arith.addi %add3A_22, %add3A_55 : i32
      %multiple_of3A_57 = tpu.assume_multiple %add3A_56, 256 : i32
      %multiple_of3A_58 = tpu.assume_multiple %scan3A, 128 : i32
      %dma_wait3A = tpu.memref_slice %arg2[%multiple_of3A_57, %multiple_of3A_58] : memref<65536x768xf32, #tpu.memory_space<hbm>> -> memref<256x128xf32, #tpu.memory_space<hbm>>
      %dma_wait3A_59 = tpu.memref_slice %arg2[%multiple_of3A_57, %multiple_of3A_58] : memref<65536x768xf32, #tpu.memory_space<hbm>> -> memref<256x128xf32, #tpu.memory_space<hbm>>
      tpu.wait_dma2 semaphore(%arg9 : memref<!tpu.dma_semaphore, #tpu.memory_space<semaphore_mem>>) src(%dma_wait3A_59 : memref<256x128xf32, #tpu.memory_space<hbm>>) dst(%arg6 : memref<256x128xf32, #tpu.memory_space<vmem>>)
      %scan3A_60 = arith.constant 0 : i32
      %scan3A_61 = arith.constant 32 : i32
      %scan3A_62 = arith.addi %scan3A_60, %scan3A_61 : i32
      %scan3A_63 = arith.constant 1 : i32
      %scan3A_64:4 = scf.for %scan3A_382 = %scan3A_60 to %scan3A_62 step %scan3A_63 iter_args(%scan3A_383 = %broadcast_in_dim3A_20, %scan3A_384 = %broadcast_in_dim3A_20, %scan3A_385 = %broadcast_in_dim3A_20, %scan3A_386 = %broadcast_in_dim3A_20) -> (vector<16xf32>, vector<16xf32>, vector<16xf32>, vector<16xf32>)  : i32 {
        %mul3A_387 = arith.constant 8 : i32
        %mul3A_388 = arith.muli %scan3A_382, %mul3A_387 : i32
        %add3A_389 = arith.constant 0 : i32
        %add3A_390 = arith.addi %mul3A_388, %add3A_389 : i32
        %get3A_391 = arith.index_cast %add3A_390 : i32 to index
        %get3A_392 = arith.constant 0 : index
        %get3A_393 = tpu.vector_load %arg6[%get3A_391, %get3A_392] {strides = array<i32>} : memref<256x128xf32, #tpu.memory_space<vmem>>, vector<16xf32>,
        %mul3A_394 = arith.constant 8 : i32
        %mul3A_395 = arith.muli %scan3A_382, %mul3A_394 : i32
        %add3A_396 = arith.constant 1 : i32
        %add3A_397 = arith.addi %mul3A_395, %add3A_396 : i32
        %get3A_398 = arith.index_cast %add3A_397 : i32 to index
        %get3A_399 = arith.constant 0 : index
        %get3A_400 = tpu.vector_load %arg6[%get3A_398, %get3A_399] {strides = array<i32>} : memref<256x128xf32, #tpu.memory_space<vmem>>, vector<16xf32>,
        %mul3A_401 = arith.constant 8 : i32
        %mul3A_402 = arith.muli %scan3A_382, %mul3A_401 : i32
        %add3A_403 = arith.constant 2 : i32
        %add3A_404 = arith.addi %mul3A_402, %add3A_403 : i32
        %get3A_405 = arith.index_cast %add3A_404 : i32 to index
        %get3A_406 = arith.constant 0 : index
        %get3A_407 = tpu.vector_load %arg6[%get3A_405, %get3A_406] {strides = array<i32>} : memref<256x128xf32, #tpu.memory_space<vmem>>, vector<16xf32>,
        %mul3A_408 = arith.constant 8 : i32
        %mul3A_409 = arith.muli %scan3A_382, %mul3A_408 : i32
        %add3A_410 = arith.constant 3 : i32
        %add3A_411 = arith.addi %mul3A_409, %add3A_410 : i32
        %get3A_412 = arith.index_cast %add3A_411 : i32 to index
        %get3A_413 = arith.constant 0 : index
        %get3A_414 = tpu.vector_load %arg6[%get3A_412, %get3A_413] {strides = array<i32>} : memref<256x128xf32, #tpu.memory_space<vmem>>, vector<16xf32>,
        %max3A = arith.maximumf %get3A_393, %get3A_400 : vector<16xf32>
        %min3A = arith.minimumf %get3A_393, %get3A_400 : vector<16xf32>
        %max3A_415 = arith.maximumf %get3A_407, %get3A_414 : vector<16xf32>
        %min3A_416 = arith.minimumf %get3A_407, %get3A_414 : vector<16xf32>
        %max3A_417 = arith.maximumf %max3A, %max3A_415 : vector<16xf32>
        %min3A_418 = arith.minimumf %max3A, %max3A_415 : vector<16xf32>
        %max3A_419 = arith.maximumf %min3A, %min3A_416 : vector<16xf32>
        %min3A_420 = arith.minimumf %min3A, %min3A_416 : vector<16xf32>
        %max3A_421 = arith.maximumf %max3A_419, %min3A_418 : vector<16xf32>
        %min3A_422 = arith.minimumf %max3A_419, %min3A_418 : vector<16xf32>
        %min3A_423 = arith.minimumf %scan3A_383, %max3A_417 : vector<16xf32>
        %min3A_424 = arith.minimumf %scan3A_383, %max3A_421 : vector<16xf32>
        %min3A_425 = arith.minimumf %scan3A_384, %max3A_417 : vector<16xf32>
        %min3A_426 = arith.minimumf %scan3A_383, %min3A_422 : vector<16xf32>
        %min3A_427 = arith.minimumf %scan3A_384, %max3A_421 : vector<16xf32>
        %min3A_428 = arith.minimumf %scan3A_385, %max3A_417 : vector<16xf32>
        %max3A_429 = arith.maximumf %scan3A_383, %max3A_417 : vector<16xf32>
        %max3A_430 = arith.maximumf %scan3A_384, %max3A_421 : vector<16xf32>
        %max3A_431 = arith.maximumf %min3A_423, %max3A_430 : vector<16xf32>
        %max3A_432 = arith.maximumf %min3A_422, %scan3A_385 : vector<16xf32>
        %max3A_433 = arith.maximumf %min3A_424, %min3A_425 : vector<16xf32>
        %max3A_434 = arith.maximumf %max3A_432, %max3A_433 : vector<16xf32>
        %max3A_435 = arith.maximumf %min3A_420, %scan3A_386 : vector<16xf32>
        %max3A_436 = arith.maximumf %min3A_427, %min3A_428 : vector<16xf32>
        %max3A_437 = arith.maximumf %min3A_426, %max3A_436 : vector<16xf32>
        %max3A_438 = arith.maximumf %max3A_435, %max3A_437 : vector<16xf32>
        %mul3A_439 = arith.constant 8 : i32
        %mul3A_440 = arith.muli %scan3A_382, %mul3A_439 : i32
        %add3A_441 = arith.constant 4 : i32
        %add3A_442 = arith.addi %mul3A_440, %add3A_441 : i32
        %get3A_443 = arith.index_cast %add3A_442 : i32 to index
        %get3A_444 = arith.constant 0 : index
        %get3A_445 = tpu.vector_load %arg6[%get3A_443, %get3A_444] {strides = array<i32>} : memref<256x128xf32, #tpu.memory_space<vmem>>, vector<16xf32>,
        %mul3A_446 = arith.constant 8 : i32
        %mul3A_447 = arith.muli %scan3A_382, %mul3A_446 : i32
        %add3A_448 = arith.constant 5 : i32
        %add3A_449 = arith.addi %mul3A_447, %add3A_448 : i32
        %get3A_450 = arith.index_cast %add3A_449 : i32 to index
        %get3A_451 = arith.constant 0 : index
        %get3A_452 = tpu.vector_load %arg6[%get3A_450, %get3A_451] {strides = array<i32>} : memref<256x128xf32, #tpu.memory_space<vmem>>, vector<16xf32>,
        %mul3A_453 = arith.constant 8 : i32
        %mul3A_454 = arith.muli %scan3A_382, %mul3A_453 : i32
        %add3A_455 = arith.constant 6 : i32
        %add3A_456 = arith.addi %mul3A_454, %add3A_455 : i32
        %get3A_457 = arith.index_cast %add3A_456 : i32 to index
        %get3A_458 = arith.constant 0 : index
        %get3A_459 = tpu.vector_load %arg6[%get3A_457, %get3A_458] {strides = array<i32>} : memref<256x128xf32, #tpu.memory_space<vmem>>, vector<16xf32>,
        %mul3A_460 = arith.constant 8 : i32
        %mul3A_461 = arith.muli %scan3A_382, %mul3A_460 : i32
        %add3A_462 = arith.constant 7 : i32
        %add3A_463 = arith.addi %mul3A_461, %add3A_462 : i32
        %get3A_464 = arith.index_cast %add3A_463 : i32 to index
        %get3A_465 = arith.constant 0 : index
        %get3A_466 = tpu.vector_load %arg6[%get3A_464, %get3A_465] {strides = array<i32>} : memref<256x128xf32, #tpu.memory_space<vmem>>, vector<16xf32>,
        %max3A_467 = arith.maximumf %get3A_445, %get3A_452 : vector<16xf32>
        %min3A_468 = arith.minimumf %get3A_445, %get3A_452 : vector<16xf32>
        %max3A_469 = arith.maximumf %get3A_459, %get3A_466 : vector<16xf32>
        %min3A_470 = arith.minimumf %get3A_459, %get3A_466 : vector<16xf32>
        %max3A_471 = arith.maximumf %max3A_467, %max3A_469 : vector<16xf32>
        %min3A_472 = arith.minimumf %max3A_467, %max3A_469 : vector<16xf32>
        %max3A_473 = arith.maximumf %min3A_468, %min3A_470 : vector<16xf32>
        %min3A_474 = arith.minimumf %min3A_468, %min3A_470 : vector<16xf32>
        %max3A_475 = arith.maximumf %max3A_473, %min3A_472 : vector<16xf32>
        %min3A_476 = arith.minimumf %max3A_473, %min3A_472 : vector<16xf32>
        %min3A_477 = arith.minimumf %max3A_429, %max3A_471 : vector<16xf32>
        %min3A_478 = arith.minimumf %max3A_429, %max3A_475 : vector<16xf32>
        %min3A_479 = arith.minimumf %max3A_431, %max3A_471 : vector<16xf32>
        %min3A_480 = arith.minimumf %max3A_429, %min3A_476 : vector<16xf32>
        %min3A_481 = arith.minimumf %max3A_431, %max3A_475 : vector<16xf32>
        %min3A_482 = arith.minimumf %max3A_434, %max3A_471 : vector<16xf32>
        %max3A_483 = arith.maximumf %max3A_429, %max3A_471 : vector<16xf32>
        %max3A_484 = arith.maximumf %max3A_431, %max3A_475 : vector<16xf32>
        %max3A_485 = arith.maximumf %min3A_477, %max3A_484 : vector<16xf32>
        %max3A_486 = arith.maximumf %min3A_476, %max3A_434 : vector<16xf32>
        %max3A_487 = arith.maximumf %min3A_478, %min3A_479 : vector<16xf32>
        %max3A_488 = arith.maximumf %max3A_486, %max3A_487 : vector<16xf32>
        %max3A_489 = arith.maximumf %min3A_474, %max3A_438 : vector<16xf32>
        %max3A_490 = arith.maximumf %min3A_481, %min3A_482 : vector<16xf32>
        %max3A_491 = arith.maximumf %min3A_480, %max3A_490 : vector<16xf32>
        %max3A_492 = arith.maximumf %max3A_489, %max3A_491 : vector<16xf32>
        scf.yield %max3A_483, %max3A_485, %max3A_488, %max3A_492 : vector<16xf32>, vector<16xf32>, vector<16xf32>, vector<16xf32>
      }
      %scan3A_65 = arith.constant 32 : i32
      %scan3A_66 = arith.constant 0 : i32
      %scan3A_67 = arith.constant 32 : i32
      %scan3A_68 = arith.addi %scan3A_66, %scan3A_67 : i32
      %scan3A_69 = arith.constant 1 : i32
      %scan3A_70:4 = scf.for %scan3A_382 = %scan3A_66 to %scan3A_68 step %scan3A_69 iter_args(%scan3A_383 = %broadcast_in_dim3A_20, %scan3A_384 = %broadcast_in_dim3A_20, %scan3A_385 = %broadcast_in_dim3A_20, %scan3A_386 = %broadcast_in_dim3A_20) -> (vector<16xf32>, vector<16xf32>, vector<16xf32>, vector<16xf32>)  : i32 {
        %mul3A_387 = arith.constant 8 : i32
        %mul3A_388 = arith.muli %scan3A_382, %mul3A_387 : i32
        %add3A_389 = arith.constant 0 : i32
        %add3A_390 = arith.addi %mul3A_388, %add3A_389 : i32
        %get3A_391 = arith.index_cast %add3A_390 : i32 to index
        %get3A_392 = arith.constant 16 : index
        %get3A_393 = tpu.vector_load %arg6[%get3A_391, %get3A_392] {strides = array<i32>} : memref<256x128xf32, #tpu.memory_space<vmem>>, vector<16xf32>,
        %mul3A_394 = arith.constant 8 : i32
        %mul3A_395 = arith.muli %scan3A_382, %mul3A_394 : i32
        %add3A_396 = arith.constant 1 : i32
        %add3A_397 = arith.addi %mul3A_395, %add3A_396 : i32
        %get3A_398 = arith.index_cast %add3A_397 : i32 to index
        %get3A_399 = arith.constant 16 : index
        %get3A_400 = tpu.vector_load %arg6[%get3A_398, %get3A_399] {strides = array<i32>} : memref<256x128xf32, #tpu.memory_space<vmem>>, vector<16xf32>,
        %mul3A_401 = arith.constant 8 : i32
        %mul3A_402 = arith.muli %scan3A_382, %mul3A_401 : i32
        %add3A_403 = arith.constant 2 : i32
        %add3A_404 = arith.addi %mul3A_402, %add3A_403 : i32
        %get3A_405 = arith.index_cast %add3A_404 : i32 to index
        %get3A_406 = arith.constant 16 : index
        %get3A_407 = tpu.vector_load %arg6[%get3A_405, %get3A_406] {strides = array<i32>} : memref<256x128xf32, #tpu.memory_space<vmem>>, vector<16xf32>,
        %mul3A_408 = arith.constant 8 : i32
        %mul3A_409 = arith.muli %scan3A_382, %mul3A_408 : i32
        %add3A_410 = arith.constant 3 : i32
        %add3A_411 = arith.addi %mul3A_409, %add3A_410 : i32
        %get3A_412 = arith.index_cast %add3A_411 : i32 to index
        %get3A_413 = arith.constant 16 : index
        %get3A_414 = tpu.vector_load %arg6[%get3A_412, %get3A_413] {strides = array<i32>} : memref<256x128xf32, #tpu.memory_space<vmem>>, vector<16xf32>,
        %max3A = arith.maximumf %get3A_393, %get3A_400 : vector<16xf32>
        %min3A = arith.minimumf %get3A_393, %get3A_400 : vector<16xf32>
        %max3A_415 = arith.maximumf %get3A_407, %get3A_414 : vector<16xf32>
        %min3A_416 = arith.minimumf %get3A_407, %get3A_414 : vector<16xf32>
        %max3A_417 = arith.maximumf %max3A, %max3A_415 : vector<16xf32>
        %min3A_418 = arith.minimumf %max3A, %max3A_415 : vector<16xf32>
        %max3A_419 = arith.maximumf %min3A, %min3A_416 : vector<16xf32>
        %min3A_420 = arith.minimumf %min3A, %min3A_416 : vector<16xf32>
        %max3A_421 = arith.maximumf %max3A_419, %min3A_418 : vector<16xf32>
        %min3A_422 = arith.minimumf %max3A_419, %min3A_418 : vector<16xf32>
        %min3A_423 = arith.minimumf %scan3A_383, %max3A_417 : vector<16xf32>
        %min3A_424 = arith.minimumf %scan3A_383, %max3A_421 : vector<16xf32>
        %min3A_425 = arith.minimumf %scan3A_384, %max3A_417 : vector<16xf32>
        %min3A_426 = arith.minimumf %scan3A_383, %min3A_422 : vector<16xf32>
        %min3A_427 = arith.minimumf %scan3A_384, %max3A_421 : vector<16xf32>
        %min3A_428 = arith.minimumf %scan3A_385, %max3A_417 : vector<16xf32>
        %max3A_429 = arith.maximumf %scan3A_383, %max3A_417 : vector<16xf32>
        %max3A_430 = arith.maximumf %scan3A_384, %max3A_421 : vector<16xf32>
        %max3A_431 = arith.maximumf %min3A_423, %max3A_430 : vector<16xf32>
        %max3A_432 = arith.maximumf %min3A_422, %scan3A_385 : vector<16xf32>
        %max3A_433 = arith.maximumf %min3A_424, %min3A_425 : vector<16xf32>
        %max3A_434 = arith.maximumf %max3A_432, %max3A_433 : vector<16xf32>
        %max3A_435 = arith.maximumf %min3A_420, %scan3A_386 : vector<16xf32>
        %max3A_436 = arith.maximumf %min3A_427, %min3A_428 : vector<16xf32>
        %max3A_437 = arith.maximumf %min3A_426, %max3A_436 : vector<16xf32>
        %max3A_438 = arith.maximumf %max3A_435, %max3A_437 : vector<16xf32>
        %mul3A_439 = arith.constant 8 : i32
        %mul3A_440 = arith.muli %scan3A_382, %mul3A_439 : i32
        %add3A_441 = arith.constant 4 : i32
        %add3A_442 = arith.addi %mul3A_440, %add3A_441 : i32
        %get3A_443 = arith.index_cast %add3A_442 : i32 to index
        %get3A_444 = arith.constant 16 : index
        %get3A_445 = tpu.vector_load %arg6[%get3A_443, %get3A_444] {strides = array<i32>} : memref<256x128xf32, #tpu.memory_space<vmem>>, vector<16xf32>,
        %mul3A_446 = arith.constant 8 : i32
        %mul3A_447 = arith.muli %scan3A_382, %mul3A_446 : i32
        %add3A_448 = arith.constant 5 : i32
        %add3A_449 = arith.addi %mul3A_447, %add3A_448 : i32
        %get3A_450 = arith.index_cast %add3A_449 : i32 to index
        %get3A_451 = arith.constant 16 : index
        %get3A_452 = tpu.vector_load %arg6[%get3A_450, %get3A_451] {strides = array<i32>} : memref<256x128xf32, #tpu.memory_space<vmem>>, vector<16xf32>,
        %mul3A_453 = arith.constant 8 : i32
        %mul3A_454 = arith.muli %scan3A_382, %mul3A_453 : i32
        %add3A_455 = arith.constant 6 : i32
        %add3A_456 = arith.addi %mul3A_454, %add3A_455 : i32
        %get3A_457 = arith.index_cast %add3A_456 : i32 to index
        %get3A_458 = arith.constant 16 : index
        %get3A_459 = tpu.vector_load %arg6[%get3A_457, %get3A_458] {strides = array<i32>} : memref<256x128xf32, #tpu.memory_space<vmem>>, vector<16xf32>,
        %mul3A_460 = arith.constant 8 : i32
        %mul3A_461 = arith.muli %scan3A_382, %mul3A_460 : i32
        %add3A_462 = arith.constant 7 : i32
        %add3A_463 = arith.addi %mul3A_461, %add3A_462 : i32
        %get3A_464 = arith.index_cast %add3A_463 : i32 to index
        %get3A_465 = arith.constant 16 : index
        %get3A_466 = tpu.vector_load %arg6[%get3A_464, %get3A_465] {strides = array<i32>} : memref<256x128xf32, #tpu.memory_space<vmem>>, vector<16xf32>,
        %max3A_467 = arith.maximumf %get3A_445, %get3A_452 : vector<16xf32>
        %min3A_468 = arith.minimumf %get3A_445, %get3A_452 : vector<16xf32>
        %max3A_469 = arith.maximumf %get3A_459, %get3A_466 : vector<16xf32>
        %min3A_470 = arith.minimumf %get3A_459, %get3A_466 : vector<16xf32>
        %max3A_471 = arith.maximumf %max3A_467, %max3A_469 : vector<16xf32>
        %min3A_472 = arith.minimumf %max3A_467, %max3A_469 : vector<16xf32>
        %max3A_473 = arith.maximumf %min3A_468, %min3A_470 : vector<16xf32>
        %min3A_474 = arith.minimumf %min3A_468, %min3A_470 : vector<16xf32>
        %max3A_475 = arith.maximumf %max3A_473, %min3A_472 : vector<16xf32>
        %min3A_476 = arith.minimumf %max3A_473, %min3A_472 : vector<16xf32>
        %min3A_477 = arith.minimumf %max3A_429, %max3A_471 : vector<16xf32>
        %min3A_478 = arith.minimumf %max3A_429, %max3A_475 : vector<16xf32>
        %min3A_479 = arith.minimumf %max3A_431, %max3A_471 : vector<16xf32>
        %min3A_480 = arith.minimumf %max3A_429, %min3A_476 : vector<16xf32>
        %min3A_481 = arith.minimumf %max3A_431, %max3A_475 : vector<16xf32>
        %min3A_482 = arith.minimumf %max3A_434, %max3A_471 : vector<16xf32>
        %max3A_483 = arith.maximumf %max3A_429, %max3A_471 : vector<16xf32>
        %max3A_484 = arith.maximumf %max3A_431, %max3A_475 : vector<16xf32>
        %max3A_485 = arith.maximumf %min3A_477, %max3A_484 : vector<16xf32>
        %max3A_486 = arith.maximumf %min3A_476, %max3A_434 : vector<16xf32>
        %max3A_487 = arith.maximumf %min3A_478, %min3A_479 : vector<16xf32>
        %max3A_488 = arith.maximumf %max3A_486, %max3A_487 : vector<16xf32>
        %max3A_489 = arith.maximumf %min3A_474, %max3A_438 : vector<16xf32>
        %max3A_490 = arith.maximumf %min3A_481, %min3A_482 : vector<16xf32>
        %max3A_491 = arith.maximumf %min3A_480, %max3A_490 : vector<16xf32>
        %max3A_492 = arith.maximumf %max3A_489, %max3A_491 : vector<16xf32>
        scf.yield %max3A_483, %max3A_485, %max3A_488, %max3A_492 : vector<16xf32>, vector<16xf32>, vector<16xf32>, vector<16xf32>
      }
      %scan3A_71 = arith.constant 32 : i32
      %scan3A_72 = arith.constant 0 : i32
      %scan3A_73 = arith.constant 32 : i32
      %scan3A_74 = arith.addi %scan3A_72, %scan3A_73 : i32
      %scan3A_75 = arith.constant 1 : i32
      %scan3A_76:4 = scf.for %scan3A_382 = %scan3A_72 to %scan3A_74 step %scan3A_75 iter_args(%scan3A_383 = %broadcast_in_dim3A_20, %scan3A_384 = %broadcast_in_dim3A_20, %scan3A_385 = %broadcast_in_dim3A_20, %scan3A_386 = %broadcast_in_dim3A_20) -> (vector<16xf32>, vector<16xf32>, vector<16xf32>, vector<16xf32>)  : i32 {
        %mul3A_387 = arith.constant 8 : i32
        %mul3A_388 = arith.muli %scan3A_382, %mul3A_387 : i32
        %add3A_389 = arith.constant 0 : i32
        %add3A_390 = arith.addi %mul3A_388, %add3A_389 : i32
        %get3A_391 = arith.index_cast %add3A_390 : i32 to index
        %get3A_392 = arith.constant 32 : index
        %get3A_393 = tpu.vector_load %arg6[%get3A_391, %get3A_392] {strides = array<i32>} : memref<256x128xf32, #tpu.memory_space<vmem>>, vector<16xf32>,
        %mul3A_394 = arith.constant 8 : i32
        %mul3A_395 = arith.muli %scan3A_382, %mul3A_394 : i32
        %add3A_396 = arith.constant 1 : i32
        %add3A_397 = arith.addi %mul3A_395, %add3A_396 : i32
        %get3A_398 = arith.index_cast %add3A_397 : i32 to index
        %get3A_399 = arith.constant 32 : index
        %get3A_400 = tpu.vector_load %arg6[%get3A_398, %get3A_399] {strides = array<i32>} : memref<256x128xf32, #tpu.memory_space<vmem>>, vector<16xf32>,
        %mul3A_401 = arith.constant 8 : i32
        %mul3A_402 = arith.muli %scan3A_382, %mul3A_401 : i32
        %add3A_403 = arith.constant 2 : i32
        %add3A_404 = arith.addi %mul3A_402, %add3A_403 : i32
        %get3A_405 = arith.index_cast %add3A_404 : i32 to index
        %get3A_406 = arith.constant 32 : index
        %get3A_407 = tpu.vector_load %arg6[%get3A_405, %get3A_406] {strides = array<i32>} : memref<256x128xf32, #tpu.memory_space<vmem>>, vector<16xf32>,
        %mul3A_408 = arith.constant 8 : i32
        %mul3A_409 = arith.muli %scan3A_382, %mul3A_408 : i32
        %add3A_410 = arith.constant 3 : i32
        %add3A_411 = arith.addi %mul3A_409, %add3A_410 : i32
        %get3A_412 = arith.index_cast %add3A_411 : i32 to index
        %get3A_413 = arith.constant 32 : index
        %get3A_414 = tpu.vector_load %arg6[%get3A_412, %get3A_413] {strides = array<i32>} : memref<256x128xf32, #tpu.memory_space<vmem>>, vector<16xf32>,
        %max3A = arith.maximumf %get3A_393, %get3A_400 : vector<16xf32>
        %min3A = arith.minimumf %get3A_393, %get3A_400 : vector<16xf32>
        %max3A_415 = arith.maximumf %get3A_407, %get3A_414 : vector<16xf32>
        %min3A_416 = arith.minimumf %get3A_407, %get3A_414 : vector<16xf32>
        %max3A_417 = arith.maximumf %max3A, %max3A_415 : vector<16xf32>
        %min3A_418 = arith.minimumf %max3A, %max3A_415 : vector<16xf32>
        %max3A_419 = arith.maximumf %min3A, %min3A_416 : vector<16xf32>
        %min3A_420 = arith.minimumf %min3A, %min3A_416 : vector<16xf32>
        %max3A_421 = arith.maximumf %max3A_419, %min3A_418 : vector<16xf32>
        %min3A_422 = arith.minimumf %max3A_419, %min3A_418 : vector<16xf32>
        %min3A_423 = arith.minimumf %scan3A_383, %max3A_417 : vector<16xf32>
        %min3A_424 = arith.minimumf %scan3A_383, %max3A_421 : vector<16xf32>
        %min3A_425 = arith.minimumf %scan3A_384, %max3A_417 : vector<16xf32>
        %min3A_426 = arith.minimumf %scan3A_383, %min3A_422 : vector<16xf32>
        %min3A_427 = arith.minimumf %scan3A_384, %max3A_421 : vector<16xf32>
        %min3A_428 = arith.minimumf %scan3A_385, %max3A_417 : vector<16xf32>
        %max3A_429 = arith.maximumf %scan3A_383, %max3A_417 : vector<16xf32>
        %max3A_430 = arith.maximumf %scan3A_384, %max3A_421 : vector<16xf32>
        %max3A_431 = arith.maximumf %min3A_423, %max3A_430 : vector<16xf32>
        %max3A_432 = arith.maximumf %min3A_422, %scan3A_385 : vector<16xf32>
        %max3A_433 = arith.maximumf %min3A_424, %min3A_425 : vector<16xf32>
        %max3A_434 = arith.maximumf %max3A_432, %max3A_433 : vector<16xf32>
        %max3A_435 = arith.maximumf %min3A_420, %scan3A_386 : vector<16xf32>
        %max3A_436 = arith.maximumf %min3A_427, %min3A_428 : vector<16xf32>
        %max3A_437 = arith.maximumf %min3A_426, %max3A_436 : vector<16xf32>
        %max3A_438 = arith.maximumf %max3A_435, %max3A_437 : vector<16xf32>
        %mul3A_439 = arith.constant 8 : i32
        %mul3A_440 = arith.muli %scan3A_382, %mul3A_439 : i32
        %add3A_441 = arith.constant 4 : i32
        %add3A_442 = arith.addi %mul3A_440, %add3A_441 : i32
        %get3A_443 = arith.index_cast %add3A_442 : i32 to index
        %get3A_444 = arith.constant 32 : index
        %get3A_445 = tpu.vector_load %arg6[%get3A_443, %get3A_444] {strides = array<i32>} : memref<256x128xf32, #tpu.memory_space<vmem>>, vector<16xf32>,
        %mul3A_446 = arith.constant 8 : i32
        %mul3A_447 = arith.muli %scan3A_382, %mul3A_446 : i32
        %add3A_448 = arith.constant 5 : i32
        %add3A_449 = arith.addi %mul3A_447, %add3A_448 : i32
        %get3A_450 = arith.index_cast %add3A_449 : i32 to index
        %get3A_451 = arith.constant 32 : index
        %get3A_452 = tpu.vector_load %arg6[%get3A_450, %get3A_451] {strides = array<i32>} : memref<256x128xf32, #tpu.memory_space<vmem>>, vector<16xf32>,
        %mul3A_453 = arith.constant 8 : i32
        %mul3A_454 = arith.muli %scan3A_382, %mul3A_453 : i32
        %add3A_455 = arith.constant 6 : i32
        %add3A_456 = arith.addi %mul3A_454, %add3A_455 : i32
        %get3A_457 = arith.index_cast %add3A_456 : i32 to index
        %get3A_458 = arith.constant 32 : index
        %get3A_459 = tpu.vector_load %arg6[%get3A_457, %get3A_458] {strides = array<i32>} : memref<256x128xf32, #tpu.memory_space<vmem>>, vector<16xf32>,
        %mul3A_460 = arith.constant 8 : i32
        %mul3A_461 = arith.muli %scan3A_382, %mul3A_460 : i32
        %add3A_462 = arith.constant 7 : i32
        %add3A_463 = arith.addi %mul3A_461, %add3A_462 : i32
        %get3A_464 = arith.index_cast %add3A_463 : i32 to index
        %get3A_465 = arith.constant 32 : index
        %get3A_466 = tpu.vector_load %arg6[%get3A_464, %get3A_465] {strides = array<i32>} : memref<256x128xf32, #tpu.memory_space<vmem>>, vector<16xf32>,
        %max3A_467 = arith.maximumf %get3A_445, %get3A_452 : vector<16xf32>
        %min3A_468 = arith.minimumf %get3A_445, %get3A_452 : vector<16xf32>
        %max3A_469 = arith.maximumf %get3A_459, %get3A_466 : vector<16xf32>
        %min3A_470 = arith.minimumf %get3A_459, %get3A_466 : vector<16xf32>
        %max3A_471 = arith.maximumf %max3A_467, %max3A_469 : vector<16xf32>
        %min3A_472 = arith.minimumf %max3A_467, %max3A_469 : vector<16xf32>
        %max3A_473 = arith.maximumf %min3A_468, %min3A_470 : vector<16xf32>
        %min3A_474 = arith.minimumf %min3A_468, %min3A_470 : vector<16xf32>
        %max3A_475 = arith.maximumf %max3A_473, %min3A_472 : vector<16xf32>
        %min3A_476 = arith.minimumf %max3A_473, %min3A_472 : vector<16xf32>
        %min3A_477 = arith.minimumf %max3A_429, %max3A_471 : vector<16xf32>
        %min3A_478 = arith.minimumf %max3A_429, %max3A_475 : vector<16xf32>
        %min3A_479 = arith.minimumf %max3A_431, %max3A_471 : vector<16xf32>
        %min3A_480 = arith.minimumf %max3A_429, %min3A_476 : vector<16xf32>
        %min3A_481 = arith.minimumf %max3A_431, %max3A_475 : vector<16xf32>
        %min3A_482 = arith.minimumf %max3A_434, %max3A_471 : vector<16xf32>
        %max3A_483 = arith.maximumf %max3A_429, %max3A_471 : vector<16xf32>
        %max3A_484 = arith.maximumf %max3A_431, %max3A_475 : vector<16xf32>
        %max3A_485 = arith.maximumf %min3A_477, %max3A_484 : vector<16xf32>
        %max3A_486 = arith.maximumf %min3A_476, %max3A_434 : vector<16xf32>
        %max3A_487 = arith.maximumf %min3A_478, %min3A_479 : vector<16xf32>
        %max3A_488 = arith.maximumf %max3A_486, %max3A_487 : vector<16xf32>
        %max3A_489 = arith.maximumf %min3A_474, %max3A_438 : vector<16xf32>
        %max3A_490 = arith.maximumf %min3A_481, %min3A_482 : vector<16xf32>
        %max3A_491 = arith.maximumf %min3A_480, %max3A_490 : vector<16xf32>
        %max3A_492 = arith.maximumf %max3A_489, %max3A_491 : vector<16xf32>
        scf.yield %max3A_483, %max3A_485, %max3A_488, %max3A_492 : vector<16xf32>, vector<16xf32>, vector<16xf32>, vector<16xf32>
      }
      %scan3A_77 = arith.constant 32 : i32
      %scan3A_78 = arith.constant 0 : i32
      %scan3A_79 = arith.constant 32 : i32
      %scan3A_80 = arith.addi %scan3A_78, %scan3A_79 : i32
      %scan3A_81 = arith.constant 1 : i32
      %scan3A_82:4 = scf.for %scan3A_382 = %scan3A_78 to %scan3A_80 step %scan3A_81 iter_args(%scan3A_383 = %broadcast_in_dim3A_20, %scan3A_384 = %broadcast_in_dim3A_20, %scan3A_385 = %broadcast_in_dim3A_20, %scan3A_386 = %broadcast_in_dim3A_20) -> (vector<16xf32>, vector<16xf32>, vector<16xf32>, vector<16xf32>)  : i32 {
        %mul3A_387 = arith.constant 8 : i32
        %mul3A_388 = arith.muli %scan3A_382, %mul3A_387 : i32
        %add3A_389 = arith.constant 0 : i32
        %add3A_390 = arith.addi %mul3A_388, %add3A_389 : i32
        %get3A_391 = arith.index_cast %add3A_390 : i32 to index
        %get3A_392 = arith.constant 48 : index
        %get3A_393 = tpu.vector_load %arg6[%get3A_391, %get3A_392] {strides = array<i32>} : memref<256x128xf32, #tpu.memory_space<vmem>>, vector<16xf32>,
        %mul3A_394 = arith.constant 8 : i32
        %mul3A_395 = arith.muli %scan3A_382, %mul3A_394 : i32
        %add3A_396 = arith.constant 1 : i32
        %add3A_397 = arith.addi %mul3A_395, %add3A_396 : i32
        %get3A_398 = arith.index_cast %add3A_397 : i32 to index
        %get3A_399 = arith.constant 48 : index
        %get3A_400 = tpu.vector_load %arg6[%get3A_398, %get3A_399] {strides = array<i32>} : memref<256x128xf32, #tpu.memory_space<vmem>>, vector<16xf32>,
        %mul3A_401 = arith.constant 8 : i32
        %mul3A_402 = arith.muli %scan3A_382, %mul3A_401 : i32
        %add3A_403 = arith.constant 2 : i32
        %add3A_404 = arith.addi %mul3A_402, %add3A_403 : i32
        %get3A_405 = arith.index_cast %add3A_404 : i32 to index
        %get3A_406 = arith.constant 48 : index
        %get3A_407 = tpu.vector_load %arg6[%get3A_405, %get3A_406] {strides = array<i32>} : memref<256x128xf32, #tpu.memory_space<vmem>>, vector<16xf32>,
        %mul3A_408 = arith.constant 8 : i32
        %mul3A_409 = arith.muli %scan3A_382, %mul3A_408 : i32
        %add3A_410 = arith.constant 3 : i32
        %add3A_411 = arith.addi %mul3A_409, %add3A_410 : i32
        %get3A_412 = arith.index_cast %add3A_411 : i32 to index
        %get3A_413 = arith.constant 48 : index
        %get3A_414 = tpu.vector_load %arg6[%get3A_412, %get3A_413] {strides = array<i32>} : memref<256x128xf32, #tpu.memory_space<vmem>>, vector<16xf32>,
        %max3A = arith.maximumf %get3A_393, %get3A_400 : vector<16xf32>
        %min3A = arith.minimumf %get3A_393, %get3A_400 : vector<16xf32>
        %max3A_415 = arith.maximumf %get3A_407, %get3A_414 : vector<16xf32>
        %min3A_416 = arith.minimumf %get3A_407, %get3A_414 : vector<16xf32>
        %max3A_417 = arith.maximumf %max3A, %max3A_415 : vector<16xf32>
        %min3A_418 = arith.minimumf %max3A, %max3A_415 : vector<16xf32>
        %max3A_419 = arith.maximumf %min3A, %min3A_416 : vector<16xf32>
        %min3A_420 = arith.minimumf %min3A, %min3A_416 : vector<16xf32>
        %max3A_421 = arith.maximumf %max3A_419, %min3A_418 : vector<16xf32>
        %min3A_422 = arith.minimumf %max3A_419, %min3A_418 : vector<16xf32>
        %min3A_423 = arith.minimumf %scan3A_383, %max3A_417 : vector<16xf32>
        %min3A_424 = arith.minimumf %scan3A_383, %max3A_421 : vector<16xf32>
        %min3A_425 = arith.minimumf %scan3A_384, %max3A_417 : vector<16xf32>
        %min3A_426 = arith.minimumf %scan3A_383, %min3A_422 : vector<16xf32>
        %min3A_427 = arith.minimumf %scan3A_384, %max3A_421 : vector<16xf32>
        %min3A_428 = arith.minimumf %scan3A_385, %max3A_417 : vector<16xf32>
        %max3A_429 = arith.maximumf %scan3A_383, %max3A_417 : vector<16xf32>
        %max3A_430 = arith.maximumf %scan3A_384, %max3A_421 : vector<16xf32>
        %max3A_431 = arith.maximumf %min3A_423, %max3A_430 : vector<16xf32>
        %max3A_432 = arith.maximumf %min3A_422, %scan3A_385 : vector<16xf32>
        %max3A_433 = arith.maximumf %min3A_424, %min3A_425 : vector<16xf32>
        %max3A_434 = arith.maximumf %max3A_432, %max3A_433 : vector<16xf32>
        %max3A_435 = arith.maximumf %min3A_420, %scan3A_386 : vector<16xf32>
        %max3A_436 = arith.maximumf %min3A_427, %min3A_428 : vector<16xf32>
        %max3A_437 = arith.maximumf %min3A_426, %max3A_436 : vector<16xf32>
        %max3A_438 = arith.maximumf %max3A_435, %max3A_437 : vector<16xf32>
        %mul3A_439 = arith.constant 8 : i32
        %mul3A_440 = arith.muli %scan3A_382, %mul3A_439 : i32
        %add3A_441 = arith.constant 4 : i32
        %add3A_442 = arith.addi %mul3A_440, %add3A_441 : i32
        %get3A_443 = arith.index_cast %add3A_442 : i32 to index
        %get3A_444 = arith.constant 48 : index
        %get3A_445 = tpu.vector_load %arg6[%get3A_443, %get3A_444] {strides = array<i32>} : memref<256x128xf32, #tpu.memory_space<vmem>>, vector<16xf32>,
        %mul3A_446 = arith.constant 8 : i32
        %mul3A_447 = arith.muli %scan3A_382, %mul3A_446 : i32
        %add3A_448 = arith.constant 5 : i32
        %add3A_449 = arith.addi %mul3A_447, %add3A_448 : i32
        %get3A_450 = arith.index_cast %add3A_449 : i32 to index
        %get3A_451 = arith.constant 48 : index
        %get3A_452 = tpu.vector_load %arg6[%get3A_450, %get3A_451] {strides = array<i32>} : memref<256x128xf32, #tpu.memory_space<vmem>>, vector<16xf32>,
        %mul3A_453 = arith.constant 8 : i32
        %mul3A_454 = arith.muli %scan3A_382, %mul3A_453 : i32
        %add3A_455 = arith.constant 6 : i32
        %add3A_456 = arith.addi %mul3A_454, %add3A_455 : i32
        %get3A_457 = arith.index_cast %add3A_456 : i32 to index
        %get3A_458 = arith.constant 48 : index
        %get3A_459 = tpu.vector_load %arg6[%get3A_457, %get3A_458] {strides = array<i32>} : memref<256x128xf32, #tpu.memory_space<vmem>>, vector<16xf32>,
        %mul3A_460 = arith.constant 8 : i32
        %mul3A_461 = arith.muli %scan3A_382, %mul3A_460 : i32
        %add3A_462 = arith.constant 7 : i32
        %add3A_463 = arith.addi %mul3A_461, %add3A_462 : i32
        %get3A_464 = arith.index_cast %add3A_463 : i32 to index
        %get3A_465 = arith.constant 48 : index
        %get3A_466 = tpu.vector_load %arg6[%get3A_464, %get3A_465] {strides = array<i32>} : memref<256x128xf32, #tpu.memory_space<vmem>>, vector<16xf32>,
        %max3A_467 = arith.maximumf %get3A_445, %get3A_452 : vector<16xf32>
        %min3A_468 = arith.minimumf %get3A_445, %get3A_452 : vector<16xf32>
        %max3A_469 = arith.maximumf %get3A_459, %get3A_466 : vector<16xf32>
        %min3A_470 = arith.minimumf %get3A_459, %get3A_466 : vector<16xf32>
        %max3A_471 = arith.maximumf %max3A_467, %max3A_469 : vector<16xf32>
        %min3A_472 = arith.minimumf %max3A_467, %max3A_469 : vector<16xf32>
        %max3A_473 = arith.maximumf %min3A_468, %min3A_470 : vector<16xf32>
        %min3A_474 = arith.minimumf %min3A_468, %min3A_470 : vector<16xf32>
        %max3A_475 = arith.maximumf %max3A_473, %min3A_472 : vector<16xf32>
        %min3A_476 = arith.minimumf %max3A_473, %min3A_472 : vector<16xf32>
        %min3A_477 = arith.minimumf %max3A_429, %max3A_471 : vector<16xf32>
        %min3A_478 = arith.minimumf %max3A_429, %max3A_475 : vector<16xf32>
        %min3A_479 = arith.minimumf %max3A_431, %max3A_471 : vector<16xf32>
        %min3A_480 = arith.minimumf %max3A_429, %min3A_476 : vector<16xf32>
        %min3A_481 = arith.minimumf %max3A_431, %max3A_475 : vector<16xf32>
        %min3A_482 = arith.minimumf %max3A_434, %max3A_471 : vector<16xf32>
        %max3A_483 = arith.maximumf %max3A_429, %max3A_471 : vector<16xf32>
        %max3A_484 = arith.maximumf %max3A_431, %max3A_475 : vector<16xf32>
        %max3A_485 = arith.maximumf %min3A_477, %max3A_484 : vector<16xf32>
        %max3A_486 = arith.maximumf %min3A_476, %max3A_434 : vector<16xf32>
        %max3A_487 = arith.maximumf %min3A_478, %min3A_479 : vector<16xf32>
        %max3A_488 = arith.maximumf %max3A_486, %max3A_487 : vector<16xf32>
        %max3A_489 = arith.maximumf %min3A_474, %max3A_438 : vector<16xf32>
        %max3A_490 = arith.maximumf %min3A_481, %min3A_482 : vector<16xf32>
        %max3A_491 = arith.maximumf %min3A_480, %max3A_490 : vector<16xf32>
        %max3A_492 = arith.maximumf %max3A_489, %max3A_491 : vector<16xf32>
        scf.yield %max3A_483, %max3A_485, %max3A_488, %max3A_492 : vector<16xf32>, vector<16xf32>, vector<16xf32>, vector<16xf32>
      }
      %scan3A_83 = arith.constant 32 : i32
      %scan3A_84 = arith.constant 0 : i32
      %scan3A_85 = arith.constant 32 : i32
      %scan3A_86 = arith.addi %scan3A_84, %scan3A_85 : i32
      %scan3A_87 = arith.constant 1 : i32
      %scan3A_88:4 = scf.for %scan3A_382 = %scan3A_84 to %scan3A_86 step %scan3A_87 iter_args(%scan3A_383 = %broadcast_in_dim3A_20, %scan3A_384 = %broadcast_in_dim3A_20, %scan3A_385 = %broadcast_in_dim3A_20, %scan3A_386 = %broadcast_in_dim3A_20) -> (vector<16xf32>, vector<16xf32>, vector<16xf32>, vector<16xf32>)  : i32 {
        %mul3A_387 = arith.constant 8 : i32
        %mul3A_388 = arith.muli %scan3A_382, %mul3A_387 : i32
        %add3A_389 = arith.constant 0 : i32
        %add3A_390 = arith.addi %mul3A_388, %add3A_389 : i32
        %get3A_391 = arith.index_cast %add3A_390 : i32 to index
        %get3A_392 = arith.constant 64 : index
        %get3A_393 = tpu.vector_load %arg6[%get3A_391, %get3A_392] {strides = array<i32>} : memref<256x128xf32, #tpu.memory_space<vmem>>, vector<16xf32>,
        %mul3A_394 = arith.constant 8 : i32
        %mul3A_395 = arith.muli %scan3A_382, %mul3A_394 : i32
        %add3A_396 = arith.constant 1 : i32
        %add3A_397 = arith.addi %mul3A_395, %add3A_396 : i32
        %get3A_398 = arith.index_cast %add3A_397 : i32 to index
        %get3A_399 = arith.constant 64 : index
        %get3A_400 = tpu.vector_load %arg6[%get3A_398, %get3A_399] {strides = array<i32>} : memref<256x128xf32, #tpu.memory_space<vmem>>, vector<16xf32>,
        %mul3A_401 = arith.constant 8 : i32
        %mul3A_402 = arith.muli %scan3A_382, %mul3A_401 : i32
        %add3A_403 = arith.constant 2 : i32
        %add3A_404 = arith.addi %mul3A_402, %add3A_403 : i32
        %get3A_405 = arith.index_cast %add3A_404 : i32 to index
        %get3A_406 = arith.constant 64 : index
        %get3A_407 = tpu.vector_load %arg6[%get3A_405, %get3A_406] {strides = array<i32>} : memref<256x128xf32, #tpu.memory_space<vmem>>, vector<16xf32>,
        %mul3A_408 = arith.constant 8 : i32
        %mul3A_409 = arith.muli %scan3A_382, %mul3A_408 : i32
        %add3A_410 = arith.constant 3 : i32
        %add3A_411 = arith.addi %mul3A_409, %add3A_410 : i32
        %get3A_412 = arith.index_cast %add3A_411 : i32 to index
        %get3A_413 = arith.constant 64 : index
        %get3A_414 = tpu.vector_load %arg6[%get3A_412, %get3A_413] {strides = array<i32>} : memref<256x128xf32, #tpu.memory_space<vmem>>, vector<16xf32>,
        %max3A = arith.maximumf %get3A_393, %get3A_400 : vector<16xf32>
        %min3A = arith.minimumf %get3A_393, %get3A_400 : vector<16xf32>
        %max3A_415 = arith.maximumf %get3A_407, %get3A_414 : vector<16xf32>
        %min3A_416 = arith.minimumf %get3A_407, %get3A_414 : vector<16xf32>
        %max3A_417 = arith.maximumf %max3A, %max3A_415 : vector<16xf32>
        %min3A_418 = arith.minimumf %max3A, %max3A_415 : vector<16xf32>
        %max3A_419 = arith.maximumf %min3A, %min3A_416 : vector<16xf32>
        %min3A_420 = arith.minimumf %min3A, %min3A_416 : vector<16xf32>
        %max3A_421 = arith.maximumf %max3A_419, %min3A_418 : vector<16xf32>
        %min3A_422 = arith.minimumf %max3A_419, %min3A_418 : vector<16xf32>
        %min3A_423 = arith.minimumf %scan3A_383, %max3A_417 : vector<16xf32>
        %min3A_424 = arith.minimumf %scan3A_383, %max3A_421 : vector<16xf32>
        %min3A_425 = arith.minimumf %scan3A_384, %max3A_417 : vector<16xf32>
        %min3A_426 = arith.minimumf %scan3A_383, %min3A_422 : vector<16xf32>
        %min3A_427 = arith.minimumf %scan3A_384, %max3A_421 : vector<16xf32>
        %min3A_428 = arith.minimumf %scan3A_385, %max3A_417 : vector<16xf32>
        %max3A_429 = arith.maximumf %scan3A_383, %max3A_417 : vector<16xf32>
        %max3A_430 = arith.maximumf %scan3A_384, %max3A_421 : vector<16xf32>
        %max3A_431 = arith.maximumf %min3A_423, %max3A_430 : vector<16xf32>
        %max3A_432 = arith.maximumf %min3A_422, %scan3A_385 : vector<16xf32>
        %max3A_433 = arith.maximumf %min3A_424, %min3A_425 : vector<16xf32>
        %max3A_434 = arith.maximumf %max3A_432, %max3A_433 : vector<16xf32>
        %max3A_435 = arith.maximumf %min3A_420, %scan3A_386 : vector<16xf32>
        %max3A_436 = arith.maximumf %min3A_427, %min3A_428 : vector<16xf32>
        %max3A_437 = arith.maximumf %min3A_426, %max3A_436 : vector<16xf32>
        %max3A_438 = arith.maximumf %max3A_435, %max3A_437 : vector<16xf32>
        %mul3A_439 = arith.constant 8 : i32
        %mul3A_440 = arith.muli %scan3A_382, %mul3A_439 : i32
        %add3A_441 = arith.constant 4 : i32
        %add3A_442 = arith.addi %mul3A_440, %add3A_441 : i32
        %get3A_443 = arith.index_cast %add3A_442 : i32 to index
        %get3A_444 = arith.constant 64 : index
        %get3A_445 = tpu.vector_load %arg6[%get3A_443, %get3A_444] {strides = array<i32>} : memref<256x128xf32, #tpu.memory_space<vmem>>, vector<16xf32>,
        %mul3A_446 = arith.constant 8 : i32
        %mul3A_447 = arith.muli %scan3A_382, %mul3A_446 : i32
        %add3A_448 = arith.constant 5 : i32
        %add3A_449 = arith.addi %mul3A_447, %add3A_448 : i32
        %get3A_450 = arith.index_cast %add3A_449 : i32 to index
        %get3A_451 = arith.constant 64 : index
        %get3A_452 = tpu.vector_load %arg6[%get3A_450, %get3A_451] {strides = array<i32>} : memref<256x128xf32, #tpu.memory_space<vmem>>, vector<16xf32>,
        %mul3A_453 = arith.constant 8 : i32
        %mul3A_454 = arith.muli %scan3A_382, %mul3A_453 : i32
        %add3A_455 = arith.constant 6 : i32
        %add3A_456 = arith.addi %mul3A_454, %add3A_455 : i32
        %get3A_457 = arith.index_cast %add3A_456 : i32 to index
        %get3A_458 = arith.constant 64 : index
        %get3A_459 = tpu.vector_load %arg6[%get3A_457, %get3A_458] {strides = array<i32>} : memref<256x128xf32, #tpu.memory_space<vmem>>, vector<16xf32>,
        %mul3A_460 = arith.constant 8 : i32
        %mul3A_461 = arith.muli %scan3A_382, %mul3A_460 : i32
        %add3A_462 = arith.constant 7 : i32
        %add3A_463 = arith.addi %mul3A_461, %add3A_462 : i32
        %get3A_464 = arith.index_cast %add3A_463 : i32 to index
        %get3A_465 = arith.constant 64 : index
        %get3A_466 = tpu.vector_load %arg6[%get3A_464, %get3A_465] {strides = array<i32>} : memref<256x128xf32, #tpu.memory_space<vmem>>, vector<16xf32>,
        %max3A_467 = arith.maximumf %get3A_445, %get3A_452 : vector<16xf32>
        %min3A_468 = arith.minimumf %get3A_445, %get3A_452 : vector<16xf32>
        %max3A_469 = arith.maximumf %get3A_459, %get3A_466 : vector<16xf32>
        %min3A_470 = arith.minimumf %get3A_459, %get3A_466 : vector<16xf32>
        %max3A_471 = arith.maximumf %max3A_467, %max3A_469 : vector<16xf32>
        %min3A_472 = arith.minimumf %max3A_467, %max3A_469 : vector<16xf32>
        %max3A_473 = arith.maximumf %min3A_468, %min3A_470 : vector<16xf32>
        %min3A_474 = arith.minimumf %min3A_468, %min3A_470 : vector<16xf32>
        %max3A_475 = arith.maximumf %max3A_473, %min3A_472 : vector<16xf32>
        %min3A_476 = arith.minimumf %max3A_473, %min3A_472 : vector<16xf32>
        %min3A_477 = arith.minimumf %max3A_429, %max3A_471 : vector<16xf32>
        %min3A_478 = arith.minimumf %max3A_429, %max3A_475 : vector<16xf32>
        %min3A_479 = arith.minimumf %max3A_431, %max3A_471 : vector<16xf32>
        %min3A_480 = arith.minimumf %max3A_429, %min3A_476 : vector<16xf32>
        %min3A_481 = arith.minimumf %max3A_431, %max3A_475 : vector<16xf32>
        %min3A_482 = arith.minimumf %max3A_434, %max3A_471 : vector<16xf32>
        %max3A_483 = arith.maximumf %max3A_429, %max3A_471 : vector<16xf32>
        %max3A_484 = arith.maximumf %max3A_431, %max3A_475 : vector<16xf32>
        %max3A_485 = arith.maximumf %min3A_477, %max3A_484 : vector<16xf32>
        %max3A_486 = arith.maximumf %min3A_476, %max3A_434 : vector<16xf32>
        %max3A_487 = arith.maximumf %min3A_478, %min3A_479 : vector<16xf32>
        %max3A_488 = arith.maximumf %max3A_486, %max3A_487 : vector<16xf32>
        %max3A_489 = arith.maximumf %min3A_474, %max3A_438 : vector<16xf32>
        %max3A_490 = arith.maximumf %min3A_481, %min3A_482 : vector<16xf32>
        %max3A_491 = arith.maximumf %min3A_480, %max3A_490 : vector<16xf32>
        %max3A_492 = arith.maximumf %max3A_489, %max3A_491 : vector<16xf32>
        scf.yield %max3A_483, %max3A_485, %max3A_488, %max3A_492 : vector<16xf32>, vector<16xf32>, vector<16xf32>, vector<16xf32>
      }
      %scan3A_89 = arith.constant 32 : i32
      %scan3A_90 = arith.constant 0 : i32
      %scan3A_91 = arith.constant 32 : i32
      %scan3A_92 = arith.addi %scan3A_90, %scan3A_91 : i32
      %scan3A_93 = arith.constant 1 : i32
      %scan3A_94:4 = scf.for %scan3A_382 = %scan3A_90 to %scan3A_92 step %scan3A_93 iter_args(%scan3A_383 = %broadcast_in_dim3A_20, %scan3A_384 = %broadcast_in_dim3A_20, %scan3A_385 = %broadcast_in_dim3A_20, %scan3A_386 = %broadcast_in_dim3A_20) -> (vector<16xf32>, vector<16xf32>, vector<16xf32>, vector<16xf32>)  : i32 {
        %mul3A_387 = arith.constant 8 : i32
        %mul3A_388 = arith.muli %scan3A_382, %mul3A_387 : i32
        %add3A_389 = arith.constant 0 : i32
        %add3A_390 = arith.addi %mul3A_388, %add3A_389 : i32
        %get3A_391 = arith.index_cast %add3A_390 : i32 to index
        %get3A_392 = arith.constant 80 : index
        %get3A_393 = tpu.vector_load %arg6[%get3A_391, %get3A_392] {strides = array<i32>} : memref<256x128xf32, #tpu.memory_space<vmem>>, vector<16xf32>,
        %mul3A_394 = arith.constant 8 : i32
        %mul3A_395 = arith.muli %scan3A_382, %mul3A_394 : i32
        %add3A_396 = arith.constant 1 : i32
        %add3A_397 = arith.addi %mul3A_395, %add3A_396 : i32
        %get3A_398 = arith.index_cast %add3A_397 : i32 to index
        %get3A_399 = arith.constant 80 : index
        %get3A_400 = tpu.vector_load %arg6[%get3A_398, %get3A_399] {strides = array<i32>} : memref<256x128xf32, #tpu.memory_space<vmem>>, vector<16xf32>,
        %mul3A_401 = arith.constant 8 : i32
        %mul3A_402 = arith.muli %scan3A_382, %mul3A_401 : i32
        %add3A_403 = arith.constant 2 : i32
        %add3A_404 = arith.addi %mul3A_402, %add3A_403 : i32
        %get3A_405 = arith.index_cast %add3A_404 : i32 to index
        %get3A_406 = arith.constant 80 : index
        %get3A_407 = tpu.vector_load %arg6[%get3A_405, %get3A_406] {strides = array<i32>} : memref<256x128xf32, #tpu.memory_space<vmem>>, vector<16xf32>,
        %mul3A_408 = arith.constant 8 : i32
        %mul3A_409 = arith.muli %scan3A_382, %mul3A_408 : i32
        %add3A_410 = arith.constant 3 : i32
        %add3A_411 = arith.addi %mul3A_409, %add3A_410 : i32
        %get3A_412 = arith.index_cast %add3A_411 : i32 to index
        %get3A_413 = arith.constant 80 : index
        %get3A_414 = tpu.vector_load %arg6[%get3A_412, %get3A_413] {strides = array<i32>} : memref<256x128xf32, #tpu.memory_space<vmem>>, vector<16xf32>,
        %max3A = arith.maximumf %get3A_393, %get3A_400 : vector<16xf32>
        %min3A = arith.minimumf %get3A_393, %get3A_400 : vector<16xf32>
        %max3A_415 = arith.maximumf %get3A_407, %get3A_414 : vector<16xf32>
        %min3A_416 = arith.minimumf %get3A_407, %get3A_414 : vector<16xf32>
        %max3A_417 = arith.maximumf %max3A, %max3A_415 : vector<16xf32>
        %min3A_418 = arith.minimumf %max3A, %max3A_415 : vector<16xf32>
        %max3A_419 = arith.maximumf %min3A, %min3A_416 : vector<16xf32>
        %min3A_420 = arith.minimumf %min3A, %min3A_416 : vector<16xf32>
        %max3A_421 = arith.maximumf %max3A_419, %min3A_418 : vector<16xf32>
        %min3A_422 = arith.minimumf %max3A_419, %min3A_418 : vector<16xf32>
        %min3A_423 = arith.minimumf %scan3A_383, %max3A_417 : vector<16xf32>
        %min3A_424 = arith.minimumf %scan3A_383, %max3A_421 : vector<16xf32>
        %min3A_425 = arith.minimumf %scan3A_384, %max3A_417 : vector<16xf32>
        %min3A_426 = arith.minimumf %scan3A_383, %min3A_422 : vector<16xf32>
        %min3A_427 = arith.minimumf %scan3A_384, %max3A_421 : vector<16xf32>
        %min3A_428 = arith.minimumf %scan3A_385, %max3A_417 : vector<16xf32>
        %max3A_429 = arith.maximumf %scan3A_383, %max3A_417 : vector<16xf32>
        %max3A_430 = arith.maximumf %scan3A_384, %max3A_421 : vector<16xf32>
        %max3A_431 = arith.maximumf %min3A_423, %max3A_430 : vector<16xf32>
        %max3A_432 = arith.maximumf %min3A_422, %scan3A_385 : vector<16xf32>
        %max3A_433 = arith.maximumf %min3A_424, %min3A_425 : vector<16xf32>
        %max3A_434 = arith.maximumf %max3A_432, %max3A_433 : vector<16xf32>
        %max3A_435 = arith.maximumf %min3A_420, %scan3A_386 : vector<16xf32>
        %max3A_436 = arith.maximumf %min3A_427, %min3A_428 : vector<16xf32>
        %max3A_437 = arith.maximumf %min3A_426, %max3A_436 : vector<16xf32>
        %max3A_438 = arith.maximumf %max3A_435, %max3A_437 : vector<16xf32>
        %mul3A_439 = arith.constant 8 : i32
        %mul3A_440 = arith.muli %scan3A_382, %mul3A_439 : i32
        %add3A_441 = arith.constant 4 : i32
        %add3A_442 = arith.addi %mul3A_440, %add3A_441 : i32
        %get3A_443 = arith.index_cast %add3A_442 : i32 to index
        %get3A_444 = arith.constant 80 : index
        %get3A_445 = tpu.vector_load %arg6[%get3A_443, %get3A_444] {strides = array<i32>} : memref<256x128xf32, #tpu.memory_space<vmem>>, vector<16xf32>,
        %mul3A_446 = arith.constant 8 : i32
        %mul3A_447 = arith.muli %scan3A_382, %mul3A_446 : i32
        %add3A_448 = arith.constant 5 : i32
        %add3A_449 = arith.addi %mul3A_447, %add3A_448 : i32
        %get3A_450 = arith.index_cast %add3A_449 : i32 to index
        %get3A_451 = arith.constant 80 : index
        %get3A_452 = tpu.vector_load %arg6[%get3A_450, %get3A_451] {strides = array<i32>} : memref<256x128xf32, #tpu.memory_space<vmem>>, vector<16xf32>,
        %mul3A_453 = arith.constant 8 : i32
        %mul3A_454 = arith.muli %scan3A_382, %mul3A_453 : i32
        %add3A_455 = arith.constant 6 : i32
        %add3A_456 = arith.addi %mul3A_454, %add3A_455 : i32
        %get3A_457 = arith.index_cast %add3A_456 : i32 to index
        %get3A_458 = arith.constant 80 : index
        %get3A_459 = tpu.vector_load %arg6[%get3A_457, %get3A_458] {strides = array<i32>} : memref<256x128xf32, #tpu.memory_space<vmem>>, vector<16xf32>,
        %mul3A_460 = arith.constant 8 : i32
        %mul3A_461 = arith.muli %scan3A_382, %mul3A_460 : i32
        %add3A_462 = arith.constant 7 : i32
        %add3A_463 = arith.addi %mul3A_461, %add3A_462 : i32
        %get3A_464 = arith.index_cast %add3A_463 : i32 to index
        %get3A_465 = arith.constant 80 : index
        %get3A_466 = tpu.vector_load %arg6[%get3A_464, %get3A_465] {strides = array<i32>} : memref<256x128xf32, #tpu.memory_space<vmem>>, vector<16xf32>,
        %max3A_467 = arith.maximumf %get3A_445, %get3A_452 : vector<16xf32>
        %min3A_468 = arith.minimumf %get3A_445, %get3A_452 : vector<16xf32>
        %max3A_469 = arith.maximumf %get3A_459, %get3A_466 : vector<16xf32>
        %min3A_470 = arith.minimumf %get3A_459, %get3A_466 : vector<16xf32>
        %max3A_471 = arith.maximumf %max3A_467, %max3A_469 : vector<16xf32>
        %min3A_472 = arith.minimumf %max3A_467, %max3A_469 : vector<16xf32>
        %max3A_473 = arith.maximumf %min3A_468, %min3A_470 : vector<16xf32>
        %min3A_474 = arith.minimumf %min3A_468, %min3A_470 : vector<16xf32>
        %max3A_475 = arith.maximumf %max3A_473, %min3A_472 : vector<16xf32>
        %min3A_476 = arith.minimumf %max3A_473, %min3A_472 : vector<16xf32>
        %min3A_477 = arith.minimumf %max3A_429, %max3A_471 : vector<16xf32>
        %min3A_478 = arith.minimumf %max3A_429, %max3A_475 : vector<16xf32>
        %min3A_479 = arith.minimumf %max3A_431, %max3A_471 : vector<16xf32>
        %min3A_480 = arith.minimumf %max3A_429, %min3A_476 : vector<16xf32>
        %min3A_481 = arith.minimumf %max3A_431, %max3A_475 : vector<16xf32>
        %min3A_482 = arith.minimumf %max3A_434, %max3A_471 : vector<16xf32>
        %max3A_483 = arith.maximumf %max3A_429, %max3A_471 : vector<16xf32>
        %max3A_484 = arith.maximumf %max3A_431, %max3A_475 : vector<16xf32>
        %max3A_485 = arith.maximumf %min3A_477, %max3A_484 : vector<16xf32>
        %max3A_486 = arith.maximumf %min3A_476, %max3A_434 : vector<16xf32>
        %max3A_487 = arith.maximumf %min3A_478, %min3A_479 : vector<16xf32>
        %max3A_488 = arith.maximumf %max3A_486, %max3A_487 : vector<16xf32>
        %max3A_489 = arith.maximumf %min3A_474, %max3A_438 : vector<16xf32>
        %max3A_490 = arith.maximumf %min3A_481, %min3A_482 : vector<16xf32>
        %max3A_491 = arith.maximumf %min3A_480, %max3A_490 : vector<16xf32>
        %max3A_492 = arith.maximumf %max3A_489, %max3A_491 : vector<16xf32>
        scf.yield %max3A_483, %max3A_485, %max3A_488, %max3A_492 : vector<16xf32>, vector<16xf32>, vector<16xf32>, vector<16xf32>
      }
      %scan3A_95 = arith.constant 32 : i32
      %scan3A_96 = arith.constant 0 : i32
      %scan3A_97 = arith.constant 32 : i32
      %scan3A_98 = arith.addi %scan3A_96, %scan3A_97 : i32
      %scan3A_99 = arith.constant 1 : i32
      %scan3A_100:4 = scf.for %scan3A_382 = %scan3A_96 to %scan3A_98 step %scan3A_99 iter_args(%scan3A_383 = %broadcast_in_dim3A_20, %scan3A_384 = %broadcast_in_dim3A_20, %scan3A_385 = %broadcast_in_dim3A_20, %scan3A_386 = %broadcast_in_dim3A_20) -> (vector<16xf32>, vector<16xf32>, vector<16xf32>, vector<16xf32>)  : i32 {
        %mul3A_387 = arith.constant 8 : i32
        %mul3A_388 = arith.muli %scan3A_382, %mul3A_387 : i32
        %add3A_389 = arith.constant 0 : i32
        %add3A_390 = arith.addi %mul3A_388, %add3A_389 : i32
        %get3A_391 = arith.index_cast %add3A_390 : i32 to index
        %get3A_392 = arith.constant 96 : index
        %get3A_393 = tpu.vector_load %arg6[%get3A_391, %get3A_392] {strides = array<i32>} : memref<256x128xf32, #tpu.memory_space<vmem>>, vector<16xf32>,
        %mul3A_394 = arith.constant 8 : i32
        %mul3A_395 = arith.muli %scan3A_382, %mul3A_394 : i32
        %add3A_396 = arith.constant 1 : i32
        %add3A_397 = arith.addi %mul3A_395, %add3A_396 : i32
        %get3A_398 = arith.index_cast %add3A_397 : i32 to index
        %get3A_399 = arith.constant 96 : index
        %get3A_400 = tpu.vector_load %arg6[%get3A_398, %get3A_399] {strides = array<i32>} : memref<256x128xf32, #tpu.memory_space<vmem>>, vector<16xf32>,
        %mul3A_401 = arith.constant 8 : i32
        %mul3A_402 = arith.muli %scan3A_382, %mul3A_401 : i32
        %add3A_403 = arith.constant 2 : i32
        %add3A_404 = arith.addi %mul3A_402, %add3A_403 : i32
        %get3A_405 = arith.index_cast %add3A_404 : i32 to index
        %get3A_406 = arith.constant 96 : index
        %get3A_407 = tpu.vector_load %arg6[%get3A_405, %get3A_406] {strides = array<i32>} : memref<256x128xf32, #tpu.memory_space<vmem>>, vector<16xf32>,
        %mul3A_408 = arith.constant 8 : i32
        %mul3A_409 = arith.muli %scan3A_382, %mul3A_408 : i32
        %add3A_410 = arith.constant 3 : i32
        %add3A_411 = arith.addi %mul3A_409, %add3A_410 : i32
        %get3A_412 = arith.index_cast %add3A_411 : i32 to index
        %get3A_413 = arith.constant 96 : index
        %get3A_414 = tpu.vector_load %arg6[%get3A_412, %get3A_413] {strides = array<i32>} : memref<256x128xf32, #tpu.memory_space<vmem>>, vector<16xf32>,
        %max3A = arith.maximumf %get3A_393, %get3A_400 : vector<16xf32>
        %min3A = arith.minimumf %get3A_393, %get3A_400 : vector<16xf32>
        %max3A_415 = arith.maximumf %get3A_407, %get3A_414 : vector<16xf32>
        %min3A_416 = arith.minimumf %get3A_407, %get3A_414 : vector<16xf32>
        %max3A_417 = arith.maximumf %max3A, %max3A_415 : vector<16xf32>
        %min3A_418 = arith.minimumf %max3A, %max3A_415 : vector<16xf32>
        %max3A_419 = arith.maximumf %min3A, %min3A_416 : vector<16xf32>
        %min3A_420 = arith.minimumf %min3A, %min3A_416 : vector<16xf32>
        %max3A_421 = arith.maximumf %max3A_419, %min3A_418 : vector<16xf32>
        %min3A_422 = arith.minimumf %max3A_419, %min3A_418 : vector<16xf32>
        %min3A_423 = arith.minimumf %scan3A_383, %max3A_417 : vector<16xf32>
        %min3A_424 = arith.minimumf %scan3A_383, %max3A_421 : vector<16xf32>
        %min3A_425 = arith.minimumf %scan3A_384, %max3A_417 : vector<16xf32>
        %min3A_426 = arith.minimumf %scan3A_383, %min3A_422 : vector<16xf32>
        %min3A_427 = arith.minimumf %scan3A_384, %max3A_421 : vector<16xf32>
        %min3A_428 = arith.minimumf %scan3A_385, %max3A_417 : vector<16xf32>
        %max3A_429 = arith.maximumf %scan3A_383, %max3A_417 : vector<16xf32>
        %max3A_430 = arith.maximumf %scan3A_384, %max3A_421 : vector<16xf32>
        %max3A_431 = arith.maximumf %min3A_423, %max3A_430 : vector<16xf32>
        %max3A_432 = arith.maximumf %min3A_422, %scan3A_385 : vector<16xf32>
        %max3A_433 = arith.maximumf %min3A_424, %min3A_425 : vector<16xf32>
        %max3A_434 = arith.maximumf %max3A_432, %max3A_433 : vector<16xf32>
        %max3A_435 = arith.maximumf %min3A_420, %scan3A_386 : vector<16xf32>
        %max3A_436 = arith.maximumf %min3A_427, %min3A_428 : vector<16xf32>
        %max3A_437 = arith.maximumf %min3A_426, %max3A_436 : vector<16xf32>
        %max3A_438 = arith.maximumf %max3A_435, %max3A_437 : vector<16xf32>
        %mul3A_439 = arith.constant 8 : i32
        %mul3A_440 = arith.muli %scan3A_382, %mul3A_439 : i32
        %add3A_441 = arith.constant 4 : i32
        %add3A_442 = arith.addi %mul3A_440, %add3A_441 : i32
        %get3A_443 = arith.index_cast %add3A_442 : i32 to index
        %get3A_444 = arith.constant 96 : index
        %get3A_445 = tpu.vector_load %arg6[%get3A_443, %get3A_444] {strides = array<i32>} : memref<256x128xf32, #tpu.memory_space<vmem>>, vector<16xf32>,
        %mul3A_446 = arith.constant 8 : i32
        %mul3A_447 = arith.muli %scan3A_382, %mul3A_446 : i32
        %add3A_448 = arith.constant 5 : i32
        %add3A_449 = arith.addi %mul3A_447, %add3A_448 : i32
        %get3A_450 = arith.index_cast %add3A_449 : i32 to index
        %get3A_451 = arith.constant 96 : index
        %get3A_452 = tpu.vector_load %arg6[%get3A_450, %get3A_451] {strides = array<i32>} : memref<256x128xf32, #tpu.memory_space<vmem>>, vector<16xf32>,
        %mul3A_453 = arith.constant 8 : i32
        %mul3A_454 = arith.muli %scan3A_382, %mul3A_453 : i32
        %add3A_455 = arith.constant 6 : i32
        %add3A_456 = arith.addi %mul3A_454, %add3A_455 : i32
        %get3A_457 = arith.index_cast %add3A_456 : i32 to index
        %get3A_458 = arith.constant 96 : index
        %get3A_459 = tpu.vector_load %arg6[%get3A_457, %get3A_458] {strides = array<i32>} : memref<256x128xf32, #tpu.memory_space<vmem>>, vector<16xf32>,
        %mul3A_460 = arith.constant 8 : i32
        %mul3A_461 = arith.muli %scan3A_382, %mul3A_460 : i32
        %add3A_462 = arith.constant 7 : i32
        %add3A_463 = arith.addi %mul3A_461, %add3A_462 : i32
        %get3A_464 = arith.index_cast %add3A_463 : i32 to index
        %get3A_465 = arith.constant 96 : index
        %get3A_466 = tpu.vector_load %arg6[%get3A_464, %get3A_465] {strides = array<i32>} : memref<256x128xf32, #tpu.memory_space<vmem>>, vector<16xf32>,
        %max3A_467 = arith.maximumf %get3A_445, %get3A_452 : vector<16xf32>
        %min3A_468 = arith.minimumf %get3A_445, %get3A_452 : vector<16xf32>
        %max3A_469 = arith.maximumf %get3A_459, %get3A_466 : vector<16xf32>
        %min3A_470 = arith.minimumf %get3A_459, %get3A_466 : vector<16xf32>
        %max3A_471 = arith.maximumf %max3A_467, %max3A_469 : vector<16xf32>
        %min3A_472 = arith.minimumf %max3A_467, %max3A_469 : vector<16xf32>
        %max3A_473 = arith.maximumf %min3A_468, %min3A_470 : vector<16xf32>
        %min3A_474 = arith.minimumf %min3A_468, %min3A_470 : vector<16xf32>
        %max3A_475 = arith.maximumf %max3A_473, %min3A_472 : vector<16xf32>
        %min3A_476 = arith.minimumf %max3A_473, %min3A_472 : vector<16xf32>
        %min3A_477 = arith.minimumf %max3A_429, %max3A_471 : vector<16xf32>
        %min3A_478 = arith.minimumf %max3A_429, %max3A_475 : vector<16xf32>
        %min3A_479 = arith.minimumf %max3A_431, %max3A_471 : vector<16xf32>
        %min3A_480 = arith.minimumf %max3A_429, %min3A_476 : vector<16xf32>
        %min3A_481 = arith.minimumf %max3A_431, %max3A_475 : vector<16xf32>
        %min3A_482 = arith.minimumf %max3A_434, %max3A_471 : vector<16xf32>
        %max3A_483 = arith.maximumf %max3A_429, %max3A_471 : vector<16xf32>
        %max3A_484 = arith.maximumf %max3A_431, %max3A_475 : vector<16xf32>
        %max3A_485 = arith.maximumf %min3A_477, %max3A_484 : vector<16xf32>
        %max3A_486 = arith.maximumf %min3A_476, %max3A_434 : vector<16xf32>
        %max3A_487 = arith.maximumf %min3A_478, %min3A_479 : vector<16xf32>
        %max3A_488 = arith.maximumf %max3A_486, %max3A_487 : vector<16xf32>
        %max3A_489 = arith.maximumf %min3A_474, %max3A_438 : vector<16xf32>
        %max3A_490 = arith.maximumf %min3A_481, %min3A_482 : vector<16xf32>
        %max3A_491 = arith.maximumf %min3A_480, %max3A_490 : vector<16xf32>
        %max3A_492 = arith.maximumf %max3A_489, %max3A_491 : vector<16xf32>
        scf.yield %max3A_483, %max3A_485, %max3A_488, %max3A_492 : vector<16xf32>, vector<16xf32>, vector<16xf32>, vector<16xf32>
      }
      %scan3A_101 = arith.constant 32 : i32
      %scan3A_102 = arith.constant 0 : i32
      %scan3A_103 = arith.constant 32 : i32
      %scan3A_104 = arith.addi %scan3A_102, %scan3A_103 : i32
      %scan3A_105 = arith.constant 1 : i32
      %scan3A_106:4 = scf.for %scan3A_382 = %scan3A_102 to %scan3A_104 step %scan3A_105 iter_args(%scan3A_383 = %broadcast_in_dim3A_20, %scan3A_384 = %broadcast_in_dim3A_20, %scan3A_385 = %broadcast_in_dim3A_20, %scan3A_386 = %broadcast_in_dim3A_20) -> (vector<16xf32>, vector<16xf32>, vector<16xf32>, vector<16xf32>)  : i32 {
        %mul3A_387 = arith.constant 8 : i32
        %mul3A_388 = arith.muli %scan3A_382, %mul3A_387 : i32
        %add3A_389 = arith.constant 0 : i32
        %add3A_390 = arith.addi %mul3A_388, %add3A_389 : i32
        %get3A_391 = arith.index_cast %add3A_390 : i32 to index
        %get3A_392 = arith.constant 112 : index
        %get3A_393 = tpu.vector_load %arg6[%get3A_391, %get3A_392] {strides = array<i32>} : memref<256x128xf32, #tpu.memory_space<vmem>>, vector<16xf32>,
        %mul3A_394 = arith.constant 8 : i32
        %mul3A_395 = arith.muli %scan3A_382, %mul3A_394 : i32
        %add3A_396 = arith.constant 1 : i32
        %add3A_397 = arith.addi %mul3A_395, %add3A_396 : i32
        %get3A_398 = arith.index_cast %add3A_397 : i32 to index
        %get3A_399 = arith.constant 112 : index
        %get3A_400 = tpu.vector_load %arg6[%get3A_398, %get3A_399] {strides = array<i32>} : memref<256x128xf32, #tpu.memory_space<vmem>>, vector<16xf32>,
        %mul3A_401 = arith.constant 8 : i32
        %mul3A_402 = arith.muli %scan3A_382, %mul3A_401 : i32
        %add3A_403 = arith.constant 2 : i32
        %add3A_404 = arith.addi %mul3A_402, %add3A_403 : i32
        %get3A_405 = arith.index_cast %add3A_404 : i32 to index
        %get3A_406 = arith.constant 112 : index
        %get3A_407 = tpu.vector_load %arg6[%get3A_405, %get3A_406] {strides = array<i32>} : memref<256x128xf32, #tpu.memory_space<vmem>>, vector<16xf32>,
        %mul3A_408 = arith.constant 8 : i32
        %mul3A_409 = arith.muli %scan3A_382, %mul3A_408 : i32
        %add3A_410 = arith.constant 3 : i32
        %add3A_411 = arith.addi %mul3A_409, %add3A_410 : i32
        %get3A_412 = arith.index_cast %add3A_411 : i32 to index
        %get3A_413 = arith.constant 112 : index
        %get3A_414 = tpu.vector_load %arg6[%get3A_412, %get3A_413] {strides = array<i32>} : memref<256x128xf32, #tpu.memory_space<vmem>>, vector<16xf32>,
        %max3A = arith.maximumf %get3A_393, %get3A_400 : vector<16xf32>
        %min3A = arith.minimumf %get3A_393, %get3A_400 : vector<16xf32>
        %max3A_415 = arith.maximumf %get3A_407, %get3A_414 : vector<16xf32>
        %min3A_416 = arith.minimumf %get3A_407, %get3A_414 : vector<16xf32>
        %max3A_417 = arith.maximumf %max3A, %max3A_415 : vector<16xf32>
        %min3A_418 = arith.minimumf %max3A, %max3A_415 : vector<16xf32>
        %max3A_419 = arith.maximumf %min3A, %min3A_416 : vector<16xf32>
        %min3A_420 = arith.minimumf %min3A, %min3A_416 : vector<16xf32>
        %max3A_421 = arith.maximumf %max3A_419, %min3A_418 : vector<16xf32>
        %min3A_422 = arith.minimumf %max3A_419, %min3A_418 : vector<16xf32>
        %min3A_423 = arith.minimumf %scan3A_383, %max3A_417 : vector<16xf32>
        %min3A_424 = arith.minimumf %scan3A_383, %max3A_421 : vector<16xf32>
        %min3A_425 = arith.minimumf %scan3A_384, %max3A_417 : vector<16xf32>
        %min3A_426 = arith.minimumf %scan3A_383, %min3A_422 : vector<16xf32>
        %min3A_427 = arith.minimumf %scan3A_384, %max3A_421 : vector<16xf32>
        %min3A_428 = arith.minimumf %scan3A_385, %max3A_417 : vector<16xf32>
        %max3A_429 = arith.maximumf %scan3A_383, %max3A_417 : vector<16xf32>
        %max3A_430 = arith.maximumf %scan3A_384, %max3A_421 : vector<16xf32>
        %max3A_431 = arith.maximumf %min3A_423, %max3A_430 : vector<16xf32>
        %max3A_432 = arith.maximumf %min3A_422, %scan3A_385 : vector<16xf32>
        %max3A_433 = arith.maximumf %min3A_424, %min3A_425 : vector<16xf32>
        %max3A_434 = arith.maximumf %max3A_432, %max3A_433 : vector<16xf32>
        %max3A_435 = arith.maximumf %min3A_420, %scan3A_386 : vector<16xf32>
        %max3A_436 = arith.maximumf %min3A_427, %min3A_428 : vector<16xf32>
        %max3A_437 = arith.maximumf %min3A_426, %max3A_436 : vector<16xf32>
        %max3A_438 = arith.maximumf %max3A_435, %max3A_437 : vector<16xf32>
        %mul3A_439 = arith.constant 8 : i32
        %mul3A_440 = arith.muli %scan3A_382, %mul3A_439 : i32
        %add3A_441 = arith.constant 4 : i32
        %add3A_442 = arith.addi %mul3A_440, %add3A_441 : i32
        %get3A_443 = arith.index_cast %add3A_442 : i32 to index
        %get3A_444 = arith.constant 112 : index
        %get3A_445 = tpu.vector_load %arg6[%get3A_443, %get3A_444] {strides = array<i32>} : memref<256x128xf32, #tpu.memory_space<vmem>>, vector<16xf32>,
        %mul3A_446 = arith.constant 8 : i32
        %mul3A_447 = arith.muli %scan3A_382, %mul3A_446 : i32
        %add3A_448 = arith.constant 5 : i32
        %add3A_449 = arith.addi %mul3A_447, %add3A_448 : i32
        %get3A_450 = arith.index_cast %add3A_449 : i32 to index
        %get3A_451 = arith.constant 112 : index
        %get3A_452 = tpu.vector_load %arg6[%get3A_450, %get3A_451] {strides = array<i32>} : memref<256x128xf32, #tpu.memory_space<vmem>>, vector<16xf32>,
        %mul3A_453 = arith.constant 8 : i32
        %mul3A_454 = arith.muli %scan3A_382, %mul3A_453 : i32
        %add3A_455 = arith.constant 6 : i32
        %add3A_456 = arith.addi %mul3A_454, %add3A_455 : i32
        %get3A_457 = arith.index_cast %add3A_456 : i32 to index
        %get3A_458 = arith.constant 112 : index
        %get3A_459 = tpu.vector_load %arg6[%get3A_457, %get3A_458] {strides = array<i32>} : memref<256x128xf32, #tpu.memory_space<vmem>>, vector<16xf32>,
        %mul3A_460 = arith.constant 8 : i32
        %mul3A_461 = arith.muli %scan3A_382, %mul3A_460 : i32
        %add3A_462 = arith.constant 7 : i32
        %add3A_463 = arith.addi %mul3A_461, %add3A_462 : i32
        %get3A_464 = arith.index_cast %add3A_463 : i32 to index
        %get3A_465 = arith.constant 112 : index
        %get3A_466 = tpu.vector_load %arg6[%get3A_464, %get3A_465] {strides = array<i32>} : memref<256x128xf32, #tpu.memory_space<vmem>>, vector<16xf32>,
        %max3A_467 = arith.maximumf %get3A_445, %get3A_452 : vector<16xf32>
        %min3A_468 = arith.minimumf %get3A_445, %get3A_452 : vector<16xf32>
        %max3A_469 = arith.maximumf %get3A_459, %get3A_466 : vector<16xf32>
        %min3A_470 = arith.minimumf %get3A_459, %get3A_466 : vector<16xf32>
        %max3A_471 = arith.maximumf %max3A_467, %max3A_469 : vector<16xf32>
        %min3A_472 = arith.minimumf %max3A_467, %max3A_469 : vector<16xf32>
        %max3A_473 = arith.maximumf %min3A_468, %min3A_470 : vector<16xf32>
        %min3A_474 = arith.minimumf %min3A_468, %min3A_470 : vector<16xf32>
        %max3A_475 = arith.maximumf %max3A_473, %min3A_472 : vector<16xf32>
        %min3A_476 = arith.minimumf %max3A_473, %min3A_472 : vector<16xf32>
        %min3A_477 = arith.minimumf %max3A_429, %max3A_471 : vector<16xf32>
        %min3A_478 = arith.minimumf %max3A_429, %max3A_475 : vector<16xf32>
        %min3A_479 = arith.minimumf %max3A_431, %max3A_471 : vector<16xf32>
        %min3A_480 = arith.minimumf %max3A_429, %min3A_476 : vector<16xf32>
        %min3A_481 = arith.minimumf %max3A_431, %max3A_475 : vector<16xf32>
        %min3A_482 = arith.minimumf %max3A_434, %max3A_471 : vector<16xf32>
        %max3A_483 = arith.maximumf %max3A_429, %max3A_471 : vector<16xf32>
        %max3A_484 = arith.maximumf %max3A_431, %max3A_475 : vector<16xf32>
        %max3A_485 = arith.maximumf %min3A_477, %max3A_484 : vector<16xf32>
        %max3A_486 = arith.maximumf %min3A_476, %max3A_434 : vector<16xf32>
        %max3A_487 = arith.maximumf %min3A_478, %min3A_479 : vector<16xf32>
        %max3A_488 = arith.maximumf %max3A_486, %max3A_487 : vector<16xf32>
        %max3A_489 = arith.maximumf %min3A_474, %max3A_438 : vector<16xf32>
        %max3A_490 = arith.maximumf %min3A_481, %min3A_482 : vector<16xf32>
        %max3A_491 = arith.maximumf %min3A_480, %max3A_490 : vector<16xf32>
        %max3A_492 = arith.maximumf %max3A_489, %max3A_491 : vector<16xf32>
        scf.yield %max3A_483, %max3A_485, %max3A_488, %max3A_492 : vector<16xf32>, vector<16xf32>, vector<16xf32>, vector<16xf32>
      }
      %scan3A_107 = arith.constant 32 : i32
      %add3A_108 = arith.constant 512 : i32
      %add3A_109 = arith.addi %scan3A_45, %add3A_108 : i32
      %multiple_of3A_110 = tpu.assume_multiple %add3A_109, 256 : i32
      %multiple_of3A_111 = tpu.assume_multiple %scan3A_46, 128 : i32
      %dma_start3A_112 = tpu.memref_slice %arg2[%multiple_of3A_110, %multiple_of3A_111] : memref<65536x768xf32, #tpu.memory_space<hbm>> -> memref<256x128xf32, #tpu.memory_space<hbm>>
      %dma_start3A_113 = tpu.memref_slice %arg2[%multiple_of3A_110, %multiple_of3A_111] : memref<65536x768xf32, #tpu.memory_space<hbm>> -> memref<256x128xf32, #tpu.memory_space<hbm>>
      tpu.enqueue_dma source(%dma_start3A_113 : memref<256x128xf32, #tpu.memory_space<hbm>>) target(%arg6 : memref<256x128xf32, #tpu.memory_space<vmem>>) target_semaphore(%arg9 : memref<!tpu.dma_semaphore, #tpu.memory_space<semaphore_mem>>)
      %add3A_114 = arith.constant 0 : i32
      %add3A_115 = arith.addi %add3A_22, %add3A_114 : i32
      %multiple_of3A_116 = tpu.assume_multiple %add3A_115, 256 : i32
      %multiple_of3A_117 = tpu.assume_multiple %scan3A, 128 : i32
      %dma_wait3A_118 = tpu.memref_slice %arg2[%multiple_of3A_116, %multiple_of3A_117] : memref<65536x768xf32, #tpu.memory_space<hbm>> -> memref<256x128xf32, #tpu.memory_space<hbm>>
      %dma_wait3A_119 = tpu.memref_slice %arg2[%multiple_of3A_116, %multiple_of3A_117] : memref<65536x768xf32, #tpu.memory_space<hbm>> -> memref<256x128xf32, #tpu.memory_space<hbm>>
      tpu.wait_dma2 semaphore(%arg10 : memref<!tpu.dma_semaphore, #tpu.memory_space<semaphore_mem>>) src(%dma_wait3A_119 : memref<256x128xf32, #tpu.memory_space<hbm>>) dst(%arg7 : memref<256x128xf32, #tpu.memory_space<vmem>>)
      %scan3A_120 = arith.constant 0 : i32
      %scan3A_121 = arith.constant 32 : i32
      %scan3A_122 = arith.addi %scan3A_120, %scan3A_121 : i32
      %scan3A_123 = arith.constant 1 : i32
      %scan3A_124:4 = scf.for %scan3A_382 = %scan3A_120 to %scan3A_122 step %scan3A_123 iter_args(%scan3A_383 = %scan3A_64#0, %scan3A_384 = %scan3A_64#1, %scan3A_385 = %scan3A_64#2, %scan3A_386 = %scan3A_64#3) -> (vector<16xf32>, vector<16xf32>, vector<16xf32>, vector<16xf32>)  : i32 {
        %mul3A_387 = arith.constant 8 : i32
        %mul3A_388 = arith.muli %scan3A_382, %mul3A_387 : i32
        %add3A_389 = arith.constant 0 : i32
        %add3A_390 = arith.addi %mul3A_388, %add3A_389 : i32
        %get3A_391 = arith.index_cast %add3A_390 : i32 to index
        %get3A_392 = arith.constant 0 : index
        %get3A_393 = tpu.vector_load %arg7[%get3A_391, %get3A_392] {strides = array<i32>} : memref<256x128xf32, #tpu.memory_space<vmem>>, vector<16xf32>,
        %mul3A_394 = arith.constant 8 : i32
        %mul3A_395 = arith.muli %scan3A_382, %mul3A_394 : i32
        %add3A_396 = arith.constant 1 : i32
        %add3A_397 = arith.addi %mul3A_395, %add3A_396 : i32
        %get3A_398 = arith.index_cast %add3A_397 : i32 to index
        %get3A_399 = arith.constant 0 : index
        %get3A_400 = tpu.vector_load %arg7[%get3A_398, %get3A_399] {strides = array<i32>} : memref<256x128xf32, #tpu.memory_space<vmem>>, vector<16xf32>,
        %mul3A_401 = arith.constant 8 : i32
        %mul3A_402 = arith.muli %scan3A_382, %mul3A_401 : i32
        %add3A_403 = arith.constant 2 : i32
        %add3A_404 = arith.addi %mul3A_402, %add3A_403 : i32
        %get3A_405 = arith.index_cast %add3A_404 : i32 to index
        %get3A_406 = arith.constant 0 : index
        %get3A_407 = tpu.vector_load %arg7[%get3A_405, %get3A_406] {strides = array<i32>} : memref<256x128xf32, #tpu.memory_space<vmem>>, vector<16xf32>,
        %mul3A_408 = arith.constant 8 : i32
        %mul3A_409 = arith.muli %scan3A_382, %mul3A_408 : i32
        %add3A_410 = arith.constant 3 : i32
        %add3A_411 = arith.addi %mul3A_409, %add3A_410 : i32
        %get3A_412 = arith.index_cast %add3A_411 : i32 to index
        %get3A_413 = arith.constant 0 : index
        %get3A_414 = tpu.vector_load %arg7[%get3A_412, %get3A_413] {strides = array<i32>} : memref<256x128xf32, #tpu.memory_space<vmem>>, vector<16xf32>,
        %max3A = arith.maximumf %get3A_393, %get3A_400 : vector<16xf32>
        %min3A = arith.minimumf %get3A_393, %get3A_400 : vector<16xf32>
        %max3A_415 = arith.maximumf %get3A_407, %get3A_414 : vector<16xf32>
        %min3A_416 = arith.minimumf %get3A_407, %get3A_414 : vector<16xf32>
        %max3A_417 = arith.maximumf %max3A, %max3A_415 : vector<16xf32>
        %min3A_418 = arith.minimumf %max3A, %max3A_415 : vector<16xf32>
        %max3A_419 = arith.maximumf %min3A, %min3A_416 : vector<16xf32>
        %min3A_420 = arith.minimumf %min3A, %min3A_416 : vector<16xf32>
        %max3A_421 = arith.maximumf %max3A_419, %min3A_418 : vector<16xf32>
        %min3A_422 = arith.minimumf %max3A_419, %min3A_418 : vector<16xf32>
        %min3A_423 = arith.minimumf %scan3A_383, %max3A_417 : vector<16xf32>
        %min3A_424 = arith.minimumf %scan3A_383, %max3A_421 : vector<16xf32>
        %min3A_425 = arith.minimumf %scan3A_384, %max3A_417 : vector<16xf32>
        %min3A_426 = arith.minimumf %scan3A_383, %min3A_422 : vector<16xf32>
        %min3A_427 = arith.minimumf %scan3A_384, %max3A_421 : vector<16xf32>
        %min3A_428 = arith.minimumf %scan3A_385, %max3A_417 : vector<16xf32>
        %max3A_429 = arith.maximumf %scan3A_383, %max3A_417 : vector<16xf32>
        %max3A_430 = arith.maximumf %scan3A_384, %max3A_421 : vector<16xf32>
        %max3A_431 = arith.maximumf %min3A_423, %max3A_430 : vector<16xf32>
        %max3A_432 = arith.maximumf %min3A_422, %scan3A_385 : vector<16xf32>
        %max3A_433 = arith.maximumf %min3A_424, %min3A_425 : vector<16xf32>
        %max3A_434 = arith.maximumf %max3A_432, %max3A_433 : vector<16xf32>
        %max3A_435 = arith.maximumf %min3A_420, %scan3A_386 : vector<16xf32>
        %max3A_436 = arith.maximumf %min3A_427, %min3A_428 : vector<16xf32>
        %max3A_437 = arith.maximumf %min3A_426, %max3A_436 : vector<16xf32>
        %max3A_438 = arith.maximumf %max3A_435, %max3A_437 : vector<16xf32>
        %mul3A_439 = arith.constant 8 : i32
        %mul3A_440 = arith.muli %scan3A_382, %mul3A_439 : i32
        %add3A_441 = arith.constant 4 : i32
        %add3A_442 = arith.addi %mul3A_440, %add3A_441 : i32
        %get3A_443 = arith.index_cast %add3A_442 : i32 to index
        %get3A_444 = arith.constant 0 : index
        %get3A_445 = tpu.vector_load %arg7[%get3A_443, %get3A_444] {strides = array<i32>} : memref<256x128xf32, #tpu.memory_space<vmem>>, vector<16xf32>,
        %mul3A_446 = arith.constant 8 : i32
        %mul3A_447 = arith.muli %scan3A_382, %mul3A_446 : i32
        %add3A_448 = arith.constant 5 : i32
        %add3A_449 = arith.addi %mul3A_447, %add3A_448 : i32
        %get3A_450 = arith.index_cast %add3A_449 : i32 to index
        %get3A_451 = arith.constant 0 : index
        %get3A_452 = tpu.vector_load %arg7[%get3A_450, %get3A_451] {strides = array<i32>} : memref<256x128xf32, #tpu.memory_space<vmem>>, vector<16xf32>,
        %mul3A_453 = arith.constant 8 : i32
        %mul3A_454 = arith.muli %scan3A_382, %mul3A_453 : i32
        %add3A_455 = arith.constant 6 : i32
        %add3A_456 = arith.addi %mul3A_454, %add3A_455 : i32
        %get3A_457 = arith.index_cast %add3A_456 : i32 to index
        %get3A_458 = arith.constant 0 : index
        %get3A_459 = tpu.vector_load %arg7[%get3A_457, %get3A_458] {strides = array<i32>} : memref<256x128xf32, #tpu.memory_space<vmem>>, vector<16xf32>,
        %mul3A_460 = arith.constant 8 : i32
        %mul3A_461 = arith.muli %scan3A_382, %mul3A_460 : i32
        %add3A_462 = arith.constant 7 : i32
        %add3A_463 = arith.addi %mul3A_461, %add3A_462 : i32
        %get3A_464 = arith.index_cast %add3A_463 : i32 to index
        %get3A_465 = arith.constant 0 : index
        %get3A_466 = tpu.vector_load %arg7[%get3A_464, %get3A_465] {strides = array<i32>} : memref<256x128xf32, #tpu.memory_space<vmem>>, vector<16xf32>,
        %max3A_467 = arith.maximumf %get3A_445, %get3A_452 : vector<16xf32>
        %min3A_468 = arith.minimumf %get3A_445, %get3A_452 : vector<16xf32>
        %max3A_469 = arith.maximumf %get3A_459, %get3A_466 : vector<16xf32>
        %min3A_470 = arith.minimumf %get3A_459, %get3A_466 : vector<16xf32>
        %max3A_471 = arith.maximumf %max3A_467, %max3A_469 : vector<16xf32>
        %min3A_472 = arith.minimumf %max3A_467, %max3A_469 : vector<16xf32>
        %max3A_473 = arith.maximumf %min3A_468, %min3A_470 : vector<16xf32>
        %min3A_474 = arith.minimumf %min3A_468, %min3A_470 : vector<16xf32>
        %max3A_475 = arith.maximumf %max3A_473, %min3A_472 : vector<16xf32>
        %min3A_476 = arith.minimumf %max3A_473, %min3A_472 : vector<16xf32>
        %min3A_477 = arith.minimumf %max3A_429, %max3A_471 : vector<16xf32>
        %min3A_478 = arith.minimumf %max3A_429, %max3A_475 : vector<16xf32>
        %min3A_479 = arith.minimumf %max3A_431, %max3A_471 : vector<16xf32>
        %min3A_480 = arith.minimumf %max3A_429, %min3A_476 : vector<16xf32>
        %min3A_481 = arith.minimumf %max3A_431, %max3A_475 : vector<16xf32>
        %min3A_482 = arith.minimumf %max3A_434, %max3A_471 : vector<16xf32>
        %max3A_483 = arith.maximumf %max3A_429, %max3A_471 : vector<16xf32>
        %max3A_484 = arith.maximumf %max3A_431, %max3A_475 : vector<16xf32>
        %max3A_485 = arith.maximumf %min3A_477, %max3A_484 : vector<16xf32>
        %max3A_486 = arith.maximumf %min3A_476, %max3A_434 : vector<16xf32>
        %max3A_487 = arith.maximumf %min3A_478, %min3A_479 : vector<16xf32>
        %max3A_488 = arith.maximumf %max3A_486, %max3A_487 : vector<16xf32>
        %max3A_489 = arith.maximumf %min3A_474, %max3A_438 : vector<16xf32>
        %max3A_490 = arith.maximumf %min3A_481, %min3A_482 : vector<16xf32>
        %max3A_491 = arith.maximumf %min3A_480, %max3A_490 : vector<16xf32>
        %max3A_492 = arith.maximumf %max3A_489, %max3A_491 : vector<16xf32>
        scf.yield %max3A_483, %max3A_485, %max3A_488, %max3A_492 : vector<16xf32>, vector<16xf32>, vector<16xf32>, vector<16xf32>
      }
      %scan3A_125 = arith.constant 32 : i32
      %scan3A_126 = arith.constant 0 : i32
      %scan3A_127 = arith.constant 32 : i32
      %scan3A_128 = arith.addi %scan3A_126, %scan3A_127 : i32
      %scan3A_129 = arith.constant 1 : i32
      %scan3A_130:4 = scf.for %scan3A_382 = %scan3A_126 to %scan3A_128 step %scan3A_129 iter_args(%scan3A_383 = %scan3A_70#0, %scan3A_384 = %scan3A_70#1, %scan3A_385 = %scan3A_70#2, %scan3A_386 = %scan3A_70#3) -> (vector<16xf32>, vector<16xf32>, vector<16xf32>, vector<16xf32>)  : i32 {
        %mul3A_387 = arith.constant 8 : i32
        %mul3A_388 = arith.muli %scan3A_382, %mul3A_387 : i32
        %add3A_389 = arith.constant 0 : i32
        %add3A_390 = arith.addi %mul3A_388, %add3A_389 : i32
        %get3A_391 = arith.index_cast %add3A_390 : i32 to index
        %get3A_392 = arith.constant 16 : index
        %get3A_393 = tpu.vector_load %arg7[%get3A_391, %get3A_392] {strides = array<i32>} : memref<256x128xf32, #tpu.memory_space<vmem>>, vector<16xf32>,
        %mul3A_394 = arith.constant 8 : i32
        %mul3A_395 = arith.muli %scan3A_382, %mul3A_394 : i32
        %add3A_396 = arith.constant 1 : i32
        %add3A_397 = arith.addi %mul3A_395, %add3A_396 : i32
        %get3A_398 = arith.index_cast %add3A_397 : i32 to index
        %get3A_399 = arith.constant 16 : index
        %get3A_400 = tpu.vector_load %arg7[%get3A_398, %get3A_399] {strides = array<i32>} : memref<256x128xf32, #tpu.memory_space<vmem>>, vector<16xf32>,
        %mul3A_401 = arith.constant 8 : i32
        %mul3A_402 = arith.muli %scan3A_382, %mul3A_401 : i32
        %add3A_403 = arith.constant 2 : i32
        %add3A_404 = arith.addi %mul3A_402, %add3A_403 : i32
        %get3A_405 = arith.index_cast %add3A_404 : i32 to index
        %get3A_406 = arith.constant 16 : index
        %get3A_407 = tpu.vector_load %arg7[%get3A_405, %get3A_406] {strides = array<i32>} : memref<256x128xf32, #tpu.memory_space<vmem>>, vector<16xf32>,
        %mul3A_408 = arith.constant 8 : i32
        %mul3A_409 = arith.muli %scan3A_382, %mul3A_408 : i32
        %add3A_410 = arith.constant 3 : i32
        %add3A_411 = arith.addi %mul3A_409, %add3A_410 : i32
        %get3A_412 = arith.index_cast %add3A_411 : i32 to index
        %get3A_413 = arith.constant 16 : index
        %get3A_414 = tpu.vector_load %arg7[%get3A_412, %get3A_413] {strides = array<i32>} : memref<256x128xf32, #tpu.memory_space<vmem>>, vector<16xf32>,
        %max3A = arith.maximumf %get3A_393, %get3A_400 : vector<16xf32>
        %min3A = arith.minimumf %get3A_393, %get3A_400 : vector<16xf32>
        %max3A_415 = arith.maximumf %get3A_407, %get3A_414 : vector<16xf32>
        %min3A_416 = arith.minimumf %get3A_407, %get3A_414 : vector<16xf32>
        %max3A_417 = arith.maximumf %max3A, %max3A_415 : vector<16xf32>
        %min3A_418 = arith.minimumf %max3A, %max3A_415 : vector<16xf32>
        %max3A_419 = arith.maximumf %min3A, %min3A_416 : vector<16xf32>
        %min3A_420 = arith.minimumf %min3A, %min3A_416 : vector<16xf32>
        %max3A_421 = arith.maximumf %max3A_419, %min3A_418 : vector<16xf32>
        %min3A_422 = arith.minimumf %max3A_419, %min3A_418 : vector<16xf32>
        %min3A_423 = arith.minimumf %scan3A_383, %max3A_417 : vector<16xf32>
        %min3A_424 = arith.minimumf %scan3A_383, %max3A_421 : vector<16xf32>
        %min3A_425 = arith.minimumf %scan3A_384, %max3A_417 : vector<16xf32>
        %min3A_426 = arith.minimumf %scan3A_383, %min3A_422 : vector<16xf32>
        %min3A_427 = arith.minimumf %scan3A_384, %max3A_421 : vector<16xf32>
        %min3A_428 = arith.minimumf %scan3A_385, %max3A_417 : vector<16xf32>
        %max3A_429 = arith.maximumf %scan3A_383, %max3A_417 : vector<16xf32>
        %max3A_430 = arith.maximumf %scan3A_384, %max3A_421 : vector<16xf32>
        %max3A_431 = arith.maximumf %min3A_423, %max3A_430 : vector<16xf32>
        %max3A_432 = arith.maximumf %min3A_422, %scan3A_385 : vector<16xf32>
        %max3A_433 = arith.maximumf %min3A_424, %min3A_425 : vector<16xf32>
        %max3A_434 = arith.maximumf %max3A_432, %max3A_433 : vector<16xf32>
        %max3A_435 = arith.maximumf %min3A_420, %scan3A_386 : vector<16xf32>
        %max3A_436 = arith.maximumf %min3A_427, %min3A_428 : vector<16xf32>
        %max3A_437 = arith.maximumf %min3A_426, %max3A_436 : vector<16xf32>
        %max3A_438 = arith.maximumf %max3A_435, %max3A_437 : vector<16xf32>
        %mul3A_439 = arith.constant 8 : i32
        %mul3A_440 = arith.muli %scan3A_382, %mul3A_439 : i32
        %add3A_441 = arith.constant 4 : i32
        %add3A_442 = arith.addi %mul3A_440, %add3A_441 : i32
        %get3A_443 = arith.index_cast %add3A_442 : i32 to index
        %get3A_444 = arith.constant 16 : index
        %get3A_445 = tpu.vector_load %arg7[%get3A_443, %get3A_444] {strides = array<i32>} : memref<256x128xf32, #tpu.memory_space<vmem>>, vector<16xf32>,
        %mul3A_446 = arith.constant 8 : i32
        %mul3A_447 = arith.muli %scan3A_382, %mul3A_446 : i32
        %add3A_448 = arith.constant 5 : i32
        %add3A_449 = arith.addi %mul3A_447, %add3A_448 : i32
        %get3A_450 = arith.index_cast %add3A_449 : i32 to index
        %get3A_451 = arith.constant 16 : index
        %get3A_452 = tpu.vector_load %arg7[%get3A_450, %get3A_451] {strides = array<i32>} : memref<256x128xf32, #tpu.memory_space<vmem>>, vector<16xf32>,
        %mul3A_453 = arith.constant 8 : i32
        %mul3A_454 = arith.muli %scan3A_382, %mul3A_453 : i32
        %add3A_455 = arith.constant 6 : i32
        %add3A_456 = arith.addi %mul3A_454, %add3A_455 : i32
        %get3A_457 = arith.index_cast %add3A_456 : i32 to index
        %get3A_458 = arith.constant 16 : index
        %get3A_459 = tpu.vector_load %arg7[%get3A_457, %get3A_458] {strides = array<i32>} : memref<256x128xf32, #tpu.memory_space<vmem>>, vector<16xf32>,
        %mul3A_460 = arith.constant 8 : i32
        %mul3A_461 = arith.muli %scan3A_382, %mul3A_460 : i32
        %add3A_462 = arith.constant 7 : i32
        %add3A_463 = arith.addi %mul3A_461, %add3A_462 : i32
        %get3A_464 = arith.index_cast %add3A_463 : i32 to index
        %get3A_465 = arith.constant 16 : index
        %get3A_466 = tpu.vector_load %arg7[%get3A_464, %get3A_465] {strides = array<i32>} : memref<256x128xf32, #tpu.memory_space<vmem>>, vector<16xf32>,
        %max3A_467 = arith.maximumf %get3A_445, %get3A_452 : vector<16xf32>
        %min3A_468 = arith.minimumf %get3A_445, %get3A_452 : vector<16xf32>
        %max3A_469 = arith.maximumf %get3A_459, %get3A_466 : vector<16xf32>
        %min3A_470 = arith.minimumf %get3A_459, %get3A_466 : vector<16xf32>
        %max3A_471 = arith.maximumf %max3A_467, %max3A_469 : vector<16xf32>
        %min3A_472 = arith.minimumf %max3A_467, %max3A_469 : vector<16xf32>
        %max3A_473 = arith.maximumf %min3A_468, %min3A_470 : vector<16xf32>
        %min3A_474 = arith.minimumf %min3A_468, %min3A_470 : vector<16xf32>
        %max3A_475 = arith.maximumf %max3A_473, %min3A_472 : vector<16xf32>
        %min3A_476 = arith.minimumf %max3A_473, %min3A_472 : vector<16xf32>
        %min3A_477 = arith.minimumf %max3A_429, %max3A_471 : vector<16xf32>
        %min3A_478 = arith.minimumf %max3A_429, %max3A_475 : vector<16xf32>
        %min3A_479 = arith.minimumf %max3A_431, %max3A_471 : vector<16xf32>
        %min3A_480 = arith.minimumf %max3A_429, %min3A_476 : vector<16xf32>
        %min3A_481 = arith.minimumf %max3A_431, %max3A_475 : vector<16xf32>
        %min3A_482 = arith.minimumf %max3A_434, %max3A_471 : vector<16xf32>
        %max3A_483 = arith.maximumf %max3A_429, %max3A_471 : vector<16xf32>
        %max3A_484 = arith.maximumf %max3A_431, %max3A_475 : vector<16xf32>
        %max3A_485 = arith.maximumf %min3A_477, %max3A_484 : vector<16xf32>
        %max3A_486 = arith.maximumf %min3A_476, %max3A_434 : vector<16xf32>
        %max3A_487 = arith.maximumf %min3A_478, %min3A_479 : vector<16xf32>
        %max3A_488 = arith.maximumf %max3A_486, %max3A_487 : vector<16xf32>
        %max3A_489 = arith.maximumf %min3A_474, %max3A_438 : vector<16xf32>
        %max3A_490 = arith.maximumf %min3A_481, %min3A_482 : vector<16xf32>
        %max3A_491 = arith.maximumf %min3A_480, %max3A_490 : vector<16xf32>
        %max3A_492 = arith.maximumf %max3A_489, %max3A_491 : vector<16xf32>
        scf.yield %max3A_483, %max3A_485, %max3A_488, %max3A_492 : vector<16xf32>, vector<16xf32>, vector<16xf32>, vector<16xf32>
      }
      %scan3A_131 = arith.constant 32 : i32
      %scan3A_132 = arith.constant 0 : i32
      %scan3A_133 = arith.constant 32 : i32
      %scan3A_134 = arith.addi %scan3A_132, %scan3A_133 : i32
      %scan3A_135 = arith.constant 1 : i32
      %scan3A_136:4 = scf.for %scan3A_382 = %scan3A_132 to %scan3A_134 step %scan3A_135 iter_args(%scan3A_383 = %scan3A_76#0, %scan3A_384 = %scan3A_76#1, %scan3A_385 = %scan3A_76#2, %scan3A_386 = %scan3A_76#3) -> (vector<16xf32>, vector<16xf32>, vector<16xf32>, vector<16xf32>)  : i32 {
        %mul3A_387 = arith.constant 8 : i32
        %mul3A_388 = arith.muli %scan3A_382, %mul3A_387 : i32
        %add3A_389 = arith.constant 0 : i32
        %add3A_390 = arith.addi %mul3A_388, %add3A_389 : i32
        %get3A_391 = arith.index_cast %add3A_390 : i32 to index
        %get3A_392 = arith.constant 32 : index
        %get3A_393 = tpu.vector_load %arg7[%get3A_391, %get3A_392] {strides = array<i32>} : memref<256x128xf32, #tpu.memory_space<vmem>>, vector<16xf32>,
        %mul3A_394 = arith.constant 8 : i32
        %mul3A_395 = arith.muli %scan3A_382, %mul3A_394 : i32
        %add3A_396 = arith.constant 1 : i32
        %add3A_397 = arith.addi %mul3A_395, %add3A_396 : i32
        %get3A_398 = arith.index_cast %add3A_397 : i32 to index
        %get3A_399 = arith.constant 32 : index
        %get3A_400 = tpu.vector_load %arg7[%get3A_398, %get3A_399] {strides = array<i32>} : memref<256x128xf32, #tpu.memory_space<vmem>>, vector<16xf32>,
        %mul3A_401 = arith.constant 8 : i32
        %mul3A_402 = arith.muli %scan3A_382, %mul3A_401 : i32
        %add3A_403 = arith.constant 2 : i32
        %add3A_404 = arith.addi %mul3A_402, %add3A_403 : i32
        %get3A_405 = arith.index_cast %add3A_404 : i32 to index
        %get3A_406 = arith.constant 32 : index
        %get3A_407 = tpu.vector_load %arg7[%get3A_405, %get3A_406] {strides = array<i32>} : memref<256x128xf32, #tpu.memory_space<vmem>>, vector<16xf32>,
        %mul3A_408 = arith.constant 8 : i32
        %mul3A_409 = arith.muli %scan3A_382, %mul3A_408 : i32
        %add3A_410 = arith.constant 3 : i32
        %add3A_411 = arith.addi %mul3A_409, %add3A_410 : i32
        %get3A_412 = arith.index_cast %add3A_411 : i32 to index
        %get3A_413 = arith.constant 32 : index
        %get3A_414 = tpu.vector_load %arg7[%get3A_412, %get3A_413] {strides = array<i32>} : memref<256x128xf32, #tpu.memory_space<vmem>>, vector<16xf32>,
        %max3A = arith.maximumf %get3A_393, %get3A_400 : vector<16xf32>
        %min3A = arith.minimumf %get3A_393, %get3A_400 : vector<16xf32>
        %max3A_415 = arith.maximumf %get3A_407, %get3A_414 : vector<16xf32>
        %min3A_416 = arith.minimumf %get3A_407, %get3A_414 : vector<16xf32>
        %max3A_417 = arith.maximumf %max3A, %max3A_415 : vector<16xf32>
        %min3A_418 = arith.minimumf %max3A, %max3A_415 : vector<16xf32>
        %max3A_419 = arith.maximumf %min3A, %min3A_416 : vector<16xf32>
        %min3A_420 = arith.minimumf %min3A, %min3A_416 : vector<16xf32>
        %max3A_421 = arith.maximumf %max3A_419, %min3A_418 : vector<16xf32>
        %min3A_422 = arith.minimumf %max3A_419, %min3A_418 : vector<16xf32>
        %min3A_423 = arith.minimumf %scan3A_383, %max3A_417 : vector<16xf32>
        %min3A_424 = arith.minimumf %scan3A_383, %max3A_421 : vector<16xf32>
        %min3A_425 = arith.minimumf %scan3A_384, %max3A_417 : vector<16xf32>
        %min3A_426 = arith.minimumf %scan3A_383, %min3A_422 : vector<16xf32>
        %min3A_427 = arith.minimumf %scan3A_384, %max3A_421 : vector<16xf32>
        %min3A_428 = arith.minimumf %scan3A_385, %max3A_417 : vector<16xf32>
        %max3A_429 = arith.maximumf %scan3A_383, %max3A_417 : vector<16xf32>
        %max3A_430 = arith.maximumf %scan3A_384, %max3A_421 : vector<16xf32>
        %max3A_431 = arith.maximumf %min3A_423, %max3A_430 : vector<16xf32>
        %max3A_432 = arith.maximumf %min3A_422, %scan3A_385 : vector<16xf32>
        %max3A_433 = arith.maximumf %min3A_424, %min3A_425 : vector<16xf32>
        %max3A_434 = arith.maximumf %max3A_432, %max3A_433 : vector<16xf32>
        %max3A_435 = arith.maximumf %min3A_420, %scan3A_386 : vector<16xf32>
        %max3A_436 = arith.maximumf %min3A_427, %min3A_428 : vector<16xf32>
        %max3A_437 = arith.maximumf %min3A_426, %max3A_436 : vector<16xf32>
        %max3A_438 = arith.maximumf %max3A_435, %max3A_437 : vector<16xf32>
        %mul3A_439 = arith.constant 8 : i32
        %mul3A_440 = arith.muli %scan3A_382, %mul3A_439 : i32
        %add3A_441 = arith.constant 4 : i32
        %add3A_442 = arith.addi %mul3A_440, %add3A_441 : i32
        %get3A_443 = arith.index_cast %add3A_442 : i32 to index
        %get3A_444 = arith.constant 32 : index
        %get3A_445 = tpu.vector_load %arg7[%get3A_443, %get3A_444] {strides = array<i32>} : memref<256x128xf32, #tpu.memory_space<vmem>>, vector<16xf32>,
        %mul3A_446 = arith.constant 8 : i32
        %mul3A_447 = arith.muli %scan3A_382, %mul3A_446 : i32
        %add3A_448 = arith.constant 5 : i32
        %add3A_449 = arith.addi %mul3A_447, %add3A_448 : i32
        %get3A_450 = arith.index_cast %add3A_449 : i32 to index
        %get3A_451 = arith.constant 32 : index
        %get3A_452 = tpu.vector_load %arg7[%get3A_450, %get3A_451] {strides = array<i32>} : memref<256x128xf32, #tpu.memory_space<vmem>>, vector<16xf32>,
        %mul3A_453 = arith.constant 8 : i32
        %mul3A_454 = arith.muli %scan3A_382, %mul3A_453 : i32
        %add3A_455 = arith.constant 6 : i32
        %add3A_456 = arith.addi %mul3A_454, %add3A_455 : i32
        %get3A_457 = arith.index_cast %add3A_456 : i32 to index
        %get3A_458 = arith.constant 32 : index
        %get3A_459 = tpu.vector_load %arg7[%get3A_457, %get3A_458] {strides = array<i32>} : memref<256x128xf32, #tpu.memory_space<vmem>>, vector<16xf32>,
        %mul3A_460 = arith.constant 8 : i32
        %mul3A_461 = arith.muli %scan3A_382, %mul3A_460 : i32
        %add3A_462 = arith.constant 7 : i32
        %add3A_463 = arith.addi %mul3A_461, %add3A_462 : i32
        %get3A_464 = arith.index_cast %add3A_463 : i32 to index
        %get3A_465 = arith.constant 32 : index
        %get3A_466 = tpu.vector_load %arg7[%get3A_464, %get3A_465] {strides = array<i32>} : memref<256x128xf32, #tpu.memory_space<vmem>>, vector<16xf32>,
        %max3A_467 = arith.maximumf %get3A_445, %get3A_452 : vector<16xf32>
        %min3A_468 = arith.minimumf %get3A_445, %get3A_452 : vector<16xf32>
        %max3A_469 = arith.maximumf %get3A_459, %get3A_466 : vector<16xf32>
        %min3A_470 = arith.minimumf %get3A_459, %get3A_466 : vector<16xf32>
        %max3A_471 = arith.maximumf %max3A_467, %max3A_469 : vector<16xf32>
        %min3A_472 = arith.minimumf %max3A_467, %max3A_469 : vector<16xf32>
        %max3A_473 = arith.maximumf %min3A_468, %min3A_470 : vector<16xf32>
        %min3A_474 = arith.minimumf %min3A_468, %min3A_470 : vector<16xf32>
        %max3A_475 = arith.maximumf %max3A_473, %min3A_472 : vector<16xf32>
        %min3A_476 = arith.minimumf %max3A_473, %min3A_472 : vector<16xf32>
        %min3A_477 = arith.minimumf %max3A_429, %max3A_471 : vector<16xf32>
        %min3A_478 = arith.minimumf %max3A_429, %max3A_475 : vector<16xf32>
        %min3A_479 = arith.minimumf %max3A_431, %max3A_471 : vector<16xf32>
        %min3A_480 = arith.minimumf %max3A_429, %min3A_476 : vector<16xf32>
        %min3A_481 = arith.minimumf %max3A_431, %max3A_475 : vector<16xf32>
        %min3A_482 = arith.minimumf %max3A_434, %max3A_471 : vector<16xf32>
        %max3A_483 = arith.maximumf %max3A_429, %max3A_471 : vector<16xf32>
        %max3A_484 = arith.maximumf %max3A_431, %max3A_475 : vector<16xf32>
        %max3A_485 = arith.maximumf %min3A_477, %max3A_484 : vector<16xf32>
        %max3A_486 = arith.maximumf %min3A_476, %max3A_434 : vector<16xf32>
        %max3A_487 = arith.maximumf %min3A_478, %min3A_479 : vector<16xf32>
        %max3A_488 = arith.maximumf %max3A_486, %max3A_487 : vector<16xf32>
        %max3A_489 = arith.maximumf %min3A_474, %max3A_438 : vector<16xf32>
        %max3A_490 = arith.maximumf %min3A_481, %min3A_482 : vector<16xf32>
        %max3A_491 = arith.maximumf %min3A_480, %max3A_490 : vector<16xf32>
        %max3A_492 = arith.maximumf %max3A_489, %max3A_491 : vector<16xf32>
        scf.yield %max3A_483, %max3A_485, %max3A_488, %max3A_492 : vector<16xf32>, vector<16xf32>, vector<16xf32>, vector<16xf32>
      }
      %scan3A_137 = arith.constant 32 : i32
      %scan3A_138 = arith.constant 0 : i32
      %scan3A_139 = arith.constant 32 : i32
      %scan3A_140 = arith.addi %scan3A_138, %scan3A_139 : i32
      %scan3A_141 = arith.constant 1 : i32
      %scan3A_142:4 = scf.for %scan3A_382 = %scan3A_138 to %scan3A_140 step %scan3A_141 iter_args(%scan3A_383 = %scan3A_82#0, %scan3A_384 = %scan3A_82#1, %scan3A_385 = %scan3A_82#2, %scan3A_386 = %scan3A_82#3) -> (vector<16xf32>, vector<16xf32>, vector<16xf32>, vector<16xf32>)  : i32 {
        %mul3A_387 = arith.constant 8 : i32
        %mul3A_388 = arith.muli %scan3A_382, %mul3A_387 : i32
        %add3A_389 = arith.constant 0 : i32
        %add3A_390 = arith.addi %mul3A_388, %add3A_389 : i32
        %get3A_391 = arith.index_cast %add3A_390 : i32 to index
        %get3A_392 = arith.constant 48 : index
        %get3A_393 = tpu.vector_load %arg7[%get3A_391, %get3A_392] {strides = array<i32>} : memref<256x128xf32, #tpu.memory_space<vmem>>, vector<16xf32>,
        %mul3A_394 = arith.constant 8 : i32
        %mul3A_395 = arith.muli %scan3A_382, %mul3A_394 : i32
        %add3A_396 = arith.constant 1 : i32
        %add3A_397 = arith.addi %mul3A_395, %add3A_396 : i32
        %get3A_398 = arith.index_cast %add3A_397 : i32 to index
        %get3A_399 = arith.constant 48 : index
        %get3A_400 = tpu.vector_load %arg7[%get3A_398, %get3A_399] {strides = array<i32>} : memref<256x128xf32, #tpu.memory_space<vmem>>, vector<16xf32>,
        %mul3A_401 = arith.constant 8 : i32
        %mul3A_402 = arith.muli %scan3A_382, %mul3A_401 : i32
        %add3A_403 = arith.constant 2 : i32
        %add3A_404 = arith.addi %mul3A_402, %add3A_403 : i32
        %get3A_405 = arith.index_cast %add3A_404 : i32 to index
        %get3A_406 = arith.constant 48 : index
        %get3A_407 = tpu.vector_load %arg7[%get3A_405, %get3A_406] {strides = array<i32>} : memref<256x128xf32, #tpu.memory_space<vmem>>, vector<16xf32>,
        %mul3A_408 = arith.constant 8 : i32
        %mul3A_409 = arith.muli %scan3A_382, %mul3A_408 : i32
        %add3A_410 = arith.constant 3 : i32
        %add3A_411 = arith.addi %mul3A_409, %add3A_410 : i32
        %get3A_412 = arith.index_cast %add3A_411 : i32 to index
        %get3A_413 = arith.constant 48 : index
        %get3A_414 = tpu.vector_load %arg7[%get3A_412, %get3A_413] {strides = array<i32>} : memref<256x128xf32, #tpu.memory_space<vmem>>, vector<16xf32>,
        %max3A = arith.maximumf %get3A_393, %get3A_400 : vector<16xf32>
        %min3A = arith.minimumf %get3A_393, %get3A_400 : vector<16xf32>
        %max3A_415 = arith.maximumf %get3A_407, %get3A_414 : vector<16xf32>
        %min3A_416 = arith.minimumf %get3A_407, %get3A_414 : vector<16xf32>
        %max3A_417 = arith.maximumf %max3A, %max3A_415 : vector<16xf32>
        %min3A_418 = arith.minimumf %max3A, %max3A_415 : vector<16xf32>
        %max3A_419 = arith.maximumf %min3A, %min3A_416 : vector<16xf32>
        %min3A_420 = arith.minimumf %min3A, %min3A_416 : vector<16xf32>
        %max3A_421 = arith.maximumf %max3A_419, %min3A_418 : vector<16xf32>
        %min3A_422 = arith.minimumf %max3A_419, %min3A_418 : vector<16xf32>
        %min3A_423 = arith.minimumf %scan3A_383, %max3A_417 : vector<16xf32>
        %min3A_424 = arith.minimumf %scan3A_383, %max3A_421 : vector<16xf32>
        %min3A_425 = arith.minimumf %scan3A_384, %max3A_417 : vector<16xf32>
        %min3A_426 = arith.minimumf %scan3A_383, %min3A_422 : vector<16xf32>
        %min3A_427 = arith.minimumf %scan3A_384, %max3A_421 : vector<16xf32>
        %min3A_428 = arith.minimumf %scan3A_385, %max3A_417 : vector<16xf32>
        %max3A_429 = arith.maximumf %scan3A_383, %max3A_417 : vector<16xf32>
        %max3A_430 = arith.maximumf %scan3A_384, %max3A_421 : vector<16xf32>
        %max3A_431 = arith.maximumf %min3A_423, %max3A_430 : vector<16xf32>
        %max3A_432 = arith.maximumf %min3A_422, %scan3A_385 : vector<16xf32>
        %max3A_433 = arith.maximumf %min3A_424, %min3A_425 : vector<16xf32>
        %max3A_434 = arith.maximumf %max3A_432, %max3A_433 : vector<16xf32>
        %max3A_435 = arith.maximumf %min3A_420, %scan3A_386 : vector<16xf32>
        %max3A_436 = arith.maximumf %min3A_427, %min3A_428 : vector<16xf32>
        %max3A_437 = arith.maximumf %min3A_426, %max3A_436 : vector<16xf32>
        %max3A_438 = arith.maximumf %max3A_435, %max3A_437 : vector<16xf32>
        %mul3A_439 = arith.constant 8 : i32
        %mul3A_440 = arith.muli %scan3A_382, %mul3A_439 : i32
        %add3A_441 = arith.constant 4 : i32
        %add3A_442 = arith.addi %mul3A_440, %add3A_441 : i32
        %get3A_443 = arith.index_cast %add3A_442 : i32 to index
        %get3A_444 = arith.constant 48 : index
        %get3A_445 = tpu.vector_load %arg7[%get3A_443, %get3A_444] {strides = array<i32>} : memref<256x128xf32, #tpu.memory_space<vmem>>, vector<16xf32>,
        %mul3A_446 = arith.constant 8 : i32
        %mul3A_447 = arith.muli %scan3A_382, %mul3A_446 : i32
        %add3A_448 = arith.constant 5 : i32
        %add3A_449 = arith.addi %mul3A_447, %add3A_448 : i32
        %get3A_450 = arith.index_cast %add3A_449 : i32 to index
        %get3A_451 = arith.constant 48 : index
        %get3A_452 = tpu.vector_load %arg7[%get3A_450, %get3A_451] {strides = array<i32>} : memref<256x128xf32, #tpu.memory_space<vmem>>, vector<16xf32>,
        %mul3A_453 = arith.constant 8 : i32
        %mul3A_454 = arith.muli %scan3A_382, %mul3A_453 : i32
        %add3A_455 = arith.constant 6 : i32
        %add3A_456 = arith.addi %mul3A_454, %add3A_455 : i32
        %get3A_457 = arith.index_cast %add3A_456 : i32 to index
        %get3A_458 = arith.constant 48 : index
        %get3A_459 = tpu.vector_load %arg7[%get3A_457, %get3A_458] {strides = array<i32>} : memref<256x128xf32, #tpu.memory_space<vmem>>, vector<16xf32>,
        %mul3A_460 = arith.constant 8 : i32
        %mul3A_461 = arith.muli %scan3A_382, %mul3A_460 : i32
        %add3A_462 = arith.constant 7 : i32
        %add3A_463 = arith.addi %mul3A_461, %add3A_462 : i32
        %get3A_464 = arith.index_cast %add3A_463 : i32 to index
        %get3A_465 = arith.constant 48 : index
        %get3A_466 = tpu.vector_load %arg7[%get3A_464, %get3A_465] {strides = array<i32>} : memref<256x128xf32, #tpu.memory_space<vmem>>, vector<16xf32>,
        %max3A_467 = arith.maximumf %get3A_445, %get3A_452 : vector<16xf32>
        %min3A_468 = arith.minimumf %get3A_445, %get3A_452 : vector<16xf32>
        %max3A_469 = arith.maximumf %get3A_459, %get3A_466 : vector<16xf32>
        %min3A_470 = arith.minimumf %get3A_459, %get3A_466 : vector<16xf32>
        %max3A_471 = arith.maximumf %max3A_467, %max3A_469 : vector<16xf32>
        %min3A_472 = arith.minimumf %max3A_467, %max3A_469 : vector<16xf32>
        %max3A_473 = arith.maximumf %min3A_468, %min3A_470 : vector<16xf32>
        %min3A_474 = arith.minimumf %min3A_468, %min3A_470 : vector<16xf32>
        %max3A_475 = arith.maximumf %max3A_473, %min3A_472 : vector<16xf32>
        %min3A_476 = arith.minimumf %max3A_473, %min3A_472 : vector<16xf32>
        %min3A_477 = arith.minimumf %max3A_429, %max3A_471 : vector<16xf32>
        %min3A_478 = arith.minimumf %max3A_429, %max3A_475 : vector<16xf32>
        %min3A_479 = arith.minimumf %max3A_431, %max3A_471 : vector<16xf32>
        %min3A_480 = arith.minimumf %max3A_429, %min3A_476 : vector<16xf32>
        %min3A_481 = arith.minimumf %max3A_431, %max3A_475 : vector<16xf32>
        %min3A_482 = arith.minimumf %max3A_434, %max3A_471 : vector<16xf32>
        %max3A_483 = arith.maximumf %max3A_429, %max3A_471 : vector<16xf32>
        %max3A_484 = arith.maximumf %max3A_431, %max3A_475 : vector<16xf32>
        %max3A_485 = arith.maximumf %min3A_477, %max3A_484 : vector<16xf32>
        %max3A_486 = arith.maximumf %min3A_476, %max3A_434 : vector<16xf32>
        %max3A_487 = arith.maximumf %min3A_478, %min3A_479 : vector<16xf32>
        %max3A_488 = arith.maximumf %max3A_486, %max3A_487 : vector<16xf32>
        %max3A_489 = arith.maximumf %min3A_474, %max3A_438 : vector<16xf32>
        %max3A_490 = arith.maximumf %min3A_481, %min3A_482 : vector<16xf32>
        %max3A_491 = arith.maximumf %min3A_480, %max3A_490 : vector<16xf32>
        %max3A_492 = arith.maximumf %max3A_489, %max3A_491 : vector<16xf32>
        scf.yield %max3A_483, %max3A_485, %max3A_488, %max3A_492 : vector<16xf32>, vector<16xf32>, vector<16xf32>, vector<16xf32>
      }
      %scan3A_143 = arith.constant 32 : i32
      %scan3A_144 = arith.constant 0 : i32
      %scan3A_145 = arith.constant 32 : i32
      %scan3A_146 = arith.addi %scan3A_144, %scan3A_145 : i32
      %scan3A_147 = arith.constant 1 : i32
      %scan3A_148:4 = scf.for %scan3A_382 = %scan3A_144 to %scan3A_146 step %scan3A_147 iter_args(%scan3A_383 = %scan3A_88#0, %scan3A_384 = %scan3A_88#1, %scan3A_385 = %scan3A_88#2, %scan3A_386 = %scan3A_88#3) -> (vector<16xf32>, vector<16xf32>, vector<16xf32>, vector<16xf32>)  : i32 {
        %mul3A_387 = arith.constant 8 : i32
        %mul3A_388 = arith.muli %scan3A_382, %mul3A_387 : i32
        %add3A_389 = arith.constant 0 : i32
        %add3A_390 = arith.addi %mul3A_388, %add3A_389 : i32
        %get3A_391 = arith.index_cast %add3A_390 : i32 to index
        %get3A_392 = arith.constant 64 : index
        %get3A_393 = tpu.vector_load %arg7[%get3A_391, %get3A_392] {strides = array<i32>} : memref<256x128xf32, #tpu.memory_space<vmem>>, vector<16xf32>,
        %mul3A_394 = arith.constant 8 : i32
        %mul3A_395 = arith.muli %scan3A_382, %mul3A_394 : i32
        %add3A_396 = arith.constant 1 : i32
        %add3A_397 = arith.addi %mul3A_395, %add3A_396 : i32
        %get3A_398 = arith.index_cast %add3A_397 : i32 to index
        %get3A_399 = arith.constant 64 : index
        %get3A_400 = tpu.vector_load %arg7[%get3A_398, %get3A_399] {strides = array<i32>} : memref<256x128xf32, #tpu.memory_space<vmem>>, vector<16xf32>,
        %mul3A_401 = arith.constant 8 : i32
        %mul3A_402 = arith.muli %scan3A_382, %mul3A_401 : i32
        %add3A_403 = arith.constant 2 : i32
        %add3A_404 = arith.addi %mul3A_402, %add3A_403 : i32
        %get3A_405 = arith.index_cast %add3A_404 : i32 to index
        %get3A_406 = arith.constant 64 : index
        %get3A_407 = tpu.vector_load %arg7[%get3A_405, %get3A_406] {strides = array<i32>} : memref<256x128xf32, #tpu.memory_space<vmem>>, vector<16xf32>,
        %mul3A_408 = arith.constant 8 : i32
        %mul3A_409 = arith.muli %scan3A_382, %mul3A_408 : i32
        %add3A_410 = arith.constant 3 : i32
        %add3A_411 = arith.addi %mul3A_409, %add3A_410 : i32
        %get3A_412 = arith.index_cast %add3A_411 : i32 to index
        %get3A_413 = arith.constant 64 : index
        %get3A_414 = tpu.vector_load %arg7[%get3A_412, %get3A_413] {strides = array<i32>} : memref<256x128xf32, #tpu.memory_space<vmem>>, vector<16xf32>,
        %max3A = arith.maximumf %get3A_393, %get3A_400 : vector<16xf32>
        %min3A = arith.minimumf %get3A_393, %get3A_400 : vector<16xf32>
        %max3A_415 = arith.maximumf %get3A_407, %get3A_414 : vector<16xf32>
        %min3A_416 = arith.minimumf %get3A_407, %get3A_414 : vector<16xf32>
        %max3A_417 = arith.maximumf %max3A, %max3A_415 : vector<16xf32>
        %min3A_418 = arith.minimumf %max3A, %max3A_415 : vector<16xf32>
        %max3A_419 = arith.maximumf %min3A, %min3A_416 : vector<16xf32>
        %min3A_420 = arith.minimumf %min3A, %min3A_416 : vector<16xf32>
        %max3A_421 = arith.maximumf %max3A_419, %min3A_418 : vector<16xf32>
        %min3A_422 = arith.minimumf %max3A_419, %min3A_418 : vector<16xf32>
        %min3A_423 = arith.minimumf %scan3A_383, %max3A_417 : vector<16xf32>
        %min3A_424 = arith.minimumf %scan3A_383, %max3A_421 : vector<16xf32>
        %min3A_425 = arith.minimumf %scan3A_384, %max3A_417 : vector<16xf32>
        %min3A_426 = arith.minimumf %scan3A_383, %min3A_422 : vector<16xf32>
        %min3A_427 = arith.minimumf %scan3A_384, %max3A_421 : vector<16xf32>
        %min3A_428 = arith.minimumf %scan3A_385, %max3A_417 : vector<16xf32>
        %max3A_429 = arith.maximumf %scan3A_383, %max3A_417 : vector<16xf32>
        %max3A_430 = arith.maximumf %scan3A_384, %max3A_421 : vector<16xf32>
        %max3A_431 = arith.maximumf %min3A_423, %max3A_430 : vector<16xf32>
        %max3A_432 = arith.maximumf %min3A_422, %scan3A_385 : vector<16xf32>
        %max3A_433 = arith.maximumf %min3A_424, %min3A_425 : vector<16xf32>
        %max3A_434 = arith.maximumf %max3A_432, %max3A_433 : vector<16xf32>
        %max3A_435 = arith.maximumf %min3A_420, %scan3A_386 : vector<16xf32>
        %max3A_436 = arith.maximumf %min3A_427, %min3A_428 : vector<16xf32>
        %max3A_437 = arith.maximumf %min3A_426, %max3A_436 : vector<16xf32>
        %max3A_438 = arith.maximumf %max3A_435, %max3A_437 : vector<16xf32>
        %mul3A_439 = arith.constant 8 : i32
        %mul3A_440 = arith.muli %scan3A_382, %mul3A_439 : i32
        %add3A_441 = arith.constant 4 : i32
        %add3A_442 = arith.addi %mul3A_440, %add3A_441 : i32
        %get3A_443 = arith.index_cast %add3A_442 : i32 to index
        %get3A_444 = arith.constant 64 : index
        %get3A_445 = tpu.vector_load %arg7[%get3A_443, %get3A_444] {strides = array<i32>} : memref<256x128xf32, #tpu.memory_space<vmem>>, vector<16xf32>,
        %mul3A_446 = arith.constant 8 : i32
        %mul3A_447 = arith.muli %scan3A_382, %mul3A_446 : i32
        %add3A_448 = arith.constant 5 : i32
        %add3A_449 = arith.addi %mul3A_447, %add3A_448 : i32
        %get3A_450 = arith.index_cast %add3A_449 : i32 to index
        %get3A_451 = arith.constant 64 : index
        %get3A_452 = tpu.vector_load %arg7[%get3A_450, %get3A_451] {strides = array<i32>} : memref<256x128xf32, #tpu.memory_space<vmem>>, vector<16xf32>,
        %mul3A_453 = arith.constant 8 : i32
        %mul3A_454 = arith.muli %scan3A_382, %mul3A_453 : i32
        %add3A_455 = arith.constant 6 : i32
        %add3A_456 = arith.addi %mul3A_454, %add3A_455 : i32
        %get3A_457 = arith.index_cast %add3A_456 : i32 to index
        %get3A_458 = arith.constant 64 : index
        %get3A_459 = tpu.vector_load %arg7[%get3A_457, %get3A_458] {strides = array<i32>} : memref<256x128xf32, #tpu.memory_space<vmem>>, vector<16xf32>,
        %mul3A_460 = arith.constant 8 : i32
        %mul3A_461 = arith.muli %scan3A_382, %mul3A_460 : i32
        %add3A_462 = arith.constant 7 : i32
        %add3A_463 = arith.addi %mul3A_461, %add3A_462 : i32
        %get3A_464 = arith.index_cast %add3A_463 : i32 to index
        %get3A_465 = arith.constant 64 : index
        %get3A_466 = tpu.vector_load %arg7[%get3A_464, %get3A_465] {strides = array<i32>} : memref<256x128xf32, #tpu.memory_space<vmem>>, vector<16xf32>,
        %max3A_467 = arith.maximumf %get3A_445, %get3A_452 : vector<16xf32>
        %min3A_468 = arith.minimumf %get3A_445, %get3A_452 : vector<16xf32>
        %max3A_469 = arith.maximumf %get3A_459, %get3A_466 : vector<16xf32>
        %min3A_470 = arith.minimumf %get3A_459, %get3A_466 : vector<16xf32>
        %max3A_471 = arith.maximumf %max3A_467, %max3A_469 : vector<16xf32>
        %min3A_472 = arith.minimumf %max3A_467, %max3A_469 : vector<16xf32>
        %max3A_473 = arith.maximumf %min3A_468, %min3A_470 : vector<16xf32>
        %min3A_474 = arith.minimumf %min3A_468, %min3A_470 : vector<16xf32>
        %max3A_475 = arith.maximumf %max3A_473, %min3A_472 : vector<16xf32>
        %min3A_476 = arith.minimumf %max3A_473, %min3A_472 : vector<16xf32>
        %min3A_477 = arith.minimumf %max3A_429, %max3A_471 : vector<16xf32>
        %min3A_478 = arith.minimumf %max3A_429, %max3A_475 : vector<16xf32>
        %min3A_479 = arith.minimumf %max3A_431, %max3A_471 : vector<16xf32>
        %min3A_480 = arith.minimumf %max3A_429, %min3A_476 : vector<16xf32>
        %min3A_481 = arith.minimumf %max3A_431, %max3A_475 : vector<16xf32>
        %min3A_482 = arith.minimumf %max3A_434, %max3A_471 : vector<16xf32>
        %max3A_483 = arith.maximumf %max3A_429, %max3A_471 : vector<16xf32>
        %max3A_484 = arith.maximumf %max3A_431, %max3A_475 : vector<16xf32>
        %max3A_485 = arith.maximumf %min3A_477, %max3A_484 : vector<16xf32>
        %max3A_486 = arith.maximumf %min3A_476, %max3A_434 : vector<16xf32>
        %max3A_487 = arith.maximumf %min3A_478, %min3A_479 : vector<16xf32>
        %max3A_488 = arith.maximumf %max3A_486, %max3A_487 : vector<16xf32>
        %max3A_489 = arith.maximumf %min3A_474, %max3A_438 : vector<16xf32>
        %max3A_490 = arith.maximumf %min3A_481, %min3A_482 : vector<16xf32>
        %max3A_491 = arith.maximumf %min3A_480, %max3A_490 : vector<16xf32>
        %max3A_492 = arith.maximumf %max3A_489, %max3A_491 : vector<16xf32>
        scf.yield %max3A_483, %max3A_485, %max3A_488, %max3A_492 : vector<16xf32>, vector<16xf32>, vector<16xf32>, vector<16xf32>
      }
      %scan3A_149 = arith.constant 32 : i32
      %scan3A_150 = arith.constant 0 : i32
      %scan3A_151 = arith.constant 32 : i32
      %scan3A_152 = arith.addi %scan3A_150, %scan3A_151 : i32
      %scan3A_153 = arith.constant 1 : i32
      %scan3A_154:4 = scf.for %scan3A_382 = %scan3A_150 to %scan3A_152 step %scan3A_153 iter_args(%scan3A_383 = %scan3A_94#0, %scan3A_384 = %scan3A_94#1, %scan3A_385 = %scan3A_94#2, %scan3A_386 = %scan3A_94#3) -> (vector<16xf32>, vector<16xf32>, vector<16xf32>, vector<16xf32>)  : i32 {
        %mul3A_387 = arith.constant 8 : i32
        %mul3A_388 = arith.muli %scan3A_382, %mul3A_387 : i32
        %add3A_389 = arith.constant 0 : i32
        %add3A_390 = arith.addi %mul3A_388, %add3A_389 : i32
        %get3A_391 = arith.index_cast %add3A_390 : i32 to index
        %get3A_392 = arith.constant 80 : index
        %get3A_393 = tpu.vector_load %arg7[%get3A_391, %get3A_392] {strides = array<i32>} : memref<256x128xf32, #tpu.memory_space<vmem>>, vector<16xf32>,
        %mul3A_394 = arith.constant 8 : i32
        %mul3A_395 = arith.muli %scan3A_382, %mul3A_394 : i32
        %add3A_396 = arith.constant 1 : i32
        %add3A_397 = arith.addi %mul3A_395, %add3A_396 : i32
        %get3A_398 = arith.index_cast %add3A_397 : i32 to index
        %get3A_399 = arith.constant 80 : index
        %get3A_400 = tpu.vector_load %arg7[%get3A_398, %get3A_399] {strides = array<i32>} : memref<256x128xf32, #tpu.memory_space<vmem>>, vector<16xf32>,
        %mul3A_401 = arith.constant 8 : i32
        %mul3A_402 = arith.muli %scan3A_382, %mul3A_401 : i32
        %add3A_403 = arith.constant 2 : i32
        %add3A_404 = arith.addi %mul3A_402, %add3A_403 : i32
        %get3A_405 = arith.index_cast %add3A_404 : i32 to index
        %get3A_406 = arith.constant 80 : index
        %get3A_407 = tpu.vector_load %arg7[%get3A_405, %get3A_406] {strides = array<i32>} : memref<256x128xf32, #tpu.memory_space<vmem>>, vector<16xf32>,
        %mul3A_408 = arith.constant 8 : i32
        %mul3A_409 = arith.muli %scan3A_382, %mul3A_408 : i32
        %add3A_410 = arith.constant 3 : i32
        %add3A_411 = arith.addi %mul3A_409, %add3A_410 : i32
        %get3A_412 = arith.index_cast %add3A_411 : i32 to index
        %get3A_413 = arith.constant 80 : index
        %get3A_414 = tpu.vector_load %arg7[%get3A_412, %get3A_413] {strides = array<i32>} : memref<256x128xf32, #tpu.memory_space<vmem>>, vector<16xf32>,
        %max3A = arith.maximumf %get3A_393, %get3A_400 : vector<16xf32>
        %min3A = arith.minimumf %get3A_393, %get3A_400 : vector<16xf32>
        %max3A_415 = arith.maximumf %get3A_407, %get3A_414 : vector<16xf32>
        %min3A_416 = arith.minimumf %get3A_407, %get3A_414 : vector<16xf32>
        %max3A_417 = arith.maximumf %max3A, %max3A_415 : vector<16xf32>
        %min3A_418 = arith.minimumf %max3A, %max3A_415 : vector<16xf32>
        %max3A_419 = arith.maximumf %min3A, %min3A_416 : vector<16xf32>
        %min3A_420 = arith.minimumf %min3A, %min3A_416 : vector<16xf32>
        %max3A_421 = arith.maximumf %max3A_419, %min3A_418 : vector<16xf32>
        %min3A_422 = arith.minimumf %max3A_419, %min3A_418 : vector<16xf32>
        %min3A_423 = arith.minimumf %scan3A_383, %max3A_417 : vector<16xf32>
        %min3A_424 = arith.minimumf %scan3A_383, %max3A_421 : vector<16xf32>
        %min3A_425 = arith.minimumf %scan3A_384, %max3A_417 : vector<16xf32>
        %min3A_426 = arith.minimumf %scan3A_383, %min3A_422 : vector<16xf32>
        %min3A_427 = arith.minimumf %scan3A_384, %max3A_421 : vector<16xf32>
        %min3A_428 = arith.minimumf %scan3A_385, %max3A_417 : vector<16xf32>
        %max3A_429 = arith.maximumf %scan3A_383, %max3A_417 : vector<16xf32>
        %max3A_430 = arith.maximumf %scan3A_384, %max3A_421 : vector<16xf32>
        %max3A_431 = arith.maximumf %min3A_423, %max3A_430 : vector<16xf32>
        %max3A_432 = arith.maximumf %min3A_422, %scan3A_385 : vector<16xf32>
        %max3A_433 = arith.maximumf %min3A_424, %min3A_425 : vector<16xf32>
        %max3A_434 = arith.maximumf %max3A_432, %max3A_433 : vector<16xf32>
        %max3A_435 = arith.maximumf %min3A_420, %scan3A_386 : vector<16xf32>
        %max3A_436 = arith.maximumf %min3A_427, %min3A_428 : vector<16xf32>
        %max3A_437 = arith.maximumf %min3A_426, %max3A_436 : vector<16xf32>
        %max3A_438 = arith.maximumf %max3A_435, %max3A_437 : vector<16xf32>
        %mul3A_439 = arith.constant 8 : i32
        %mul3A_440 = arith.muli %scan3A_382, %mul3A_439 : i32
        %add3A_441 = arith.constant 4 : i32
        %add3A_442 = arith.addi %mul3A_440, %add3A_441 : i32
        %get3A_443 = arith.index_cast %add3A_442 : i32 to index
        %get3A_444 = arith.constant 80 : index
        %get3A_445 = tpu.vector_load %arg7[%get3A_443, %get3A_444] {strides = array<i32>} : memref<256x128xf32, #tpu.memory_space<vmem>>, vector<16xf32>,
        %mul3A_446 = arith.constant 8 : i32
        %mul3A_447 = arith.muli %scan3A_382, %mul3A_446 : i32
        %add3A_448 = arith.constant 5 : i32
        %add3A_449 = arith.addi %mul3A_447, %add3A_448 : i32
        %get3A_450 = arith.index_cast %add3A_449 : i32 to index
        %get3A_451 = arith.constant 80 : index
        %get3A_452 = tpu.vector_load %arg7[%get3A_450, %get3A_451] {strides = array<i32>} : memref<256x128xf32, #tpu.memory_space<vmem>>, vector<16xf32>,
        %mul3A_453 = arith.constant 8 : i32
        %mul3A_454 = arith.muli %scan3A_382, %mul3A_453 : i32
        %add3A_455 = arith.constant 6 : i32
        %add3A_456 = arith.addi %mul3A_454, %add3A_455 : i32
        %get3A_457 = arith.index_cast %add3A_456 : i32 to index
        %get3A_458 = arith.constant 80 : index
        %get3A_459 = tpu.vector_load %arg7[%get3A_457, %get3A_458] {strides = array<i32>} : memref<256x128xf32, #tpu.memory_space<vmem>>, vector<16xf32>,
        %mul3A_460 = arith.constant 8 : i32
        %mul3A_461 = arith.muli %scan3A_382, %mul3A_460 : i32
        %add3A_462 = arith.constant 7 : i32
        %add3A_463 = arith.addi %mul3A_461, %add3A_462 : i32
        %get3A_464 = arith.index_cast %add3A_463 : i32 to index
        %get3A_465 = arith.constant 80 : index
        %get3A_466 = tpu.vector_load %arg7[%get3A_464, %get3A_465] {strides = array<i32>} : memref<256x128xf32, #tpu.memory_space<vmem>>, vector<16xf32>,
        %max3A_467 = arith.maximumf %get3A_445, %get3A_452 : vector<16xf32>
        %min3A_468 = arith.minimumf %get3A_445, %get3A_452 : vector<16xf32>
        %max3A_469 = arith.maximumf %get3A_459, %get3A_466 : vector<16xf32>
        %min3A_470 = arith.minimumf %get3A_459, %get3A_466 : vector<16xf32>
        %max3A_471 = arith.maximumf %max3A_467, %max3A_469 : vector<16xf32>
        %min3A_472 = arith.minimumf %max3A_467, %max3A_469 : vector<16xf32>
        %max3A_473 = arith.maximumf %min3A_468, %min3A_470 : vector<16xf32>
        %min3A_474 = arith.minimumf %min3A_468, %min3A_470 : vector<16xf32>
        %max3A_475 = arith.maximumf %max3A_473, %min3A_472 : vector<16xf32>
        %min3A_476 = arith.minimumf %max3A_473, %min3A_472 : vector<16xf32>
        %min3A_477 = arith.minimumf %max3A_429, %max3A_471 : vector<16xf32>
        %min3A_478 = arith.minimumf %max3A_429, %max3A_475 : vector<16xf32>
        %min3A_479 = arith.minimumf %max3A_431, %max3A_471 : vector<16xf32>
        %min3A_480 = arith.minimumf %max3A_429, %min3A_476 : vector<16xf32>
        %min3A_481 = arith.minimumf %max3A_431, %max3A_475 : vector<16xf32>
        %min3A_482 = arith.minimumf %max3A_434, %max3A_471 : vector<16xf32>
        %max3A_483 = arith.maximumf %max3A_429, %max3A_471 : vector<16xf32>
        %max3A_484 = arith.maximumf %max3A_431, %max3A_475 : vector<16xf32>
        %max3A_485 = arith.maximumf %min3A_477, %max3A_484 : vector<16xf32>
        %max3A_486 = arith.maximumf %min3A_476, %max3A_434 : vector<16xf32>
        %max3A_487 = arith.maximumf %min3A_478, %min3A_479 : vector<16xf32>
        %max3A_488 = arith.maximumf %max3A_486, %max3A_487 : vector<16xf32>
        %max3A_489 = arith.maximumf %min3A_474, %max3A_438 : vector<16xf32>
        %max3A_490 = arith.maximumf %min3A_481, %min3A_482 : vector<16xf32>
        %max3A_491 = arith.maximumf %min3A_480, %max3A_490 : vector<16xf32>
        %max3A_492 = arith.maximumf %max3A_489, %max3A_491 : vector<16xf32>
        scf.yield %max3A_483, %max3A_485, %max3A_488, %max3A_492 : vector<16xf32>, vector<16xf32>, vector<16xf32>, vector<16xf32>
      }
      %scan3A_155 = arith.constant 32 : i32
      %scan3A_156 = arith.constant 0 : i32
      %scan3A_157 = arith.constant 32 : i32
      %scan3A_158 = arith.addi %scan3A_156, %scan3A_157 : i32
      %scan3A_159 = arith.constant 1 : i32
      %scan3A_160:4 = scf.for %scan3A_382 = %scan3A_156 to %scan3A_158 step %scan3A_159 iter_args(%scan3A_383 = %scan3A_100#0, %scan3A_384 = %scan3A_100#1, %scan3A_385 = %scan3A_100#2, %scan3A_386 = %scan3A_100#3) -> (vector<16xf32>, vector<16xf32>, vector<16xf32>, vector<16xf32>)  : i32 {
        %mul3A_387 = arith.constant 8 : i32
        %mul3A_388 = arith.muli %scan3A_382, %mul3A_387 : i32
        %add3A_389 = arith.constant 0 : i32
        %add3A_390 = arith.addi %mul3A_388, %add3A_389 : i32
        %get3A_391 = arith.index_cast %add3A_390 : i32 to index
        %get3A_392 = arith.constant 96 : index
        %get3A_393 = tpu.vector_load %arg7[%get3A_391, %get3A_392] {strides = array<i32>} : memref<256x128xf32, #tpu.memory_space<vmem>>, vector<16xf32>,
        %mul3A_394 = arith.constant 8 : i32
        %mul3A_395 = arith.muli %scan3A_382, %mul3A_394 : i32
        %add3A_396 = arith.constant 1 : i32
        %add3A_397 = arith.addi %mul3A_395, %add3A_396 : i32
        %get3A_398 = arith.index_cast %add3A_397 : i32 to index
        %get3A_399 = arith.constant 96 : index
        %get3A_400 = tpu.vector_load %arg7[%get3A_398, %get3A_399] {strides = array<i32>} : memref<256x128xf32, #tpu.memory_space<vmem>>, vector<16xf32>,
        %mul3A_401 = arith.constant 8 : i32
        %mul3A_402 = arith.muli %scan3A_382, %mul3A_401 : i32
        %add3A_403 = arith.constant 2 : i32
        %add3A_404 = arith.addi %mul3A_402, %add3A_403 : i32
        %get3A_405 = arith.index_cast %add3A_404 : i32 to index
        %get3A_406 = arith.constant 96 : index
        %get3A_407 = tpu.vector_load %arg7[%get3A_405, %get3A_406] {strides = array<i32>} : memref<256x128xf32, #tpu.memory_space<vmem>>, vector<16xf32>,
        %mul3A_408 = arith.constant 8 : i32
        %mul3A_409 = arith.muli %scan3A_382, %mul3A_408 : i32
        %add3A_410 = arith.constant 3 : i32
        %add3A_411 = arith.addi %mul3A_409, %add3A_410 : i32
        %get3A_412 = arith.index_cast %add3A_411 : i32 to index
        %get3A_413 = arith.constant 96 : index
        %get3A_414 = tpu.vector_load %arg7[%get3A_412, %get3A_413] {strides = array<i32>} : memref<256x128xf32, #tpu.memory_space<vmem>>, vector<16xf32>,
        %max3A = arith.maximumf %get3A_393, %get3A_400 : vector<16xf32>
        %min3A = arith.minimumf %get3A_393, %get3A_400 : vector<16xf32>
        %max3A_415 = arith.maximumf %get3A_407, %get3A_414 : vector<16xf32>
        %min3A_416 = arith.minimumf %get3A_407, %get3A_414 : vector<16xf32>
        %max3A_417 = arith.maximumf %max3A, %max3A_415 : vector<16xf32>
        %min3A_418 = arith.minimumf %max3A, %max3A_415 : vector<16xf32>
        %max3A_419 = arith.maximumf %min3A, %min3A_416 : vector<16xf32>
        %min3A_420 = arith.minimumf %min3A, %min3A_416 : vector<16xf32>
        %max3A_421 = arith.maximumf %max3A_419, %min3A_418 : vector<16xf32>
        %min3A_422 = arith.minimumf %max3A_419, %min3A_418 : vector<16xf32>
        %min3A_423 = arith.minimumf %scan3A_383, %max3A_417 : vector<16xf32>
        %min3A_424 = arith.minimumf %scan3A_383, %max3A_421 : vector<16xf32>
        %min3A_425 = arith.minimumf %scan3A_384, %max3A_417 : vector<16xf32>
        %min3A_426 = arith.minimumf %scan3A_383, %min3A_422 : vector<16xf32>
        %min3A_427 = arith.minimumf %scan3A_384, %max3A_421 : vector<16xf32>
        %min3A_428 = arith.minimumf %scan3A_385, %max3A_417 : vector<16xf32>
        %max3A_429 = arith.maximumf %scan3A_383, %max3A_417 : vector<16xf32>
        %max3A_430 = arith.maximumf %scan3A_384, %max3A_421 : vector<16xf32>
        %max3A_431 = arith.maximumf %min3A_423, %max3A_430 : vector<16xf32>
        %max3A_432 = arith.maximumf %min3A_422, %scan3A_385 : vector<16xf32>
        %max3A_433 = arith.maximumf %min3A_424, %min3A_425 : vector<16xf32>
        %max3A_434 = arith.maximumf %max3A_432, %max3A_433 : vector<16xf32>
        %max3A_435 = arith.maximumf %min3A_420, %scan3A_386 : vector<16xf32>
        %max3A_436 = arith.maximumf %min3A_427, %min3A_428 : vector<16xf32>
        %max3A_437 = arith.maximumf %min3A_426, %max3A_436 : vector<16xf32>
        %max3A_438 = arith.maximumf %max3A_435, %max3A_437 : vector<16xf32>
        %mul3A_439 = arith.constant 8 : i32
        %mul3A_440 = arith.muli %scan3A_382, %mul3A_439 : i32
        %add3A_441 = arith.constant 4 : i32
        %add3A_442 = arith.addi %mul3A_440, %add3A_441 : i32
        %get3A_443 = arith.index_cast %add3A_442 : i32 to index
        %get3A_444 = arith.constant 96 : index
        %get3A_445 = tpu.vector_load %arg7[%get3A_443, %get3A_444] {strides = array<i32>} : memref<256x128xf32, #tpu.memory_space<vmem>>, vector<16xf32>,
        %mul3A_446 = arith.constant 8 : i32
        %mul3A_447 = arith.muli %scan3A_382, %mul3A_446 : i32
        %add3A_448 = arith.constant 5 : i32
        %add3A_449 = arith.addi %mul3A_447, %add3A_448 : i32
        %get3A_450 = arith.index_cast %add3A_449 : i32 to index
        %get3A_451 = arith.constant 96 : index
        %get3A_452 = tpu.vector_load %arg7[%get3A_450, %get3A_451] {strides = array<i32>} : memref<256x128xf32, #tpu.memory_space<vmem>>, vector<16xf32>,
        %mul3A_453 = arith.constant 8 : i32
        %mul3A_454 = arith.muli %scan3A_382, %mul3A_453 : i32
        %add3A_455 = arith.constant 6 : i32
        %add3A_456 = arith.addi %mul3A_454, %add3A_455 : i32
        %get3A_457 = arith.index_cast %add3A_456 : i32 to index
        %get3A_458 = arith.constant 96 : index
        %get3A_459 = tpu.vector_load %arg7[%get3A_457, %get3A_458] {strides = array<i32>} : memref<256x128xf32, #tpu.memory_space<vmem>>, vector<16xf32>,
        %mul3A_460 = arith.constant 8 : i32
        %mul3A_461 = arith.muli %scan3A_382, %mul3A_460 : i32
        %add3A_462 = arith.constant 7 : i32
        %add3A_463 = arith.addi %mul3A_461, %add3A_462 : i32
        %get3A_464 = arith.index_cast %add3A_463 : i32 to index
        %get3A_465 = arith.constant 96 : index
        %get3A_466 = tpu.vector_load %arg7[%get3A_464, %get3A_465] {strides = array<i32>} : memref<256x128xf32, #tpu.memory_space<vmem>>, vector<16xf32>,
        %max3A_467 = arith.maximumf %get3A_445, %get3A_452 : vector<16xf32>
        %min3A_468 = arith.minimumf %get3A_445, %get3A_452 : vector<16xf32>
        %max3A_469 = arith.maximumf %get3A_459, %get3A_466 : vector<16xf32>
        %min3A_470 = arith.minimumf %get3A_459, %get3A_466 : vector<16xf32>
        %max3A_471 = arith.maximumf %max3A_467, %max3A_469 : vector<16xf32>
        %min3A_472 = arith.minimumf %max3A_467, %max3A_469 : vector<16xf32>
        %max3A_473 = arith.maximumf %min3A_468, %min3A_470 : vector<16xf32>
        %min3A_474 = arith.minimumf %min3A_468, %min3A_470 : vector<16xf32>
        %max3A_475 = arith.maximumf %max3A_473, %min3A_472 : vector<16xf32>
        %min3A_476 = arith.minimumf %max3A_473, %min3A_472 : vector<16xf32>
        %min3A_477 = arith.minimumf %max3A_429, %max3A_471 : vector<16xf32>
        %min3A_478 = arith.minimumf %max3A_429, %max3A_475 : vector<16xf32>
        %min3A_479 = arith.minimumf %max3A_431, %max3A_471 : vector<16xf32>
        %min3A_480 = arith.minimumf %max3A_429, %min3A_476 : vector<16xf32>
        %min3A_481 = arith.minimumf %max3A_431, %max3A_475 : vector<16xf32>
        %min3A_482 = arith.minimumf %max3A_434, %max3A_471 : vector<16xf32>
        %max3A_483 = arith.maximumf %max3A_429, %max3A_471 : vector<16xf32>
        %max3A_484 = arith.maximumf %max3A_431, %max3A_475 : vector<16xf32>
        %max3A_485 = arith.maximumf %min3A_477, %max3A_484 : vector<16xf32>
        %max3A_486 = arith.maximumf %min3A_476, %max3A_434 : vector<16xf32>
        %max3A_487 = arith.maximumf %min3A_478, %min3A_479 : vector<16xf32>
        %max3A_488 = arith.maximumf %max3A_486, %max3A_487 : vector<16xf32>
        %max3A_489 = arith.maximumf %min3A_474, %max3A_438 : vector<16xf32>
        %max3A_490 = arith.maximumf %min3A_481, %min3A_482 : vector<16xf32>
        %max3A_491 = arith.maximumf %min3A_480, %max3A_490 : vector<16xf32>
        %max3A_492 = arith.maximumf %max3A_489, %max3A_491 : vector<16xf32>
        scf.yield %max3A_483, %max3A_485, %max3A_488, %max3A_492 : vector<16xf32>, vector<16xf32>, vector<16xf32>, vector<16xf32>
      }
      %scan3A_161 = arith.constant 32 : i32
      %scan3A_162 = arith.constant 0 : i32
      %scan3A_163 = arith.constant 32 : i32
      %scan3A_164 = arith.addi %scan3A_162, %scan3A_163 : i32
      %scan3A_165 = arith.constant 1 : i32
      %scan3A_166:4 = scf.for %scan3A_382 = %scan3A_162 to %scan3A_164 step %scan3A_165 iter_args(%scan3A_383 = %scan3A_106#0, %scan3A_384 = %scan3A_106#1, %scan3A_385 = %scan3A_106#2, %scan3A_386 = %scan3A_106#3) -> (vector<16xf32>, vector<16xf32>, vector<16xf32>, vector<16xf32>)  : i32 {
        %mul3A_387 = arith.constant 8 : i32
        %mul3A_388 = arith.muli %scan3A_382, %mul3A_387 : i32
        %add3A_389 = arith.constant 0 : i32
        %add3A_390 = arith.addi %mul3A_388, %add3A_389 : i32
        %get3A_391 = arith.index_cast %add3A_390 : i32 to index
        %get3A_392 = arith.constant 112 : index
        %get3A_393 = tpu.vector_load %arg7[%get3A_391, %get3A_392] {strides = array<i32>} : memref<256x128xf32, #tpu.memory_space<vmem>>, vector<16xf32>,
        %mul3A_394 = arith.constant 8 : i32
        %mul3A_395 = arith.muli %scan3A_382, %mul3A_394 : i32
        %add3A_396 = arith.constant 1 : i32
        %add3A_397 = arith.addi %mul3A_395, %add3A_396 : i32
        %get3A_398 = arith.index_cast %add3A_397 : i32 to index
        %get3A_399 = arith.constant 112 : index
        %get3A_400 = tpu.vector_load %arg7[%get3A_398, %get3A_399] {strides = array<i32>} : memref<256x128xf32, #tpu.memory_space<vmem>>, vector<16xf32>,
        %mul3A_401 = arith.constant 8 : i32
        %mul3A_402 = arith.muli %scan3A_382, %mul3A_401 : i32
        %add3A_403 = arith.constant 2 : i32
        %add3A_404 = arith.addi %mul3A_402, %add3A_403 : i32
        %get3A_405 = arith.index_cast %add3A_404 : i32 to index
        %get3A_406 = arith.constant 112 : index
        %get3A_407 = tpu.vector_load %arg7[%get3A_405, %get3A_406] {strides = array<i32>} : memref<256x128xf32, #tpu.memory_space<vmem>>, vector<16xf32>,
        %mul3A_408 = arith.constant 8 : i32
        %mul3A_409 = arith.muli %scan3A_382, %mul3A_408 : i32
        %add3A_410 = arith.constant 3 : i32
        %add3A_411 = arith.addi %mul3A_409, %add3A_410 : i32
        %get3A_412 = arith.index_cast %add3A_411 : i32 to index
        %get3A_413 = arith.constant 112 : index
        %get3A_414 = tpu.vector_load %arg7[%get3A_412, %get3A_413] {strides = array<i32>} : memref<256x128xf32, #tpu.memory_space<vmem>>, vector<16xf32>,
        %max3A = arith.maximumf %get3A_393, %get3A_400 : vector<16xf32>
        %min3A = arith.minimumf %get3A_393, %get3A_400 : vector<16xf32>
        %max3A_415 = arith.maximumf %get3A_407, %get3A_414 : vector<16xf32>
        %min3A_416 = arith.minimumf %get3A_407, %get3A_414 : vector<16xf32>
        %max3A_417 = arith.maximumf %max3A, %max3A_415 : vector<16xf32>
        %min3A_418 = arith.minimumf %max3A, %max3A_415 : vector<16xf32>
        %max3A_419 = arith.maximumf %min3A, %min3A_416 : vector<16xf32>
        %min3A_420 = arith.minimumf %min3A, %min3A_416 : vector<16xf32>
        %max3A_421 = arith.maximumf %max3A_419, %min3A_418 : vector<16xf32>
        %min3A_422 = arith.minimumf %max3A_419, %min3A_418 : vector<16xf32>
        %min3A_423 = arith.minimumf %scan3A_383, %max3A_417 : vector<16xf32>
        %min3A_424 = arith.minimumf %scan3A_383, %max3A_421 : vector<16xf32>
        %min3A_425 = arith.minimumf %scan3A_384, %max3A_417 : vector<16xf32>
        %min3A_426 = arith.minimumf %scan3A_383, %min3A_422 : vector<16xf32>
        %min3A_427 = arith.minimumf %scan3A_384, %max3A_421 : vector<16xf32>
        %min3A_428 = arith.minimumf %scan3A_385, %max3A_417 : vector<16xf32>
        %max3A_429 = arith.maximumf %scan3A_383, %max3A_417 : vector<16xf32>
        %max3A_430 = arith.maximumf %scan3A_384, %max3A_421 : vector<16xf32>
        %max3A_431 = arith.maximumf %min3A_423, %max3A_430 : vector<16xf32>
        %max3A_432 = arith.maximumf %min3A_422, %scan3A_385 : vector<16xf32>
        %max3A_433 = arith.maximumf %min3A_424, %min3A_425 : vector<16xf32>
        %max3A_434 = arith.maximumf %max3A_432, %max3A_433 : vector<16xf32>
        %max3A_435 = arith.maximumf %min3A_420, %scan3A_386 : vector<16xf32>
        %max3A_436 = arith.maximumf %min3A_427, %min3A_428 : vector<16xf32>
        %max3A_437 = arith.maximumf %min3A_426, %max3A_436 : vector<16xf32>
        %max3A_438 = arith.maximumf %max3A_435, %max3A_437 : vector<16xf32>
        %mul3A_439 = arith.constant 8 : i32
        %mul3A_440 = arith.muli %scan3A_382, %mul3A_439 : i32
        %add3A_441 = arith.constant 4 : i32
        %add3A_442 = arith.addi %mul3A_440, %add3A_441 : i32
        %get3A_443 = arith.index_cast %add3A_442 : i32 to index
        %get3A_444 = arith.constant 112 : index
        %get3A_445 = tpu.vector_load %arg7[%get3A_443, %get3A_444] {strides = array<i32>} : memref<256x128xf32, #tpu.memory_space<vmem>>, vector<16xf32>,
        %mul3A_446 = arith.constant 8 : i32
        %mul3A_447 = arith.muli %scan3A_382, %mul3A_446 : i32
        %add3A_448 = arith.constant 5 : i32
        %add3A_449 = arith.addi %mul3A_447, %add3A_448 : i32
        %get3A_450 = arith.index_cast %add3A_449 : i32 to index
        %get3A_451 = arith.constant 112 : index
        %get3A_452 = tpu.vector_load %arg7[%get3A_450, %get3A_451] {strides = array<i32>} : memref<256x128xf32, #tpu.memory_space<vmem>>, vector<16xf32>,
        %mul3A_453 = arith.constant 8 : i32
        %mul3A_454 = arith.muli %scan3A_382, %mul3A_453 : i32
        %add3A_455 = arith.constant 6 : i32
        %add3A_456 = arith.addi %mul3A_454, %add3A_455 : i32
        %get3A_457 = arith.index_cast %add3A_456 : i32 to index
        %get3A_458 = arith.constant 112 : index
        %get3A_459 = tpu.vector_load %arg7[%get3A_457, %get3A_458] {strides = array<i32>} : memref<256x128xf32, #tpu.memory_space<vmem>>, vector<16xf32>,
        %mul3A_460 = arith.constant 8 : i32
        %mul3A_461 = arith.muli %scan3A_382, %mul3A_460 : i32
        %add3A_462 = arith.constant 7 : i32
        %add3A_463 = arith.addi %mul3A_461, %add3A_462 : i32
        %get3A_464 = arith.index_cast %add3A_463 : i32 to index
        %get3A_465 = arith.constant 112 : index
        %get3A_466 = tpu.vector_load %arg7[%get3A_464, %get3A_465] {strides = array<i32>} : memref<256x128xf32, #tpu.memory_space<vmem>>, vector<16xf32>,
        %max3A_467 = arith.maximumf %get3A_445, %get3A_452 : vector<16xf32>
        %min3A_468 = arith.minimumf %get3A_445, %get3A_452 : vector<16xf32>
        %max3A_469 = arith.maximumf %get3A_459, %get3A_466 : vector<16xf32>
        %min3A_470 = arith.minimumf %get3A_459, %get3A_466 : vector<16xf32>
        %max3A_471 = arith.maximumf %max3A_467, %max3A_469 : vector<16xf32>
        %min3A_472 = arith.minimumf %max3A_467, %max3A_469 : vector<16xf32>
        %max3A_473 = arith.maximumf %min3A_468, %min3A_470 : vector<16xf32>
        %min3A_474 = arith.minimumf %min3A_468, %min3A_470 : vector<16xf32>
        %max3A_475 = arith.maximumf %max3A_473, %min3A_472 : vector<16xf32>
        %min3A_476 = arith.minimumf %max3A_473, %min3A_472 : vector<16xf32>
        %min3A_477 = arith.minimumf %max3A_429, %max3A_471 : vector<16xf32>
        %min3A_478 = arith.minimumf %max3A_429, %max3A_475 : vector<16xf32>
        %min3A_479 = arith.minimumf %max3A_431, %max3A_471 : vector<16xf32>
        %min3A_480 = arith.minimumf %max3A_429, %min3A_476 : vector<16xf32>
        %min3A_481 = arith.minimumf %max3A_431, %max3A_475 : vector<16xf32>
        %min3A_482 = arith.minimumf %max3A_434, %max3A_471 : vector<16xf32>
        %max3A_483 = arith.maximumf %max3A_429, %max3A_471 : vector<16xf32>
        %max3A_484 = arith.maximumf %max3A_431, %max3A_475 : vector<16xf32>
        %max3A_485 = arith.maximumf %min3A_477, %max3A_484 : vector<16xf32>
        %max3A_486 = arith.maximumf %min3A_476, %max3A_434 : vector<16xf32>
        %max3A_487 = arith.maximumf %min3A_478, %min3A_479 : vector<16xf32>
        %max3A_488 = arith.maximumf %max3A_486, %max3A_487 : vector<16xf32>
        %max3A_489 = arith.maximumf %min3A_474, %max3A_438 : vector<16xf32>
        %max3A_490 = arith.maximumf %min3A_481, %min3A_482 : vector<16xf32>
        %max3A_491 = arith.maximumf %min3A_480, %max3A_490 : vector<16xf32>
        %max3A_492 = arith.maximumf %max3A_489, %max3A_491 : vector<16xf32>
        scf.yield %max3A_483, %max3A_485, %max3A_488, %max3A_492 : vector<16xf32>, vector<16xf32>, vector<16xf32>, vector<16xf32>
      }
      %scan3A_167 = arith.constant 32 : i32
      %add3A_168 = arith.constant 768 : i32
      %add3A_169 = arith.addi %scan3A_45, %add3A_168 : i32
      %multiple_of3A_170 = tpu.assume_multiple %add3A_169, 256 : i32
      %multiple_of3A_171 = tpu.assume_multiple %scan3A_46, 128 : i32
      %dma_start3A_172 = tpu.memref_slice %arg2[%multiple_of3A_170, %multiple_of3A_171] : memref<65536x768xf32, #tpu.memory_space<hbm>> -> memref<256x128xf32, #tpu.memory_space<hbm>>
      %dma_start3A_173 = tpu.memref_slice %arg2[%multiple_of3A_170, %multiple_of3A_171] : memref<65536x768xf32, #tpu.memory_space<hbm>> -> memref<256x128xf32, #tpu.memory_space<hbm>>
      tpu.enqueue_dma source(%dma_start3A_173 : memref<256x128xf32, #tpu.memory_space<hbm>>) target(%arg7 : memref<256x128xf32, #tpu.memory_space<vmem>>) target_semaphore(%arg10 : memref<!tpu.dma_semaphore, #tpu.memory_space<semaphore_mem>>)
      %add3A_174 = arith.constant 0 : i32
      %add3A_175 = arith.addi %add3A_22, %add3A_174 : i32
      %multiple_of3A_176 = tpu.assume_multiple %add3A_175, 256 : i32
      %multiple_of3A_177 = tpu.assume_multiple %scan3A, 128 : i32
      %dma_wait3A_178 = tpu.memref_slice %arg2[%multiple_of3A_176, %multiple_of3A_177] : memref<65536x768xf32, #tpu.memory_space<hbm>> -> memref<256x128xf32, #tpu.memory_space<hbm>>
      %dma_wait3A_179 = tpu.memref_slice %arg2[%multiple_of3A_176, %multiple_of3A_177] : memref<65536x768xf32, #tpu.memory_space<hbm>> -> memref<256x128xf32, #tpu.memory_space<hbm>>
      tpu.wait_dma2 semaphore(%arg9 : memref<!tpu.dma_semaphore, #tpu.memory_space<semaphore_mem>>) src(%dma_wait3A_179 : memref<256x128xf32, #tpu.memory_space<hbm>>) dst(%arg6 : memref<256x128xf32, #tpu.memory_space<vmem>>)
      %scan3A_180 = arith.constant 0 : i32
      %scan3A_181 = arith.constant 32 : i32
      %scan3A_182 = arith.addi %scan3A_180, %scan3A_181 : i32
      %scan3A_183 = arith.constant 1 : i32
      %scan3A_184:4 = scf.for %scan3A_382 = %scan3A_180 to %scan3A_182 step %scan3A_183 iter_args(%scan3A_383 = %scan3A_124#0, %scan3A_384 = %scan3A_124#1, %scan3A_385 = %scan3A_124#2, %scan3A_386 = %scan3A_124#3) -> (vector<16xf32>, vector<16xf32>, vector<16xf32>, vector<16xf32>)  : i32 {
        %mul3A_387 = arith.constant 8 : i32
        %mul3A_388 = arith.muli %scan3A_382, %mul3A_387 : i32
        %add3A_389 = arith.constant 0 : i32
        %add3A_390 = arith.addi %mul3A_388, %add3A_389 : i32
        %get3A_391 = arith.index_cast %add3A_390 : i32 to index
        %get3A_392 = arith.constant 0 : index
        %get3A_393 = tpu.vector_load %arg6[%get3A_391, %get3A_392] {strides = array<i32>} : memref<256x128xf32, #tpu.memory_space<vmem>>, vector<16xf32>,
        %mul3A_394 = arith.constant 8 : i32
        %mul3A_395 = arith.muli %scan3A_382, %mul3A_394 : i32
        %add3A_396 = arith.constant 1 : i32
        %add3A_397 = arith.addi %mul3A_395, %add3A_396 : i32
        %get3A_398 = arith.index_cast %add3A_397 : i32 to index
        %get3A_399 = arith.constant 0 : index
        %get3A_400 = tpu.vector_load %arg6[%get3A_398, %get3A_399] {strides = array<i32>} : memref<256x128xf32, #tpu.memory_space<vmem>>, vector<16xf32>,
        %mul3A_401 = arith.constant 8 : i32
        %mul3A_402 = arith.muli %scan3A_382, %mul3A_401 : i32
        %add3A_403 = arith.constant 2 : i32
        %add3A_404 = arith.addi %mul3A_402, %add3A_403 : i32
        %get3A_405 = arith.index_cast %add3A_404 : i32 to index
        %get3A_406 = arith.constant 0 : index
        %get3A_407 = tpu.vector_load %arg6[%get3A_405, %get3A_406] {strides = array<i32>} : memref<256x128xf32, #tpu.memory_space<vmem>>, vector<16xf32>,
        %mul3A_408 = arith.constant 8 : i32
        %mul3A_409 = arith.muli %scan3A_382, %mul3A_408 : i32
        %add3A_410 = arith.constant 3 : i32
        %add3A_411 = arith.addi %mul3A_409, %add3A_410 : i32
        %get3A_412 = arith.index_cast %add3A_411 : i32 to index
        %get3A_413 = arith.constant 0 : index
        %get3A_414 = tpu.vector_load %arg6[%get3A_412, %get3A_413] {strides = array<i32>} : memref<256x128xf32, #tpu.memory_space<vmem>>, vector<16xf32>,
        %max3A = arith.maximumf %get3A_393, %get3A_400 : vector<16xf32>
        %min3A = arith.minimumf %get3A_393, %get3A_400 : vector<16xf32>
        %max3A_415 = arith.maximumf %get3A_407, %get3A_414 : vector<16xf32>
        %min3A_416 = arith.minimumf %get3A_407, %get3A_414 : vector<16xf32>
        %max3A_417 = arith.maximumf %max3A, %max3A_415 : vector<16xf32>
        %min3A_418 = arith.minimumf %max3A, %max3A_415 : vector<16xf32>
        %max3A_419 = arith.maximumf %min3A, %min3A_416 : vector<16xf32>
        %min3A_420 = arith.minimumf %min3A, %min3A_416 : vector<16xf32>
        %max3A_421 = arith.maximumf %max3A_419, %min3A_418 : vector<16xf32>
        %min3A_422 = arith.minimumf %max3A_419, %min3A_418 : vector<16xf32>
        %min3A_423 = arith.minimumf %scan3A_383, %max3A_417 : vector<16xf32>
        %min3A_424 = arith.minimumf %scan3A_383, %max3A_421 : vector<16xf32>
        %min3A_425 = arith.minimumf %scan3A_384, %max3A_417 : vector<16xf32>
        %min3A_426 = arith.minimumf %scan3A_383, %min3A_422 : vector<16xf32>
        %min3A_427 = arith.minimumf %scan3A_384, %max3A_421 : vector<16xf32>
        %min3A_428 = arith.minimumf %scan3A_385, %max3A_417 : vector<16xf32>
        %max3A_429 = arith.maximumf %scan3A_383, %max3A_417 : vector<16xf32>
        %max3A_430 = arith.maximumf %scan3A_384, %max3A_421 : vector<16xf32>
        %max3A_431 = arith.maximumf %min3A_423, %max3A_430 : vector<16xf32>
        %max3A_432 = arith.maximumf %min3A_422, %scan3A_385 : vector<16xf32>
        %max3A_433 = arith.maximumf %min3A_424, %min3A_425 : vector<16xf32>
        %max3A_434 = arith.maximumf %max3A_432, %max3A_433 : vector<16xf32>
        %max3A_435 = arith.maximumf %min3A_420, %scan3A_386 : vector<16xf32>
        %max3A_436 = arith.maximumf %min3A_427, %min3A_428 : vector<16xf32>
        %max3A_437 = arith.maximumf %min3A_426, %max3A_436 : vector<16xf32>
        %max3A_438 = arith.maximumf %max3A_435, %max3A_437 : vector<16xf32>
        %mul3A_439 = arith.constant 8 : i32
        %mul3A_440 = arith.muli %scan3A_382, %mul3A_439 : i32
        %add3A_441 = arith.constant 4 : i32
        %add3A_442 = arith.addi %mul3A_440, %add3A_441 : i32
        %get3A_443 = arith.index_cast %add3A_442 : i32 to index
        %get3A_444 = arith.constant 0 : index
        %get3A_445 = tpu.vector_load %arg6[%get3A_443, %get3A_444] {strides = array<i32>} : memref<256x128xf32, #tpu.memory_space<vmem>>, vector<16xf32>,
        %mul3A_446 = arith.constant 8 : i32
        %mul3A_447 = arith.muli %scan3A_382, %mul3A_446 : i32
        %add3A_448 = arith.constant 5 : i32
        %add3A_449 = arith.addi %mul3A_447, %add3A_448 : i32
        %get3A_450 = arith.index_cast %add3A_449 : i32 to index
        %get3A_451 = arith.constant 0 : index
        %get3A_452 = tpu.vector_load %arg6[%get3A_450, %get3A_451] {strides = array<i32>} : memref<256x128xf32, #tpu.memory_space<vmem>>, vector<16xf32>,
        %mul3A_453 = arith.constant 8 : i32
        %mul3A_454 = arith.muli %scan3A_382, %mul3A_453 : i32
        %add3A_455 = arith.constant 6 : i32
        %add3A_456 = arith.addi %mul3A_454, %add3A_455 : i32
        %get3A_457 = arith.index_cast %add3A_456 : i32 to index
        %get3A_458 = arith.constant 0 : index
        %get3A_459 = tpu.vector_load %arg6[%get3A_457, %get3A_458] {strides = array<i32>} : memref<256x128xf32, #tpu.memory_space<vmem>>, vector<16xf32>,
        %mul3A_460 = arith.constant 8 : i32
        %mul3A_461 = arith.muli %scan3A_382, %mul3A_460 : i32
        %add3A_462 = arith.constant 7 : i32
        %add3A_463 = arith.addi %mul3A_461, %add3A_462 : i32
        %get3A_464 = arith.index_cast %add3A_463 : i32 to index
        %get3A_465 = arith.constant 0 : index
        %get3A_466 = tpu.vector_load %arg6[%get3A_464, %get3A_465] {strides = array<i32>} : memref<256x128xf32, #tpu.memory_space<vmem>>, vector<16xf32>,
        %max3A_467 = arith.maximumf %get3A_445, %get3A_452 : vector<16xf32>
        %min3A_468 = arith.minimumf %get3A_445, %get3A_452 : vector<16xf32>
        %max3A_469 = arith.maximumf %get3A_459, %get3A_466 : vector<16xf32>
        %min3A_470 = arith.minimumf %get3A_459, %get3A_466 : vector<16xf32>
        %max3A_471 = arith.maximumf %max3A_467, %max3A_469 : vector<16xf32>
        %min3A_472 = arith.minimumf %max3A_467, %max3A_469 : vector<16xf32>
        %max3A_473 = arith.maximumf %min3A_468, %min3A_470 : vector<16xf32>
        %min3A_474 = arith.minimumf %min3A_468, %min3A_470 : vector<16xf32>
        %max3A_475 = arith.maximumf %max3A_473, %min3A_472 : vector<16xf32>
        %min3A_476 = arith.minimumf %max3A_473, %min3A_472 : vector<16xf32>
        %min3A_477 = arith.minimumf %max3A_429, %max3A_471 : vector<16xf32>
        %min3A_478 = arith.minimumf %max3A_429, %max3A_475 : vector<16xf32>
        %min3A_479 = arith.minimumf %max3A_431, %max3A_471 : vector<16xf32>
        %min3A_480 = arith.minimumf %max3A_429, %min3A_476 : vector<16xf32>
        %min3A_481 = arith.minimumf %max3A_431, %max3A_475 : vector<16xf32>
        %min3A_482 = arith.minimumf %max3A_434, %max3A_471 : vector<16xf32>
        %max3A_483 = arith.maximumf %max3A_429, %max3A_471 : vector<16xf32>
        %max3A_484 = arith.maximumf %max3A_431, %max3A_475 : vector<16xf32>
        %max3A_485 = arith.maximumf %min3A_477, %max3A_484 : vector<16xf32>
        %max3A_486 = arith.maximumf %min3A_476, %max3A_434 : vector<16xf32>
        %max3A_487 = arith.maximumf %min3A_478, %min3A_479 : vector<16xf32>
        %max3A_488 = arith.maximumf %max3A_486, %max3A_487 : vector<16xf32>
        %max3A_489 = arith.maximumf %min3A_474, %max3A_438 : vector<16xf32>
        %max3A_490 = arith.maximumf %min3A_481, %min3A_482 : vector<16xf32>
        %max3A_491 = arith.maximumf %min3A_480, %max3A_490 : vector<16xf32>
        %max3A_492 = arith.maximumf %max3A_489, %max3A_491 : vector<16xf32>
        scf.yield %max3A_483, %max3A_485, %max3A_488, %max3A_492 : vector<16xf32>, vector<16xf32>, vector<16xf32>, vector<16xf32>
      }
      %scan3A_185 = arith.constant 32 : i32
      %scan3A_186 = arith.constant 0 : i32
      %scan3A_187 = arith.constant 32 : i32
      %scan3A_188 = arith.addi %scan3A_186, %scan3A_187 : i32
      %scan3A_189 = arith.constant 1 : i32
      %scan3A_190:4 = scf.for %scan3A_382 = %scan3A_186 to %scan3A_188 step %scan3A_189 iter_args(%scan3A_383 = %scan3A_130#0, %scan3A_384 = %scan3A_130#1, %scan3A_385 = %scan3A_130#2, %scan3A_386 = %scan3A_130#3) -> (vector<16xf32>, vector<16xf32>, vector<16xf32>, vector<16xf32>)  : i32 {
        %mul3A_387 = arith.constant 8 : i32
        %mul3A_388 = arith.muli %scan3A_382, %mul3A_387 : i32
        %add3A_389 = arith.constant 0 : i32
        %add3A_390 = arith.addi %mul3A_388, %add3A_389 : i32
        %get3A_391 = arith.index_cast %add3A_390 : i32 to index
        %get3A_392 = arith.constant 16 : index
        %get3A_393 = tpu.vector_load %arg6[%get3A_391, %get3A_392] {strides = array<i32>} : memref<256x128xf32, #tpu.memory_space<vmem>>, vector<16xf32>,
        %mul3A_394 = arith.constant 8 : i32
        %mul3A_395 = arith.muli %scan3A_382, %mul3A_394 : i32
        %add3A_396 = arith.constant 1 : i32
        %add3A_397 = arith.addi %mul3A_395, %add3A_396 : i32
        %get3A_398 = arith.index_cast %add3A_397 : i32 to index
        %get3A_399 = arith.constant 16 : index
        %get3A_400 = tpu.vector_load %arg6[%get3A_398, %get3A_399] {strides = array<i32>} : memref<256x128xf32, #tpu.memory_space<vmem>>, vector<16xf32>,
        %mul3A_401 = arith.constant 8 : i32
        %mul3A_402 = arith.muli %scan3A_382, %mul3A_401 : i32
        %add3A_403 = arith.constant 2 : i32
        %add3A_404 = arith.addi %mul3A_402, %add3A_403 : i32
        %get3A_405 = arith.index_cast %add3A_404 : i32 to index
        %get3A_406 = arith.constant 16 : index
        %get3A_407 = tpu.vector_load %arg6[%get3A_405, %get3A_406] {strides = array<i32>} : memref<256x128xf32, #tpu.memory_space<vmem>>, vector<16xf32>,
        %mul3A_408 = arith.constant 8 : i32
        %mul3A_409 = arith.muli %scan3A_382, %mul3A_408 : i32
        %add3A_410 = arith.constant 3 : i32
        %add3A_411 = arith.addi %mul3A_409, %add3A_410 : i32
        %get3A_412 = arith.index_cast %add3A_411 : i32 to index
        %get3A_413 = arith.constant 16 : index
        %get3A_414 = tpu.vector_load %arg6[%get3A_412, %get3A_413] {strides = array<i32>} : memref<256x128xf32, #tpu.memory_space<vmem>>, vector<16xf32>,
        %max3A = arith.maximumf %get3A_393, %get3A_400 : vector<16xf32>
        %min3A = arith.minimumf %get3A_393, %get3A_400 : vector<16xf32>
        %max3A_415 = arith.maximumf %get3A_407, %get3A_414 : vector<16xf32>
        %min3A_416 = arith.minimumf %get3A_407, %get3A_414 : vector<16xf32>
        %max3A_417 = arith.maximumf %max3A, %max3A_415 : vector<16xf32>
        %min3A_418 = arith.minimumf %max3A, %max3A_415 : vector<16xf32>
        %max3A_419 = arith.maximumf %min3A, %min3A_416 : vector<16xf32>
        %min3A_420 = arith.minimumf %min3A, %min3A_416 : vector<16xf32>
        %max3A_421 = arith.maximumf %max3A_419, %min3A_418 : vector<16xf32>
        %min3A_422 = arith.minimumf %max3A_419, %min3A_418 : vector<16xf32>
        %min3A_423 = arith.minimumf %scan3A_383, %max3A_417 : vector<16xf32>
        %min3A_424 = arith.minimumf %scan3A_383, %max3A_421 : vector<16xf32>
        %min3A_425 = arith.minimumf %scan3A_384, %max3A_417 : vector<16xf32>
        %min3A_426 = arith.minimumf %scan3A_383, %min3A_422 : vector<16xf32>
        %min3A_427 = arith.minimumf %scan3A_384, %max3A_421 : vector<16xf32>
        %min3A_428 = arith.minimumf %scan3A_385, %max3A_417 : vector<16xf32>
        %max3A_429 = arith.maximumf %scan3A_383, %max3A_417 : vector<16xf32>
        %max3A_430 = arith.maximumf %scan3A_384, %max3A_421 : vector<16xf32>
        %max3A_431 = arith.maximumf %min3A_423, %max3A_430 : vector<16xf32>
        %max3A_432 = arith.maximumf %min3A_422, %scan3A_385 : vector<16xf32>
        %max3A_433 = arith.maximumf %min3A_424, %min3A_425 : vector<16xf32>
        %max3A_434 = arith.maximumf %max3A_432, %max3A_433 : vector<16xf32>
        %max3A_435 = arith.maximumf %min3A_420, %scan3A_386 : vector<16xf32>
        %max3A_436 = arith.maximumf %min3A_427, %min3A_428 : vector<16xf32>
        %max3A_437 = arith.maximumf %min3A_426, %max3A_436 : vector<16xf32>
        %max3A_438 = arith.maximumf %max3A_435, %max3A_437 : vector<16xf32>
        %mul3A_439 = arith.constant 8 : i32
        %mul3A_440 = arith.muli %scan3A_382, %mul3A_439 : i32
        %add3A_441 = arith.constant 4 : i32
        %add3A_442 = arith.addi %mul3A_440, %add3A_441 : i32
        %get3A_443 = arith.index_cast %add3A_442 : i32 to index
        %get3A_444 = arith.constant 16 : index
        %get3A_445 = tpu.vector_load %arg6[%get3A_443, %get3A_444] {strides = array<i32>} : memref<256x128xf32, #tpu.memory_space<vmem>>, vector<16xf32>,
        %mul3A_446 = arith.constant 8 : i32
        %mul3A_447 = arith.muli %scan3A_382, %mul3A_446 : i32
        %add3A_448 = arith.constant 5 : i32
        %add3A_449 = arith.addi %mul3A_447, %add3A_448 : i32
        %get3A_450 = arith.index_cast %add3A_449 : i32 to index
        %get3A_451 = arith.constant 16 : index
        %get3A_452 = tpu.vector_load %arg6[%get3A_450, %get3A_451] {strides = array<i32>} : memref<256x128xf32, #tpu.memory_space<vmem>>, vector<16xf32>,
        %mul3A_453 = arith.constant 8 : i32
        %mul3A_454 = arith.muli %scan3A_382, %mul3A_453 : i32
        %add3A_455 = arith.constant 6 : i32
        %add3A_456 = arith.addi %mul3A_454, %add3A_455 : i32
        %get3A_457 = arith.index_cast %add3A_456 : i32 to index
        %get3A_458 = arith.constant 16 : index
        %get3A_459 = tpu.vector_load %arg6[%get3A_457, %get3A_458] {strides = array<i32>} : memref<256x128xf32, #tpu.memory_space<vmem>>, vector<16xf32>,
        %mul3A_460 = arith.constant 8 : i32
        %mul3A_461 = arith.muli %scan3A_382, %mul3A_460 : i32
        %add3A_462 = arith.constant 7 : i32
        %add3A_463 = arith.addi %mul3A_461, %add3A_462 : i32
        %get3A_464 = arith.index_cast %add3A_463 : i32 to index
        %get3A_465 = arith.constant 16 : index
        %get3A_466 = tpu.vector_load %arg6[%get3A_464, %get3A_465] {strides = array<i32>} : memref<256x128xf32, #tpu.memory_space<vmem>>, vector<16xf32>,
        %max3A_467 = arith.maximumf %get3A_445, %get3A_452 : vector<16xf32>
        %min3A_468 = arith.minimumf %get3A_445, %get3A_452 : vector<16xf32>
        %max3A_469 = arith.maximumf %get3A_459, %get3A_466 : vector<16xf32>
        %min3A_470 = arith.minimumf %get3A_459, %get3A_466 : vector<16xf32>
        %max3A_471 = arith.maximumf %max3A_467, %max3A_469 : vector<16xf32>
        %min3A_472 = arith.minimumf %max3A_467, %max3A_469 : vector<16xf32>
        %max3A_473 = arith.maximumf %min3A_468, %min3A_470 : vector<16xf32>
        %min3A_474 = arith.minimumf %min3A_468, %min3A_470 : vector<16xf32>
        %max3A_475 = arith.maximumf %max3A_473, %min3A_472 : vector<16xf32>
        %min3A_476 = arith.minimumf %max3A_473, %min3A_472 : vector<16xf32>
        %min3A_477 = arith.minimumf %max3A_429, %max3A_471 : vector<16xf32>
        %min3A_478 = arith.minimumf %max3A_429, %max3A_475 : vector<16xf32>
        %min3A_479 = arith.minimumf %max3A_431, %max3A_471 : vector<16xf32>
        %min3A_480 = arith.minimumf %max3A_429, %min3A_476 : vector<16xf32>
        %min3A_481 = arith.minimumf %max3A_431, %max3A_475 : vector<16xf32>
        %min3A_482 = arith.minimumf %max3A_434, %max3A_471 : vector<16xf32>
        %max3A_483 = arith.maximumf %max3A_429, %max3A_471 : vector<16xf32>
        %max3A_484 = arith.maximumf %max3A_431, %max3A_475 : vector<16xf32>
        %max3A_485 = arith.maximumf %min3A_477, %max3A_484 : vector<16xf32>
        %max3A_486 = arith.maximumf %min3A_476, %max3A_434 : vector<16xf32>
        %max3A_487 = arith.maximumf %min3A_478, %min3A_479 : vector<16xf32>
        %max3A_488 = arith.maximumf %max3A_486, %max3A_487 : vector<16xf32>
        %max3A_489 = arith.maximumf %min3A_474, %max3A_438 : vector<16xf32>
        %max3A_490 = arith.maximumf %min3A_481, %min3A_482 : vector<16xf32>
        %max3A_491 = arith.maximumf %min3A_480, %max3A_490 : vector<16xf32>
        %max3A_492 = arith.maximumf %max3A_489, %max3A_491 : vector<16xf32>
        scf.yield %max3A_483, %max3A_485, %max3A_488, %max3A_492 : vector<16xf32>, vector<16xf32>, vector<16xf32>, vector<16xf32>
      }
      %scan3A_191 = arith.constant 32 : i32
      %scan3A_192 = arith.constant 0 : i32
      %scan3A_193 = arith.constant 32 : i32
      %scan3A_194 = arith.addi %scan3A_192, %scan3A_193 : i32
      %scan3A_195 = arith.constant 1 : i32
      %scan3A_196:4 = scf.for %scan3A_382 = %scan3A_192 to %scan3A_194 step %scan3A_195 iter_args(%scan3A_383 = %scan3A_136#0, %scan3A_384 = %scan3A_136#1, %scan3A_385 = %scan3A_136#2, %scan3A_386 = %scan3A_136#3) -> (vector<16xf32>, vector<16xf32>, vector<16xf32>, vector<16xf32>)  : i32 {
        %mul3A_387 = arith.constant 8 : i32
        %mul3A_388 = arith.muli %scan3A_382, %mul3A_387 : i32
        %add3A_389 = arith.constant 0 : i32
        %add3A_390 = arith.addi %mul3A_388, %add3A_389 : i32
        %get3A_391 = arith.index_cast %add3A_390 : i32 to index
        %get3A_392 = arith.constant 32 : index
        %get3A_393 = tpu.vector_load %arg6[%get3A_391, %get3A_392] {strides = array<i32>} : memref<256x128xf32, #tpu.memory_space<vmem>>, vector<16xf32>,
        %mul3A_394 = arith.constant 8 : i32
        %mul3A_395 = arith.muli %scan3A_382, %mul3A_394 : i32
        %add3A_396 = arith.constant 1 : i32
        %add3A_397 = arith.addi %mul3A_395, %add3A_396 : i32
        %get3A_398 = arith.index_cast %add3A_397 : i32 to index
        %get3A_399 = arith.constant 32 : index
        %get3A_400 = tpu.vector_load %arg6[%get3A_398, %get3A_399] {strides = array<i32>} : memref<256x128xf32, #tpu.memory_space<vmem>>, vector<16xf32>,
        %mul3A_401 = arith.constant 8 : i32
        %mul3A_402 = arith.muli %scan3A_382, %mul3A_401 : i32
        %add3A_403 = arith.constant 2 : i32
        %add3A_404 = arith.addi %mul3A_402, %add3A_403 : i32
        %get3A_405 = arith.index_cast %add3A_404 : i32 to index
        %get3A_406 = arith.constant 32 : index
        %get3A_407 = tpu.vector_load %arg6[%get3A_405, %get3A_406] {strides = array<i32>} : memref<256x128xf32, #tpu.memory_space<vmem>>, vector<16xf32>,
        %mul3A_408 = arith.constant 8 : i32
        %mul3A_409 = arith.muli %scan3A_382, %mul3A_408 : i32
        %add3A_410 = arith.constant 3 : i32
        %add3A_411 = arith.addi %mul3A_409, %add3A_410 : i32
        %get3A_412 = arith.index_cast %add3A_411 : i32 to index
        %get3A_413 = arith.constant 32 : index
        %get3A_414 = tpu.vector_load %arg6[%get3A_412, %get3A_413] {strides = array<i32>} : memref<256x128xf32, #tpu.memory_space<vmem>>, vector<16xf32>,
        %max3A = arith.maximumf %get3A_393, %get3A_400 : vector<16xf32>
        %min3A = arith.minimumf %get3A_393, %get3A_400 : vector<16xf32>
        %max3A_415 = arith.maximumf %get3A_407, %get3A_414 : vector<16xf32>
        %min3A_416 = arith.minimumf %get3A_407, %get3A_414 : vector<16xf32>
        %max3A_417 = arith.maximumf %max3A, %max3A_415 : vector<16xf32>
        %min3A_418 = arith.minimumf %max3A, %max3A_415 : vector<16xf32>
        %max3A_419 = arith.maximumf %min3A, %min3A_416 : vector<16xf32>
        %min3A_420 = arith.minimumf %min3A, %min3A_416 : vector<16xf32>
        %max3A_421 = arith.maximumf %max3A_419, %min3A_418 : vector<16xf32>
        %min3A_422 = arith.minimumf %max3A_419, %min3A_418 : vector<16xf32>
        %min3A_423 = arith.minimumf %scan3A_383, %max3A_417 : vector<16xf32>
        %min3A_424 = arith.minimumf %scan3A_383, %max3A_421 : vector<16xf32>
        %min3A_425 = arith.minimumf %scan3A_384, %max3A_417 : vector<16xf32>
        %min3A_426 = arith.minimumf %scan3A_383, %min3A_422 : vector<16xf32>
        %min3A_427 = arith.minimumf %scan3A_384, %max3A_421 : vector<16xf32>
        %min3A_428 = arith.minimumf %scan3A_385, %max3A_417 : vector<16xf32>
        %max3A_429 = arith.maximumf %scan3A_383, %max3A_417 : vector<16xf32>
        %max3A_430 = arith.maximumf %scan3A_384, %max3A_421 : vector<16xf32>
        %max3A_431 = arith.maximumf %min3A_423, %max3A_430 : vector<16xf32>
        %max3A_432 = arith.maximumf %min3A_422, %scan3A_385 : vector<16xf32>
        %max3A_433 = arith.maximumf %min3A_424, %min3A_425 : vector<16xf32>
        %max3A_434 = arith.maximumf %max3A_432, %max3A_433 : vector<16xf32>
        %max3A_435 = arith.maximumf %min3A_420, %scan3A_386 : vector<16xf32>
        %max3A_436 = arith.maximumf %min3A_427, %min3A_428 : vector<16xf32>
        %max3A_437 = arith.maximumf %min3A_426, %max3A_436 : vector<16xf32>
        %max3A_438 = arith.maximumf %max3A_435, %max3A_437 : vector<16xf32>
        %mul3A_439 = arith.constant 8 : i32
        %mul3A_440 = arith.muli %scan3A_382, %mul3A_439 : i32
        %add3A_441 = arith.constant 4 : i32
        %add3A_442 = arith.addi %mul3A_440, %add3A_441 : i32
        %get3A_443 = arith.index_cast %add3A_442 : i32 to index
        %get3A_444 = arith.constant 32 : index
        %get3A_445 = tpu.vector_load %arg6[%get3A_443, %get3A_444] {strides = array<i32>} : memref<256x128xf32, #tpu.memory_space<vmem>>, vector<16xf32>,
        %mul3A_446 = arith.constant 8 : i32
        %mul3A_447 = arith.muli %scan3A_382, %mul3A_446 : i32
        %add3A_448 = arith.constant 5 : i32
        %add3A_449 = arith.addi %mul3A_447, %add3A_448 : i32
        %get3A_450 = arith.index_cast %add3A_449 : i32 to index
        %get3A_451 = arith.constant 32 : index
        %get3A_452 = tpu.vector_load %arg6[%get3A_450, %get3A_451] {strides = array<i32>} : memref<256x128xf32, #tpu.memory_space<vmem>>, vector<16xf32>,
        %mul3A_453 = arith.constant 8 : i32
        %mul3A_454 = arith.muli %scan3A_382, %mul3A_453 : i32
        %add3A_455 = arith.constant 6 : i32
        %add3A_456 = arith.addi %mul3A_454, %add3A_455 : i32
        %get3A_457 = arith.index_cast %add3A_456 : i32 to index
        %get3A_458 = arith.constant 32 : index
        %get3A_459 = tpu.vector_load %arg6[%get3A_457, %get3A_458] {strides = array<i32>} : memref<256x128xf32, #tpu.memory_space<vmem>>, vector<16xf32>,
        %mul3A_460 = arith.constant 8 : i32
        %mul3A_461 = arith.muli %scan3A_382, %mul3A_460 : i32
        %add3A_462 = arith.constant 7 : i32
        %add3A_463 = arith.addi %mul3A_461, %add3A_462 : i32
        %get3A_464 = arith.index_cast %add3A_463 : i32 to index
        %get3A_465 = arith.constant 32 : index
        %get3A_466 = tpu.vector_load %arg6[%get3A_464, %get3A_465] {strides = array<i32>} : memref<256x128xf32, #tpu.memory_space<vmem>>, vector<16xf32>,
        %max3A_467 = arith.maximumf %get3A_445, %get3A_452 : vector<16xf32>
        %min3A_468 = arith.minimumf %get3A_445, %get3A_452 : vector<16xf32>
        %max3A_469 = arith.maximumf %get3A_459, %get3A_466 : vector<16xf32>
        %min3A_470 = arith.minimumf %get3A_459, %get3A_466 : vector<16xf32>
        %max3A_471 = arith.maximumf %max3A_467, %max3A_469 : vector<16xf32>
        %min3A_472 = arith.minimumf %max3A_467, %max3A_469 : vector<16xf32>
        %max3A_473 = arith.maximumf %min3A_468, %min3A_470 : vector<16xf32>
        %min3A_474 = arith.minimumf %min3A_468, %min3A_470 : vector<16xf32>
        %max3A_475 = arith.maximumf %max3A_473, %min3A_472 : vector<16xf32>
        %min3A_476 = arith.minimumf %max3A_473, %min3A_472 : vector<16xf32>
        %min3A_477 = arith.minimumf %max3A_429, %max3A_471 : vector<16xf32>
        %min3A_478 = arith.minimumf %max3A_429, %max3A_475 : vector<16xf32>
        %min3A_479 = arith.minimumf %max3A_431, %max3A_471 : vector<16xf32>
        %min3A_480 = arith.minimumf %max3A_429, %min3A_476 : vector<16xf32>
        %min3A_481 = arith.minimumf %max3A_431, %max3A_475 : vector<16xf32>
        %min3A_482 = arith.minimumf %max3A_434, %max3A_471 : vector<16xf32>
        %max3A_483 = arith.maximumf %max3A_429, %max3A_471 : vector<16xf32>
        %max3A_484 = arith.maximumf %max3A_431, %max3A_475 : vector<16xf32>
        %max3A_485 = arith.maximumf %min3A_477, %max3A_484 : vector<16xf32>
        %max3A_486 = arith.maximumf %min3A_476, %max3A_434 : vector<16xf32>
        %max3A_487 = arith.maximumf %min3A_478, %min3A_479 : vector<16xf32>
        %max3A_488 = arith.maximumf %max3A_486, %max3A_487 : vector<16xf32>
        %max3A_489 = arith.maximumf %min3A_474, %max3A_438 : vector<16xf32>
        %max3A_490 = arith.maximumf %min3A_481, %min3A_482 : vector<16xf32>
        %max3A_491 = arith.maximumf %min3A_480, %max3A_490 : vector<16xf32>
        %max3A_492 = arith.maximumf %max3A_489, %max3A_491 : vector<16xf32>
        scf.yield %max3A_483, %max3A_485, %max3A_488, %max3A_492 : vector<16xf32>, vector<16xf32>, vector<16xf32>, vector<16xf32>
      }
      %scan3A_197 = arith.constant 32 : i32
      %scan3A_198 = arith.constant 0 : i32
      %scan3A_199 = arith.constant 32 : i32
      %scan3A_200 = arith.addi %scan3A_198, %scan3A_199 : i32
      %scan3A_201 = arith.constant 1 : i32
      %scan3A_202:4 = scf.for %scan3A_382 = %scan3A_198 to %scan3A_200 step %scan3A_201 iter_args(%scan3A_383 = %scan3A_142#0, %scan3A_384 = %scan3A_142#1, %scan3A_385 = %scan3A_142#2, %scan3A_386 = %scan3A_142#3) -> (vector<16xf32>, vector<16xf32>, vector<16xf32>, vector<16xf32>)  : i32 {
        %mul3A_387 = arith.constant 8 : i32
        %mul3A_388 = arith.muli %scan3A_382, %mul3A_387 : i32
        %add3A_389 = arith.constant 0 : i32
        %add3A_390 = arith.addi %mul3A_388, %add3A_389 : i32
        %get3A_391 = arith.index_cast %add3A_390 : i32 to index
        %get3A_392 = arith.constant 48 : index
        %get3A_393 = tpu.vector_load %arg6[%get3A_391, %get3A_392] {strides = array<i32>} : memref<256x128xf32, #tpu.memory_space<vmem>>, vector<16xf32>,
        %mul3A_394 = arith.constant 8 : i32
        %mul3A_395 = arith.muli %scan3A_382, %mul3A_394 : i32
        %add3A_396 = arith.constant 1 : i32
        %add3A_397 = arith.addi %mul3A_395, %add3A_396 : i32
        %get3A_398 = arith.index_cast %add3A_397 : i32 to index
        %get3A_399 = arith.constant 48 : index
        %get3A_400 = tpu.vector_load %arg6[%get3A_398, %get3A_399] {strides = array<i32>} : memref<256x128xf32, #tpu.memory_space<vmem>>, vector<16xf32>,
        %mul3A_401 = arith.constant 8 : i32
        %mul3A_402 = arith.muli %scan3A_382, %mul3A_401 : i32
        %add3A_403 = arith.constant 2 : i32
        %add3A_404 = arith.addi %mul3A_402, %add3A_403 : i32
        %get3A_405 = arith.index_cast %add3A_404 : i32 to index
        %get3A_406 = arith.constant 48 : index
        %get3A_407 = tpu.vector_load %arg6[%get3A_405, %get3A_406] {strides = array<i32>} : memref<256x128xf32, #tpu.memory_space<vmem>>, vector<16xf32>,
        %mul3A_408 = arith.constant 8 : i32
        %mul3A_409 = arith.muli %scan3A_382, %mul3A_408 : i32
        %add3A_410 = arith.constant 3 : i32
        %add3A_411 = arith.addi %mul3A_409, %add3A_410 : i32
        %get3A_412 = arith.index_cast %add3A_411 : i32 to index
        %get3A_413 = arith.constant 48 : index
        %get3A_414 = tpu.vector_load %arg6[%get3A_412, %get3A_413] {strides = array<i32>} : memref<256x128xf32, #tpu.memory_space<vmem>>, vector<16xf32>,
        %max3A = arith.maximumf %get3A_393, %get3A_400 : vector<16xf32>
        %min3A = arith.minimumf %get3A_393, %get3A_400 : vector<16xf32>
        %max3A_415 = arith.maximumf %get3A_407, %get3A_414 : vector<16xf32>
        %min3A_416 = arith.minimumf %get3A_407, %get3A_414 : vector<16xf32>
        %max3A_417 = arith.maximumf %max3A, %max3A_415 : vector<16xf32>
        %min3A_418 = arith.minimumf %max3A, %max3A_415 : vector<16xf32>
        %max3A_419 = arith.maximumf %min3A, %min3A_416 : vector<16xf32>
        %min3A_420 = arith.minimumf %min3A, %min3A_416 : vector<16xf32>
        %max3A_421 = arith.maximumf %max3A_419, %min3A_418 : vector<16xf32>
        %min3A_422 = arith.minimumf %max3A_419, %min3A_418 : vector<16xf32>
        %min3A_423 = arith.minimumf %scan3A_383, %max3A_417 : vector<16xf32>
        %min3A_424 = arith.minimumf %scan3A_383, %max3A_421 : vector<16xf32>
        %min3A_425 = arith.minimumf %scan3A_384, %max3A_417 : vector<16xf32>
        %min3A_426 = arith.minimumf %scan3A_383, %min3A_422 : vector<16xf32>
        %min3A_427 = arith.minimumf %scan3A_384, %max3A_421 : vector<16xf32>
        %min3A_428 = arith.minimumf %scan3A_385, %max3A_417 : vector<16xf32>
        %max3A_429 = arith.maximumf %scan3A_383, %max3A_417 : vector<16xf32>
        %max3A_430 = arith.maximumf %scan3A_384, %max3A_421 : vector<16xf32>
        %max3A_431 = arith.maximumf %min3A_423, %max3A_430 : vector<16xf32>
        %max3A_432 = arith.maximumf %min3A_422, %scan3A_385 : vector<16xf32>
        %max3A_433 = arith.maximumf %min3A_424, %min3A_425 : vector<16xf32>
        %max3A_434 = arith.maximumf %max3A_432, %max3A_433 : vector<16xf32>
        %max3A_435 = arith.maximumf %min3A_420, %scan3A_386 : vector<16xf32>
        %max3A_436 = arith.maximumf %min3A_427, %min3A_428 : vector<16xf32>
        %max3A_437 = arith.maximumf %min3A_426, %max3A_436 : vector<16xf32>
        %max3A_438 = arith.maximumf %max3A_435, %max3A_437 : vector<16xf32>
        %mul3A_439 = arith.constant 8 : i32
        %mul3A_440 = arith.muli %scan3A_382, %mul3A_439 : i32
        %add3A_441 = arith.constant 4 : i32
        %add3A_442 = arith.addi %mul3A_440, %add3A_441 : i32
        %get3A_443 = arith.index_cast %add3A_442 : i32 to index
        %get3A_444 = arith.constant 48 : index
        %get3A_445 = tpu.vector_load %arg6[%get3A_443, %get3A_444] {strides = array<i32>} : memref<256x128xf32, #tpu.memory_space<vmem>>, vector<16xf32>,
        %mul3A_446 = arith.constant 8 : i32
        %mul3A_447 = arith.muli %scan3A_382, %mul3A_446 : i32
        %add3A_448 = arith.constant 5 : i32
        %add3A_449 = arith.addi %mul3A_447, %add3A_448 : i32
        %get3A_450 = arith.index_cast %add3A_449 : i32 to index
        %get3A_451 = arith.constant 48 : index
        %get3A_452 = tpu.vector_load %arg6[%get3A_450, %get3A_451] {strides = array<i32>} : memref<256x128xf32, #tpu.memory_space<vmem>>, vector<16xf32>,
        %mul3A_453 = arith.constant 8 : i32
        %mul3A_454 = arith.muli %scan3A_382, %mul3A_453 : i32
        %add3A_455 = arith.constant 6 : i32
        %add3A_456 = arith.addi %mul3A_454, %add3A_455 : i32
        %get3A_457 = arith.index_cast %add3A_456 : i32 to index
        %get3A_458 = arith.constant 48 : index
        %get3A_459 = tpu.vector_load %arg6[%get3A_457, %get3A_458] {strides = array<i32>} : memref<256x128xf32, #tpu.memory_space<vmem>>, vector<16xf32>,
        %mul3A_460 = arith.constant 8 : i32
        %mul3A_461 = arith.muli %scan3A_382, %mul3A_460 : i32
        %add3A_462 = arith.constant 7 : i32
        %add3A_463 = arith.addi %mul3A_461, %add3A_462 : i32
        %get3A_464 = arith.index_cast %add3A_463 : i32 to index
        %get3A_465 = arith.constant 48 : index
        %get3A_466 = tpu.vector_load %arg6[%get3A_464, %get3A_465] {strides = array<i32>} : memref<256x128xf32, #tpu.memory_space<vmem>>, vector<16xf32>,
        %max3A_467 = arith.maximumf %get3A_445, %get3A_452 : vector<16xf32>
        %min3A_468 = arith.minimumf %get3A_445, %get3A_452 : vector<16xf32>
        %max3A_469 = arith.maximumf %get3A_459, %get3A_466 : vector<16xf32>
        %min3A_470 = arith.minimumf %get3A_459, %get3A_466 : vector<16xf32>
        %max3A_471 = arith.maximumf %max3A_467, %max3A_469 : vector<16xf32>
        %min3A_472 = arith.minimumf %max3A_467, %max3A_469 : vector<16xf32>
        %max3A_473 = arith.maximumf %min3A_468, %min3A_470 : vector<16xf32>
        %min3A_474 = arith.minimumf %min3A_468, %min3A_470 : vector<16xf32>
        %max3A_475 = arith.maximumf %max3A_473, %min3A_472 : vector<16xf32>
        %min3A_476 = arith.minimumf %max3A_473, %min3A_472 : vector<16xf32>
        %min3A_477 = arith.minimumf %max3A_429, %max3A_471 : vector<16xf32>
        %min3A_478 = arith.minimumf %max3A_429, %max3A_475 : vector<16xf32>
        %min3A_479 = arith.minimumf %max3A_431, %max3A_471 : vector<16xf32>
        %min3A_480 = arith.minimumf %max3A_429, %min3A_476 : vector<16xf32>
        %min3A_481 = arith.minimumf %max3A_431, %max3A_475 : vector<16xf32>
        %min3A_482 = arith.minimumf %max3A_434, %max3A_471 : vector<16xf32>
        %max3A_483 = arith.maximumf %max3A_429, %max3A_471 : vector<16xf32>
        %max3A_484 = arith.maximumf %max3A_431, %max3A_475 : vector<16xf32>
        %max3A_485 = arith.maximumf %min3A_477, %max3A_484 : vector<16xf32>
        %max3A_486 = arith.maximumf %min3A_476, %max3A_434 : vector<16xf32>
        %max3A_487 = arith.maximumf %min3A_478, %min3A_479 : vector<16xf32>
        %max3A_488 = arith.maximumf %max3A_486, %max3A_487 : vector<16xf32>
        %max3A_489 = arith.maximumf %min3A_474, %max3A_438 : vector<16xf32>
        %max3A_490 = arith.maximumf %min3A_481, %min3A_482 : vector<16xf32>
        %max3A_491 = arith.maximumf %min3A_480, %max3A_490 : vector<16xf32>
        %max3A_492 = arith.maximumf %max3A_489, %max3A_491 : vector<16xf32>
        scf.yield %max3A_483, %max3A_485, %max3A_488, %max3A_492 : vector<16xf32>, vector<16xf32>, vector<16xf32>, vector<16xf32>
      }
      %scan3A_203 = arith.constant 32 : i32
      %scan3A_204 = arith.constant 0 : i32
      %scan3A_205 = arith.constant 32 : i32
      %scan3A_206 = arith.addi %scan3A_204, %scan3A_205 : i32
      %scan3A_207 = arith.constant 1 : i32
      %scan3A_208:4 = scf.for %scan3A_382 = %scan3A_204 to %scan3A_206 step %scan3A_207 iter_args(%scan3A_383 = %scan3A_148#0, %scan3A_384 = %scan3A_148#1, %scan3A_385 = %scan3A_148#2, %scan3A_386 = %scan3A_148#3) -> (vector<16xf32>, vector<16xf32>, vector<16xf32>, vector<16xf32>)  : i32 {
        %mul3A_387 = arith.constant 8 : i32
        %mul3A_388 = arith.muli %scan3A_382, %mul3A_387 : i32
        %add3A_389 = arith.constant 0 : i32
        %add3A_390 = arith.addi %mul3A_388, %add3A_389 : i32
        %get3A_391 = arith.index_cast %add3A_390 : i32 to index
        %get3A_392 = arith.constant 64 : index
        %get3A_393 = tpu.vector_load %arg6[%get3A_391, %get3A_392] {strides = array<i32>} : memref<256x128xf32, #tpu.memory_space<vmem>>, vector<16xf32>,
        %mul3A_394 = arith.constant 8 : i32
        %mul3A_395 = arith.muli %scan3A_382, %mul3A_394 : i32
        %add3A_396 = arith.constant 1 : i32
        %add3A_397 = arith.addi %mul3A_395, %add3A_396 : i32
        %get3A_398 = arith.index_cast %add3A_397 : i32 to index
        %get3A_399 = arith.constant 64 : index
        %get3A_400 = tpu.vector_load %arg6[%get3A_398, %get3A_399] {strides = array<i32>} : memref<256x128xf32, #tpu.memory_space<vmem>>, vector<16xf32>,
        %mul3A_401 = arith.constant 8 : i32
        %mul3A_402 = arith.muli %scan3A_382, %mul3A_401 : i32
        %add3A_403 = arith.constant 2 : i32
        %add3A_404 = arith.addi %mul3A_402, %add3A_403 : i32
        %get3A_405 = arith.index_cast %add3A_404 : i32 to index
        %get3A_406 = arith.constant 64 : index
        %get3A_407 = tpu.vector_load %arg6[%get3A_405, %get3A_406] {strides = array<i32>} : memref<256x128xf32, #tpu.memory_space<vmem>>, vector<16xf32>,
        %mul3A_408 = arith.constant 8 : i32
        %mul3A_409 = arith.muli %scan3A_382, %mul3A_408 : i32
        %add3A_410 = arith.constant 3 : i32
        %add3A_411 = arith.addi %mul3A_409, %add3A_410 : i32
        %get3A_412 = arith.index_cast %add3A_411 : i32 to index
        %get3A_413 = arith.constant 64 : index
        %get3A_414 = tpu.vector_load %arg6[%get3A_412, %get3A_413] {strides = array<i32>} : memref<256x128xf32, #tpu.memory_space<vmem>>, vector<16xf32>,
        %max3A = arith.maximumf %get3A_393, %get3A_400 : vector<16xf32>
        %min3A = arith.minimumf %get3A_393, %get3A_400 : vector<16xf32>
        %max3A_415 = arith.maximumf %get3A_407, %get3A_414 : vector<16xf32>
        %min3A_416 = arith.minimumf %get3A_407, %get3A_414 : vector<16xf32>
        %max3A_417 = arith.maximumf %max3A, %max3A_415 : vector<16xf32>
        %min3A_418 = arith.minimumf %max3A, %max3A_415 : vector<16xf32>
        %max3A_419 = arith.maximumf %min3A, %min3A_416 : vector<16xf32>
        %min3A_420 = arith.minimumf %min3A, %min3A_416 : vector<16xf32>
        %max3A_421 = arith.maximumf %max3A_419, %min3A_418 : vector<16xf32>
        %min3A_422 = arith.minimumf %max3A_419, %min3A_418 : vector<16xf32>
        %min3A_423 = arith.minimumf %scan3A_383, %max3A_417 : vector<16xf32>
        %min3A_424 = arith.minimumf %scan3A_383, %max3A_421 : vector<16xf32>
        %min3A_425 = arith.minimumf %scan3A_384, %max3A_417 : vector<16xf32>
        %min3A_426 = arith.minimumf %scan3A_383, %min3A_422 : vector<16xf32>
        %min3A_427 = arith.minimumf %scan3A_384, %max3A_421 : vector<16xf32>
        %min3A_428 = arith.minimumf %scan3A_385, %max3A_417 : vector<16xf32>
        %max3A_429 = arith.maximumf %scan3A_383, %max3A_417 : vector<16xf32>
        %max3A_430 = arith.maximumf %scan3A_384, %max3A_421 : vector<16xf32>
        %max3A_431 = arith.maximumf %min3A_423, %max3A_430 : vector<16xf32>
        %max3A_432 = arith.maximumf %min3A_422, %scan3A_385 : vector<16xf32>
        %max3A_433 = arith.maximumf %min3A_424, %min3A_425 : vector<16xf32>
        %max3A_434 = arith.maximumf %max3A_432, %max3A_433 : vector<16xf32>
        %max3A_435 = arith.maximumf %min3A_420, %scan3A_386 : vector<16xf32>
        %max3A_436 = arith.maximumf %min3A_427, %min3A_428 : vector<16xf32>
        %max3A_437 = arith.maximumf %min3A_426, %max3A_436 : vector<16xf32>
        %max3A_438 = arith.maximumf %max3A_435, %max3A_437 : vector<16xf32>
        %mul3A_439 = arith.constant 8 : i32
        %mul3A_440 = arith.muli %scan3A_382, %mul3A_439 : i32
        %add3A_441 = arith.constant 4 : i32
        %add3A_442 = arith.addi %mul3A_440, %add3A_441 : i32
        %get3A_443 = arith.index_cast %add3A_442 : i32 to index
        %get3A_444 = arith.constant 64 : index
        %get3A_445 = tpu.vector_load %arg6[%get3A_443, %get3A_444] {strides = array<i32>} : memref<256x128xf32, #tpu.memory_space<vmem>>, vector<16xf32>,
        %mul3A_446 = arith.constant 8 : i32
        %mul3A_447 = arith.muli %scan3A_382, %mul3A_446 : i32
        %add3A_448 = arith.constant 5 : i32
        %add3A_449 = arith.addi %mul3A_447, %add3A_448 : i32
        %get3A_450 = arith.index_cast %add3A_449 : i32 to index
        %get3A_451 = arith.constant 64 : index
        %get3A_452 = tpu.vector_load %arg6[%get3A_450, %get3A_451] {strides = array<i32>} : memref<256x128xf32, #tpu.memory_space<vmem>>, vector<16xf32>,
        %mul3A_453 = arith.constant 8 : i32
        %mul3A_454 = arith.muli %scan3A_382, %mul3A_453 : i32
        %add3A_455 = arith.constant 6 : i32
        %add3A_456 = arith.addi %mul3A_454, %add3A_455 : i32
        %get3A_457 = arith.index_cast %add3A_456 : i32 to index
        %get3A_458 = arith.constant 64 : index
        %get3A_459 = tpu.vector_load %arg6[%get3A_457, %get3A_458] {strides = array<i32>} : memref<256x128xf32, #tpu.memory_space<vmem>>, vector<16xf32>,
        %mul3A_460 = arith.constant 8 : i32
        %mul3A_461 = arith.muli %scan3A_382, %mul3A_460 : i32
        %add3A_462 = arith.constant 7 : i32
        %add3A_463 = arith.addi %mul3A_461, %add3A_462 : i32
        %get3A_464 = arith.index_cast %add3A_463 : i32 to index
        %get3A_465 = arith.constant 64 : index
        %get3A_466 = tpu.vector_load %arg6[%get3A_464, %get3A_465] {strides = array<i32>} : memref<256x128xf32, #tpu.memory_space<vmem>>, vector<16xf32>,
        %max3A_467 = arith.maximumf %get3A_445, %get3A_452 : vector<16xf32>
        %min3A_468 = arith.minimumf %get3A_445, %get3A_452 : vector<16xf32>
        %max3A_469 = arith.maximumf %get3A_459, %get3A_466 : vector<16xf32>
        %min3A_470 = arith.minimumf %get3A_459, %get3A_466 : vector<16xf32>
        %max3A_471 = arith.maximumf %max3A_467, %max3A_469 : vector<16xf32>
        %min3A_472 = arith.minimumf %max3A_467, %max3A_469 : vector<16xf32>
        %max3A_473 = arith.maximumf %min3A_468, %min3A_470 : vector<16xf32>
        %min3A_474 = arith.minimumf %min3A_468, %min3A_470 : vector<16xf32>
        %max3A_475 = arith.maximumf %max3A_473, %min3A_472 : vector<16xf32>
        %min3A_476 = arith.minimumf %max3A_473, %min3A_472 : vector<16xf32>
        %min3A_477 = arith.minimumf %max3A_429, %max3A_471 : vector<16xf32>
        %min3A_478 = arith.minimumf %max3A_429, %max3A_475 : vector<16xf32>
        %min3A_479 = arith.minimumf %max3A_431, %max3A_471 : vector<16xf32>
        %min3A_480 = arith.minimumf %max3A_429, %min3A_476 : vector<16xf32>
        %min3A_481 = arith.minimumf %max3A_431, %max3A_475 : vector<16xf32>
        %min3A_482 = arith.minimumf %max3A_434, %max3A_471 : vector<16xf32>
        %max3A_483 = arith.maximumf %max3A_429, %max3A_471 : vector<16xf32>
        %max3A_484 = arith.maximumf %max3A_431, %max3A_475 : vector<16xf32>
        %max3A_485 = arith.maximumf %min3A_477, %max3A_484 : vector<16xf32>
        %max3A_486 = arith.maximumf %min3A_476, %max3A_434 : vector<16xf32>
        %max3A_487 = arith.maximumf %min3A_478, %min3A_479 : vector<16xf32>
        %max3A_488 = arith.maximumf %max3A_486, %max3A_487 : vector<16xf32>
        %max3A_489 = arith.maximumf %min3A_474, %max3A_438 : vector<16xf32>
        %max3A_490 = arith.maximumf %min3A_481, %min3A_482 : vector<16xf32>
        %max3A_491 = arith.maximumf %min3A_480, %max3A_490 : vector<16xf32>
        %max3A_492 = arith.maximumf %max3A_489, %max3A_491 : vector<16xf32>
        scf.yield %max3A_483, %max3A_485, %max3A_488, %max3A_492 : vector<16xf32>, vector<16xf32>, vector<16xf32>, vector<16xf32>
      }
      %scan3A_209 = arith.constant 32 : i32
      %scan3A_210 = arith.constant 0 : i32
      %scan3A_211 = arith.constant 32 : i32
      %scan3A_212 = arith.addi %scan3A_210, %scan3A_211 : i32
      %scan3A_213 = arith.constant 1 : i32
      %scan3A_214:4 = scf.for %scan3A_382 = %scan3A_210 to %scan3A_212 step %scan3A_213 iter_args(%scan3A_383 = %scan3A_154#0, %scan3A_384 = %scan3A_154#1, %scan3A_385 = %scan3A_154#2, %scan3A_386 = %scan3A_154#3) -> (vector<16xf32>, vector<16xf32>, vector<16xf32>, vector<16xf32>)  : i32 {
        %mul3A_387 = arith.constant 8 : i32
        %mul3A_388 = arith.muli %scan3A_382, %mul3A_387 : i32
        %add3A_389 = arith.constant 0 : i32
        %add3A_390 = arith.addi %mul3A_388, %add3A_389 : i32
        %get3A_391 = arith.index_cast %add3A_390 : i32 to index
        %get3A_392 = arith.constant 80 : index
        %get3A_393 = tpu.vector_load %arg6[%get3A_391, %get3A_392] {strides = array<i32>} : memref<256x128xf32, #tpu.memory_space<vmem>>, vector<16xf32>,
        %mul3A_394 = arith.constant 8 : i32
        %mul3A_395 = arith.muli %scan3A_382, %mul3A_394 : i32
        %add3A_396 = arith.constant 1 : i32
        %add3A_397 = arith.addi %mul3A_395, %add3A_396 : i32
        %get3A_398 = arith.index_cast %add3A_397 : i32 to index
        %get3A_399 = arith.constant 80 : index
        %get3A_400 = tpu.vector_load %arg6[%get3A_398, %get3A_399] {strides = array<i32>} : memref<256x128xf32, #tpu.memory_space<vmem>>, vector<16xf32>,
        %mul3A_401 = arith.constant 8 : i32
        %mul3A_402 = arith.muli %scan3A_382, %mul3A_401 : i32
        %add3A_403 = arith.constant 2 : i32
        %add3A_404 = arith.addi %mul3A_402, %add3A_403 : i32
        %get3A_405 = arith.index_cast %add3A_404 : i32 to index
        %get3A_406 = arith.constant 80 : index
        %get3A_407 = tpu.vector_load %arg6[%get3A_405, %get3A_406] {strides = array<i32>} : memref<256x128xf32, #tpu.memory_space<vmem>>, vector<16xf32>,
        %mul3A_408 = arith.constant 8 : i32
        %mul3A_409 = arith.muli %scan3A_382, %mul3A_408 : i32
        %add3A_410 = arith.constant 3 : i32
        %add3A_411 = arith.addi %mul3A_409, %add3A_410 : i32
        %get3A_412 = arith.index_cast %add3A_411 : i32 to index
        %get3A_413 = arith.constant 80 : index
        %get3A_414 = tpu.vector_load %arg6[%get3A_412, %get3A_413] {strides = array<i32>} : memref<256x128xf32, #tpu.memory_space<vmem>>, vector<16xf32>,
        %max3A = arith.maximumf %get3A_393, %get3A_400 : vector<16xf32>
        %min3A = arith.minimumf %get3A_393, %get3A_400 : vector<16xf32>
        %max3A_415 = arith.maximumf %get3A_407, %get3A_414 : vector<16xf32>
        %min3A_416 = arith.minimumf %get3A_407, %get3A_414 : vector<16xf32>
        %max3A_417 = arith.maximumf %max3A, %max3A_415 : vector<16xf32>
        %min3A_418 = arith.minimumf %max3A, %max3A_415 : vector<16xf32>
        %max3A_419 = arith.maximumf %min3A, %min3A_416 : vector<16xf32>
        %min3A_420 = arith.minimumf %min3A, %min3A_416 : vector<16xf32>
        %max3A_421 = arith.maximumf %max3A_419, %min3A_418 : vector<16xf32>
        %min3A_422 = arith.minimumf %max3A_419, %min3A_418 : vector<16xf32>
        %min3A_423 = arith.minimumf %scan3A_383, %max3A_417 : vector<16xf32>
        %min3A_424 = arith.minimumf %scan3A_383, %max3A_421 : vector<16xf32>
        %min3A_425 = arith.minimumf %scan3A_384, %max3A_417 : vector<16xf32>
        %min3A_426 = arith.minimumf %scan3A_383, %min3A_422 : vector<16xf32>
        %min3A_427 = arith.minimumf %scan3A_384, %max3A_421 : vector<16xf32>
        %min3A_428 = arith.minimumf %scan3A_385, %max3A_417 : vector<16xf32>
        %max3A_429 = arith.maximumf %scan3A_383, %max3A_417 : vector<16xf32>
        %max3A_430 = arith.maximumf %scan3A_384, %max3A_421 : vector<16xf32>
        %max3A_431 = arith.maximumf %min3A_423, %max3A_430 : vector<16xf32>
        %max3A_432 = arith.maximumf %min3A_422, %scan3A_385 : vector<16xf32>
        %max3A_433 = arith.maximumf %min3A_424, %min3A_425 : vector<16xf32>
        %max3A_434 = arith.maximumf %max3A_432, %max3A_433 : vector<16xf32>
        %max3A_435 = arith.maximumf %min3A_420, %scan3A_386 : vector<16xf32>
        %max3A_436 = arith.maximumf %min3A_427, %min3A_428 : vector<16xf32>
        %max3A_437 = arith.maximumf %min3A_426, %max3A_436 : vector<16xf32>
        %max3A_438 = arith.maximumf %max3A_435, %max3A_437 : vector<16xf32>
        %mul3A_439 = arith.constant 8 : i32
        %mul3A_440 = arith.muli %scan3A_382, %mul3A_439 : i32
        %add3A_441 = arith.constant 4 : i32
        %add3A_442 = arith.addi %mul3A_440, %add3A_441 : i32
        %get3A_443 = arith.index_cast %add3A_442 : i32 to index
        %get3A_444 = arith.constant 80 : index
        %get3A_445 = tpu.vector_load %arg6[%get3A_443, %get3A_444] {strides = array<i32>} : memref<256x128xf32, #tpu.memory_space<vmem>>, vector<16xf32>,
        %mul3A_446 = arith.constant 8 : i32
        %mul3A_447 = arith.muli %scan3A_382, %mul3A_446 : i32
        %add3A_448 = arith.constant 5 : i32
        %add3A_449 = arith.addi %mul3A_447, %add3A_448 : i32
        %get3A_450 = arith.index_cast %add3A_449 : i32 to index
        %get3A_451 = arith.constant 80 : index
        %get3A_452 = tpu.vector_load %arg6[%get3A_450, %get3A_451] {strides = array<i32>} : memref<256x128xf32, #tpu.memory_space<vmem>>, vector<16xf32>,
        %mul3A_453 = arith.constant 8 : i32
        %mul3A_454 = arith.muli %scan3A_382, %mul3A_453 : i32
        %add3A_455 = arith.constant 6 : i32
        %add3A_456 = arith.addi %mul3A_454, %add3A_455 : i32
        %get3A_457 = arith.index_cast %add3A_456 : i32 to index
        %get3A_458 = arith.constant 80 : index
        %get3A_459 = tpu.vector_load %arg6[%get3A_457, %get3A_458] {strides = array<i32>} : memref<256x128xf32, #tpu.memory_space<vmem>>, vector<16xf32>,
        %mul3A_460 = arith.constant 8 : i32
        %mul3A_461 = arith.muli %scan3A_382, %mul3A_460 : i32
        %add3A_462 = arith.constant 7 : i32
        %add3A_463 = arith.addi %mul3A_461, %add3A_462 : i32
        %get3A_464 = arith.index_cast %add3A_463 : i32 to index
        %get3A_465 = arith.constant 80 : index
        %get3A_466 = tpu.vector_load %arg6[%get3A_464, %get3A_465] {strides = array<i32>} : memref<256x128xf32, #tpu.memory_space<vmem>>, vector<16xf32>,
        %max3A_467 = arith.maximumf %get3A_445, %get3A_452 : vector<16xf32>
        %min3A_468 = arith.minimumf %get3A_445, %get3A_452 : vector<16xf32>
        %max3A_469 = arith.maximumf %get3A_459, %get3A_466 : vector<16xf32>
        %min3A_470 = arith.minimumf %get3A_459, %get3A_466 : vector<16xf32>
        %max3A_471 = arith.maximumf %max3A_467, %max3A_469 : vector<16xf32>
        %min3A_472 = arith.minimumf %max3A_467, %max3A_469 : vector<16xf32>
        %max3A_473 = arith.maximumf %min3A_468, %min3A_470 : vector<16xf32>
        %min3A_474 = arith.minimumf %min3A_468, %min3A_470 : vector<16xf32>
        %max3A_475 = arith.maximumf %max3A_473, %min3A_472 : vector<16xf32>
        %min3A_476 = arith.minimumf %max3A_473, %min3A_472 : vector<16xf32>
        %min3A_477 = arith.minimumf %max3A_429, %max3A_471 : vector<16xf32>
        %min3A_478 = arith.minimumf %max3A_429, %max3A_475 : vector<16xf32>
        %min3A_479 = arith.minimumf %max3A_431, %max3A_471 : vector<16xf32>
        %min3A_480 = arith.minimumf %max3A_429, %min3A_476 : vector<16xf32>
        %min3A_481 = arith.minimumf %max3A_431, %max3A_475 : vector<16xf32>
        %min3A_482 = arith.minimumf %max3A_434, %max3A_471 : vector<16xf32>
        %max3A_483 = arith.maximumf %max3A_429, %max3A_471 : vector<16xf32>
        %max3A_484 = arith.maximumf %max3A_431, %max3A_475 : vector<16xf32>
        %max3A_485 = arith.maximumf %min3A_477, %max3A_484 : vector<16xf32>
        %max3A_486 = arith.maximumf %min3A_476, %max3A_434 : vector<16xf32>
        %max3A_487 = arith.maximumf %min3A_478, %min3A_479 : vector<16xf32>
        %max3A_488 = arith.maximumf %max3A_486, %max3A_487 : vector<16xf32>
        %max3A_489 = arith.maximumf %min3A_474, %max3A_438 : vector<16xf32>
        %max3A_490 = arith.maximumf %min3A_481, %min3A_482 : vector<16xf32>
        %max3A_491 = arith.maximumf %min3A_480, %max3A_490 : vector<16xf32>
        %max3A_492 = arith.maximumf %max3A_489, %max3A_491 : vector<16xf32>
        scf.yield %max3A_483, %max3A_485, %max3A_488, %max3A_492 : vector<16xf32>, vector<16xf32>, vector<16xf32>, vector<16xf32>
      }
      %scan3A_215 = arith.constant 32 : i32
      %scan3A_216 = arith.constant 0 : i32
      %scan3A_217 = arith.constant 32 : i32
      %scan3A_218 = arith.addi %scan3A_216, %scan3A_217 : i32
      %scan3A_219 = arith.constant 1 : i32
      %scan3A_220:4 = scf.for %scan3A_382 = %scan3A_216 to %scan3A_218 step %scan3A_219 iter_args(%scan3A_383 = %scan3A_160#0, %scan3A_384 = %scan3A_160#1, %scan3A_385 = %scan3A_160#2, %scan3A_386 = %scan3A_160#3) -> (vector<16xf32>, vector<16xf32>, vector<16xf32>, vector<16xf32>)  : i32 {
        %mul3A_387 = arith.constant 8 : i32
        %mul3A_388 = arith.muli %scan3A_382, %mul3A_387 : i32
        %add3A_389 = arith.constant 0 : i32
        %add3A_390 = arith.addi %mul3A_388, %add3A_389 : i32
        %get3A_391 = arith.index_cast %add3A_390 : i32 to index
        %get3A_392 = arith.constant 96 : index
        %get3A_393 = tpu.vector_load %arg6[%get3A_391, %get3A_392] {strides = array<i32>} : memref<256x128xf32, #tpu.memory_space<vmem>>, vector<16xf32>,
        %mul3A_394 = arith.constant 8 : i32
        %mul3A_395 = arith.muli %scan3A_382, %mul3A_394 : i32
        %add3A_396 = arith.constant 1 : i32
        %add3A_397 = arith.addi %mul3A_395, %add3A_396 : i32
        %get3A_398 = arith.index_cast %add3A_397 : i32 to index
        %get3A_399 = arith.constant 96 : index
        %get3A_400 = tpu.vector_load %arg6[%get3A_398, %get3A_399] {strides = array<i32>} : memref<256x128xf32, #tpu.memory_space<vmem>>, vector<16xf32>,
        %mul3A_401 = arith.constant 8 : i32
        %mul3A_402 = arith.muli %scan3A_382, %mul3A_401 : i32
        %add3A_403 = arith.constant 2 : i32
        %add3A_404 = arith.addi %mul3A_402, %add3A_403 : i32
        %get3A_405 = arith.index_cast %add3A_404 : i32 to index
        %get3A_406 = arith.constant 96 : index
        %get3A_407 = tpu.vector_load %arg6[%get3A_405, %get3A_406] {strides = array<i32>} : memref<256x128xf32, #tpu.memory_space<vmem>>, vector<16xf32>,
        %mul3A_408 = arith.constant 8 : i32
        %mul3A_409 = arith.muli %scan3A_382, %mul3A_408 : i32
        %add3A_410 = arith.constant 3 : i32
        %add3A_411 = arith.addi %mul3A_409, %add3A_410 : i32
        %get3A_412 = arith.index_cast %add3A_411 : i32 to index
        %get3A_413 = arith.constant 96 : index
        %get3A_414 = tpu.vector_load %arg6[%get3A_412, %get3A_413] {strides = array<i32>} : memref<256x128xf32, #tpu.memory_space<vmem>>, vector<16xf32>,
        %max3A = arith.maximumf %get3A_393, %get3A_400 : vector<16xf32>
        %min3A = arith.minimumf %get3A_393, %get3A_400 : vector<16xf32>
        %max3A_415 = arith.maximumf %get3A_407, %get3A_414 : vector<16xf32>
        %min3A_416 = arith.minimumf %get3A_407, %get3A_414 : vector<16xf32>
        %max3A_417 = arith.maximumf %max3A, %max3A_415 : vector<16xf32>
        %min3A_418 = arith.minimumf %max3A, %max3A_415 : vector<16xf32>
        %max3A_419 = arith.maximumf %min3A, %min3A_416 : vector<16xf32>
        %min3A_420 = arith.minimumf %min3A, %min3A_416 : vector<16xf32>
        %max3A_421 = arith.maximumf %max3A_419, %min3A_418 : vector<16xf32>
        %min3A_422 = arith.minimumf %max3A_419, %min3A_418 : vector<16xf32>
        %min3A_423 = arith.minimumf %scan3A_383, %max3A_417 : vector<16xf32>
        %min3A_424 = arith.minimumf %scan3A_383, %max3A_421 : vector<16xf32>
        %min3A_425 = arith.minimumf %scan3A_384, %max3A_417 : vector<16xf32>
        %min3A_426 = arith.minimumf %scan3A_383, %min3A_422 : vector<16xf32>
        %min3A_427 = arith.minimumf %scan3A_384, %max3A_421 : vector<16xf32>
        %min3A_428 = arith.minimumf %scan3A_385, %max3A_417 : vector<16xf32>
        %max3A_429 = arith.maximumf %scan3A_383, %max3A_417 : vector<16xf32>
        %max3A_430 = arith.maximumf %scan3A_384, %max3A_421 : vector<16xf32>
        %max3A_431 = arith.maximumf %min3A_423, %max3A_430 : vector<16xf32>
        %max3A_432 = arith.maximumf %min3A_422, %scan3A_385 : vector<16xf32>
        %max3A_433 = arith.maximumf %min3A_424, %min3A_425 : vector<16xf32>
        %max3A_434 = arith.maximumf %max3A_432, %max3A_433 : vector<16xf32>
        %max3A_435 = arith.maximumf %min3A_420, %scan3A_386 : vector<16xf32>
        %max3A_436 = arith.maximumf %min3A_427, %min3A_428 : vector<16xf32>
        %max3A_437 = arith.maximumf %min3A_426, %max3A_436 : vector<16xf32>
        %max3A_438 = arith.maximumf %max3A_435, %max3A_437 : vector<16xf32>
        %mul3A_439 = arith.constant 8 : i32
        %mul3A_440 = arith.muli %scan3A_382, %mul3A_439 : i32
        %add3A_441 = arith.constant 4 : i32
        %add3A_442 = arith.addi %mul3A_440, %add3A_441 : i32
        %get3A_443 = arith.index_cast %add3A_442 : i32 to index
        %get3A_444 = arith.constant 96 : index
        %get3A_445 = tpu.vector_load %arg6[%get3A_443, %get3A_444] {strides = array<i32>} : memref<256x128xf32, #tpu.memory_space<vmem>>, vector<16xf32>,
        %mul3A_446 = arith.constant 8 : i32
        %mul3A_447 = arith.muli %scan3A_382, %mul3A_446 : i32
        %add3A_448 = arith.constant 5 : i32
        %add3A_449 = arith.addi %mul3A_447, %add3A_448 : i32
        %get3A_450 = arith.index_cast %add3A_449 : i32 to index
        %get3A_451 = arith.constant 96 : index
        %get3A_452 = tpu.vector_load %arg6[%get3A_450, %get3A_451] {strides = array<i32>} : memref<256x128xf32, #tpu.memory_space<vmem>>, vector<16xf32>,
        %mul3A_453 = arith.constant 8 : i32
        %mul3A_454 = arith.muli %scan3A_382, %mul3A_453 : i32
        %add3A_455 = arith.constant 6 : i32
        %add3A_456 = arith.addi %mul3A_454, %add3A_455 : i32
        %get3A_457 = arith.index_cast %add3A_456 : i32 to index
        %get3A_458 = arith.constant 96 : index
        %get3A_459 = tpu.vector_load %arg6[%get3A_457, %get3A_458] {strides = array<i32>} : memref<256x128xf32, #tpu.memory_space<vmem>>, vector<16xf32>,
        %mul3A_460 = arith.constant 8 : i32
        %mul3A_461 = arith.muli %scan3A_382, %mul3A_460 : i32
        %add3A_462 = arith.constant 7 : i32
        %add3A_463 = arith.addi %mul3A_461, %add3A_462 : i32
        %get3A_464 = arith.index_cast %add3A_463 : i32 to index
        %get3A_465 = arith.constant 96 : index
        %get3A_466 = tpu.vector_load %arg6[%get3A_464, %get3A_465] {strides = array<i32>} : memref<256x128xf32, #tpu.memory_space<vmem>>, vector<16xf32>,
        %max3A_467 = arith.maximumf %get3A_445, %get3A_452 : vector<16xf32>
        %min3A_468 = arith.minimumf %get3A_445, %get3A_452 : vector<16xf32>
        %max3A_469 = arith.maximumf %get3A_459, %get3A_466 : vector<16xf32>
        %min3A_470 = arith.minimumf %get3A_459, %get3A_466 : vector<16xf32>
        %max3A_471 = arith.maximumf %max3A_467, %max3A_469 : vector<16xf32>
        %min3A_472 = arith.minimumf %max3A_467, %max3A_469 : vector<16xf32>
        %max3A_473 = arith.maximumf %min3A_468, %min3A_470 : vector<16xf32>
        %min3A_474 = arith.minimumf %min3A_468, %min3A_470 : vector<16xf32>
        %max3A_475 = arith.maximumf %max3A_473, %min3A_472 : vector<16xf32>
        %min3A_476 = arith.minimumf %max3A_473, %min3A_472 : vector<16xf32>
        %min3A_477 = arith.minimumf %max3A_429, %max3A_471 : vector<16xf32>
        %min3A_478 = arith.minimumf %max3A_429, %max3A_475 : vector<16xf32>
        %min3A_479 = arith.minimumf %max3A_431, %max3A_471 : vector<16xf32>
        %min3A_480 = arith.minimumf %max3A_429, %min3A_476 : vector<16xf32>
        %min3A_481 = arith.minimumf %max3A_431, %max3A_475 : vector<16xf32>
        %min3A_482 = arith.minimumf %max3A_434, %max3A_471 : vector<16xf32>
        %max3A_483 = arith.maximumf %max3A_429, %max3A_471 : vector<16xf32>
        %max3A_484 = arith.maximumf %max3A_431, %max3A_475 : vector<16xf32>
        %max3A_485 = arith.maximumf %min3A_477, %max3A_484 : vector<16xf32>
        %max3A_486 = arith.maximumf %min3A_476, %max3A_434 : vector<16xf32>
        %max3A_487 = arith.maximumf %min3A_478, %min3A_479 : vector<16xf32>
        %max3A_488 = arith.maximumf %max3A_486, %max3A_487 : vector<16xf32>
        %max3A_489 = arith.maximumf %min3A_474, %max3A_438 : vector<16xf32>
        %max3A_490 = arith.maximumf %min3A_481, %min3A_482 : vector<16xf32>
        %max3A_491 = arith.maximumf %min3A_480, %max3A_490 : vector<16xf32>
        %max3A_492 = arith.maximumf %max3A_489, %max3A_491 : vector<16xf32>
        scf.yield %max3A_483, %max3A_485, %max3A_488, %max3A_492 : vector<16xf32>, vector<16xf32>, vector<16xf32>, vector<16xf32>
      }
      %scan3A_221 = arith.constant 32 : i32
      %scan3A_222 = arith.constant 0 : i32
      %scan3A_223 = arith.constant 32 : i32
      %scan3A_224 = arith.addi %scan3A_222, %scan3A_223 : i32
      %scan3A_225 = arith.constant 1 : i32
      %scan3A_226:4 = scf.for %scan3A_382 = %scan3A_222 to %scan3A_224 step %scan3A_225 iter_args(%scan3A_383 = %scan3A_166#0, %scan3A_384 = %scan3A_166#1, %scan3A_385 = %scan3A_166#2, %scan3A_386 = %scan3A_166#3) -> (vector<16xf32>, vector<16xf32>, vector<16xf32>, vector<16xf32>)  : i32 {
        %mul3A_387 = arith.constant 8 : i32
        %mul3A_388 = arith.muli %scan3A_382, %mul3A_387 : i32
        %add3A_389 = arith.constant 0 : i32
        %add3A_390 = arith.addi %mul3A_388, %add3A_389 : i32
        %get3A_391 = arith.index_cast %add3A_390 : i32 to index
        %get3A_392 = arith.constant 112 : index
        %get3A_393 = tpu.vector_load %arg6[%get3A_391, %get3A_392] {strides = array<i32>} : memref<256x128xf32, #tpu.memory_space<vmem>>, vector<16xf32>,
        %mul3A_394 = arith.constant 8 : i32
        %mul3A_395 = arith.muli %scan3A_382, %mul3A_394 : i32
        %add3A_396 = arith.constant 1 : i32
        %add3A_397 = arith.addi %mul3A_395, %add3A_396 : i32
        %get3A_398 = arith.index_cast %add3A_397 : i32 to index
        %get3A_399 = arith.constant 112 : index
        %get3A_400 = tpu.vector_load %arg6[%get3A_398, %get3A_399] {strides = array<i32>} : memref<256x128xf32, #tpu.memory_space<vmem>>, vector<16xf32>,
        %mul3A_401 = arith.constant 8 : i32
        %mul3A_402 = arith.muli %scan3A_382, %mul3A_401 : i32
        %add3A_403 = arith.constant 2 : i32
        %add3A_404 = arith.addi %mul3A_402, %add3A_403 : i32
        %get3A_405 = arith.index_cast %add3A_404 : i32 to index
        %get3A_406 = arith.constant 112 : index
        %get3A_407 = tpu.vector_load %arg6[%get3A_405, %get3A_406] {strides = array<i32>} : memref<256x128xf32, #tpu.memory_space<vmem>>, vector<16xf32>,
        %mul3A_408 = arith.constant 8 : i32
        %mul3A_409 = arith.muli %scan3A_382, %mul3A_408 : i32
        %add3A_410 = arith.constant 3 : i32
        %add3A_411 = arith.addi %mul3A_409, %add3A_410 : i32
        %get3A_412 = arith.index_cast %add3A_411 : i32 to index
        %get3A_413 = arith.constant 112 : index
        %get3A_414 = tpu.vector_load %arg6[%get3A_412, %get3A_413] {strides = array<i32>} : memref<256x128xf32, #tpu.memory_space<vmem>>, vector<16xf32>,
        %max3A = arith.maximumf %get3A_393, %get3A_400 : vector<16xf32>
        %min3A = arith.minimumf %get3A_393, %get3A_400 : vector<16xf32>
        %max3A_415 = arith.maximumf %get3A_407, %get3A_414 : vector<16xf32>
        %min3A_416 = arith.minimumf %get3A_407, %get3A_414 : vector<16xf32>
        %max3A_417 = arith.maximumf %max3A, %max3A_415 : vector<16xf32>
        %min3A_418 = arith.minimumf %max3A, %max3A_415 : vector<16xf32>
        %max3A_419 = arith.maximumf %min3A, %min3A_416 : vector<16xf32>
        %min3A_420 = arith.minimumf %min3A, %min3A_416 : vector<16xf32>
        %max3A_421 = arith.maximumf %max3A_419, %min3A_418 : vector<16xf32>
        %min3A_422 = arith.minimumf %max3A_419, %min3A_418 : vector<16xf32>
        %min3A_423 = arith.minimumf %scan3A_383, %max3A_417 : vector<16xf32>
        %min3A_424 = arith.minimumf %scan3A_383, %max3A_421 : vector<16xf32>
        %min3A_425 = arith.minimumf %scan3A_384, %max3A_417 : vector<16xf32>
        %min3A_426 = arith.minimumf %scan3A_383, %min3A_422 : vector<16xf32>
        %min3A_427 = arith.minimumf %scan3A_384, %max3A_421 : vector<16xf32>
        %min3A_428 = arith.minimumf %scan3A_385, %max3A_417 : vector<16xf32>
        %max3A_429 = arith.maximumf %scan3A_383, %max3A_417 : vector<16xf32>
        %max3A_430 = arith.maximumf %scan3A_384, %max3A_421 : vector<16xf32>
        %max3A_431 = arith.maximumf %min3A_423, %max3A_430 : vector<16xf32>
        %max3A_432 = arith.maximumf %min3A_422, %scan3A_385 : vector<16xf32>
        %max3A_433 = arith.maximumf %min3A_424, %min3A_425 : vector<16xf32>
        %max3A_434 = arith.maximumf %max3A_432, %max3A_433 : vector<16xf32>
        %max3A_435 = arith.maximumf %min3A_420, %scan3A_386 : vector<16xf32>
        %max3A_436 = arith.maximumf %min3A_427, %min3A_428 : vector<16xf32>
        %max3A_437 = arith.maximumf %min3A_426, %max3A_436 : vector<16xf32>
        %max3A_438 = arith.maximumf %max3A_435, %max3A_437 : vector<16xf32>
        %mul3A_439 = arith.constant 8 : i32
        %mul3A_440 = arith.muli %scan3A_382, %mul3A_439 : i32
        %add3A_441 = arith.constant 4 : i32
        %add3A_442 = arith.addi %mul3A_440, %add3A_441 : i32
        %get3A_443 = arith.index_cast %add3A_442 : i32 to index
        %get3A_444 = arith.constant 112 : index
        %get3A_445 = tpu.vector_load %arg6[%get3A_443, %get3A_444] {strides = array<i32>} : memref<256x128xf32, #tpu.memory_space<vmem>>, vector<16xf32>,
        %mul3A_446 = arith.constant 8 : i32
        %mul3A_447 = arith.muli %scan3A_382, %mul3A_446 : i32
        %add3A_448 = arith.constant 5 : i32
        %add3A_449 = arith.addi %mul3A_447, %add3A_448 : i32
        %get3A_450 = arith.index_cast %add3A_449 : i32 to index
        %get3A_451 = arith.constant 112 : index
        %get3A_452 = tpu.vector_load %arg6[%get3A_450, %get3A_451] {strides = array<i32>} : memref<256x128xf32, #tpu.memory_space<vmem>>, vector<16xf32>,
        %mul3A_453 = arith.constant 8 : i32
        %mul3A_454 = arith.muli %scan3A_382, %mul3A_453 : i32
        %add3A_455 = arith.constant 6 : i32
        %add3A_456 = arith.addi %mul3A_454, %add3A_455 : i32
        %get3A_457 = arith.index_cast %add3A_456 : i32 to index
        %get3A_458 = arith.constant 112 : index
        %get3A_459 = tpu.vector_load %arg6[%get3A_457, %get3A_458] {strides = array<i32>} : memref<256x128xf32, #tpu.memory_space<vmem>>, vector<16xf32>,
        %mul3A_460 = arith.constant 8 : i32
        %mul3A_461 = arith.muli %scan3A_382, %mul3A_460 : i32
        %add3A_462 = arith.constant 7 : i32
        %add3A_463 = arith.addi %mul3A_461, %add3A_462 : i32
        %get3A_464 = arith.index_cast %add3A_463 : i32 to index
        %get3A_465 = arith.constant 112 : index
        %get3A_466 = tpu.vector_load %arg6[%get3A_464, %get3A_465] {strides = array<i32>} : memref<256x128xf32, #tpu.memory_space<vmem>>, vector<16xf32>,
        %max3A_467 = arith.maximumf %get3A_445, %get3A_452 : vector<16xf32>
        %min3A_468 = arith.minimumf %get3A_445, %get3A_452 : vector<16xf32>
        %max3A_469 = arith.maximumf %get3A_459, %get3A_466 : vector<16xf32>
        %min3A_470 = arith.minimumf %get3A_459, %get3A_466 : vector<16xf32>
        %max3A_471 = arith.maximumf %max3A_467, %max3A_469 : vector<16xf32>
        %min3A_472 = arith.minimumf %max3A_467, %max3A_469 : vector<16xf32>
        %max3A_473 = arith.maximumf %min3A_468, %min3A_470 : vector<16xf32>
        %min3A_474 = arith.minimumf %min3A_468, %min3A_470 : vector<16xf32>
        %max3A_475 = arith.maximumf %max3A_473, %min3A_472 : vector<16xf32>
        %min3A_476 = arith.minimumf %max3A_473, %min3A_472 : vector<16xf32>
        %min3A_477 = arith.minimumf %max3A_429, %max3A_471 : vector<16xf32>
        %min3A_478 = arith.minimumf %max3A_429, %max3A_475 : vector<16xf32>
        %min3A_479 = arith.minimumf %max3A_431, %max3A_471 : vector<16xf32>
        %min3A_480 = arith.minimumf %max3A_429, %min3A_476 : vector<16xf32>
        %min3A_481 = arith.minimumf %max3A_431, %max3A_475 : vector<16xf32>
        %min3A_482 = arith.minimumf %max3A_434, %max3A_471 : vector<16xf32>
        %max3A_483 = arith.maximumf %max3A_429, %max3A_471 : vector<16xf32>
        %max3A_484 = arith.maximumf %max3A_431, %max3A_475 : vector<16xf32>
        %max3A_485 = arith.maximumf %min3A_477, %max3A_484 : vector<16xf32>
        %max3A_486 = arith.maximumf %min3A_476, %max3A_434 : vector<16xf32>
        %max3A_487 = arith.maximumf %min3A_478, %min3A_479 : vector<16xf32>
        %max3A_488 = arith.maximumf %max3A_486, %max3A_487 : vector<16xf32>
        %max3A_489 = arith.maximumf %min3A_474, %max3A_438 : vector<16xf32>
        %max3A_490 = arith.maximumf %min3A_481, %min3A_482 : vector<16xf32>
        %max3A_491 = arith.maximumf %min3A_480, %max3A_490 : vector<16xf32>
        %max3A_492 = arith.maximumf %max3A_489, %max3A_491 : vector<16xf32>
        scf.yield %max3A_483, %max3A_485, %max3A_488, %max3A_492 : vector<16xf32>, vector<16xf32>, vector<16xf32>, vector<16xf32>
      }
      %scan3A_227 = arith.constant 32 : i32
      %add3A_228 = arith.constant 1 : i32
      %add3A_229 = arith.addi %scan3A_44, %add3A_228 : i32
      %lt3A = arith.constant 6 : i32
      %lt3A_230 = arith.cmpi slt, %add3A_229, %lt3A : i32
      %convert_element_type3A = arith.extui %lt3A_230 : i1 to i32
      %cond3A = arith.constant 0 : i32
      %cond3A_231 = arith.cmpi ne, %convert_element_type3A, %cond3A : i32
      scf.if %cond3A_231 {
        %add3A_382 = arith.constant 0 : i32
        %add3A_383 = arith.addi %select_n3A, %add3A_382 : i32
        %multiple_of3A_384 = tpu.assume_multiple %add3A_383, 256 : i32
        %multiple_of3A_385 = tpu.assume_multiple %select_n3A_54, 128 : i32
        %dma_start3A_386 = tpu.memref_slice %arg2[%multiple_of3A_384, %multiple_of3A_385] : memref<65536x768xf32, #tpu.memory_space<hbm>> -> memref<256x128xf32, #tpu.memory_space<hbm>>
        %dma_start3A_387 = tpu.memref_slice %arg2[%multiple_of3A_384, %multiple_of3A_385] : memref<65536x768xf32, #tpu.memory_space<hbm>> -> memref<256x128xf32, #tpu.memory_space<hbm>>
        tpu.enqueue_dma source(%dma_start3A_387 : memref<256x128xf32, #tpu.memory_space<hbm>>) target(%arg6 : memref<256x128xf32, #tpu.memory_space<vmem>>) target_semaphore(%arg9 : memref<!tpu.dma_semaphore, #tpu.memory_space<semaphore_mem>>)
      } else {
      }
      %add3A_232 = arith.constant 0 : i32
      %add3A_233 = arith.addi %add3A_22, %add3A_232 : i32
      %multiple_of3A_234 = tpu.assume_multiple %add3A_233, 256 : i32
      %multiple_of3A_235 = tpu.assume_multiple %scan3A, 128 : i32
      %dma_wait3A_236 = tpu.memref_slice %arg2[%multiple_of3A_234, %multiple_of3A_235] : memref<65536x768xf32, #tpu.memory_space<hbm>> -> memref<256x128xf32, #tpu.memory_space<hbm>>
      %dma_wait3A_237 = tpu.memref_slice %arg2[%multiple_of3A_234, %multiple_of3A_235] : memref<65536x768xf32, #tpu.memory_space<hbm>> -> memref<256x128xf32, #tpu.memory_space<hbm>>
      tpu.wait_dma2 semaphore(%arg10 : memref<!tpu.dma_semaphore, #tpu.memory_space<semaphore_mem>>) src(%dma_wait3A_237 : memref<256x128xf32, #tpu.memory_space<hbm>>) dst(%arg7 : memref<256x128xf32, #tpu.memory_space<vmem>>)
      %scan3A_238 = arith.constant 0 : i32
      %scan3A_239 = arith.constant 32 : i32
      %scan3A_240 = arith.addi %scan3A_238, %scan3A_239 : i32
      %scan3A_241 = arith.constant 1 : i32
      %scan3A_242:4 = scf.for %scan3A_382 = %scan3A_238 to %scan3A_240 step %scan3A_241 iter_args(%scan3A_383 = %scan3A_184#0, %scan3A_384 = %scan3A_184#1, %scan3A_385 = %scan3A_184#2, %scan3A_386 = %scan3A_184#3) -> (vector<16xf32>, vector<16xf32>, vector<16xf32>, vector<16xf32>)  : i32 {
        %mul3A_387 = arith.constant 8 : i32
        %mul3A_388 = arith.muli %scan3A_382, %mul3A_387 : i32
        %add3A_389 = arith.constant 0 : i32
        %add3A_390 = arith.addi %mul3A_388, %add3A_389 : i32
        %get3A_391 = arith.index_cast %add3A_390 : i32 to index
        %get3A_392 = arith.constant 0 : index
        %get3A_393 = tpu.vector_load %arg7[%get3A_391, %get3A_392] {strides = array<i32>} : memref<256x128xf32, #tpu.memory_space<vmem>>, vector<16xf32>,
        %mul3A_394 = arith.constant 8 : i32
        %mul3A_395 = arith.muli %scan3A_382, %mul3A_394 : i32
        %add3A_396 = arith.constant 1 : i32
        %add3A_397 = arith.addi %mul3A_395, %add3A_396 : i32
        %get3A_398 = arith.index_cast %add3A_397 : i32 to index
        %get3A_399 = arith.constant 0 : index
        %get3A_400 = tpu.vector_load %arg7[%get3A_398, %get3A_399] {strides = array<i32>} : memref<256x128xf32, #tpu.memory_space<vmem>>, vector<16xf32>,
        %mul3A_401 = arith.constant 8 : i32
        %mul3A_402 = arith.muli %scan3A_382, %mul3A_401 : i32
        %add3A_403 = arith.constant 2 : i32
        %add3A_404 = arith.addi %mul3A_402, %add3A_403 : i32
        %get3A_405 = arith.index_cast %add3A_404 : i32 to index
        %get3A_406 = arith.constant 0 : index
        %get3A_407 = tpu.vector_load %arg7[%get3A_405, %get3A_406] {strides = array<i32>} : memref<256x128xf32, #tpu.memory_space<vmem>>, vector<16xf32>,
        %mul3A_408 = arith.constant 8 : i32
        %mul3A_409 = arith.muli %scan3A_382, %mul3A_408 : i32
        %add3A_410 = arith.constant 3 : i32
        %add3A_411 = arith.addi %mul3A_409, %add3A_410 : i32
        %get3A_412 = arith.index_cast %add3A_411 : i32 to index
        %get3A_413 = arith.constant 0 : index
        %get3A_414 = tpu.vector_load %arg7[%get3A_412, %get3A_413] {strides = array<i32>} : memref<256x128xf32, #tpu.memory_space<vmem>>, vector<16xf32>,
        %max3A = arith.maximumf %get3A_393, %get3A_400 : vector<16xf32>
        %min3A = arith.minimumf %get3A_393, %get3A_400 : vector<16xf32>
        %max3A_415 = arith.maximumf %get3A_407, %get3A_414 : vector<16xf32>
        %min3A_416 = arith.minimumf %get3A_407, %get3A_414 : vector<16xf32>
        %max3A_417 = arith.maximumf %max3A, %max3A_415 : vector<16xf32>
        %min3A_418 = arith.minimumf %max3A, %max3A_415 : vector<16xf32>
        %max3A_419 = arith.maximumf %min3A, %min3A_416 : vector<16xf32>
        %min3A_420 = arith.minimumf %min3A, %min3A_416 : vector<16xf32>
        %max3A_421 = arith.maximumf %max3A_419, %min3A_418 : vector<16xf32>
        %min3A_422 = arith.minimumf %max3A_419, %min3A_418 : vector<16xf32>
        %min3A_423 = arith.minimumf %scan3A_383, %max3A_417 : vector<16xf32>
        %min3A_424 = arith.minimumf %scan3A_383, %max3A_421 : vector<16xf32>
        %min3A_425 = arith.minimumf %scan3A_384, %max3A_417 : vector<16xf32>
        %min3A_426 = arith.minimumf %scan3A_383, %min3A_422 : vector<16xf32>
        %min3A_427 = arith.minimumf %scan3A_384, %max3A_421 : vector<16xf32>
        %min3A_428 = arith.minimumf %scan3A_385, %max3A_417 : vector<16xf32>
        %max3A_429 = arith.maximumf %scan3A_383, %max3A_417 : vector<16xf32>
        %max3A_430 = arith.maximumf %scan3A_384, %max3A_421 : vector<16xf32>
        %max3A_431 = arith.maximumf %min3A_423, %max3A_430 : vector<16xf32>
        %max3A_432 = arith.maximumf %min3A_422, %scan3A_385 : vector<16xf32>
        %max3A_433 = arith.maximumf %min3A_424, %min3A_425 : vector<16xf32>
        %max3A_434 = arith.maximumf %max3A_432, %max3A_433 : vector<16xf32>
        %max3A_435 = arith.maximumf %min3A_420, %scan3A_386 : vector<16xf32>
        %max3A_436 = arith.maximumf %min3A_427, %min3A_428 : vector<16xf32>
        %max3A_437 = arith.maximumf %min3A_426, %max3A_436 : vector<16xf32>
        %max3A_438 = arith.maximumf %max3A_435, %max3A_437 : vector<16xf32>
        %mul3A_439 = arith.constant 8 : i32
        %mul3A_440 = arith.muli %scan3A_382, %mul3A_439 : i32
        %add3A_441 = arith.constant 4 : i32
        %add3A_442 = arith.addi %mul3A_440, %add3A_441 : i32
        %get3A_443 = arith.index_cast %add3A_442 : i32 to index
        %get3A_444 = arith.constant 0 : index
        %get3A_445 = tpu.vector_load %arg7[%get3A_443, %get3A_444] {strides = array<i32>} : memref<256x128xf32, #tpu.memory_space<vmem>>, vector<16xf32>,
        %mul3A_446 = arith.constant 8 : i32
        %mul3A_447 = arith.muli %scan3A_382, %mul3A_446 : i32
        %add3A_448 = arith.constant 5 : i32
        %add3A_449 = arith.addi %mul3A_447, %add3A_448 : i32
        %get3A_450 = arith.index_cast %add3A_449 : i32 to index
        %get3A_451 = arith.constant 0 : index
        %get3A_452 = tpu.vector_load %arg7[%get3A_450, %get3A_451] {strides = array<i32>} : memref<256x128xf32, #tpu.memory_space<vmem>>, vector<16xf32>,
        %mul3A_453 = arith.constant 8 : i32
        %mul3A_454 = arith.muli %scan3A_382, %mul3A_453 : i32
        %add3A_455 = arith.constant 6 : i32
        %add3A_456 = arith.addi %mul3A_454, %add3A_455 : i32
        %get3A_457 = arith.index_cast %add3A_456 : i32 to index
        %get3A_458 = arith.constant 0 : index
        %get3A_459 = tpu.vector_load %arg7[%get3A_457, %get3A_458] {strides = array<i32>} : memref<256x128xf32, #tpu.memory_space<vmem>>, vector<16xf32>,
        %mul3A_460 = arith.constant 8 : i32
        %mul3A_461 = arith.muli %scan3A_382, %mul3A_460 : i32
        %add3A_462 = arith.constant 7 : i32
        %add3A_463 = arith.addi %mul3A_461, %add3A_462 : i32
        %get3A_464 = arith.index_cast %add3A_463 : i32 to index
        %get3A_465 = arith.constant 0 : index
        %get3A_466 = tpu.vector_load %arg7[%get3A_464, %get3A_465] {strides = array<i32>} : memref<256x128xf32, #tpu.memory_space<vmem>>, vector<16xf32>,
        %max3A_467 = arith.maximumf %get3A_445, %get3A_452 : vector<16xf32>
        %min3A_468 = arith.minimumf %get3A_445, %get3A_452 : vector<16xf32>
        %max3A_469 = arith.maximumf %get3A_459, %get3A_466 : vector<16xf32>
        %min3A_470 = arith.minimumf %get3A_459, %get3A_466 : vector<16xf32>
        %max3A_471 = arith.maximumf %max3A_467, %max3A_469 : vector<16xf32>
        %min3A_472 = arith.minimumf %max3A_467, %max3A_469 : vector<16xf32>
        %max3A_473 = arith.maximumf %min3A_468, %min3A_470 : vector<16xf32>
        %min3A_474 = arith.minimumf %min3A_468, %min3A_470 : vector<16xf32>
        %max3A_475 = arith.maximumf %max3A_473, %min3A_472 : vector<16xf32>
        %min3A_476 = arith.minimumf %max3A_473, %min3A_472 : vector<16xf32>
        %min3A_477 = arith.minimumf %max3A_429, %max3A_471 : vector<16xf32>
        %min3A_478 = arith.minimumf %max3A_429, %max3A_475 : vector<16xf32>
        %min3A_479 = arith.minimumf %max3A_431, %max3A_471 : vector<16xf32>
        %min3A_480 = arith.minimumf %max3A_429, %min3A_476 : vector<16xf32>
        %min3A_481 = arith.minimumf %max3A_431, %max3A_475 : vector<16xf32>
        %min3A_482 = arith.minimumf %max3A_434, %max3A_471 : vector<16xf32>
        %max3A_483 = arith.maximumf %max3A_429, %max3A_471 : vector<16xf32>
        %max3A_484 = arith.maximumf %max3A_431, %max3A_475 : vector<16xf32>
        %max3A_485 = arith.maximumf %min3A_477, %max3A_484 : vector<16xf32>
        %max3A_486 = arith.maximumf %min3A_476, %max3A_434 : vector<16xf32>
        %max3A_487 = arith.maximumf %min3A_478, %min3A_479 : vector<16xf32>
        %max3A_488 = arith.maximumf %max3A_486, %max3A_487 : vector<16xf32>
        %max3A_489 = arith.maximumf %min3A_474, %max3A_438 : vector<16xf32>
        %max3A_490 = arith.maximumf %min3A_481, %min3A_482 : vector<16xf32>
        %max3A_491 = arith.maximumf %min3A_480, %max3A_490 : vector<16xf32>
        %max3A_492 = arith.maximumf %max3A_489, %max3A_491 : vector<16xf32>
        scf.yield %max3A_483, %max3A_485, %max3A_488, %max3A_492 : vector<16xf32>, vector<16xf32>, vector<16xf32>, vector<16xf32>
      }
      %scan3A_243 = arith.constant 32 : i32
      %scan3A_244 = arith.constant 0 : i32
      %scan3A_245 = arith.constant 32 : i32
      %scan3A_246 = arith.addi %scan3A_244, %scan3A_245 : i32
      %scan3A_247 = arith.constant 1 : i32
      %scan3A_248:4 = scf.for %scan3A_382 = %scan3A_244 to %scan3A_246 step %scan3A_247 iter_args(%scan3A_383 = %scan3A_190#0, %scan3A_384 = %scan3A_190#1, %scan3A_385 = %scan3A_190#2, %scan3A_386 = %scan3A_190#3) -> (vector<16xf32>, vector<16xf32>, vector<16xf32>, vector<16xf32>)  : i32 {
        %mul3A_387 = arith.constant 8 : i32
        %mul3A_388 = arith.muli %scan3A_382, %mul3A_387 : i32
        %add3A_389 = arith.constant 0 : i32
        %add3A_390 = arith.addi %mul3A_388, %add3A_389 : i32
        %get3A_391 = arith.index_cast %add3A_390 : i32 to index
        %get3A_392 = arith.constant 16 : index
        %get3A_393 = tpu.vector_load %arg7[%get3A_391, %get3A_392] {strides = array<i32>} : memref<256x128xf32, #tpu.memory_space<vmem>>, vector<16xf32>,
        %mul3A_394 = arith.constant 8 : i32
        %mul3A_395 = arith.muli %scan3A_382, %mul3A_394 : i32
        %add3A_396 = arith.constant 1 : i32
        %add3A_397 = arith.addi %mul3A_395, %add3A_396 : i32
        %get3A_398 = arith.index_cast %add3A_397 : i32 to index
        %get3A_399 = arith.constant 16 : index
        %get3A_400 = tpu.vector_load %arg7[%get3A_398, %get3A_399] {strides = array<i32>} : memref<256x128xf32, #tpu.memory_space<vmem>>, vector<16xf32>,
        %mul3A_401 = arith.constant 8 : i32
        %mul3A_402 = arith.muli %scan3A_382, %mul3A_401 : i32
        %add3A_403 = arith.constant 2 : i32
        %add3A_404 = arith.addi %mul3A_402, %add3A_403 : i32
        %get3A_405 = arith.index_cast %add3A_404 : i32 to index
        %get3A_406 = arith.constant 16 : index
        %get3A_407 = tpu.vector_load %arg7[%get3A_405, %get3A_406] {strides = array<i32>} : memref<256x128xf32, #tpu.memory_space<vmem>>, vector<16xf32>,
        %mul3A_408 = arith.constant 8 : i32
        %mul3A_409 = arith.muli %scan3A_382, %mul3A_408 : i32
        %add3A_410 = arith.constant 3 : i32
        %add3A_411 = arith.addi %mul3A_409, %add3A_410 : i32
        %get3A_412 = arith.index_cast %add3A_411 : i32 to index
        %get3A_413 = arith.constant 16 : index
        %get3A_414 = tpu.vector_load %arg7[%get3A_412, %get3A_413] {strides = array<i32>} : memref<256x128xf32, #tpu.memory_space<vmem>>, vector<16xf32>,
        %max3A = arith.maximumf %get3A_393, %get3A_400 : vector<16xf32>
        %min3A = arith.minimumf %get3A_393, %get3A_400 : vector<16xf32>
        %max3A_415 = arith.maximumf %get3A_407, %get3A_414 : vector<16xf32>
        %min3A_416 = arith.minimumf %get3A_407, %get3A_414 : vector<16xf32>
        %max3A_417 = arith.maximumf %max3A, %max3A_415 : vector<16xf32>
        %min3A_418 = arith.minimumf %max3A, %max3A_415 : vector<16xf32>
        %max3A_419 = arith.maximumf %min3A, %min3A_416 : vector<16xf32>
        %min3A_420 = arith.minimumf %min3A, %min3A_416 : vector<16xf32>
        %max3A_421 = arith.maximumf %max3A_419, %min3A_418 : vector<16xf32>
        %min3A_422 = arith.minimumf %max3A_419, %min3A_418 : vector<16xf32>
        %min3A_423 = arith.minimumf %scan3A_383, %max3A_417 : vector<16xf32>
        %min3A_424 = arith.minimumf %scan3A_383, %max3A_421 : vector<16xf32>
        %min3A_425 = arith.minimumf %scan3A_384, %max3A_417 : vector<16xf32>
        %min3A_426 = arith.minimumf %scan3A_383, %min3A_422 : vector<16xf32>
        %min3A_427 = arith.minimumf %scan3A_384, %max3A_421 : vector<16xf32>
        %min3A_428 = arith.minimumf %scan3A_385, %max3A_417 : vector<16xf32>
        %max3A_429 = arith.maximumf %scan3A_383, %max3A_417 : vector<16xf32>
        %max3A_430 = arith.maximumf %scan3A_384, %max3A_421 : vector<16xf32>
        %max3A_431 = arith.maximumf %min3A_423, %max3A_430 : vector<16xf32>
        %max3A_432 = arith.maximumf %min3A_422, %scan3A_385 : vector<16xf32>
        %max3A_433 = arith.maximumf %min3A_424, %min3A_425 : vector<16xf32>
        %max3A_434 = arith.maximumf %max3A_432, %max3A_433 : vector<16xf32>
        %max3A_435 = arith.maximumf %min3A_420, %scan3A_386 : vector<16xf32>
        %max3A_436 = arith.maximumf %min3A_427, %min3A_428 : vector<16xf32>
        %max3A_437 = arith.maximumf %min3A_426, %max3A_436 : vector<16xf32>
        %max3A_438 = arith.maximumf %max3A_435, %max3A_437 : vector<16xf32>
        %mul3A_439 = arith.constant 8 : i32
        %mul3A_440 = arith.muli %scan3A_382, %mul3A_439 : i32
        %add3A_441 = arith.constant 4 : i32
        %add3A_442 = arith.addi %mul3A_440, %add3A_441 : i32
        %get3A_443 = arith.index_cast %add3A_442 : i32 to index
        %get3A_444 = arith.constant 16 : index
        %get3A_445 = tpu.vector_load %arg7[%get3A_443, %get3A_444] {strides = array<i32>} : memref<256x128xf32, #tpu.memory_space<vmem>>, vector<16xf32>,
        %mul3A_446 = arith.constant 8 : i32
        %mul3A_447 = arith.muli %scan3A_382, %mul3A_446 : i32
        %add3A_448 = arith.constant 5 : i32
        %add3A_449 = arith.addi %mul3A_447, %add3A_448 : i32
        %get3A_450 = arith.index_cast %add3A_449 : i32 to index
        %get3A_451 = arith.constant 16 : index
        %get3A_452 = tpu.vector_load %arg7[%get3A_450, %get3A_451] {strides = array<i32>} : memref<256x128xf32, #tpu.memory_space<vmem>>, vector<16xf32>,
        %mul3A_453 = arith.constant 8 : i32
        %mul3A_454 = arith.muli %scan3A_382, %mul3A_453 : i32
        %add3A_455 = arith.constant 6 : i32
        %add3A_456 = arith.addi %mul3A_454, %add3A_455 : i32
        %get3A_457 = arith.index_cast %add3A_456 : i32 to index
        %get3A_458 = arith.constant 16 : index
        %get3A_459 = tpu.vector_load %arg7[%get3A_457, %get3A_458] {strides = array<i32>} : memref<256x128xf32, #tpu.memory_space<vmem>>, vector<16xf32>,
        %mul3A_460 = arith.constant 8 : i32
        %mul3A_461 = arith.muli %scan3A_382, %mul3A_460 : i32
        %add3A_462 = arith.constant 7 : i32
        %add3A_463 = arith.addi %mul3A_461, %add3A_462 : i32
        %get3A_464 = arith.index_cast %add3A_463 : i32 to index
        %get3A_465 = arith.constant 16 : index
        %get3A_466 = tpu.vector_load %arg7[%get3A_464, %get3A_465] {strides = array<i32>} : memref<256x128xf32, #tpu.memory_space<vmem>>, vector<16xf32>,
        %max3A_467 = arith.maximumf %get3A_445, %get3A_452 : vector<16xf32>
        %min3A_468 = arith.minimumf %get3A_445, %get3A_452 : vector<16xf32>
        %max3A_469 = arith.maximumf %get3A_459, %get3A_466 : vector<16xf32>
        %min3A_470 = arith.minimumf %get3A_459, %get3A_466 : vector<16xf32>
        %max3A_471 = arith.maximumf %max3A_467, %max3A_469 : vector<16xf32>
        %min3A_472 = arith.minimumf %max3A_467, %max3A_469 : vector<16xf32>
        %max3A_473 = arith.maximumf %min3A_468, %min3A_470 : vector<16xf32>
        %min3A_474 = arith.minimumf %min3A_468, %min3A_470 : vector<16xf32>
        %max3A_475 = arith.maximumf %max3A_473, %min3A_472 : vector<16xf32>
        %min3A_476 = arith.minimumf %max3A_473, %min3A_472 : vector<16xf32>
        %min3A_477 = arith.minimumf %max3A_429, %max3A_471 : vector<16xf32>
        %min3A_478 = arith.minimumf %max3A_429, %max3A_475 : vector<16xf32>
        %min3A_479 = arith.minimumf %max3A_431, %max3A_471 : vector<16xf32>
        %min3A_480 = arith.minimumf %max3A_429, %min3A_476 : vector<16xf32>
        %min3A_481 = arith.minimumf %max3A_431, %max3A_475 : vector<16xf32>
        %min3A_482 = arith.minimumf %max3A_434, %max3A_471 : vector<16xf32>
        %max3A_483 = arith.maximumf %max3A_429, %max3A_471 : vector<16xf32>
        %max3A_484 = arith.maximumf %max3A_431, %max3A_475 : vector<16xf32>
        %max3A_485 = arith.maximumf %min3A_477, %max3A_484 : vector<16xf32>
        %max3A_486 = arith.maximumf %min3A_476, %max3A_434 : vector<16xf32>
        %max3A_487 = arith.maximumf %min3A_478, %min3A_479 : vector<16xf32>
        %max3A_488 = arith.maximumf %max3A_486, %max3A_487 : vector<16xf32>
        %max3A_489 = arith.maximumf %min3A_474, %max3A_438 : vector<16xf32>
        %max3A_490 = arith.maximumf %min3A_481, %min3A_482 : vector<16xf32>
        %max3A_491 = arith.maximumf %min3A_480, %max3A_490 : vector<16xf32>
        %max3A_492 = arith.maximumf %max3A_489, %max3A_491 : vector<16xf32>
        scf.yield %max3A_483, %max3A_485, %max3A_488, %max3A_492 : vector<16xf32>, vector<16xf32>, vector<16xf32>, vector<16xf32>
      }
      %scan3A_249 = arith.constant 32 : i32
      %scan3A_250 = arith.constant 0 : i32
      %scan3A_251 = arith.constant 32 : i32
      %scan3A_252 = arith.addi %scan3A_250, %scan3A_251 : i32
      %scan3A_253 = arith.constant 1 : i32
      %scan3A_254:4 = scf.for %scan3A_382 = %scan3A_250 to %scan3A_252 step %scan3A_253 iter_args(%scan3A_383 = %scan3A_196#0, %scan3A_384 = %scan3A_196#1, %scan3A_385 = %scan3A_196#2, %scan3A_386 = %scan3A_196#3) -> (vector<16xf32>, vector<16xf32>, vector<16xf32>, vector<16xf32>)  : i32 {
        %mul3A_387 = arith.constant 8 : i32
        %mul3A_388 = arith.muli %scan3A_382, %mul3A_387 : i32
        %add3A_389 = arith.constant 0 : i32
        %add3A_390 = arith.addi %mul3A_388, %add3A_389 : i32
        %get3A_391 = arith.index_cast %add3A_390 : i32 to index
        %get3A_392 = arith.constant 32 : index
        %get3A_393 = tpu.vector_load %arg7[%get3A_391, %get3A_392] {strides = array<i32>} : memref<256x128xf32, #tpu.memory_space<vmem>>, vector<16xf32>,
        %mul3A_394 = arith.constant 8 : i32
        %mul3A_395 = arith.muli %scan3A_382, %mul3A_394 : i32
        %add3A_396 = arith.constant 1 : i32
        %add3A_397 = arith.addi %mul3A_395, %add3A_396 : i32
        %get3A_398 = arith.index_cast %add3A_397 : i32 to index
        %get3A_399 = arith.constant 32 : index
        %get3A_400 = tpu.vector_load %arg7[%get3A_398, %get3A_399] {strides = array<i32>} : memref<256x128xf32, #tpu.memory_space<vmem>>, vector<16xf32>,
        %mul3A_401 = arith.constant 8 : i32
        %mul3A_402 = arith.muli %scan3A_382, %mul3A_401 : i32
        %add3A_403 = arith.constant 2 : i32
        %add3A_404 = arith.addi %mul3A_402, %add3A_403 : i32
        %get3A_405 = arith.index_cast %add3A_404 : i32 to index
        %get3A_406 = arith.constant 32 : index
        %get3A_407 = tpu.vector_load %arg7[%get3A_405, %get3A_406] {strides = array<i32>} : memref<256x128xf32, #tpu.memory_space<vmem>>, vector<16xf32>,
        %mul3A_408 = arith.constant 8 : i32
        %mul3A_409 = arith.muli %scan3A_382, %mul3A_408 : i32
        %add3A_410 = arith.constant 3 : i32
        %add3A_411 = arith.addi %mul3A_409, %add3A_410 : i32
        %get3A_412 = arith.index_cast %add3A_411 : i32 to index
        %get3A_413 = arith.constant 32 : index
        %get3A_414 = tpu.vector_load %arg7[%get3A_412, %get3A_413] {strides = array<i32>} : memref<256x128xf32, #tpu.memory_space<vmem>>, vector<16xf32>,
        %max3A = arith.maximumf %get3A_393, %get3A_400 : vector<16xf32>
        %min3A = arith.minimumf %get3A_393, %get3A_400 : vector<16xf32>
        %max3A_415 = arith.maximumf %get3A_407, %get3A_414 : vector<16xf32>
        %min3A_416 = arith.minimumf %get3A_407, %get3A_414 : vector<16xf32>
        %max3A_417 = arith.maximumf %max3A, %max3A_415 : vector<16xf32>
        %min3A_418 = arith.minimumf %max3A, %max3A_415 : vector<16xf32>
        %max3A_419 = arith.maximumf %min3A, %min3A_416 : vector<16xf32>
        %min3A_420 = arith.minimumf %min3A, %min3A_416 : vector<16xf32>
        %max3A_421 = arith.maximumf %max3A_419, %min3A_418 : vector<16xf32>
        %min3A_422 = arith.minimumf %max3A_419, %min3A_418 : vector<16xf32>
        %min3A_423 = arith.minimumf %scan3A_383, %max3A_417 : vector<16xf32>
        %min3A_424 = arith.minimumf %scan3A_383, %max3A_421 : vector<16xf32>
        %min3A_425 = arith.minimumf %scan3A_384, %max3A_417 : vector<16xf32>
        %min3A_426 = arith.minimumf %scan3A_383, %min3A_422 : vector<16xf32>
        %min3A_427 = arith.minimumf %scan3A_384, %max3A_421 : vector<16xf32>
        %min3A_428 = arith.minimumf %scan3A_385, %max3A_417 : vector<16xf32>
        %max3A_429 = arith.maximumf %scan3A_383, %max3A_417 : vector<16xf32>
        %max3A_430 = arith.maximumf %scan3A_384, %max3A_421 : vector<16xf32>
        %max3A_431 = arith.maximumf %min3A_423, %max3A_430 : vector<16xf32>
        %max3A_432 = arith.maximumf %min3A_422, %scan3A_385 : vector<16xf32>
        %max3A_433 = arith.maximumf %min3A_424, %min3A_425 : vector<16xf32>
        %max3A_434 = arith.maximumf %max3A_432, %max3A_433 : vector<16xf32>
        %max3A_435 = arith.maximumf %min3A_420, %scan3A_386 : vector<16xf32>
        %max3A_436 = arith.maximumf %min3A_427, %min3A_428 : vector<16xf32>
        %max3A_437 = arith.maximumf %min3A_426, %max3A_436 : vector<16xf32>
        %max3A_438 = arith.maximumf %max3A_435, %max3A_437 : vector<16xf32>
        %mul3A_439 = arith.constant 8 : i32
        %mul3A_440 = arith.muli %scan3A_382, %mul3A_439 : i32
        %add3A_441 = arith.constant 4 : i32
        %add3A_442 = arith.addi %mul3A_440, %add3A_441 : i32
        %get3A_443 = arith.index_cast %add3A_442 : i32 to index
        %get3A_444 = arith.constant 32 : index
        %get3A_445 = tpu.vector_load %arg7[%get3A_443, %get3A_444] {strides = array<i32>} : memref<256x128xf32, #tpu.memory_space<vmem>>, vector<16xf32>,
        %mul3A_446 = arith.constant 8 : i32
        %mul3A_447 = arith.muli %scan3A_382, %mul3A_446 : i32
        %add3A_448 = arith.constant 5 : i32
        %add3A_449 = arith.addi %mul3A_447, %add3A_448 : i32
        %get3A_450 = arith.index_cast %add3A_449 : i32 to index
        %get3A_451 = arith.constant 32 : index
        %get3A_452 = tpu.vector_load %arg7[%get3A_450, %get3A_451] {strides = array<i32>} : memref<256x128xf32, #tpu.memory_space<vmem>>, vector<16xf32>,
        %mul3A_453 = arith.constant 8 : i32
        %mul3A_454 = arith.muli %scan3A_382, %mul3A_453 : i32
        %add3A_455 = arith.constant 6 : i32
        %add3A_456 = arith.addi %mul3A_454, %add3A_455 : i32
        %get3A_457 = arith.index_cast %add3A_456 : i32 to index
        %get3A_458 = arith.constant 32 : index
        %get3A_459 = tpu.vector_load %arg7[%get3A_457, %get3A_458] {strides = array<i32>} : memref<256x128xf32, #tpu.memory_space<vmem>>, vector<16xf32>,
        %mul3A_460 = arith.constant 8 : i32
        %mul3A_461 = arith.muli %scan3A_382, %mul3A_460 : i32
        %add3A_462 = arith.constant 7 : i32
        %add3A_463 = arith.addi %mul3A_461, %add3A_462 : i32
        %get3A_464 = arith.index_cast %add3A_463 : i32 to index
        %get3A_465 = arith.constant 32 : index
        %get3A_466 = tpu.vector_load %arg7[%get3A_464, %get3A_465] {strides = array<i32>} : memref<256x128xf32, #tpu.memory_space<vmem>>, vector<16xf32>,
        %max3A_467 = arith.maximumf %get3A_445, %get3A_452 : vector<16xf32>
        %min3A_468 = arith.minimumf %get3A_445, %get3A_452 : vector<16xf32>
        %max3A_469 = arith.maximumf %get3A_459, %get3A_466 : vector<16xf32>
        %min3A_470 = arith.minimumf %get3A_459, %get3A_466 : vector<16xf32>
        %max3A_471 = arith.maximumf %max3A_467, %max3A_469 : vector<16xf32>
        %min3A_472 = arith.minimumf %max3A_467, %max3A_469 : vector<16xf32>
        %max3A_473 = arith.maximumf %min3A_468, %min3A_470 : vector<16xf32>
        %min3A_474 = arith.minimumf %min3A_468, %min3A_470 : vector<16xf32>
        %max3A_475 = arith.maximumf %max3A_473, %min3A_472 : vector<16xf32>
        %min3A_476 = arith.minimumf %max3A_473, %min3A_472 : vector<16xf32>
        %min3A_477 = arith.minimumf %max3A_429, %max3A_471 : vector<16xf32>
        %min3A_478 = arith.minimumf %max3A_429, %max3A_475 : vector<16xf32>
        %min3A_479 = arith.minimumf %max3A_431, %max3A_471 : vector<16xf32>
        %min3A_480 = arith.minimumf %max3A_429, %min3A_476 : vector<16xf32>
        %min3A_481 = arith.minimumf %max3A_431, %max3A_475 : vector<16xf32>
        %min3A_482 = arith.minimumf %max3A_434, %max3A_471 : vector<16xf32>
        %max3A_483 = arith.maximumf %max3A_429, %max3A_471 : vector<16xf32>
        %max3A_484 = arith.maximumf %max3A_431, %max3A_475 : vector<16xf32>
        %max3A_485 = arith.maximumf %min3A_477, %max3A_484 : vector<16xf32>
        %max3A_486 = arith.maximumf %min3A_476, %max3A_434 : vector<16xf32>
        %max3A_487 = arith.maximumf %min3A_478, %min3A_479 : vector<16xf32>
        %max3A_488 = arith.maximumf %max3A_486, %max3A_487 : vector<16xf32>
        %max3A_489 = arith.maximumf %min3A_474, %max3A_438 : vector<16xf32>
        %max3A_490 = arith.maximumf %min3A_481, %min3A_482 : vector<16xf32>
        %max3A_491 = arith.maximumf %min3A_480, %max3A_490 : vector<16xf32>
        %max3A_492 = arith.maximumf %max3A_489, %max3A_491 : vector<16xf32>
        scf.yield %max3A_483, %max3A_485, %max3A_488, %max3A_492 : vector<16xf32>, vector<16xf32>, vector<16xf32>, vector<16xf32>
      }
      %scan3A_255 = arith.constant 32 : i32
      %scan3A_256 = arith.constant 0 : i32
      %scan3A_257 = arith.constant 32 : i32
      %scan3A_258 = arith.addi %scan3A_256, %scan3A_257 : i32
      %scan3A_259 = arith.constant 1 : i32
      %scan3A_260:4 = scf.for %scan3A_382 = %scan3A_256 to %scan3A_258 step %scan3A_259 iter_args(%scan3A_383 = %scan3A_202#0, %scan3A_384 = %scan3A_202#1, %scan3A_385 = %scan3A_202#2, %scan3A_386 = %scan3A_202#3) -> (vector<16xf32>, vector<16xf32>, vector<16xf32>, vector<16xf32>)  : i32 {
        %mul3A_387 = arith.constant 8 : i32
        %mul3A_388 = arith.muli %scan3A_382, %mul3A_387 : i32
        %add3A_389 = arith.constant 0 : i32
        %add3A_390 = arith.addi %mul3A_388, %add3A_389 : i32
        %get3A_391 = arith.index_cast %add3A_390 : i32 to index
        %get3A_392 = arith.constant 48 : index
        %get3A_393 = tpu.vector_load %arg7[%get3A_391, %get3A_392] {strides = array<i32>} : memref<256x128xf32, #tpu.memory_space<vmem>>, vector<16xf32>,
        %mul3A_394 = arith.constant 8 : i32
        %mul3A_395 = arith.muli %scan3A_382, %mul3A_394 : i32
        %add3A_396 = arith.constant 1 : i32
        %add3A_397 = arith.addi %mul3A_395, %add3A_396 : i32
        %get3A_398 = arith.index_cast %add3A_397 : i32 to index
        %get3A_399 = arith.constant 48 : index
        %get3A_400 = tpu.vector_load %arg7[%get3A_398, %get3A_399] {strides = array<i32>} : memref<256x128xf32, #tpu.memory_space<vmem>>, vector<16xf32>,
        %mul3A_401 = arith.constant 8 : i32
        %mul3A_402 = arith.muli %scan3A_382, %mul3A_401 : i32
        %add3A_403 = arith.constant 2 : i32
        %add3A_404 = arith.addi %mul3A_402, %add3A_403 : i32
        %get3A_405 = arith.index_cast %add3A_404 : i32 to index
        %get3A_406 = arith.constant 48 : index
        %get3A_407 = tpu.vector_load %arg7[%get3A_405, %get3A_406] {strides = array<i32>} : memref<256x128xf32, #tpu.memory_space<vmem>>, vector<16xf32>,
        %mul3A_408 = arith.constant 8 : i32
        %mul3A_409 = arith.muli %scan3A_382, %mul3A_408 : i32
        %add3A_410 = arith.constant 3 : i32
        %add3A_411 = arith.addi %mul3A_409, %add3A_410 : i32
        %get3A_412 = arith.index_cast %add3A_411 : i32 to index
        %get3A_413 = arith.constant 48 : index
        %get3A_414 = tpu.vector_load %arg7[%get3A_412, %get3A_413] {strides = array<i32>} : memref<256x128xf32, #tpu.memory_space<vmem>>, vector<16xf32>,
        %max3A = arith.maximumf %get3A_393, %get3A_400 : vector<16xf32>
        %min3A = arith.minimumf %get3A_393, %get3A_400 : vector<16xf32>
        %max3A_415 = arith.maximumf %get3A_407, %get3A_414 : vector<16xf32>
        %min3A_416 = arith.minimumf %get3A_407, %get3A_414 : vector<16xf32>
        %max3A_417 = arith.maximumf %max3A, %max3A_415 : vector<16xf32>
        %min3A_418 = arith.minimumf %max3A, %max3A_415 : vector<16xf32>
        %max3A_419 = arith.maximumf %min3A, %min3A_416 : vector<16xf32>
        %min3A_420 = arith.minimumf %min3A, %min3A_416 : vector<16xf32>
        %max3A_421 = arith.maximumf %max3A_419, %min3A_418 : vector<16xf32>
        %min3A_422 = arith.minimumf %max3A_419, %min3A_418 : vector<16xf32>
        %min3A_423 = arith.minimumf %scan3A_383, %max3A_417 : vector<16xf32>
        %min3A_424 = arith.minimumf %scan3A_383, %max3A_421 : vector<16xf32>
        %min3A_425 = arith.minimumf %scan3A_384, %max3A_417 : vector<16xf32>
        %min3A_426 = arith.minimumf %scan3A_383, %min3A_422 : vector<16xf32>
        %min3A_427 = arith.minimumf %scan3A_384, %max3A_421 : vector<16xf32>
        %min3A_428 = arith.minimumf %scan3A_385, %max3A_417 : vector<16xf32>
        %max3A_429 = arith.maximumf %scan3A_383, %max3A_417 : vector<16xf32>
        %max3A_430 = arith.maximumf %scan3A_384, %max3A_421 : vector<16xf32>
        %max3A_431 = arith.maximumf %min3A_423, %max3A_430 : vector<16xf32>
        %max3A_432 = arith.maximumf %min3A_422, %scan3A_385 : vector<16xf32>
        %max3A_433 = arith.maximumf %min3A_424, %min3A_425 : vector<16xf32>
        %max3A_434 = arith.maximumf %max3A_432, %max3A_433 : vector<16xf32>
        %max3A_435 = arith.maximumf %min3A_420, %scan3A_386 : vector<16xf32>
        %max3A_436 = arith.maximumf %min3A_427, %min3A_428 : vector<16xf32>
        %max3A_437 = arith.maximumf %min3A_426, %max3A_436 : vector<16xf32>
        %max3A_438 = arith.maximumf %max3A_435, %max3A_437 : vector<16xf32>
        %mul3A_439 = arith.constant 8 : i32
        %mul3A_440 = arith.muli %scan3A_382, %mul3A_439 : i32
        %add3A_441 = arith.constant 4 : i32
        %add3A_442 = arith.addi %mul3A_440, %add3A_441 : i32
        %get3A_443 = arith.index_cast %add3A_442 : i32 to index
        %get3A_444 = arith.constant 48 : index
        %get3A_445 = tpu.vector_load %arg7[%get3A_443, %get3A_444] {strides = array<i32>} : memref<256x128xf32, #tpu.memory_space<vmem>>, vector<16xf32>,
        %mul3A_446 = arith.constant 8 : i32
        %mul3A_447 = arith.muli %scan3A_382, %mul3A_446 : i32
        %add3A_448 = arith.constant 5 : i32
        %add3A_449 = arith.addi %mul3A_447, %add3A_448 : i32
        %get3A_450 = arith.index_cast %add3A_449 : i32 to index
        %get3A_451 = arith.constant 48 : index
        %get3A_452 = tpu.vector_load %arg7[%get3A_450, %get3A_451] {strides = array<i32>} : memref<256x128xf32, #tpu.memory_space<vmem>>, vector<16xf32>,
        %mul3A_453 = arith.constant 8 : i32
        %mul3A_454 = arith.muli %scan3A_382, %mul3A_453 : i32
        %add3A_455 = arith.constant 6 : i32
        %add3A_456 = arith.addi %mul3A_454, %add3A_455 : i32
        %get3A_457 = arith.index_cast %add3A_456 : i32 to index
        %get3A_458 = arith.constant 48 : index
        %get3A_459 = tpu.vector_load %arg7[%get3A_457, %get3A_458] {strides = array<i32>} : memref<256x128xf32, #tpu.memory_space<vmem>>, vector<16xf32>,
        %mul3A_460 = arith.constant 8 : i32
        %mul3A_461 = arith.muli %scan3A_382, %mul3A_460 : i32
        %add3A_462 = arith.constant 7 : i32
        %add3A_463 = arith.addi %mul3A_461, %add3A_462 : i32
        %get3A_464 = arith.index_cast %add3A_463 : i32 to index
        %get3A_465 = arith.constant 48 : index
        %get3A_466 = tpu.vector_load %arg7[%get3A_464, %get3A_465] {strides = array<i32>} : memref<256x128xf32, #tpu.memory_space<vmem>>, vector<16xf32>,
        %max3A_467 = arith.maximumf %get3A_445, %get3A_452 : vector<16xf32>
        %min3A_468 = arith.minimumf %get3A_445, %get3A_452 : vector<16xf32>
        %max3A_469 = arith.maximumf %get3A_459, %get3A_466 : vector<16xf32>
        %min3A_470 = arith.minimumf %get3A_459, %get3A_466 : vector<16xf32>
        %max3A_471 = arith.maximumf %max3A_467, %max3A_469 : vector<16xf32>
        %min3A_472 = arith.minimumf %max3A_467, %max3A_469 : vector<16xf32>
        %max3A_473 = arith.maximumf %min3A_468, %min3A_470 : vector<16xf32>
        %min3A_474 = arith.minimumf %min3A_468, %min3A_470 : vector<16xf32>
        %max3A_475 = arith.maximumf %max3A_473, %min3A_472 : vector<16xf32>
        %min3A_476 = arith.minimumf %max3A_473, %min3A_472 : vector<16xf32>
        %min3A_477 = arith.minimumf %max3A_429, %max3A_471 : vector<16xf32>
        %min3A_478 = arith.minimumf %max3A_429, %max3A_475 : vector<16xf32>
        %min3A_479 = arith.minimumf %max3A_431, %max3A_471 : vector<16xf32>
        %min3A_480 = arith.minimumf %max3A_429, %min3A_476 : vector<16xf32>
        %min3A_481 = arith.minimumf %max3A_431, %max3A_475 : vector<16xf32>
        %min3A_482 = arith.minimumf %max3A_434, %max3A_471 : vector<16xf32>
        %max3A_483 = arith.maximumf %max3A_429, %max3A_471 : vector<16xf32>
        %max3A_484 = arith.maximumf %max3A_431, %max3A_475 : vector<16xf32>
        %max3A_485 = arith.maximumf %min3A_477, %max3A_484 : vector<16xf32>
        %max3A_486 = arith.maximumf %min3A_476, %max3A_434 : vector<16xf32>
        %max3A_487 = arith.maximumf %min3A_478, %min3A_479 : vector<16xf32>
        %max3A_488 = arith.maximumf %max3A_486, %max3A_487 : vector<16xf32>
        %max3A_489 = arith.maximumf %min3A_474, %max3A_438 : vector<16xf32>
        %max3A_490 = arith.maximumf %min3A_481, %min3A_482 : vector<16xf32>
        %max3A_491 = arith.maximumf %min3A_480, %max3A_490 : vector<16xf32>
        %max3A_492 = arith.maximumf %max3A_489, %max3A_491 : vector<16xf32>
        scf.yield %max3A_483, %max3A_485, %max3A_488, %max3A_492 : vector<16xf32>, vector<16xf32>, vector<16xf32>, vector<16xf32>
      }
      %scan3A_261 = arith.constant 32 : i32
      %scan3A_262 = arith.constant 0 : i32
      %scan3A_263 = arith.constant 32 : i32
      %scan3A_264 = arith.addi %scan3A_262, %scan3A_263 : i32
      %scan3A_265 = arith.constant 1 : i32
      %scan3A_266:4 = scf.for %scan3A_382 = %scan3A_262 to %scan3A_264 step %scan3A_265 iter_args(%scan3A_383 = %scan3A_208#0, %scan3A_384 = %scan3A_208#1, %scan3A_385 = %scan3A_208#2, %scan3A_386 = %scan3A_208#3) -> (vector<16xf32>, vector<16xf32>, vector<16xf32>, vector<16xf32>)  : i32 {
        %mul3A_387 = arith.constant 8 : i32
        %mul3A_388 = arith.muli %scan3A_382, %mul3A_387 : i32
        %add3A_389 = arith.constant 0 : i32
        %add3A_390 = arith.addi %mul3A_388, %add3A_389 : i32
        %get3A_391 = arith.index_cast %add3A_390 : i32 to index
        %get3A_392 = arith.constant 64 : index
        %get3A_393 = tpu.vector_load %arg7[%get3A_391, %get3A_392] {strides = array<i32>} : memref<256x128xf32, #tpu.memory_space<vmem>>, vector<16xf32>,
        %mul3A_394 = arith.constant 8 : i32
        %mul3A_395 = arith.muli %scan3A_382, %mul3A_394 : i32
        %add3A_396 = arith.constant 1 : i32
        %add3A_397 = arith.addi %mul3A_395, %add3A_396 : i32
        %get3A_398 = arith.index_cast %add3A_397 : i32 to index
        %get3A_399 = arith.constant 64 : index
        %get3A_400 = tpu.vector_load %arg7[%get3A_398, %get3A_399] {strides = array<i32>} : memref<256x128xf32, #tpu.memory_space<vmem>>, vector<16xf32>,
        %mul3A_401 = arith.constant 8 : i32
        %mul3A_402 = arith.muli %scan3A_382, %mul3A_401 : i32
        %add3A_403 = arith.constant 2 : i32
        %add3A_404 = arith.addi %mul3A_402, %add3A_403 : i32
        %get3A_405 = arith.index_cast %add3A_404 : i32 to index
        %get3A_406 = arith.constant 64 : index
        %get3A_407 = tpu.vector_load %arg7[%get3A_405, %get3A_406] {strides = array<i32>} : memref<256x128xf32, #tpu.memory_space<vmem>>, vector<16xf32>,
        %mul3A_408 = arith.constant 8 : i32
        %mul3A_409 = arith.muli %scan3A_382, %mul3A_408 : i32
        %add3A_410 = arith.constant 3 : i32
        %add3A_411 = arith.addi %mul3A_409, %add3A_410 : i32
        %get3A_412 = arith.index_cast %add3A_411 : i32 to index
        %get3A_413 = arith.constant 64 : index
        %get3A_414 = tpu.vector_load %arg7[%get3A_412, %get3A_413] {strides = array<i32>} : memref<256x128xf32, #tpu.memory_space<vmem>>, vector<16xf32>,
        %max3A = arith.maximumf %get3A_393, %get3A_400 : vector<16xf32>
        %min3A = arith.minimumf %get3A_393, %get3A_400 : vector<16xf32>
        %max3A_415 = arith.maximumf %get3A_407, %get3A_414 : vector<16xf32>
        %min3A_416 = arith.minimumf %get3A_407, %get3A_414 : vector<16xf32>
        %max3A_417 = arith.maximumf %max3A, %max3A_415 : vector<16xf32>
        %min3A_418 = arith.minimumf %max3A, %max3A_415 : vector<16xf32>
        %max3A_419 = arith.maximumf %min3A, %min3A_416 : vector<16xf32>
        %min3A_420 = arith.minimumf %min3A, %min3A_416 : vector<16xf32>
        %max3A_421 = arith.maximumf %max3A_419, %min3A_418 : vector<16xf32>
        %min3A_422 = arith.minimumf %max3A_419, %min3A_418 : vector<16xf32>
        %min3A_423 = arith.minimumf %scan3A_383, %max3A_417 : vector<16xf32>
        %min3A_424 = arith.minimumf %scan3A_383, %max3A_421 : vector<16xf32>
        %min3A_425 = arith.minimumf %scan3A_384, %max3A_417 : vector<16xf32>
        %min3A_426 = arith.minimumf %scan3A_383, %min3A_422 : vector<16xf32>
        %min3A_427 = arith.minimumf %scan3A_384, %max3A_421 : vector<16xf32>
        %min3A_428 = arith.minimumf %scan3A_385, %max3A_417 : vector<16xf32>
        %max3A_429 = arith.maximumf %scan3A_383, %max3A_417 : vector<16xf32>
        %max3A_430 = arith.maximumf %scan3A_384, %max3A_421 : vector<16xf32>
        %max3A_431 = arith.maximumf %min3A_423, %max3A_430 : vector<16xf32>
        %max3A_432 = arith.maximumf %min3A_422, %scan3A_385 : vector<16xf32>
        %max3A_433 = arith.maximumf %min3A_424, %min3A_425 : vector<16xf32>
        %max3A_434 = arith.maximumf %max3A_432, %max3A_433 : vector<16xf32>
        %max3A_435 = arith.maximumf %min3A_420, %scan3A_386 : vector<16xf32>
        %max3A_436 = arith.maximumf %min3A_427, %min3A_428 : vector<16xf32>
        %max3A_437 = arith.maximumf %min3A_426, %max3A_436 : vector<16xf32>
        %max3A_438 = arith.maximumf %max3A_435, %max3A_437 : vector<16xf32>
        %mul3A_439 = arith.constant 8 : i32
        %mul3A_440 = arith.muli %scan3A_382, %mul3A_439 : i32
        %add3A_441 = arith.constant 4 : i32
        %add3A_442 = arith.addi %mul3A_440, %add3A_441 : i32
        %get3A_443 = arith.index_cast %add3A_442 : i32 to index
        %get3A_444 = arith.constant 64 : index
        %get3A_445 = tpu.vector_load %arg7[%get3A_443, %get3A_444] {strides = array<i32>} : memref<256x128xf32, #tpu.memory_space<vmem>>, vector<16xf32>,
        %mul3A_446 = arith.constant 8 : i32
        %mul3A_447 = arith.muli %scan3A_382, %mul3A_446 : i32
        %add3A_448 = arith.constant 5 : i32
        %add3A_449 = arith.addi %mul3A_447, %add3A_448 : i32
        %get3A_450 = arith.index_cast %add3A_449 : i32 to index
        %get3A_451 = arith.constant 64 : index
        %get3A_452 = tpu.vector_load %arg7[%get3A_450, %get3A_451] {strides = array<i32>} : memref<256x128xf32, #tpu.memory_space<vmem>>, vector<16xf32>,
        %mul3A_453 = arith.constant 8 : i32
        %mul3A_454 = arith.muli %scan3A_382, %mul3A_453 : i32
        %add3A_455 = arith.constant 6 : i32
        %add3A_456 = arith.addi %mul3A_454, %add3A_455 : i32
        %get3A_457 = arith.index_cast %add3A_456 : i32 to index
        %get3A_458 = arith.constant 64 : index
        %get3A_459 = tpu.vector_load %arg7[%get3A_457, %get3A_458] {strides = array<i32>} : memref<256x128xf32, #tpu.memory_space<vmem>>, vector<16xf32>,
        %mul3A_460 = arith.constant 8 : i32
        %mul3A_461 = arith.muli %scan3A_382, %mul3A_460 : i32
        %add3A_462 = arith.constant 7 : i32
        %add3A_463 = arith.addi %mul3A_461, %add3A_462 : i32
        %get3A_464 = arith.index_cast %add3A_463 : i32 to index
        %get3A_465 = arith.constant 64 : index
        %get3A_466 = tpu.vector_load %arg7[%get3A_464, %get3A_465] {strides = array<i32>} : memref<256x128xf32, #tpu.memory_space<vmem>>, vector<16xf32>,
        %max3A_467 = arith.maximumf %get3A_445, %get3A_452 : vector<16xf32>
        %min3A_468 = arith.minimumf %get3A_445, %get3A_452 : vector<16xf32>
        %max3A_469 = arith.maximumf %get3A_459, %get3A_466 : vector<16xf32>
        %min3A_470 = arith.minimumf %get3A_459, %get3A_466 : vector<16xf32>
        %max3A_471 = arith.maximumf %max3A_467, %max3A_469 : vector<16xf32>
        %min3A_472 = arith.minimumf %max3A_467, %max3A_469 : vector<16xf32>
        %max3A_473 = arith.maximumf %min3A_468, %min3A_470 : vector<16xf32>
        %min3A_474 = arith.minimumf %min3A_468, %min3A_470 : vector<16xf32>
        %max3A_475 = arith.maximumf %max3A_473, %min3A_472 : vector<16xf32>
        %min3A_476 = arith.minimumf %max3A_473, %min3A_472 : vector<16xf32>
        %min3A_477 = arith.minimumf %max3A_429, %max3A_471 : vector<16xf32>
        %min3A_478 = arith.minimumf %max3A_429, %max3A_475 : vector<16xf32>
        %min3A_479 = arith.minimumf %max3A_431, %max3A_471 : vector<16xf32>
        %min3A_480 = arith.minimumf %max3A_429, %min3A_476 : vector<16xf32>
        %min3A_481 = arith.minimumf %max3A_431, %max3A_475 : vector<16xf32>
        %min3A_482 = arith.minimumf %max3A_434, %max3A_471 : vector<16xf32>
        %max3A_483 = arith.maximumf %max3A_429, %max3A_471 : vector<16xf32>
        %max3A_484 = arith.maximumf %max3A_431, %max3A_475 : vector<16xf32>
        %max3A_485 = arith.maximumf %min3A_477, %max3A_484 : vector<16xf32>
        %max3A_486 = arith.maximumf %min3A_476, %max3A_434 : vector<16xf32>
        %max3A_487 = arith.maximumf %min3A_478, %min3A_479 : vector<16xf32>
        %max3A_488 = arith.maximumf %max3A_486, %max3A_487 : vector<16xf32>
        %max3A_489 = arith.maximumf %min3A_474, %max3A_438 : vector<16xf32>
        %max3A_490 = arith.maximumf %min3A_481, %min3A_482 : vector<16xf32>
        %max3A_491 = arith.maximumf %min3A_480, %max3A_490 : vector<16xf32>
        %max3A_492 = arith.maximumf %max3A_489, %max3A_491 : vector<16xf32>
        scf.yield %max3A_483, %max3A_485, %max3A_488, %max3A_492 : vector<16xf32>, vector<16xf32>, vector<16xf32>, vector<16xf32>
      }
      %scan3A_267 = arith.constant 32 : i32
      %scan3A_268 = arith.constant 0 : i32
      %scan3A_269 = arith.constant 32 : i32
      %scan3A_270 = arith.addi %scan3A_268, %scan3A_269 : i32
      %scan3A_271 = arith.constant 1 : i32
      %scan3A_272:4 = scf.for %scan3A_382 = %scan3A_268 to %scan3A_270 step %scan3A_271 iter_args(%scan3A_383 = %scan3A_214#0, %scan3A_384 = %scan3A_214#1, %scan3A_385 = %scan3A_214#2, %scan3A_386 = %scan3A_214#3) -> (vector<16xf32>, vector<16xf32>, vector<16xf32>, vector<16xf32>)  : i32 {
        %mul3A_387 = arith.constant 8 : i32
        %mul3A_388 = arith.muli %scan3A_382, %mul3A_387 : i32
        %add3A_389 = arith.constant 0 : i32
        %add3A_390 = arith.addi %mul3A_388, %add3A_389 : i32
        %get3A_391 = arith.index_cast %add3A_390 : i32 to index
        %get3A_392 = arith.constant 80 : index
        %get3A_393 = tpu.vector_load %arg7[%get3A_391, %get3A_392] {strides = array<i32>} : memref<256x128xf32, #tpu.memory_space<vmem>>, vector<16xf32>,
        %mul3A_394 = arith.constant 8 : i32
        %mul3A_395 = arith.muli %scan3A_382, %mul3A_394 : i32
        %add3A_396 = arith.constant 1 : i32
        %add3A_397 = arith.addi %mul3A_395, %add3A_396 : i32
        %get3A_398 = arith.index_cast %add3A_397 : i32 to index
        %get3A_399 = arith.constant 80 : index
        %get3A_400 = tpu.vector_load %arg7[%get3A_398, %get3A_399] {strides = array<i32>} : memref<256x128xf32, #tpu.memory_space<vmem>>, vector<16xf32>,
        %mul3A_401 = arith.constant 8 : i32
        %mul3A_402 = arith.muli %scan3A_382, %mul3A_401 : i32
        %add3A_403 = arith.constant 2 : i32
        %add3A_404 = arith.addi %mul3A_402, %add3A_403 : i32
        %get3A_405 = arith.index_cast %add3A_404 : i32 to index
        %get3A_406 = arith.constant 80 : index
        %get3A_407 = tpu.vector_load %arg7[%get3A_405, %get3A_406] {strides = array<i32>} : memref<256x128xf32, #tpu.memory_space<vmem>>, vector<16xf32>,
        %mul3A_408 = arith.constant 8 : i32
        %mul3A_409 = arith.muli %scan3A_382, %mul3A_408 : i32
        %add3A_410 = arith.constant 3 : i32
        %add3A_411 = arith.addi %mul3A_409, %add3A_410 : i32
        %get3A_412 = arith.index_cast %add3A_411 : i32 to index
        %get3A_413 = arith.constant 80 : index
        %get3A_414 = tpu.vector_load %arg7[%get3A_412, %get3A_413] {strides = array<i32>} : memref<256x128xf32, #tpu.memory_space<vmem>>, vector<16xf32>,
        %max3A = arith.maximumf %get3A_393, %get3A_400 : vector<16xf32>
        %min3A = arith.minimumf %get3A_393, %get3A_400 : vector<16xf32>
        %max3A_415 = arith.maximumf %get3A_407, %get3A_414 : vector<16xf32>
        %min3A_416 = arith.minimumf %get3A_407, %get3A_414 : vector<16xf32>
        %max3A_417 = arith.maximumf %max3A, %max3A_415 : vector<16xf32>
        %min3A_418 = arith.minimumf %max3A, %max3A_415 : vector<16xf32>
        %max3A_419 = arith.maximumf %min3A, %min3A_416 : vector<16xf32>
        %min3A_420 = arith.minimumf %min3A, %min3A_416 : vector<16xf32>
        %max3A_421 = arith.maximumf %max3A_419, %min3A_418 : vector<16xf32>
        %min3A_422 = arith.minimumf %max3A_419, %min3A_418 : vector<16xf32>
        %min3A_423 = arith.minimumf %scan3A_383, %max3A_417 : vector<16xf32>
        %min3A_424 = arith.minimumf %scan3A_383, %max3A_421 : vector<16xf32>
        %min3A_425 = arith.minimumf %scan3A_384, %max3A_417 : vector<16xf32>
        %min3A_426 = arith.minimumf %scan3A_383, %min3A_422 : vector<16xf32>
        %min3A_427 = arith.minimumf %scan3A_384, %max3A_421 : vector<16xf32>
        %min3A_428 = arith.minimumf %scan3A_385, %max3A_417 : vector<16xf32>
        %max3A_429 = arith.maximumf %scan3A_383, %max3A_417 : vector<16xf32>
        %max3A_430 = arith.maximumf %scan3A_384, %max3A_421 : vector<16xf32>
        %max3A_431 = arith.maximumf %min3A_423, %max3A_430 : vector<16xf32>
        %max3A_432 = arith.maximumf %min3A_422, %scan3A_385 : vector<16xf32>
        %max3A_433 = arith.maximumf %min3A_424, %min3A_425 : vector<16xf32>
        %max3A_434 = arith.maximumf %max3A_432, %max3A_433 : vector<16xf32>
        %max3A_435 = arith.maximumf %min3A_420, %scan3A_386 : vector<16xf32>
        %max3A_436 = arith.maximumf %min3A_427, %min3A_428 : vector<16xf32>
        %max3A_437 = arith.maximumf %min3A_426, %max3A_436 : vector<16xf32>
        %max3A_438 = arith.maximumf %max3A_435, %max3A_437 : vector<16xf32>
        %mul3A_439 = arith.constant 8 : i32
        %mul3A_440 = arith.muli %scan3A_382, %mul3A_439 : i32
        %add3A_441 = arith.constant 4 : i32
        %add3A_442 = arith.addi %mul3A_440, %add3A_441 : i32
        %get3A_443 = arith.index_cast %add3A_442 : i32 to index
        %get3A_444 = arith.constant 80 : index
        %get3A_445 = tpu.vector_load %arg7[%get3A_443, %get3A_444] {strides = array<i32>} : memref<256x128xf32, #tpu.memory_space<vmem>>, vector<16xf32>,
        %mul3A_446 = arith.constant 8 : i32
        %mul3A_447 = arith.muli %scan3A_382, %mul3A_446 : i32
        %add3A_448 = arith.constant 5 : i32
        %add3A_449 = arith.addi %mul3A_447, %add3A_448 : i32
        %get3A_450 = arith.index_cast %add3A_449 : i32 to index
        %get3A_451 = arith.constant 80 : index
        %get3A_452 = tpu.vector_load %arg7[%get3A_450, %get3A_451] {strides = array<i32>} : memref<256x128xf32, #tpu.memory_space<vmem>>, vector<16xf32>,
        %mul3A_453 = arith.constant 8 : i32
        %mul3A_454 = arith.muli %scan3A_382, %mul3A_453 : i32
        %add3A_455 = arith.constant 6 : i32
        %add3A_456 = arith.addi %mul3A_454, %add3A_455 : i32
        %get3A_457 = arith.index_cast %add3A_456 : i32 to index
        %get3A_458 = arith.constant 80 : index
        %get3A_459 = tpu.vector_load %arg7[%get3A_457, %get3A_458] {strides = array<i32>} : memref<256x128xf32, #tpu.memory_space<vmem>>, vector<16xf32>,
        %mul3A_460 = arith.constant 8 : i32
        %mul3A_461 = arith.muli %scan3A_382, %mul3A_460 : i32
        %add3A_462 = arith.constant 7 : i32
        %add3A_463 = arith.addi %mul3A_461, %add3A_462 : i32
        %get3A_464 = arith.index_cast %add3A_463 : i32 to index
        %get3A_465 = arith.constant 80 : index
        %get3A_466 = tpu.vector_load %arg7[%get3A_464, %get3A_465] {strides = array<i32>} : memref<256x128xf32, #tpu.memory_space<vmem>>, vector<16xf32>,
        %max3A_467 = arith.maximumf %get3A_445, %get3A_452 : vector<16xf32>
        %min3A_468 = arith.minimumf %get3A_445, %get3A_452 : vector<16xf32>
        %max3A_469 = arith.maximumf %get3A_459, %get3A_466 : vector<16xf32>
        %min3A_470 = arith.minimumf %get3A_459, %get3A_466 : vector<16xf32>
        %max3A_471 = arith.maximumf %max3A_467, %max3A_469 : vector<16xf32>
        %min3A_472 = arith.minimumf %max3A_467, %max3A_469 : vector<16xf32>
        %max3A_473 = arith.maximumf %min3A_468, %min3A_470 : vector<16xf32>
        %min3A_474 = arith.minimumf %min3A_468, %min3A_470 : vector<16xf32>
        %max3A_475 = arith.maximumf %max3A_473, %min3A_472 : vector<16xf32>
        %min3A_476 = arith.minimumf %max3A_473, %min3A_472 : vector<16xf32>
        %min3A_477 = arith.minimumf %max3A_429, %max3A_471 : vector<16xf32>
        %min3A_478 = arith.minimumf %max3A_429, %max3A_475 : vector<16xf32>
        %min3A_479 = arith.minimumf %max3A_431, %max3A_471 : vector<16xf32>
        %min3A_480 = arith.minimumf %max3A_429, %min3A_476 : vector<16xf32>
        %min3A_481 = arith.minimumf %max3A_431, %max3A_475 : vector<16xf32>
        %min3A_482 = arith.minimumf %max3A_434, %max3A_471 : vector<16xf32>
        %max3A_483 = arith.maximumf %max3A_429, %max3A_471 : vector<16xf32>
        %max3A_484 = arith.maximumf %max3A_431, %max3A_475 : vector<16xf32>
        %max3A_485 = arith.maximumf %min3A_477, %max3A_484 : vector<16xf32>
        %max3A_486 = arith.maximumf %min3A_476, %max3A_434 : vector<16xf32>
        %max3A_487 = arith.maximumf %min3A_478, %min3A_479 : vector<16xf32>
        %max3A_488 = arith.maximumf %max3A_486, %max3A_487 : vector<16xf32>
        %max3A_489 = arith.maximumf %min3A_474, %max3A_438 : vector<16xf32>
        %max3A_490 = arith.maximumf %min3A_481, %min3A_482 : vector<16xf32>
        %max3A_491 = arith.maximumf %min3A_480, %max3A_490 : vector<16xf32>
        %max3A_492 = arith.maximumf %max3A_489, %max3A_491 : vector<16xf32>
        scf.yield %max3A_483, %max3A_485, %max3A_488, %max3A_492 : vector<16xf32>, vector<16xf32>, vector<16xf32>, vector<16xf32>
      }
      %scan3A_273 = arith.constant 32 : i32
      %scan3A_274 = arith.constant 0 : i32
      %scan3A_275 = arith.constant 32 : i32
      %scan3A_276 = arith.addi %scan3A_274, %scan3A_275 : i32
      %scan3A_277 = arith.constant 1 : i32
      %scan3A_278:4 = scf.for %scan3A_382 = %scan3A_274 to %scan3A_276 step %scan3A_277 iter_args(%scan3A_383 = %scan3A_220#0, %scan3A_384 = %scan3A_220#1, %scan3A_385 = %scan3A_220#2, %scan3A_386 = %scan3A_220#3) -> (vector<16xf32>, vector<16xf32>, vector<16xf32>, vector<16xf32>)  : i32 {
        %mul3A_387 = arith.constant 8 : i32
        %mul3A_388 = arith.muli %scan3A_382, %mul3A_387 : i32
        %add3A_389 = arith.constant 0 : i32
        %add3A_390 = arith.addi %mul3A_388, %add3A_389 : i32
        %get3A_391 = arith.index_cast %add3A_390 : i32 to index
        %get3A_392 = arith.constant 96 : index
        %get3A_393 = tpu.vector_load %arg7[%get3A_391, %get3A_392] {strides = array<i32>} : memref<256x128xf32, #tpu.memory_space<vmem>>, vector<16xf32>,
        %mul3A_394 = arith.constant 8 : i32
        %mul3A_395 = arith.muli %scan3A_382, %mul3A_394 : i32
        %add3A_396 = arith.constant 1 : i32
        %add3A_397 = arith.addi %mul3A_395, %add3A_396 : i32
        %get3A_398 = arith.index_cast %add3A_397 : i32 to index
        %get3A_399 = arith.constant 96 : index
        %get3A_400 = tpu.vector_load %arg7[%get3A_398, %get3A_399] {strides = array<i32>} : memref<256x128xf32, #tpu.memory_space<vmem>>, vector<16xf32>,
        %mul3A_401 = arith.constant 8 : i32
        %mul3A_402 = arith.muli %scan3A_382, %mul3A_401 : i32
        %add3A_403 = arith.constant 2 : i32
        %add3A_404 = arith.addi %mul3A_402, %add3A_403 : i32
        %get3A_405 = arith.index_cast %add3A_404 : i32 to index
        %get3A_406 = arith.constant 96 : index
        %get3A_407 = tpu.vector_load %arg7[%get3A_405, %get3A_406] {strides = array<i32>} : memref<256x128xf32, #tpu.memory_space<vmem>>, vector<16xf32>,
        %mul3A_408 = arith.constant 8 : i32
        %mul3A_409 = arith.muli %scan3A_382, %mul3A_408 : i32
        %add3A_410 = arith.constant 3 : i32
        %add3A_411 = arith.addi %mul3A_409, %add3A_410 : i32
        %get3A_412 = arith.index_cast %add3A_411 : i32 to index
        %get3A_413 = arith.constant 96 : index
        %get3A_414 = tpu.vector_load %arg7[%get3A_412, %get3A_413] {strides = array<i32>} : memref<256x128xf32, #tpu.memory_space<vmem>>, vector<16xf32>,
        %max3A = arith.maximumf %get3A_393, %get3A_400 : vector<16xf32>
        %min3A = arith.minimumf %get3A_393, %get3A_400 : vector<16xf32>
        %max3A_415 = arith.maximumf %get3A_407, %get3A_414 : vector<16xf32>
        %min3A_416 = arith.minimumf %get3A_407, %get3A_414 : vector<16xf32>
        %max3A_417 = arith.maximumf %max3A, %max3A_415 : vector<16xf32>
        %min3A_418 = arith.minimumf %max3A, %max3A_415 : vector<16xf32>
        %max3A_419 = arith.maximumf %min3A, %min3A_416 : vector<16xf32>
        %min3A_420 = arith.minimumf %min3A, %min3A_416 : vector<16xf32>
        %max3A_421 = arith.maximumf %max3A_419, %min3A_418 : vector<16xf32>
        %min3A_422 = arith.minimumf %max3A_419, %min3A_418 : vector<16xf32>
        %min3A_423 = arith.minimumf %scan3A_383, %max3A_417 : vector<16xf32>
        %min3A_424 = arith.minimumf %scan3A_383, %max3A_421 : vector<16xf32>
        %min3A_425 = arith.minimumf %scan3A_384, %max3A_417 : vector<16xf32>
        %min3A_426 = arith.minimumf %scan3A_383, %min3A_422 : vector<16xf32>
        %min3A_427 = arith.minimumf %scan3A_384, %max3A_421 : vector<16xf32>
        %min3A_428 = arith.minimumf %scan3A_385, %max3A_417 : vector<16xf32>
        %max3A_429 = arith.maximumf %scan3A_383, %max3A_417 : vector<16xf32>
        %max3A_430 = arith.maximumf %scan3A_384, %max3A_421 : vector<16xf32>
        %max3A_431 = arith.maximumf %min3A_423, %max3A_430 : vector<16xf32>
        %max3A_432 = arith.maximumf %min3A_422, %scan3A_385 : vector<16xf32>
        %max3A_433 = arith.maximumf %min3A_424, %min3A_425 : vector<16xf32>
        %max3A_434 = arith.maximumf %max3A_432, %max3A_433 : vector<16xf32>
        %max3A_435 = arith.maximumf %min3A_420, %scan3A_386 : vector<16xf32>
        %max3A_436 = arith.maximumf %min3A_427, %min3A_428 : vector<16xf32>
        %max3A_437 = arith.maximumf %min3A_426, %max3A_436 : vector<16xf32>
        %max3A_438 = arith.maximumf %max3A_435, %max3A_437 : vector<16xf32>
        %mul3A_439 = arith.constant 8 : i32
        %mul3A_440 = arith.muli %scan3A_382, %mul3A_439 : i32
        %add3A_441 = arith.constant 4 : i32
        %add3A_442 = arith.addi %mul3A_440, %add3A_441 : i32
        %get3A_443 = arith.index_cast %add3A_442 : i32 to index
        %get3A_444 = arith.constant 96 : index
        %get3A_445 = tpu.vector_load %arg7[%get3A_443, %get3A_444] {strides = array<i32>} : memref<256x128xf32, #tpu.memory_space<vmem>>, vector<16xf32>,
        %mul3A_446 = arith.constant 8 : i32
        %mul3A_447 = arith.muli %scan3A_382, %mul3A_446 : i32
        %add3A_448 = arith.constant 5 : i32
        %add3A_449 = arith.addi %mul3A_447, %add3A_448 : i32
        %get3A_450 = arith.index_cast %add3A_449 : i32 to index
        %get3A_451 = arith.constant 96 : index
        %get3A_452 = tpu.vector_load %arg7[%get3A_450, %get3A_451] {strides = array<i32>} : memref<256x128xf32, #tpu.memory_space<vmem>>, vector<16xf32>,
        %mul3A_453 = arith.constant 8 : i32
        %mul3A_454 = arith.muli %scan3A_382, %mul3A_453 : i32
        %add3A_455 = arith.constant 6 : i32
        %add3A_456 = arith.addi %mul3A_454, %add3A_455 : i32
        %get3A_457 = arith.index_cast %add3A_456 : i32 to index
        %get3A_458 = arith.constant 96 : index
        %get3A_459 = tpu.vector_load %arg7[%get3A_457, %get3A_458] {strides = array<i32>} : memref<256x128xf32, #tpu.memory_space<vmem>>, vector<16xf32>,
        %mul3A_460 = arith.constant 8 : i32
        %mul3A_461 = arith.muli %scan3A_382, %mul3A_460 : i32
        %add3A_462 = arith.constant 7 : i32
        %add3A_463 = arith.addi %mul3A_461, %add3A_462 : i32
        %get3A_464 = arith.index_cast %add3A_463 : i32 to index
        %get3A_465 = arith.constant 96 : index
        %get3A_466 = tpu.vector_load %arg7[%get3A_464, %get3A_465] {strides = array<i32>} : memref<256x128xf32, #tpu.memory_space<vmem>>, vector<16xf32>,
        %max3A_467 = arith.maximumf %get3A_445, %get3A_452 : vector<16xf32>
        %min3A_468 = arith.minimumf %get3A_445, %get3A_452 : vector<16xf32>
        %max3A_469 = arith.maximumf %get3A_459, %get3A_466 : vector<16xf32>
        %min3A_470 = arith.minimumf %get3A_459, %get3A_466 : vector<16xf32>
        %max3A_471 = arith.maximumf %max3A_467, %max3A_469 : vector<16xf32>
        %min3A_472 = arith.minimumf %max3A_467, %max3A_469 : vector<16xf32>
        %max3A_473 = arith.maximumf %min3A_468, %min3A_470 : vector<16xf32>
        %min3A_474 = arith.minimumf %min3A_468, %min3A_470 : vector<16xf32>
        %max3A_475 = arith.maximumf %max3A_473, %min3A_472 : vector<16xf32>
        %min3A_476 = arith.minimumf %max3A_473, %min3A_472 : vector<16xf32>
        %min3A_477 = arith.minimumf %max3A_429, %max3A_471 : vector<16xf32>
        %min3A_478 = arith.minimumf %max3A_429, %max3A_475 : vector<16xf32>
        %min3A_479 = arith.minimumf %max3A_431, %max3A_471 : vector<16xf32>
        %min3A_480 = arith.minimumf %max3A_429, %min3A_476 : vector<16xf32>
        %min3A_481 = arith.minimumf %max3A_431, %max3A_475 : vector<16xf32>
        %min3A_482 = arith.minimumf %max3A_434, %max3A_471 : vector<16xf32>
        %max3A_483 = arith.maximumf %max3A_429, %max3A_471 : vector<16xf32>
        %max3A_484 = arith.maximumf %max3A_431, %max3A_475 : vector<16xf32>
        %max3A_485 = arith.maximumf %min3A_477, %max3A_484 : vector<16xf32>
        %max3A_486 = arith.maximumf %min3A_476, %max3A_434 : vector<16xf32>
        %max3A_487 = arith.maximumf %min3A_478, %min3A_479 : vector<16xf32>
        %max3A_488 = arith.maximumf %max3A_486, %max3A_487 : vector<16xf32>
        %max3A_489 = arith.maximumf %min3A_474, %max3A_438 : vector<16xf32>
        %max3A_490 = arith.maximumf %min3A_481, %min3A_482 : vector<16xf32>
        %max3A_491 = arith.maximumf %min3A_480, %max3A_490 : vector<16xf32>
        %max3A_492 = arith.maximumf %max3A_489, %max3A_491 : vector<16xf32>
        scf.yield %max3A_483, %max3A_485, %max3A_488, %max3A_492 : vector<16xf32>, vector<16xf32>, vector<16xf32>, vector<16xf32>
      }
      %scan3A_279 = arith.constant 32 : i32
      %scan3A_280 = arith.constant 0 : i32
      %scan3A_281 = arith.constant 32 : i32
      %scan3A_282 = arith.addi %scan3A_280, %scan3A_281 : i32
      %scan3A_283 = arith.constant 1 : i32
      %scan3A_284:4 = scf.for %scan3A_382 = %scan3A_280 to %scan3A_282 step %scan3A_283 iter_args(%scan3A_383 = %scan3A_226#0, %scan3A_384 = %scan3A_226#1, %scan3A_385 = %scan3A_226#2, %scan3A_386 = %scan3A_226#3) -> (vector<16xf32>, vector<16xf32>, vector<16xf32>, vector<16xf32>)  : i32 {
        %mul3A_387 = arith.constant 8 : i32
        %mul3A_388 = arith.muli %scan3A_382, %mul3A_387 : i32
        %add3A_389 = arith.constant 0 : i32
        %add3A_390 = arith.addi %mul3A_388, %add3A_389 : i32
        %get3A_391 = arith.index_cast %add3A_390 : i32 to index
        %get3A_392 = arith.constant 112 : index
        %get3A_393 = tpu.vector_load %arg7[%get3A_391, %get3A_392] {strides = array<i32>} : memref<256x128xf32, #tpu.memory_space<vmem>>, vector<16xf32>,
        %mul3A_394 = arith.constant 8 : i32
        %mul3A_395 = arith.muli %scan3A_382, %mul3A_394 : i32
        %add3A_396 = arith.constant 1 : i32
        %add3A_397 = arith.addi %mul3A_395, %add3A_396 : i32
        %get3A_398 = arith.index_cast %add3A_397 : i32 to index
        %get3A_399 = arith.constant 112 : index
        %get3A_400 = tpu.vector_load %arg7[%get3A_398, %get3A_399] {strides = array<i32>} : memref<256x128xf32, #tpu.memory_space<vmem>>, vector<16xf32>,
        %mul3A_401 = arith.constant 8 : i32
        %mul3A_402 = arith.muli %scan3A_382, %mul3A_401 : i32
        %add3A_403 = arith.constant 2 : i32
        %add3A_404 = arith.addi %mul3A_402, %add3A_403 : i32
        %get3A_405 = arith.index_cast %add3A_404 : i32 to index
        %get3A_406 = arith.constant 112 : index
        %get3A_407 = tpu.vector_load %arg7[%get3A_405, %get3A_406] {strides = array<i32>} : memref<256x128xf32, #tpu.memory_space<vmem>>, vector<16xf32>,
        %mul3A_408 = arith.constant 8 : i32
        %mul3A_409 = arith.muli %scan3A_382, %mul3A_408 : i32
        %add3A_410 = arith.constant 3 : i32
        %add3A_411 = arith.addi %mul3A_409, %add3A_410 : i32
        %get3A_412 = arith.index_cast %add3A_411 : i32 to index
        %get3A_413 = arith.constant 112 : index
        %get3A_414 = tpu.vector_load %arg7[%get3A_412, %get3A_413] {strides = array<i32>} : memref<256x128xf32, #tpu.memory_space<vmem>>, vector<16xf32>,
        %max3A = arith.maximumf %get3A_393, %get3A_400 : vector<16xf32>
        %min3A = arith.minimumf %get3A_393, %get3A_400 : vector<16xf32>
        %max3A_415 = arith.maximumf %get3A_407, %get3A_414 : vector<16xf32>
        %min3A_416 = arith.minimumf %get3A_407, %get3A_414 : vector<16xf32>
        %max3A_417 = arith.maximumf %max3A, %max3A_415 : vector<16xf32>
        %min3A_418 = arith.minimumf %max3A, %max3A_415 : vector<16xf32>
        %max3A_419 = arith.maximumf %min3A, %min3A_416 : vector<16xf32>
        %min3A_420 = arith.minimumf %min3A, %min3A_416 : vector<16xf32>
        %max3A_421 = arith.maximumf %max3A_419, %min3A_418 : vector<16xf32>
        %min3A_422 = arith.minimumf %max3A_419, %min3A_418 : vector<16xf32>
        %min3A_423 = arith.minimumf %scan3A_383, %max3A_417 : vector<16xf32>
        %min3A_424 = arith.minimumf %scan3A_383, %max3A_421 : vector<16xf32>
        %min3A_425 = arith.minimumf %scan3A_384, %max3A_417 : vector<16xf32>
        %min3A_426 = arith.minimumf %scan3A_383, %min3A_422 : vector<16xf32>
        %min3A_427 = arith.minimumf %scan3A_384, %max3A_421 : vector<16xf32>
        %min3A_428 = arith.minimumf %scan3A_385, %max3A_417 : vector<16xf32>
        %max3A_429 = arith.maximumf %scan3A_383, %max3A_417 : vector<16xf32>
        %max3A_430 = arith.maximumf %scan3A_384, %max3A_421 : vector<16xf32>
        %max3A_431 = arith.maximumf %min3A_423, %max3A_430 : vector<16xf32>
        %max3A_432 = arith.maximumf %min3A_422, %scan3A_385 : vector<16xf32>
        %max3A_433 = arith.maximumf %min3A_424, %min3A_425 : vector<16xf32>
        %max3A_434 = arith.maximumf %max3A_432, %max3A_433 : vector<16xf32>
        %max3A_435 = arith.maximumf %min3A_420, %scan3A_386 : vector<16xf32>
        %max3A_436 = arith.maximumf %min3A_427, %min3A_428 : vector<16xf32>
        %max3A_437 = arith.maximumf %min3A_426, %max3A_436 : vector<16xf32>
        %max3A_438 = arith.maximumf %max3A_435, %max3A_437 : vector<16xf32>
        %mul3A_439 = arith.constant 8 : i32
        %mul3A_440 = arith.muli %scan3A_382, %mul3A_439 : i32
        %add3A_441 = arith.constant 4 : i32
        %add3A_442 = arith.addi %mul3A_440, %add3A_441 : i32
        %get3A_443 = arith.index_cast %add3A_442 : i32 to index
        %get3A_444 = arith.constant 112 : index
        %get3A_445 = tpu.vector_load %arg7[%get3A_443, %get3A_444] {strides = array<i32>} : memref<256x128xf32, #tpu.memory_space<vmem>>, vector<16xf32>,
        %mul3A_446 = arith.constant 8 : i32
        %mul3A_447 = arith.muli %scan3A_382, %mul3A_446 : i32
        %add3A_448 = arith.constant 5 : i32
        %add3A_449 = arith.addi %mul3A_447, %add3A_448 : i32
        %get3A_450 = arith.index_cast %add3A_449 : i32 to index
        %get3A_451 = arith.constant 112 : index
        %get3A_452 = tpu.vector_load %arg7[%get3A_450, %get3A_451] {strides = array<i32>} : memref<256x128xf32, #tpu.memory_space<vmem>>, vector<16xf32>,
        %mul3A_453 = arith.constant 8 : i32
        %mul3A_454 = arith.muli %scan3A_382, %mul3A_453 : i32
        %add3A_455 = arith.constant 6 : i32
        %add3A_456 = arith.addi %mul3A_454, %add3A_455 : i32
        %get3A_457 = arith.index_cast %add3A_456 : i32 to index
        %get3A_458 = arith.constant 112 : index
        %get3A_459 = tpu.vector_load %arg7[%get3A_457, %get3A_458] {strides = array<i32>} : memref<256x128xf32, #tpu.memory_space<vmem>>, vector<16xf32>,
        %mul3A_460 = arith.constant 8 : i32
        %mul3A_461 = arith.muli %scan3A_382, %mul3A_460 : i32
        %add3A_462 = arith.constant 7 : i32
        %add3A_463 = arith.addi %mul3A_461, %add3A_462 : i32
        %get3A_464 = arith.index_cast %add3A_463 : i32 to index
        %get3A_465 = arith.constant 112 : index
        %get3A_466 = tpu.vector_load %arg7[%get3A_464, %get3A_465] {strides = array<i32>} : memref<256x128xf32, #tpu.memory_space<vmem>>, vector<16xf32>,
        %max3A_467 = arith.maximumf %get3A_445, %get3A_452 : vector<16xf32>
        %min3A_468 = arith.minimumf %get3A_445, %get3A_452 : vector<16xf32>
        %max3A_469 = arith.maximumf %get3A_459, %get3A_466 : vector<16xf32>
        %min3A_470 = arith.minimumf %get3A_459, %get3A_466 : vector<16xf32>
        %max3A_471 = arith.maximumf %max3A_467, %max3A_469 : vector<16xf32>
        %min3A_472 = arith.minimumf %max3A_467, %max3A_469 : vector<16xf32>
        %max3A_473 = arith.maximumf %min3A_468, %min3A_470 : vector<16xf32>
        %min3A_474 = arith.minimumf %min3A_468, %min3A_470 : vector<16xf32>
        %max3A_475 = arith.maximumf %max3A_473, %min3A_472 : vector<16xf32>
        %min3A_476 = arith.minimumf %max3A_473, %min3A_472 : vector<16xf32>
        %min3A_477 = arith.minimumf %max3A_429, %max3A_471 : vector<16xf32>
        %min3A_478 = arith.minimumf %max3A_429, %max3A_475 : vector<16xf32>
        %min3A_479 = arith.minimumf %max3A_431, %max3A_471 : vector<16xf32>
        %min3A_480 = arith.minimumf %max3A_429, %min3A_476 : vector<16xf32>
        %min3A_481 = arith.minimumf %max3A_431, %max3A_475 : vector<16xf32>
        %min3A_482 = arith.minimumf %max3A_434, %max3A_471 : vector<16xf32>
        %max3A_483 = arith.maximumf %max3A_429, %max3A_471 : vector<16xf32>
        %max3A_484 = arith.maximumf %max3A_431, %max3A_475 : vector<16xf32>
        %max3A_485 = arith.maximumf %min3A_477, %max3A_484 : vector<16xf32>
        %max3A_486 = arith.maximumf %min3A_476, %max3A_434 : vector<16xf32>
        %max3A_487 = arith.maximumf %min3A_478, %min3A_479 : vector<16xf32>
        %max3A_488 = arith.maximumf %max3A_486, %max3A_487 : vector<16xf32>
        %max3A_489 = arith.maximumf %min3A_474, %max3A_438 : vector<16xf32>
        %max3A_490 = arith.maximumf %min3A_481, %min3A_482 : vector<16xf32>
        %max3A_491 = arith.maximumf %min3A_480, %max3A_490 : vector<16xf32>
        %max3A_492 = arith.maximumf %max3A_489, %max3A_491 : vector<16xf32>
        scf.yield %max3A_483, %max3A_485, %max3A_488, %max3A_492 : vector<16xf32>, vector<16xf32>, vector<16xf32>, vector<16xf32>
      }
      %scan3A_285 = arith.constant 32 : i32
      %add3A_286 = arith.constant 1 : i32
      %add3A_287 = arith.addi %scan3A_44, %add3A_286 : i32
      %lt3A_288 = arith.constant 6 : i32
      %lt3A_289 = arith.cmpi slt, %add3A_287, %lt3A_288 : i32
      %convert_element_type3A_290 = arith.extui %lt3A_289 : i1 to i32
      %cond3A_291 = arith.constant 0 : i32
      %cond3A_292 = arith.cmpi ne, %convert_element_type3A_290, %cond3A_291 : i32
      scf.if %cond3A_292 {
        %add3A_382 = arith.constant 256 : i32
        %add3A_383 = arith.addi %select_n3A, %add3A_382 : i32
        %multiple_of3A_384 = tpu.assume_multiple %add3A_383, 256 : i32
        %multiple_of3A_385 = tpu.assume_multiple %select_n3A_54, 128 : i32
        %dma_start3A_386 = tpu.memref_slice %arg2[%multiple_of3A_384, %multiple_of3A_385] : memref<65536x768xf32, #tpu.memory_space<hbm>> -> memref<256x128xf32, #tpu.memory_space<hbm>>
        %dma_start3A_387 = tpu.memref_slice %arg2[%multiple_of3A_384, %multiple_of3A_385] : memref<65536x768xf32, #tpu.memory_space<hbm>> -> memref<256x128xf32, #tpu.memory_space<hbm>>
        tpu.enqueue_dma source(%dma_start3A_387 : memref<256x128xf32, #tpu.memory_space<hbm>>) target(%arg7 : memref<256x128xf32, #tpu.memory_space<vmem>>) target_semaphore(%arg10 : memref<!tpu.dma_semaphore, #tpu.memory_space<semaphore_mem>>)
      } else {
      }
      %mul3A_293 = arith.constant 128 : i32
      %mul3A_294 = arith.muli %scan3A_44, %mul3A_293 : i32
      %mul3A_295 = arith.mulf %scan3A_242#0, %get3A_7 : vector<16xf32>
      %mul3A_296 = arith.mulf %scan3A_242#1, %get3A_11 : vector<16xf32>
      %add3A_297 = arith.addf %mul3A_295, %mul3A_296 : vector<16xf32>
      %mul3A_298 = arith.mulf %scan3A_242#2, %get3A_15 : vector<16xf32>
      %add3A_299 = arith.addf %add3A_297, %mul3A_298 : vector<16xf32>
      %mul3A_300 = arith.mulf %scan3A_242#3, %get3A_19 : vector<16xf32>
      %add3A_301 = arith.addf %add3A_299, %mul3A_300 : vector<16xf32>
      %add3A_302 = arith.constant 0 : i32
      %add3A_303 = arith.addi %mul3A_294, %add3A_302 : i32
      %swap3A = arith.index_cast %add3A_303 : i32 to index
      %swap3A_304 = tpu.vector_load %arg8[%swap3A] {strides = array<i32>} : memref<768xf32, #tpu.memory_space<vmem>>, vector<16xf32>,
      tpu.vector_store %arg8[%swap3A], %add3A_301 {strides = array<i32>} : memref<768xf32, #tpu.memory_space<vmem>>, vector<16xf32>,
      %mul3A_305 = arith.mulf %scan3A_248#0, %get3A_7 : vector<16xf32>
      %mul3A_306 = arith.mulf %scan3A_248#1, %get3A_11 : vector<16xf32>
      %add3A_307 = arith.addf %mul3A_305, %mul3A_306 : vector<16xf32>
      %mul3A_308 = arith.mulf %scan3A_248#2, %get3A_15 : vector<16xf32>
      %add3A_309 = arith.addf %add3A_307, %mul3A_308 : vector<16xf32>
      %mul3A_310 = arith.mulf %scan3A_248#3, %get3A_19 : vector<16xf32>
      %add3A_311 = arith.addf %add3A_309, %mul3A_310 : vector<16xf32>
      %add3A_312 = arith.constant 16 : i32
      %add3A_313 = arith.addi %mul3A_294, %add3A_312 : i32
      %swap3A_314 = arith.index_cast %add3A_313 : i32 to index
      %swap3A_315 = tpu.vector_load %arg8[%swap3A_314] {strides = array<i32>} : memref<768xf32, #tpu.memory_space<vmem>>, vector<16xf32>,
      tpu.vector_store %arg8[%swap3A_314], %add3A_311 {strides = array<i32>} : memref<768xf32, #tpu.memory_space<vmem>>, vector<16xf32>,
      %mul3A_316 = arith.mulf %scan3A_254#0, %get3A_7 : vector<16xf32>
      %mul3A_317 = arith.mulf %scan3A_254#1, %get3A_11 : vector<16xf32>
      %add3A_318 = arith.addf %mul3A_316, %mul3A_317 : vector<16xf32>
      %mul3A_319 = arith.mulf %scan3A_254#2, %get3A_15 : vector<16xf32>
      %add3A_320 = arith.addf %add3A_318, %mul3A_319 : vector<16xf32>
      %mul3A_321 = arith.mulf %scan3A_254#3, %get3A_19 : vector<16xf32>
      %add3A_322 = arith.addf %add3A_320, %mul3A_321 : vector<16xf32>
      %add3A_323 = arith.constant 32 : i32
      %add3A_324 = arith.addi %mul3A_294, %add3A_323 : i32
      %swap3A_325 = arith.index_cast %add3A_324 : i32 to index
      %swap3A_326 = tpu.vector_load %arg8[%swap3A_325] {strides = array<i32>} : memref<768xf32, #tpu.memory_space<vmem>>, vector<16xf32>,
      tpu.vector_store %arg8[%swap3A_325], %add3A_322 {strides = array<i32>} : memref<768xf32, #tpu.memory_space<vmem>>, vector<16xf32>,
      %mul3A_327 = arith.mulf %scan3A_260#0, %get3A_7 : vector<16xf32>
      %mul3A_328 = arith.mulf %scan3A_260#1, %get3A_11 : vector<16xf32>
      %add3A_329 = arith.addf %mul3A_327, %mul3A_328 : vector<16xf32>
      %mul3A_330 = arith.mulf %scan3A_260#2, %get3A_15 : vector<16xf32>
      %add3A_331 = arith.addf %add3A_329, %mul3A_330 : vector<16xf32>
      %mul3A_332 = arith.mulf %scan3A_260#3, %get3A_19 : vector<16xf32>
      %add3A_333 = arith.addf %add3A_331, %mul3A_332 : vector<16xf32>
      %add3A_334 = arith.constant 48 : i32
      %add3A_335 = arith.addi %mul3A_294, %add3A_334 : i32
      %swap3A_336 = arith.index_cast %add3A_335 : i32 to index
      %swap3A_337 = tpu.vector_load %arg8[%swap3A_336] {strides = array<i32>} : memref<768xf32, #tpu.memory_space<vmem>>, vector<16xf32>,
      tpu.vector_store %arg8[%swap3A_336], %add3A_333 {strides = array<i32>} : memref<768xf32, #tpu.memory_space<vmem>>, vector<16xf32>,
      %mul3A_338 = arith.mulf %scan3A_266#0, %get3A_7 : vector<16xf32>
      %mul3A_339 = arith.mulf %scan3A_266#1, %get3A_11 : vector<16xf32>
      %add3A_340 = arith.addf %mul3A_338, %mul3A_339 : vector<16xf32>
      %mul3A_341 = arith.mulf %scan3A_266#2, %get3A_15 : vector<16xf32>
      %add3A_342 = arith.addf %add3A_340, %mul3A_341 : vector<16xf32>
      %mul3A_343 = arith.mulf %scan3A_266#3, %get3A_19 : vector<16xf32>
      %add3A_344 = arith.addf %add3A_342, %mul3A_343 : vector<16xf32>
      %add3A_345 = arith.constant 64 : i32
      %add3A_346 = arith.addi %mul3A_294, %add3A_345 : i32
      %swap3A_347 = arith.index_cast %add3A_346 : i32 to index
      %swap3A_348 = tpu.vector_load %arg8[%swap3A_347] {strides = array<i32>} : memref<768xf32, #tpu.memory_space<vmem>>, vector<16xf32>,
      tpu.vector_store %arg8[%swap3A_347], %add3A_344 {strides = array<i32>} : memref<768xf32, #tpu.memory_space<vmem>>, vector<16xf32>,
      %mul3A_349 = arith.mulf %scan3A_272#0, %get3A_7 : vector<16xf32>
      %mul3A_350 = arith.mulf %scan3A_272#1, %get3A_11 : vector<16xf32>
      %add3A_351 = arith.addf %mul3A_349, %mul3A_350 : vector<16xf32>
      %mul3A_352 = arith.mulf %scan3A_272#2, %get3A_15 : vector<16xf32>
      %add3A_353 = arith.addf %add3A_351, %mul3A_352 : vector<16xf32>
      %mul3A_354 = arith.mulf %scan3A_272#3, %get3A_19 : vector<16xf32>
      %add3A_355 = arith.addf %add3A_353, %mul3A_354 : vector<16xf32>
      %add3A_356 = arith.constant 80 : i32
      %add3A_357 = arith.addi %mul3A_294, %add3A_356 : i32
      %swap3A_358 = arith.index_cast %add3A_357 : i32 to index
      %swap3A_359 = tpu.vector_load %arg8[%swap3A_358] {strides = array<i32>} : memref<768xf32, #tpu.memory_space<vmem>>, vector<16xf32>,
      tpu.vector_store %arg8[%swap3A_358], %add3A_355 {strides = array<i32>} : memref<768xf32, #tpu.memory_space<vmem>>, vector<16xf32>,
      %mul3A_360 = arith.mulf %scan3A_278#0, %get3A_7 : vector<16xf32>
      %mul3A_361 = arith.mulf %scan3A_278#1, %get3A_11 : vector<16xf32>
      %add3A_362 = arith.addf %mul3A_360, %mul3A_361 : vector<16xf32>
      %mul3A_363 = arith.mulf %scan3A_278#2, %get3A_15 : vector<16xf32>
      %add3A_364 = arith.addf %add3A_362, %mul3A_363 : vector<16xf32>
      %mul3A_365 = arith.mulf %scan3A_278#3, %get3A_19 : vector<16xf32>
      %add3A_366 = arith.addf %add3A_364, %mul3A_365 : vector<16xf32>
      %add3A_367 = arith.constant 96 : i32
      %add3A_368 = arith.addi %mul3A_294, %add3A_367 : i32
      %swap3A_369 = arith.index_cast %add3A_368 : i32 to index
      %swap3A_370 = tpu.vector_load %arg8[%swap3A_369] {strides = array<i32>} : memref<768xf32, #tpu.memory_space<vmem>>, vector<16xf32>,
      tpu.vector_store %arg8[%swap3A_369], %add3A_366 {strides = array<i32>} : memref<768xf32, #tpu.memory_space<vmem>>, vector<16xf32>,
      %mul3A_371 = arith.mulf %scan3A_284#0, %get3A_7 : vector<16xf32>
      %mul3A_372 = arith.mulf %scan3A_284#1, %get3A_11 : vector<16xf32>
      %add3A_373 = arith.addf %mul3A_371, %mul3A_372 : vector<16xf32>
      %mul3A_374 = arith.mulf %scan3A_284#2, %get3A_15 : vector<16xf32>
      %add3A_375 = arith.addf %add3A_373, %mul3A_374 : vector<16xf32>
      %mul3A_376 = arith.mulf %scan3A_284#3, %get3A_19 : vector<16xf32>
      %add3A_377 = arith.addf %add3A_375, %mul3A_376 : vector<16xf32>
      %add3A_378 = arith.constant 112 : i32
      %add3A_379 = arith.addi %mul3A_294, %add3A_378 : i32
      %swap3A_380 = arith.index_cast %add3A_379 : i32 to index
      %swap3A_381 = tpu.vector_load %arg8[%swap3A_380] {strides = array<i32>} : memref<768xf32, #tpu.memory_space<vmem>>, vector<16xf32>,
      tpu.vector_store %arg8[%swap3A_380], %add3A_377 {strides = array<i32>} : memref<768xf32, #tpu.memory_space<vmem>>, vector<16xf32>,
      scf.yield %select_n3A, %select_n3A_54 : i32, i32
    }
    %scan3A_41 = arith.constant 6 : i32
    %mul3A_42 = arith.constant 768 : i32
    %mul3A_43 = arith.muli %add3A, %mul3A_42 : i32
    "tpu.region"() ({
      %run_scoped3A = tpu.sem_alloc : memref<!tpu.dma_semaphore, #tpu.memory_space<semaphore_mem>>
      %dma_start3A_44 = tpu.memref_slice %arg4[%mul3A_43] : memref<24576xf32, #tpu.memory_space<hbm>> -> memref<768xf32, #tpu.memory_space<hbm>>
      %dma_start3A_45 = tpu.memref_slice %arg4[%mul3A_43] : memref<24576xf32, #tpu.memory_space<hbm>> -> memref<768xf32, #tpu.memory_space<hbm>>
      tpu.enqueue_dma source(%arg8 : memref<768xf32, #tpu.memory_space<vmem>>) target(%dma_start3A_45 : memref<768xf32, #tpu.memory_space<hbm>>) target_semaphore(%run_scoped3A : memref<!tpu.dma_semaphore, #tpu.memory_space<semaphore_mem>>)
      %dma_wait3A = tpu.memref_slice %arg4[%mul3A_43] : memref<24576xf32, #tpu.memory_space<hbm>> -> memref<768xf32, #tpu.memory_space<hbm>>
      %dma_wait3A_46 = tpu.memref_slice %arg4[%mul3A_43] : memref<24576xf32, #tpu.memory_space<hbm>> -> memref<768xf32, #tpu.memory_space<hbm>>
      tpu.wait_dma2 semaphore(%run_scoped3A : memref<!tpu.dma_semaphore, #tpu.memory_space<semaphore_mem>>) src(%arg8 : memref<768xf32, #tpu.memory_space<vmem>>) dst(%dma_wait3A_46 : memref<768xf32, #tpu.memory_space<hbm>>)
      tpu.yield
    }) : () -> ()
    return
  }
}

module attributes {stable_mosaic.version = 14 : i64} {
  func.func @_tc_block(%arg0: i32, %arg1: memref<4xf32, #tpu.memory_space<smem>>, %arg2: memref<1024x768xf32, #tpu.memory_space<vmem>>, %arg3: memref<1x1x768xf32, #tpu.memory_space<vmem>>) attributes {dimension_semantics = [#tpu.dimension_semantics<arbitrary>], iteration_bounds = array<i64: 32>, scalar_prefetch = 0 : i64, scratch_operands = 0 : i64, tpu.core_type = #tpu.core_type<tc>, window_params = [{transform_indices = @transform_0, window_bounds = array<i64: 4>}, {transform_indices = @transform_1, window_bounds = array<i64: 1024, 768>}, {transform_indices = @transform_2, window_bounds = array<i64: 1, 1, 768>}]} {
    %broadcast_in_dim3A = arith.constant -1.000000e+30 : f32
    %broadcast_in_dim3A_0 = vector.broadcast %broadcast_in_dim3A : f32 to vector<8x768xf32>
    %scan3A = arith.constant 0 : i32
    %scan3A_1 = arith.constant 8 : i32
    %scan3A_2 = arith.addi %scan3A, %scan3A_1 : i32
    %scan3A_3 = arith.constant 1 : i32
    %scan3A_4:16 = scf.for %scan3A_142 = %scan3A to %scan3A_2 step %scan3A_3 iter_args(%scan3A_143 = %broadcast_in_dim3A_0, %scan3A_144 = %broadcast_in_dim3A_0, %scan3A_145 = %broadcast_in_dim3A_0, %scan3A_146 = %broadcast_in_dim3A_0, %scan3A_147 = %broadcast_in_dim3A_0, %scan3A_148 = %broadcast_in_dim3A_0, %scan3A_149 = %broadcast_in_dim3A_0, %scan3A_150 = %broadcast_in_dim3A_0, %scan3A_151 = %broadcast_in_dim3A_0, %scan3A_152 = %broadcast_in_dim3A_0, %scan3A_153 = %broadcast_in_dim3A_0, %scan3A_154 = %broadcast_in_dim3A_0, %scan3A_155 = %broadcast_in_dim3A_0, %scan3A_156 = %broadcast_in_dim3A_0, %scan3A_157 = %broadcast_in_dim3A_0, %scan3A_158 = %broadcast_in_dim3A_0) -> (vector<8x768xf32>, vector<8x768xf32>, vector<8x768xf32>, vector<8x768xf32>, vector<8x768xf32>, vector<8x768xf32>, vector<8x768xf32>, vector<8x768xf32>, vector<8x768xf32>, vector<8x768xf32>, vector<8x768xf32>, vector<8x768xf32>, vector<8x768xf32>, vector<8x768xf32>, vector<8x768xf32>, vector<8x768xf32>)  : i32 {
      %mul3A_159 = arith.constant 128 : i32
      %mul3A_160 = arith.muli %scan3A_142, %mul3A_159 : i32
      %add3A_161 = arith.constant 0 : i32
      %add3A_162 = arith.addi %mul3A_160, %add3A_161 : i32
      %add3A_163 = arith.constant 0 : i32
      %add3A_164 = arith.addi %add3A_162, %add3A_163 : i32
      %get3A_165 = arith.index_cast %add3A_164 : i32 to index
      %get3A_166 = arith.constant 0 : index
      %get3A_167 = vector.load %arg2[%get3A_165, %get3A_166] : memref<1024x768xf32, #tpu.memory_space<vmem>>, vector<8x768xf32>
      %add3A_168 = arith.constant 8 : i32
      %add3A_169 = arith.addi %add3A_162, %add3A_168 : i32
      %get3A_170 = arith.index_cast %add3A_169 : i32 to index
      %get3A_171 = arith.constant 0 : index
      %get3A_172 = vector.load %arg2[%get3A_170, %get3A_171] : memref<1024x768xf32, #tpu.memory_space<vmem>>, vector<8x768xf32>
      %add3A_173 = arith.constant 16 : i32
      %add3A_174 = arith.addi %add3A_162, %add3A_173 : i32
      %get3A_175 = arith.index_cast %add3A_174 : i32 to index
      %get3A_176 = arith.constant 0 : index
      %get3A_177 = vector.load %arg2[%get3A_175, %get3A_176] : memref<1024x768xf32, #tpu.memory_space<vmem>>, vector<8x768xf32>
      %add3A_178 = arith.constant 24 : i32
      %add3A_179 = arith.addi %add3A_162, %add3A_178 : i32
      %get3A_180 = arith.index_cast %add3A_179 : i32 to index
      %get3A_181 = arith.constant 0 : index
      %get3A_182 = vector.load %arg2[%get3A_180, %get3A_181] : memref<1024x768xf32, #tpu.memory_space<vmem>>, vector<8x768xf32>
      %max3A_183 = arith.maximumf %get3A_167, %get3A_172 : vector<8x768xf32>
      %min3A_184 = arith.minimumf %get3A_167, %get3A_172 : vector<8x768xf32>
      %max3A_185 = arith.maximumf %get3A_177, %get3A_182 : vector<8x768xf32>
      %min3A_186 = arith.minimumf %get3A_177, %get3A_182 : vector<8x768xf32>
      %max3A_187 = arith.maximumf %max3A_183, %max3A_185 : vector<8x768xf32>
      %min3A_188 = arith.minimumf %max3A_183, %max3A_185 : vector<8x768xf32>
      %max3A_189 = arith.maximumf %min3A_184, %min3A_186 : vector<8x768xf32>
      %min3A_190 = arith.minimumf %min3A_184, %min3A_186 : vector<8x768xf32>
      %max3A_191 = arith.maximumf %max3A_189, %min3A_188 : vector<8x768xf32>
      %min3A_192 = arith.minimumf %max3A_189, %min3A_188 : vector<8x768xf32>
      %min3A_193 = arith.minimumf %scan3A_143, %max3A_187 : vector<8x768xf32>
      %min3A_194 = arith.minimumf %scan3A_143, %max3A_191 : vector<8x768xf32>
      %min3A_195 = arith.minimumf %scan3A_144, %max3A_187 : vector<8x768xf32>
      %min3A_196 = arith.minimumf %scan3A_143, %min3A_192 : vector<8x768xf32>
      %min3A_197 = arith.minimumf %scan3A_144, %max3A_191 : vector<8x768xf32>
      %min3A_198 = arith.minimumf %scan3A_145, %max3A_187 : vector<8x768xf32>
      %max3A_199 = arith.maximumf %scan3A_143, %max3A_187 : vector<8x768xf32>
      %max3A_200 = arith.maximumf %scan3A_144, %max3A_191 : vector<8x768xf32>
      %max3A_201 = arith.maximumf %min3A_193, %max3A_200 : vector<8x768xf32>
      %max3A_202 = arith.maximumf %min3A_192, %scan3A_145 : vector<8x768xf32>
      %max3A_203 = arith.maximumf %min3A_194, %min3A_195 : vector<8x768xf32>
      %max3A_204 = arith.maximumf %max3A_202, %max3A_203 : vector<8x768xf32>
      %max3A_205 = arith.maximumf %min3A_190, %scan3A_146 : vector<8x768xf32>
      %max3A_206 = arith.maximumf %min3A_197, %min3A_198 : vector<8x768xf32>
      %max3A_207 = arith.maximumf %min3A_196, %max3A_206 : vector<8x768xf32>
      %max3A_208 = arith.maximumf %max3A_205, %max3A_207 : vector<8x768xf32>
      %mul3A_209 = arith.constant 128 : i32
      %mul3A_210 = arith.muli %scan3A_142, %mul3A_209 : i32
      %add3A_211 = arith.constant 32 : i32
      %add3A_212 = arith.addi %mul3A_210, %add3A_211 : i32
      %add3A_213 = arith.constant 0 : i32
      %add3A_214 = arith.addi %add3A_212, %add3A_213 : i32
      %get3A_215 = arith.index_cast %add3A_214 : i32 to index
      %get3A_216 = arith.constant 0 : index
      %get3A_217 = vector.load %arg2[%get3A_215, %get3A_216] : memref<1024x768xf32, #tpu.memory_space<vmem>>, vector<8x768xf32>
      %add3A_218 = arith.constant 8 : i32
      %add3A_219 = arith.addi %add3A_212, %add3A_218 : i32
      %get3A_220 = arith.index_cast %add3A_219 : i32 to index
      %get3A_221 = arith.constant 0 : index
      %get3A_222 = vector.load %arg2[%get3A_220, %get3A_221] : memref<1024x768xf32, #tpu.memory_space<vmem>>, vector<8x768xf32>
      %add3A_223 = arith.constant 16 : i32
      %add3A_224 = arith.addi %add3A_212, %add3A_223 : i32
      %get3A_225 = arith.index_cast %add3A_224 : i32 to index
      %get3A_226 = arith.constant 0 : index
      %get3A_227 = vector.load %arg2[%get3A_225, %get3A_226] : memref<1024x768xf32, #tpu.memory_space<vmem>>, vector<8x768xf32>
      %add3A_228 = arith.constant 24 : i32
      %add3A_229 = arith.addi %add3A_212, %add3A_228 : i32
      %get3A_230 = arith.index_cast %add3A_229 : i32 to index
      %get3A_231 = arith.constant 0 : index
      %get3A_232 = vector.load %arg2[%get3A_230, %get3A_231] : memref<1024x768xf32, #tpu.memory_space<vmem>>, vector<8x768xf32>
      %max3A_233 = arith.maximumf %get3A_217, %get3A_222 : vector<8x768xf32>
      %min3A_234 = arith.minimumf %get3A_217, %get3A_222 : vector<8x768xf32>
      %max3A_235 = arith.maximumf %get3A_227, %get3A_232 : vector<8x768xf32>
      %min3A_236 = arith.minimumf %get3A_227, %get3A_232 : vector<8x768xf32>
      %max3A_237 = arith.maximumf %max3A_233, %max3A_235 : vector<8x768xf32>
      %min3A_238 = arith.minimumf %max3A_233, %max3A_235 : vector<8x768xf32>
      %max3A_239 = arith.maximumf %min3A_234, %min3A_236 : vector<8x768xf32>
      %min3A_240 = arith.minimumf %min3A_234, %min3A_236 : vector<8x768xf32>
      %max3A_241 = arith.maximumf %max3A_239, %min3A_238 : vector<8x768xf32>
      %min3A_242 = arith.minimumf %max3A_239, %min3A_238 : vector<8x768xf32>
      %min3A_243 = arith.minimumf %scan3A_147, %max3A_237 : vector<8x768xf32>
      %min3A_244 = arith.minimumf %scan3A_147, %max3A_241 : vector<8x768xf32>
      %min3A_245 = arith.minimumf %scan3A_148, %max3A_237 : vector<8x768xf32>
      %min3A_246 = arith.minimumf %scan3A_147, %min3A_242 : vector<8x768xf32>
      %min3A_247 = arith.minimumf %scan3A_148, %max3A_241 : vector<8x768xf32>
      %min3A_248 = arith.minimumf %scan3A_149, %max3A_237 : vector<8x768xf32>
      %max3A_249 = arith.maximumf %scan3A_147, %max3A_237 : vector<8x768xf32>
      %max3A_250 = arith.maximumf %scan3A_148, %max3A_241 : vector<8x768xf32>
      %max3A_251 = arith.maximumf %min3A_243, %max3A_250 : vector<8x768xf32>
      %max3A_252 = arith.maximumf %min3A_242, %scan3A_149 : vector<8x768xf32>
      %max3A_253 = arith.maximumf %min3A_244, %min3A_245 : vector<8x768xf32>
      %max3A_254 = arith.maximumf %max3A_252, %max3A_253 : vector<8x768xf32>
      %max3A_255 = arith.maximumf %min3A_240, %scan3A_150 : vector<8x768xf32>
      %max3A_256 = arith.maximumf %min3A_247, %min3A_248 : vector<8x768xf32>
      %max3A_257 = arith.maximumf %min3A_246, %max3A_256 : vector<8x768xf32>
      %max3A_258 = arith.maximumf %max3A_255, %max3A_257 : vector<8x768xf32>
      %mul3A_259 = arith.constant 128 : i32
      %mul3A_260 = arith.muli %scan3A_142, %mul3A_259 : i32
      %add3A_261 = arith.constant 64 : i32
      %add3A_262 = arith.addi %mul3A_260, %add3A_261 : i32
      %add3A_263 = arith.constant 0 : i32
      %add3A_264 = arith.addi %add3A_262, %add3A_263 : i32
      %get3A_265 = arith.index_cast %add3A_264 : i32 to index
      %get3A_266 = arith.constant 0 : index
      %get3A_267 = vector.load %arg2[%get3A_265, %get3A_266] : memref<1024x768xf32, #tpu.memory_space<vmem>>, vector<8x768xf32>
      %add3A_268 = arith.constant 8 : i32
      %add3A_269 = arith.addi %add3A_262, %add3A_268 : i32
      %get3A_270 = arith.index_cast %add3A_269 : i32 to index
      %get3A_271 = arith.constant 0 : index
      %get3A_272 = vector.load %arg2[%get3A_270, %get3A_271] : memref<1024x768xf32, #tpu.memory_space<vmem>>, vector<8x768xf32>
      %add3A_273 = arith.constant 16 : i32
      %add3A_274 = arith.addi %add3A_262, %add3A_273 : i32
      %get3A_275 = arith.index_cast %add3A_274 : i32 to index
      %get3A_276 = arith.constant 0 : index
      %get3A_277 = vector.load %arg2[%get3A_275, %get3A_276] : memref<1024x768xf32, #tpu.memory_space<vmem>>, vector<8x768xf32>
      %add3A_278 = arith.constant 24 : i32
      %add3A_279 = arith.addi %add3A_262, %add3A_278 : i32
      %get3A_280 = arith.index_cast %add3A_279 : i32 to index
      %get3A_281 = arith.constant 0 : index
      %get3A_282 = vector.load %arg2[%get3A_280, %get3A_281] : memref<1024x768xf32, #tpu.memory_space<vmem>>, vector<8x768xf32>
      %max3A_283 = arith.maximumf %get3A_267, %get3A_272 : vector<8x768xf32>
      %min3A_284 = arith.minimumf %get3A_267, %get3A_272 : vector<8x768xf32>
      %max3A_285 = arith.maximumf %get3A_277, %get3A_282 : vector<8x768xf32>
      %min3A_286 = arith.minimumf %get3A_277, %get3A_282 : vector<8x768xf32>
      %max3A_287 = arith.maximumf %max3A_283, %max3A_285 : vector<8x768xf32>
      %min3A_288 = arith.minimumf %max3A_283, %max3A_285 : vector<8x768xf32>
      %max3A_289 = arith.maximumf %min3A_284, %min3A_286 : vector<8x768xf32>
      %min3A_290 = arith.minimumf %min3A_284, %min3A_286 : vector<8x768xf32>
      %max3A_291 = arith.maximumf %max3A_289, %min3A_288 : vector<8x768xf32>
      %min3A_292 = arith.minimumf %max3A_289, %min3A_288 : vector<8x768xf32>
      %min3A_293 = arith.minimumf %scan3A_151, %max3A_287 : vector<8x768xf32>
      %min3A_294 = arith.minimumf %scan3A_151, %max3A_291 : vector<8x768xf32>
      %min3A_295 = arith.minimumf %scan3A_152, %max3A_287 : vector<8x768xf32>
      %min3A_296 = arith.minimumf %scan3A_151, %min3A_292 : vector<8x768xf32>
      %min3A_297 = arith.minimumf %scan3A_152, %max3A_291 : vector<8x768xf32>
      %min3A_298 = arith.minimumf %scan3A_153, %max3A_287 : vector<8x768xf32>
      %max3A_299 = arith.maximumf %scan3A_151, %max3A_287 : vector<8x768xf32>
      %max3A_300 = arith.maximumf %scan3A_152, %max3A_291 : vector<8x768xf32>
      %max3A_301 = arith.maximumf %min3A_293, %max3A_300 : vector<8x768xf32>
      %max3A_302 = arith.maximumf %min3A_292, %scan3A_153 : vector<8x768xf32>
      %max3A_303 = arith.maximumf %min3A_294, %min3A_295 : vector<8x768xf32>
      %max3A_304 = arith.maximumf %max3A_302, %max3A_303 : vector<8x768xf32>
      %max3A_305 = arith.maximumf %min3A_290, %scan3A_154 : vector<8x768xf32>
      %max3A_306 = arith.maximumf %min3A_297, %min3A_298 : vector<8x768xf32>
      %max3A_307 = arith.maximumf %min3A_296, %max3A_306 : vector<8x768xf32>
      %max3A_308 = arith.maximumf %max3A_305, %max3A_307 : vector<8x768xf32>
      %mul3A_309 = arith.constant 128 : i32
      %mul3A_310 = arith.muli %scan3A_142, %mul3A_309 : i32
      %add3A_311 = arith.constant 96 : i32
      %add3A_312 = arith.addi %mul3A_310, %add3A_311 : i32
      %add3A_313 = arith.constant 0 : i32
      %add3A_314 = arith.addi %add3A_312, %add3A_313 : i32
      %get3A_315 = arith.index_cast %add3A_314 : i32 to index
      %get3A_316 = arith.constant 0 : index
      %get3A_317 = vector.load %arg2[%get3A_315, %get3A_316] : memref<1024x768xf32, #tpu.memory_space<vmem>>, vector<8x768xf32>
      %add3A_318 = arith.constant 8 : i32
      %add3A_319 = arith.addi %add3A_312, %add3A_318 : i32
      %get3A_320 = arith.index_cast %add3A_319 : i32 to index
      %get3A_321 = arith.constant 0 : index
      %get3A_322 = vector.load %arg2[%get3A_320, %get3A_321] : memref<1024x768xf32, #tpu.memory_space<vmem>>, vector<8x768xf32>
      %add3A_323 = arith.constant 16 : i32
      %add3A_324 = arith.addi %add3A_312, %add3A_323 : i32
      %get3A_325 = arith.index_cast %add3A_324 : i32 to index
      %get3A_326 = arith.constant 0 : index
      %get3A_327 = vector.load %arg2[%get3A_325, %get3A_326] : memref<1024x768xf32, #tpu.memory_space<vmem>>, vector<8x768xf32>
      %add3A_328 = arith.constant 24 : i32
      %add3A_329 = arith.addi %add3A_312, %add3A_328 : i32
      %get3A_330 = arith.index_cast %add3A_329 : i32 to index
      %get3A_331 = arith.constant 0 : index
      %get3A_332 = vector.load %arg2[%get3A_330, %get3A_331] : memref<1024x768xf32, #tpu.memory_space<vmem>>, vector<8x768xf32>
      %max3A_333 = arith.maximumf %get3A_317, %get3A_322 : vector<8x768xf32>
      %min3A_334 = arith.minimumf %get3A_317, %get3A_322 : vector<8x768xf32>
      %max3A_335 = arith.maximumf %get3A_327, %get3A_332 : vector<8x768xf32>
      %min3A_336 = arith.minimumf %get3A_327, %get3A_332 : vector<8x768xf32>
      %max3A_337 = arith.maximumf %max3A_333, %max3A_335 : vector<8x768xf32>
      %min3A_338 = arith.minimumf %max3A_333, %max3A_335 : vector<8x768xf32>
      %max3A_339 = arith.maximumf %min3A_334, %min3A_336 : vector<8x768xf32>
      %min3A_340 = arith.minimumf %min3A_334, %min3A_336 : vector<8x768xf32>
      %max3A_341 = arith.maximumf %max3A_339, %min3A_338 : vector<8x768xf32>
      %min3A_342 = arith.minimumf %max3A_339, %min3A_338 : vector<8x768xf32>
      %min3A_343 = arith.minimumf %scan3A_155, %max3A_337 : vector<8x768xf32>
      %min3A_344 = arith.minimumf %scan3A_155, %max3A_341 : vector<8x768xf32>
      %min3A_345 = arith.minimumf %scan3A_156, %max3A_337 : vector<8x768xf32>
      %min3A_346 = arith.minimumf %scan3A_155, %min3A_342 : vector<8x768xf32>
      %min3A_347 = arith.minimumf %scan3A_156, %max3A_341 : vector<8x768xf32>
      %min3A_348 = arith.minimumf %scan3A_157, %max3A_337 : vector<8x768xf32>
      %max3A_349 = arith.maximumf %scan3A_155, %max3A_337 : vector<8x768xf32>
      %max3A_350 = arith.maximumf %scan3A_156, %max3A_341 : vector<8x768xf32>
      %max3A_351 = arith.maximumf %min3A_343, %max3A_350 : vector<8x768xf32>
      %max3A_352 = arith.maximumf %min3A_342, %scan3A_157 : vector<8x768xf32>
      %max3A_353 = arith.maximumf %min3A_344, %min3A_345 : vector<8x768xf32>
      %max3A_354 = arith.maximumf %max3A_352, %max3A_353 : vector<8x768xf32>
      %max3A_355 = arith.maximumf %min3A_340, %scan3A_158 : vector<8x768xf32>
      %max3A_356 = arith.maximumf %min3A_347, %min3A_348 : vector<8x768xf32>
      %max3A_357 = arith.maximumf %min3A_346, %max3A_356 : vector<8x768xf32>
      %max3A_358 = arith.maximumf %max3A_355, %max3A_357 : vector<8x768xf32>
      scf.yield %max3A_199, %max3A_201, %max3A_204, %max3A_208, %max3A_249, %max3A_251, %max3A_254, %max3A_258, %max3A_299, %max3A_301, %max3A_304, %max3A_308, %max3A_349, %max3A_351, %max3A_354, %max3A_358 : vector<8x768xf32>, vector<8x768xf32>, vector<8x768xf32>, vector<8x768xf32>, vector<8x768xf32>, vector<8x768xf32>, vector<8x768xf32>, vector<8x768xf32>, vector<8x768xf32>, vector<8x768xf32>, vector<8x768xf32>, vector<8x768xf32>, vector<8x768xf32>, vector<8x768xf32>, vector<8x768xf32>, vector<8x768xf32>
    }
    %scan3A_5 = arith.constant 8 : i32
    %min3A = arith.minimumf %scan3A_4#0, %scan3A_4#4 : vector<8x768xf32>
    %min3A_6 = arith.minimumf %scan3A_4#0, %scan3A_4#5 : vector<8x768xf32>
    %min3A_7 = arith.minimumf %scan3A_4#1, %scan3A_4#4 : vector<8x768xf32>
    %min3A_8 = arith.minimumf %scan3A_4#0, %scan3A_4#6 : vector<8x768xf32>
    %min3A_9 = arith.minimumf %scan3A_4#1, %scan3A_4#5 : vector<8x768xf32>
    %min3A_10 = arith.minimumf %scan3A_4#2, %scan3A_4#4 : vector<8x768xf32>
    %max3A = arith.maximumf %scan3A_4#0, %scan3A_4#4 : vector<8x768xf32>
    %max3A_11 = arith.maximumf %scan3A_4#1, %scan3A_4#5 : vector<8x768xf32>
    %max3A_12 = arith.maximumf %min3A, %max3A_11 : vector<8x768xf32>
    %max3A_13 = arith.maximumf %scan3A_4#6, %scan3A_4#2 : vector<8x768xf32>
    %max3A_14 = arith.maximumf %min3A_6, %min3A_7 : vector<8x768xf32>
    %max3A_15 = arith.maximumf %max3A_13, %max3A_14 : vector<8x768xf32>
    %max3A_16 = arith.maximumf %scan3A_4#7, %scan3A_4#3 : vector<8x768xf32>
    %max3A_17 = arith.maximumf %min3A_9, %min3A_10 : vector<8x768xf32>
    %max3A_18 = arith.maximumf %min3A_8, %max3A_17 : vector<8x768xf32>
    %max3A_19 = arith.maximumf %max3A_16, %max3A_18 : vector<8x768xf32>
    %min3A_20 = arith.minimumf %scan3A_4#8, %scan3A_4#12 : vector<8x768xf32>
    %min3A_21 = arith.minimumf %scan3A_4#8, %scan3A_4#13 : vector<8x768xf32>
    %min3A_22 = arith.minimumf %scan3A_4#9, %scan3A_4#12 : vector<8x768xf32>
    %min3A_23 = arith.minimumf %scan3A_4#8, %scan3A_4#14 : vector<8x768xf32>
    %min3A_24 = arith.minimumf %scan3A_4#9, %scan3A_4#13 : vector<8x768xf32>
    %min3A_25 = arith.minimumf %scan3A_4#10, %scan3A_4#12 : vector<8x768xf32>
    %max3A_26 = arith.maximumf %scan3A_4#8, %scan3A_4#12 : vector<8x768xf32>
    %max3A_27 = arith.maximumf %scan3A_4#9, %scan3A_4#13 : vector<8x768xf32>
    %max3A_28 = arith.maximumf %min3A_20, %max3A_27 : vector<8x768xf32>
    %max3A_29 = arith.maximumf %scan3A_4#14, %scan3A_4#10 : vector<8x768xf32>
    %max3A_30 = arith.maximumf %min3A_21, %min3A_22 : vector<8x768xf32>
    %max3A_31 = arith.maximumf %max3A_29, %max3A_30 : vector<8x768xf32>
    %max3A_32 = arith.maximumf %scan3A_4#15, %scan3A_4#11 : vector<8x768xf32>
    %max3A_33 = arith.maximumf %min3A_24, %min3A_25 : vector<8x768xf32>
    %max3A_34 = arith.maximumf %min3A_23, %max3A_33 : vector<8x768xf32>
    %max3A_35 = arith.maximumf %max3A_32, %max3A_34 : vector<8x768xf32>
    %min3A_36 = arith.minimumf %max3A, %max3A_26 : vector<8x768xf32>
    %min3A_37 = arith.minimumf %max3A, %max3A_28 : vector<8x768xf32>
    %min3A_38 = arith.minimumf %max3A_12, %max3A_26 : vector<8x768xf32>
    %min3A_39 = arith.minimumf %max3A, %max3A_31 : vector<8x768xf32>
    %min3A_40 = arith.minimumf %max3A_12, %max3A_28 : vector<8x768xf32>
    %min3A_41 = arith.minimumf %max3A_15, %max3A_26 : vector<8x768xf32>
    %max3A_42 = arith.maximumf %max3A, %max3A_26 : vector<8x768xf32>
    %max3A_43 = arith.maximumf %max3A_12, %max3A_28 : vector<8x768xf32>
    %max3A_44 = arith.maximumf %min3A_36, %max3A_43 : vector<8x768xf32>
    %max3A_45 = arith.maximumf %max3A_31, %max3A_15 : vector<8x768xf32>
    %max3A_46 = arith.maximumf %min3A_37, %min3A_38 : vector<8x768xf32>
    %max3A_47 = arith.maximumf %max3A_45, %max3A_46 : vector<8x768xf32>
    %max3A_48 = arith.maximumf %max3A_35, %max3A_19 : vector<8x768xf32>
    %max3A_49 = arith.maximumf %min3A_40, %min3A_41 : vector<8x768xf32>
    %max3A_50 = arith.maximumf %min3A_39, %max3A_49 : vector<8x768xf32>
    %max3A_51 = arith.maximumf %max3A_48, %max3A_50 : vector<8x768xf32>
    %slice3A = vector.extract_strided_slice %max3A_42 {offsets = [0, 0], sizes = [4, 768], strides = [1, 1]} : vector<8x768xf32> to vector<4x768xf32>
    %slice3A_52 = vector.extract_strided_slice %max3A_44 {offsets = [0, 0], sizes = [4, 768], strides = [1, 1]} : vector<8x768xf32> to vector<4x768xf32>
    %slice3A_53 = vector.extract_strided_slice %max3A_47 {offsets = [0, 0], sizes = [4, 768], strides = [1, 1]} : vector<8x768xf32> to vector<4x768xf32>
    %slice3A_54 = vector.extract_strided_slice %max3A_51 {offsets = [0, 0], sizes = [4, 768], strides = [1, 1]} : vector<8x768xf32> to vector<4x768xf32>
    %slice3A_55 = vector.extract_strided_slice %max3A_42 {offsets = [4, 0], sizes = [4, 768], strides = [1, 1]} : vector<8x768xf32> to vector<4x768xf32>
    %slice3A_56 = vector.extract_strided_slice %max3A_44 {offsets = [4, 0], sizes = [4, 768], strides = [1, 1]} : vector<8x768xf32> to vector<4x768xf32>
    %slice3A_57 = vector.extract_strided_slice %max3A_47 {offsets = [4, 0], sizes = [4, 768], strides = [1, 1]} : vector<8x768xf32> to vector<4x768xf32>
    %slice3A_58 = vector.extract_strided_slice %max3A_51 {offsets = [4, 0], sizes = [4, 768], strides = [1, 1]} : vector<8x768xf32> to vector<4x768xf32>
    %min3A_59 = arith.minimumf %slice3A, %slice3A_55 : vector<4x768xf32>
    %min3A_60 = arith.minimumf %slice3A, %slice3A_56 : vector<4x768xf32>
    %min3A_61 = arith.minimumf %slice3A_52, %slice3A_55 : vector<4x768xf32>
    %min3A_62 = arith.minimumf %slice3A, %slice3A_57 : vector<4x768xf32>
    %min3A_63 = arith.minimumf %slice3A_52, %slice3A_56 : vector<4x768xf32>
    %min3A_64 = arith.minimumf %slice3A_53, %slice3A_55 : vector<4x768xf32>
    %max3A_65 = arith.maximumf %slice3A, %slice3A_55 : vector<4x768xf32>
    %max3A_66 = arith.maximumf %slice3A_52, %slice3A_56 : vector<4x768xf32>
    %max3A_67 = arith.maximumf %min3A_59, %max3A_66 : vector<4x768xf32>
    %max3A_68 = arith.maximumf %slice3A_57, %slice3A_53 : vector<4x768xf32>
    %max3A_69 = arith.maximumf %min3A_60, %min3A_61 : vector<4x768xf32>
    %max3A_70 = arith.maximumf %max3A_68, %max3A_69 : vector<4x768xf32>
    %max3A_71 = arith.maximumf %slice3A_58, %slice3A_54 : vector<4x768xf32>
    %max3A_72 = arith.maximumf %min3A_63, %min3A_64 : vector<4x768xf32>
    %max3A_73 = arith.maximumf %min3A_62, %max3A_72 : vector<4x768xf32>
    %max3A_74 = arith.maximumf %max3A_71, %max3A_73 : vector<4x768xf32>
    %slice3A_75 = vector.extract_strided_slice %max3A_65 {offsets = [0, 0], sizes = [2, 768], strides = [1, 1]} : vector<4x768xf32> to vector<2x768xf32>
    %slice3A_76 = vector.extract_strided_slice %max3A_67 {offsets = [0, 0], sizes = [2, 768], strides = [1, 1]} : vector<4x768xf32> to vector<2x768xf32>
    %slice3A_77 = vector.extract_strided_slice %max3A_70 {offsets = [0, 0], sizes = [2, 768], strides = [1, 1]} : vector<4x768xf32> to vector<2x768xf32>
    %slice3A_78 = vector.extract_strided_slice %max3A_74 {offsets = [0, 0], sizes = [2, 768], strides = [1, 1]} : vector<4x768xf32> to vector<2x768xf32>
    %slice3A_79 = vector.extract_strided_slice %max3A_65 {offsets = [2, 0], sizes = [2, 768], strides = [1, 1]} : vector<4x768xf32> to vector<2x768xf32>
    %slice3A_80 = vector.extract_strided_slice %max3A_67 {offsets = [2, 0], sizes = [2, 768], strides = [1, 1]} : vector<4x768xf32> to vector<2x768xf32>
    %slice3A_81 = vector.extract_strided_slice %max3A_70 {offsets = [2, 0], sizes = [2, 768], strides = [1, 1]} : vector<4x768xf32> to vector<2x768xf32>
    %slice3A_82 = vector.extract_strided_slice %max3A_74 {offsets = [2, 0], sizes = [2, 768], strides = [1, 1]} : vector<4x768xf32> to vector<2x768xf32>
    %min3A_83 = arith.minimumf %slice3A_75, %slice3A_79 : vector<2x768xf32>
    %min3A_84 = arith.minimumf %slice3A_75, %slice3A_80 : vector<2x768xf32>
    %min3A_85 = arith.minimumf %slice3A_76, %slice3A_79 : vector<2x768xf32>
    %min3A_86 = arith.minimumf %slice3A_75, %slice3A_81 : vector<2x768xf32>
    %min3A_87 = arith.minimumf %slice3A_76, %slice3A_80 : vector<2x768xf32>
    %min3A_88 = arith.minimumf %slice3A_77, %slice3A_79 : vector<2x768xf32>
    %max3A_89 = arith.maximumf %slice3A_75, %slice3A_79 : vector<2x768xf32>
    %max3A_90 = arith.maximumf %slice3A_76, %slice3A_80 : vector<2x768xf32>
    %max3A_91 = arith.maximumf %min3A_83, %max3A_90 : vector<2x768xf32>
    %max3A_92 = arith.maximumf %slice3A_81, %slice3A_77 : vector<2x768xf32>
    %max3A_93 = arith.maximumf %min3A_84, %min3A_85 : vector<2x768xf32>
    %max3A_94 = arith.maximumf %max3A_92, %max3A_93 : vector<2x768xf32>
    %max3A_95 = arith.maximumf %slice3A_82, %slice3A_78 : vector<2x768xf32>
    %max3A_96 = arith.maximumf %min3A_87, %min3A_88 : vector<2x768xf32>
    %max3A_97 = arith.maximumf %min3A_86, %max3A_96 : vector<2x768xf32>
    %max3A_98 = arith.maximumf %max3A_95, %max3A_97 : vector<2x768xf32>
    %slice3A_99 = vector.extract_strided_slice %max3A_89 {offsets = [0, 0], sizes = [1, 768], strides = [1, 1]} : vector<2x768xf32> to vector<1x768xf32>
    %slice3A_100 = vector.extract_strided_slice %max3A_91 {offsets = [0, 0], sizes = [1, 768], strides = [1, 1]} : vector<2x768xf32> to vector<1x768xf32>
    %slice3A_101 = vector.extract_strided_slice %max3A_94 {offsets = [0, 0], sizes = [1, 768], strides = [1, 1]} : vector<2x768xf32> to vector<1x768xf32>
    %slice3A_102 = vector.extract_strided_slice %max3A_98 {offsets = [0, 0], sizes = [1, 768], strides = [1, 1]} : vector<2x768xf32> to vector<1x768xf32>
    %slice3A_103 = vector.extract_strided_slice %max3A_89 {offsets = [1, 0], sizes = [1, 768], strides = [1, 1]} : vector<2x768xf32> to vector<1x768xf32>
    %slice3A_104 = vector.extract_strided_slice %max3A_91 {offsets = [1, 0], sizes = [1, 768], strides = [1, 1]} : vector<2x768xf32> to vector<1x768xf32>
    %slice3A_105 = vector.extract_strided_slice %max3A_94 {offsets = [1, 0], sizes = [1, 768], strides = [1, 1]} : vector<2x768xf32> to vector<1x768xf32>
    %slice3A_106 = vector.extract_strided_slice %max3A_98 {offsets = [1, 0], sizes = [1, 768], strides = [1, 1]} : vector<2x768xf32> to vector<1x768xf32>
    %min3A_107 = arith.minimumf %slice3A_99, %slice3A_103 : vector<1x768xf32>
    %min3A_108 = arith.minimumf %slice3A_99, %slice3A_104 : vector<1x768xf32>
    %min3A_109 = arith.minimumf %slice3A_100, %slice3A_103 : vector<1x768xf32>
    %min3A_110 = arith.minimumf %slice3A_99, %slice3A_105 : vector<1x768xf32>
    %min3A_111 = arith.minimumf %slice3A_100, %slice3A_104 : vector<1x768xf32>
    %min3A_112 = arith.minimumf %slice3A_101, %slice3A_103 : vector<1x768xf32>
    %max3A_113 = arith.maximumf %slice3A_99, %slice3A_103 : vector<1x768xf32>
    %max3A_114 = arith.maximumf %slice3A_100, %slice3A_104 : vector<1x768xf32>
    %max3A_115 = arith.maximumf %min3A_107, %max3A_114 : vector<1x768xf32>
    %max3A_116 = arith.maximumf %slice3A_105, %slice3A_101 : vector<1x768xf32>
    %max3A_117 = arith.maximumf %min3A_108, %min3A_109 : vector<1x768xf32>
    %max3A_118 = arith.maximumf %max3A_116, %max3A_117 : vector<1x768xf32>
    %max3A_119 = arith.maximumf %slice3A_106, %slice3A_102 : vector<1x768xf32>
    %max3A_120 = arith.maximumf %min3A_111, %min3A_112 : vector<1x768xf32>
    %max3A_121 = arith.maximumf %min3A_110, %max3A_120 : vector<1x768xf32>
    %max3A_122 = arith.maximumf %max3A_119, %max3A_121 : vector<1x768xf32>
    %get3A = arith.constant 0 : index
    %get3A_123 = memref.load %arg1[%get3A] : memref<4xf32, #tpu.memory_space<smem>>
    %mul3A = vector.broadcast %get3A_123 : f32 to vector<1x768xf32>
    %mul3A_124 = arith.mulf %max3A_113, %mul3A : vector<1x768xf32>
    %get3A_125 = arith.constant 1 : index
    %get3A_126 = memref.load %arg1[%get3A_125] : memref<4xf32, #tpu.memory_space<smem>>
    %mul3A_127 = vector.broadcast %get3A_126 : f32 to vector<1x768xf32>
    %mul3A_128 = arith.mulf %max3A_115, %mul3A_127 : vector<1x768xf32>
    %add3A = arith.addf %mul3A_124, %mul3A_128 : vector<1x768xf32>
    %get3A_129 = arith.constant 2 : index
    %get3A_130 = memref.load %arg1[%get3A_129] : memref<4xf32, #tpu.memory_space<smem>>
    %mul3A_131 = vector.broadcast %get3A_130 : f32 to vector<1x768xf32>
    %mul3A_132 = arith.mulf %max3A_118, %mul3A_131 : vector<1x768xf32>
    %add3A_133 = arith.addf %add3A, %mul3A_132 : vector<1x768xf32>
    %get3A_134 = arith.constant 3 : index
    %get3A_135 = memref.load %arg1[%get3A_134] : memref<4xf32, #tpu.memory_space<smem>>
    %mul3A_136 = vector.broadcast %get3A_135 : f32 to vector<1x768xf32>
    %mul3A_137 = arith.mulf %max3A_122, %mul3A_136 : vector<1x768xf32>
    %add3A_138 = arith.addf %add3A_133, %mul3A_137 : vector<1x768xf32>
    %reshape3A = vector.shape_cast %add3A_138 : vector<1x768xf32> to vector<1x1x768xf32>
    %swap3A = arith.constant 0 : index
    %swap3A_139 = arith.constant 0 : index
    %swap3A_140 = arith.constant 0 : index
    %swap3A_141 = vector.load %arg3[%swap3A, %swap3A_139, %swap3A_140] : memref<1x1x768xf32, #tpu.memory_space<vmem>>, vector<1x1x768xf32>
    tpu.vector_store %arg3[%swap3A, %swap3A_139, %swap3A_140], %reshape3A {strides = array<i32>} : memref<1x1x768xf32, #tpu.memory_space<vmem>>, vector<1x1x768xf32>,
    return
  }
  func.func @transform_0(%arg0: i32) -> i32 {
    %c0_i32 = arith.constant 0 : i32
    %c0_i32_0 = arith.constant 0 : i32
    return %c0_i32 : i32
  }
  func.func @transform_1(%arg0: i32) -> (i32, i32) {
    %add3A = arith.constant 32 : i32
    %add3A_0 = arith.addi %add3A, %arg0 : i32
    %c0_i32 = arith.constant 0 : i32
    %c0_i32_1 = arith.constant 0 : i32
    return %add3A_0, %c0_i32 : i32, i32
  }
  func.func @transform_2(%arg0: i32) -> (i32, i32, i32) {
    %c0_i32 = arith.constant 0 : i32
    %c0_i32_0 = arith.constant 0 : i32
    %c0_i32_1 = arith.constant 0 : i32
    return %arg0, %c0_i32, %c0_i32_0 : i32, i32, i32
  }
}

</mosaic_0001>

<sc_bundles>
// kernel: kernel.4.cloned.1.call-start
scs
__scs_entry_jumppad:
0x0: {  	(pc) =	sbr.rel $0x88, $3  }
0x1: {  	(tag) =	ssettag $0x0;
	lr =	simm.s32 $0x1  }
0x2: {  	[smem:$0x3F9F] =	sst lr;
	_ =	strace $0xD0000000  }
0x3: {  	_ = 	snop  }
0x4: {  	_ = 	snop  }
0x5: {  	_ = 	snop  }
0x6: {  	_ = 	snop  }
0x7: {  	_ = 	snop  }
__scs_overlays_trampoline_lowered:
0x8: {  	[smem:$0x3FAE] =	sst s0  }
0x9: {  	[smem:$0x3FAF] =	sst s1  }
0xa: {  	[smem:$0x3FB0] =	sst s2  }
0xb: {  	[smem:$0x3FB1] =	sst s3  }
0xc: {  	[smem:$0x3FB2] =	sst s4  }
0xd: {  	[smem:$0x3FB3] =	sst s5  }
0xe: {  	[smem:$0x3FB4] =	sst s6  }
0xf: {  	[smem:$0x3FB5] =	sst s7  }
0x10: {  	[smem:$0x3FB6] =	sst s8  }
0x11: {  	[smem:$0x3FB7] =	sst s9;
	s0 =	simm.s32 @!p0 $0x0  }
0x12: {  	s1 =	sld [smem:$0x3F9D];
	s0 =	simm.s32 @p0 $0x1  }
0x13: {  	[smem:$0x3FB8] =	sst s0;
	s0 =	simm.s32 @!p1 $0x0  }
0x14: {  	s2 =	sld [smem:$0x3F9C];
	s0 =	simm.s32 @p1 $0x1  }
0x15: {  	[smem:$0x3FB9] =	sst s0;
	s0 =	simm.s32 @!p2 $0x0  }
0x16: {  	s3 =	sld [smem:$0x3FDB];
	s0 =	simm.s32 @p2 $0x1  }
0x17: {  	s4 =	simm.s32 $0x1BF5;
	[smem:$0x3FBB] =	sst s0  }
0x18: {  	s0 =	sld [smem:$0x3F9E];
	_ =	swait.ge [sflag:s4], $0x0  }
0x19: {  	s7 =	sld [smem:$0x3F9F]  }
0x1a: {  	s8 =	sadd.s32 $0xFFFFE003, lr  }
0x1b: {  	s9 =	sadd.s32 $0xFFFFFEF7, lr;
	s5 =	simm.s32 $0xFFFFFFFF;
	p2 =	slt.u32 s8, $0xFFFFF086  }
0x1c: {  	p1 =	slt.u32 s9, $0xF7A;
	s5 =	simm.s32 @!p2 $0x0  }
0x1d: {  	s5 =	simm.s32 @p1 $0x1;
	p0 =	seq.s32 s7, s2  }
0x1e: {  	s7 =	smul.u32 @!p0 $0xF7A, s2;
	p2 =	seq.s32 @!p0 s5, $0x0  }
0x1f: {  	s9 =	smul.u32 $0xF7A, s1;
	s8 =	simm.s32 @!p0 $0x1BF5;
	p2 =	por !p2, p0  }
0x20: {  	[sflag:s8] =	ssyncset.s32 @!p0 $0xFFFFF086;
	s6 =	sadd.s32 @!p0 s3, s7;
	s7 =	simm.s32 @!p0 $0x108  }
0x21: {  	s3 =	sadd.s32 s3, s9;
	s6 =	sadd.s32 @!p0 $0x88, s6;
	s7 =	simm.s32 @p2 $0x1082  }
0x22: {  	[simem:s7], [sflag:s8] =	dma.local @!p0 [hbm:s6], $0xF7A  }
0x23: {  	s9 =	sor.u32 $0xD0000000, s2;
	s6 =	simm.s32 $0x108;
	_ =	swait.ge @!p0 [sflag:s8], $0x0  }
0x24: {  	s3 =	sadd.s32 $0x88, s3;
	s6 =	simm.s32 @!p1 $0x1082;
	[sflag:s4] =	ssyncset.s32 $0xFFFFF086  }
0x25: {  	[simem:s6], [sflag:s4] =	dma.local [hbm:s3], $0xF7A  }
0x26: {  	[smem:$0x3F9F] =	sst s1;
	(tag) =	ssettag s2;
	_ =	strace s9  }
0x27: {  	s1 =	sld [smem:$0x3FAF]  }
0x28: {  	s2 =	sld [smem:$0x3FB0]  }
0x29: {  	s4 =	sld [smem:$0x3FB2]  }
0x2a: {  	p0 =	seq.s32 s5, $0x0;
	s5 =	sld [smem:$0x3FB3]  }
0x2b: {  	s6 =	sld [smem:$0x3FB4]  }
0x2c: {  	s7 =	sld [smem:$0x3FB5]  }
0x2d: {  	s3 =	simm.s32 $0x108;
	s8 =	sld [smem:$0x3FB6]  }
0x2e: {  	s3 =	simm.s32 @!p0 $0x1082;
	s9 =	sld [smem:$0x3FB7]  }
0x2f: {  	lr =	sadd.s32 s0, s3;
	s0 =	sld [smem:$0x3FAE]  }
0x30: {  	s3 =	sld [smem:$0x3FB1]  }
0x31: {  	[smem:$0x3FBA] =	sst s10  }
0x32: {  	s10 =	sld [smem:$0x3FB8];
	_ =	sdelay $0x3  }
0x33: {  	p0 =	seq.s32 s10, $0x1;
	s10 =	sld [smem:$0x3FBA];
	_ =	sdelay $0x3  }
0x34: {  	[smem:$0x3FBA] =	sst s10  }
0x35: {  	s10 =	sld [smem:$0x3FB9];
	_ =	sdelay $0x3  }
0x36: {  	p1 =	seq.s32 s10, $0x1;
	s10 =	sld [smem:$0x3FBA];
	_ =	sdelay $0x3  }
0x37: {  	[smem:$0x3FBA] =	sst s10  }
0x38: {  	s10 =	sld [smem:$0x3FBB]  }
0x39: {  	_ = 	snop;
	(pc) =	sbr.ind lr, $3  }
0x3a: {  	_ = 	snop  }
0x3b: {  	_ = 	snop  }
0x3c: {  	p2 =	seq.s32 s10, $0x1;
	s10 =	sld [smem:$0x3FBA]  }
0x3d: {  	_ =	shalt  }
0x3e: {  	_ =	shalt  }
0x3f: {  	_ =	shalt  }
0x40: {  	_ =	shalt  }
0x41: {  	_ =	shalt  }
0x42: {  	_ =	shalt  }
0x43: {  	_ =	shalt  }
0x44: {  	_ =	shalt  }
0x45: {  	_ =	shalt  }
0x46: {  	_ =	shalt  }
0x47: {  	_ =	shalt  }
0x48: {  	_ =	shalt  }
0x49: {  	_ =	shalt  }
0x4a: {  	_ =	shalt  }
0x4b: {  	_ =	shalt  }
0x4c: {  	_ =	shalt  }
0x4d: {  	_ =	shalt  }
0x4e: {  	_ =	shalt  }
0x4f: {  	_ =	shalt  }
0x50: {  	_ =	shalt  }
0x51: {  	_ =	shalt  }
0x52: {  	_ =	shalt  }
0x53: {  	_ =	shalt  }
0x54: {  	_ =	shalt  }
0x55: {  	_ =	shalt  }
0x56: {  	_ =	shalt  }
0x57: {  	_ =	shalt  }
0x58: {  	_ =	shalt  }
0x59: {  	_ =	shalt  }
0x5a: {  	_ =	shalt  }
0x5b: {  	_ =	shalt  }
0x5c: {  	_ =	shalt  }
0x5d: {  	_ =	shalt  }
0x5e: {  	_ =	shalt  }
0x5f: {  	_ =	shalt  }
0x60: {  	_ =	shalt  }
0x61: {  	_ =	shalt  }
0x62: {  	_ =	shalt  }
0x63: {  	_ =	shalt  }
0x64: {  	_ =	shalt  }
0x65: {  	_ =	shalt  }
0x66: {  	_ =	shalt  }
0x67: {  	_ =	shalt  }
0x68: {  	_ =	shalt  }
0x69: {  	_ =	shalt  }
0x6a: {  	_ =	shalt  }
0x6b: {  	_ =	shalt  }
0x6c: {  	_ =	shalt  }
0x6d: {  	_ =	shalt  }
0x6e: {  	_ =	shalt  }
0x6f: {  	_ =	shalt  }
0x70: {  	_ =	shalt  }
0x71: {  	_ =	shalt  }
0x72: {  	_ =	shalt  }
0x73: {  	_ =	shalt  }
0x74: {  	_ =	shalt  }
0x75: {  	_ =	shalt  }
0x76: {  	_ =	shalt  }
0x77: {  	_ =	shalt  }
0x78: {  	_ =	shalt  }
0x79: {  	_ =	shalt  }
0x7a: {  	_ =	shalt  }
0x7b: {  	_ =	shalt  }
0x7c: {  	_ =	shalt  }
0x7d: {  	_ =	shalt  }
0x7e: {  	_ =	shalt  }
0x7f: {  	_ =	shalt  }
0x80: {  	_ =	shalt  }
0x81: {  	_ =	shalt  }
0x82: {  	_ =	shalt  }
0x83: {  	_ =	shalt  }
0x84: {  	_ =	shalt  }
0x85: {  	_ =	shalt  }
0x86: {  	_ =	shalt  }
0x87: {  	_ =	shalt  }
.Lfunc_end0:
.L_simem_size_0:
called_computation_lowered:
.L_overlay_start_0:
0x88: {  	s2 =	sld [smem:$0x3FD9]  }
0x89: {  	s3 =	sld [smem:$0x3FFE];
	_ =	sdelay $0x1  }
0x8a: {  	s1 =	srdreg.scid  }
0x8b: {  	s0 =	sand.u32 $0x1, s1  }
0x8c: {  	s17 =	sshll.u32 s0, $0xA;
	s2 =	sadd.s32 s3, s2  }
0x8d: {  	s2 =	sadd.s32 s2, s17  }
0x8e: {  	[smem:$0x3FC6] =	sst s2  }
0x8f: {  	_ = 	snop  }
0x90: {  	s2 =	sld [smem:$0x3FC9]  }
0x91: {  	s18 =	sld [smem:$0x3FD0];
	(tm) =	ssettm $0x1  }
0x92: {  	s4 =	sld [smem:$0x3FFB];
	_ =	sdelay $0x3  }
0x93: {  	_ =	strace s4  }
0x94: {  	s4 =	sld [smem:$0x3FFC];
	_ =	sdelay $0x3  }
0x95: {  	_ =	strace s4  }
0x96: {  	s4 =	sld [smem:$0x3FFD];
	_ =	sdelay $0x3  }
0x97: {  	_ =	strace s4  }
0x98: {  	_ =	strace $0x8FFFFFFF  }
0x99: {  	s19 =	sld [smem:$0x3FDB];
	_ =	sdelay $0x1  }
0x9a: {  	s5 =	simm.s32 $_scs_section_size  }
0x9b: {  	s6 =	simm.s32 $_size__tile_overlayer_lowered;
	s7 =	simm.s32 $_tile_overlayer_lowered  }
0x9c: {  	s22 =	simm.s32 $0x1BFF;
	s21 =	sshll.u32 s7, $0x1;
	s4 =	sadd.s32 s5, s19  }
0x9d: {  	s8 =	simm.s32 $0x0;
	s20 =	sshll.u32 s6, $0x1;
	s6 =	sadd.s32 s21, s4  }
0x9e: {  	[timem:s8], [sflag:s22] =	dma.local [hbm:s6], s20  }
0x9f: {  	_ =	swait.ge [sflag:s22], s20  }
0xa0: {  	s5 =	ssub.s32 $0x0, s20;
	[sflag:s22] =	ssyncset.done $0x0  }
0xa1: {  	[sflag:s22] =	ssyncadd.s32 s5;
	_ =	sdelay $0x1  }
0xa2: {  	s23 =	simm.s32 $0x1B8B  }
0xa3: {  	_ =	swait.ge [sflag:s23], $0x1  }
0xa4: {  	[sflag:s23] =	ssyncset.done $0x0  }
0xa5: {  	s25 =	simm.s32 $0x1B8E;
	s24 =	sld [smem:$0x3FFE];
	[sflag:s23] =	ssyncadd.s32 $0xFFFFFFFF  }
0xa6: {  	s26 =	simm.s32 $execute0_lowered;
	[smem:$0x3FD2] =	sst s25  }
0xa7: {  	s6 =	sshll.u32 s26, $0x1;
	_ =	strace $0x80000046;
	[dreg:$0x1] =	wrdreg $0xFFFFFFFF  }
0xa8: {  	s28 =	simm.s32 $_size_execute0_lowered;
	s4 =	sadd.s32 s4, s6;
	[dreg:$0x0] =	wrdreg $0x0  }
0xa9: {  	s6 =	sshll.u32 s28, $0x1;
	[dreg:$0x2] =	wrdreg s4  }
0xaa: {  	[dreg:$0x3] =	wrdreg s6  }
0xab: {  	[dreg:$0x4] =	wrdreg $0xC0  }
0xac: {  	_ =	task [dreg:s8], $0x5FFFF  }
0xad: {  	[dreg:$0x1] =	wrdreg $0xFFFFFFFF  }
0xae: {  	[dreg:$0x0] =	wrdreg $0x60  }
0xaf: {  	[dreg:$0x2] =	wrdreg s2  }
0xb0: {  	[dreg:$0x3] =	wrdreg s24  }
0xb1: {  	[dreg:$0x4] =	wrdreg s18  }
0xb2: {  	[dreg:$0x5] =	wrdreg $0x9  }
0xb3: {  	_ =	task.clear_ibuf [dreg:s8], $0x6FFFF;
	_ =	strace $0x90000046  }
0xb4: {  	s29 =	simm.s32 $0x9;
	_ =	strace $0x80000048  }
0xb5: {  	_ =	swait.ge [sflag:s29], $0x1  }
0xb6: {  	[sflag:s29] =	ssyncadd.s32 $0xFFFFFFFF  }
0xb7: {  	_ =	strace $0x90000048  }
0xb8: {  	_ =	sfence  }
0xb9: {  	s30 =	sld [smem:$0x0];
	_ =	sdelay $0x2  }
0xba: {  	s31 =	sshll.u32 s1, $0xD;
	s1 =	sshrl.u32 s1, $0x2  }
0xbb: {  	s3 =	sand.u32 $0x4000, s31;
	s1 =	sadd.s32 s1, s30  }
0xbc: {  	s0 =	sor.u32 s3, s0;
	s1 =	sshll.u32 s1, $0x11  }
0xbd: {  	s0 =	sor.u32 s1, s0  }
0xbe: {  	s0 =	sadd.s32 $0x8F2B, s0  }
0xbf: {  	[sflag:s0] =	ssyncadd.remote.s32 $0x1  }
0xc0: {  	_ =	sfence.sel $0xFFFF  }
0xc1: {  	[dreg:$0x0] =	wrdreg $0xFFFFFFFF;
	(pc) =	sbr.abs _section_cstart, $3  }
0xc2: {  	[dreg:$0x1] =	wrdreg $0xFFFFFFFF  }
0xc3: {  	_ =	task.clear_ibuf [dreg:s8], $0x2FFFF;
	_ =	strace $0x9FFFFFFF  }
0xc4: {  	(tm) =	ssettm $0x7FFFFFFF  }
0xc5: {  	_ =	shalt  }
tec
execute0_lowered:
.L_overlay_start_1:
0x0: {  	(tag) =	ssettag $0x1  }
0x1: {  	s1 =	rddreg [dreg:$0x0]  }
0x2: {  	s4 =	rddreg [dreg:$0x1]  }
0x3: {  	s8 =	rddreg [dreg:$0x2]  }
0x4: {  	s0 =	rddreg [dreg:$0x3];
	s5 =	srdreg.scid  }
0x5: {  	s2 =	stileid.u32;
	s3 =	simm.s32 $0x0;
	s11 =	simm.s32 $0x400  }
0x6: {  	s12 =	simm.s32 $0x1800;
	s13 =	simm.s32 $0x200;
	s14 =	simm.s32 $0x8200  }
0x7: {  	s15 =	simm.s32 $0x1;
	s5 =	sand.u32 $0x1, s5;
	s6 =	sshll.u32 s2, $0x1  }
0x8: {  	s16 =	simm.s32 $0x2;
	s17 =	simm.s32 $0x10200;
	s6 =	sor.u32 s5, s6  }
0x9: {  	s18 =	simm.s32 $0x0;
	s5 =	ssub.s32 $0x2, s5;
	s7 =	smul.u32 $0x18000, s6  }
0xa: {  	[smem:$0x7FF] =	sst s3;
	s9 =	sshrl.u32 s5, $0x1;
	s10 =	smul.u32 $0x60, s6  }
0xb: {  	s4 =	sadd.s32 $0xA00, s4;
	_ =	strace $0x80000047;
	s9 =	ssub.s32 s5, s9  }
0xc: {  	s5 =	sshll.u32 s6, $0xA;
	s6 =	sadd.s32 s1, s7;
	s8 =	sadd.s32 s8, s10  }
0xd: {  	s9 =	smax.u32 s9, $0x1;
	s10 =	simm.s32 $0x3;
	s7 =	sadd.s32 $0x6000, s6  }
.LBB2_1:
0xe: {  	[tilespmem:s3], [sflag:$0x3] =	stream.linear.gather [hbm4b:s4+s3], $0x200, $0x38;
	[tilespmem:$0x10500] =	vst v63  }
0xf: {  	_ =	swait.ge [sflag:s10], $0x200  }
0x10: {  	[sflag:s10] =	ssyncset.done $0x0  }
0x11: {  	[sflag:s10] =	ssyncadd.s32 $0xFFFFFE00  }
0x12: {  	v0 =	vld [tilespmem:$0x0]  }
0x13: {  	v1 =	vld [tilespmem:$0x80]  }
0x14: {  	v2 =	vld [tilespmem:$0x100]  }
0x15: {  	v3 =	vld [tilespmem:$0x180];
	[tilespmem:s13], [sflag:$0x1] =	stream.strided.gather [hbm4b:s6+s11], $0x8000, s12, s11, $0x38  }
0x16: {  	s19 =	simm.s32 $0x0;
	s20 =	smov.u32 s5;
	s21 =	simm.s32 $0x0  }
0x17: {  	[tilespmem:s14], [sflag:$0x2] =	stream.strided.gather [hbm4b:s7+s11], $0x8000, s12, s11, $0x38;
	[tilespmem:$0x10500] =	vst v63  }
.LBB2_2:
0x18: {  	_ =	swait.ge [sflag:s15], $0x8000  }
0x19: {  	[sflag:s15] =	ssyncset.done $0x0  }
0x1a: {  	s22 =	simm.s32 $0x0;
	[sflag:s15] =	ssyncadd.s32 $0xFFFF8000  }
0x1b: {  	v5 =	vld [tilespmem:s22+$0x580]  }
0x1c: {  	v6 =	vld [tilespmem:s22+$0x400]  }
0x1d: {  	v7 =	vld [tilespmem:s22+$0x300]  }
0x1e: {  	v8 =	vld [tilespmem:s22+$0x500]  }
0x1f: {  	v9 =	vld [tilespmem:s22+$0x280]  }
0x20: {  	v11 =	vld [tilespmem:s22+$0x480]  }
0x21: {  	v10 =	vld [tilespmem:s22+$0x380]  }
0x22: {  	v12 =	vld [tilespmem:s22+$0x200];
	_ =	sdelay $0x2  }
0x23: {  	v4 =	vimm.f32 $-1.000000020e+30;
	v13 =	vmax.f32 v8, v5  }
0x24: {  	v8 =	vmin.f32 v8, v5;
	v14 =	vmax.f32 v6, v11;
	v15 =	vmax.f32 v7, v10  }
0x25: {  	v10 =	vmin.f32 v7, v10;
	v7 =	vmax.f32 v12, v9;
	v16 =	vmin.f32 v12, v9  }
0x26: {  	v6 =	vmin.f32 v6, v11;
	v5 =	vmax.f32 v14, v13;
	v9 =	vmin.f32 v7, v15  }
0x27: {  	v12 =	vmax.f32 v16, v10;
	v14 =	vmin.f32 v14, v13;
	v17 =	vmax.f32 v6, v8  }
0x28: {  	v6 =	vmin.f32 v6, v8;
	v11 =	vmax.f32 v7, v15;
	v19 =	vmax.f32 v12, v9  }
0x29: {  	v18 =	vmin.f32 v12, v9;
	v8 =	vmin.f32 v17, v14;
	v7 =	vmax.f32 v17, v14  }
0x2a: {  	v17 =	vimm.f32 $-1.000000020e+30;
	v14 =	vimm.f32 $-1.000000020e+30;
	v9 =	vimm.f32 $-1.000000020e+30  }
0x2b: {  	s23 =	simm.s32 $0x1000;
	v12 =	vimm.f32 $-1.000000020e+30;
	v15 =	vmin.f32 v4, v19;
	v13 =	vmax.f32 v4, v19  }
.LBB2_3:
0x2c: {  	s24 =	sshra.s32 s23, $0x2;
	p0 =	sne.s32 s23, $0x1F000;
	s23 =	sadd.s32 $0x1000, s23;
	v20 =	vmin.f32 v17, v11;
	v17 =	vmin.f32 v17, v19;
	v19 =	vmax.f32 v18, v14  }
0x2d: {  	v10 =	vmin.f32 v16, v10;
	v16 =	vmin.f32 v9, v18;
	v14 =	vmin.f32 v14, v11;
	v21 =	vld [tilespmem:s24+$0x580]  }
0x2e: {  	v22 =	vmax.f32 v9, v11;
	v10 =	vmax.f32 v10, v12;
	v12 =	vmax.f32 v17, v14;
	v18 =	vld [tilespmem:s24+$0x400]  }
0x2f: {  	v14 =	vmin.f32 v22, v7;
	v12 =	vmax.f32 v16, v12;
	v16 =	vmin.f32 v22, v5;
	v23 =	vld [tilespmem:s24+$0x300]  }
0x30: {  	v9 =	vmin.f32 v9, v11;
	v11 =	vmax.f32 v15, v20;
	v15 =	vmin.f32 v22, v8;
	v17 =	vld [tilespmem:s24+$0x500]  }
0x31: {  	v13 =	vmax.f32 v9, v13;
	v9 =	vmax.f32 v19, v11;
	v10 =	vmax.f32 v10, v12;
	v20 =	vld [tilespmem:s24+$0x280]  }
0x32: {  	v19 =	vmin.f32 v13, v7;
	v12 =	vmin.f32 v13, v5;
	v24 =	vmin.f32 v9, v5;
	v11 =	vld [tilespmem:s24+$0x480]  }
0x33: {  	v8 =	vmax.f32 v8, v9;
	v9 =	vmax.f32 v14, v12;
	v12 =	vmax.f32 v19, v24;
	v25 =	vld [tilespmem:s24+$0x380]  }
0x34: {  	v6 =	vmax.f32 v6, v10;
	v14 =	vmax.f32 v8, v9;
	v8 =	vmax.f32 v15, v12;
	v19 =	vld [tilespmem:s24+$0x200]  }
0x35: {  	v12 =	vmax.f32 v6, v8;
	v15 =	vmax.f32 v17, v21;
	v21 =	vmin.f32 v17, v21  }
0x36: {  	v9 =	vmax.f32 v22, v5;
	v5 =	vmax.f32 v13, v7  }
0x37: {  	v17 =	vmax.f32 v16, v5;
	v6 =	vmax.f32 v18, v11  }
0x38: {  	v7 =	vmax.f32 v23, v25;
	v10 =	vmin.f32 v23, v25;
	v5 =	vmax.f32 v6, v15  }
.Ltmp0:
0x39: {  	v11 =	vmin.f32 v18, v11;
	v8 =	vmax.f32 v19, v20;
	v16 =	vmin.f32 v19, v20;
	(pc) =	sbr.rel @p0 .LBB2_3-.Ltmp0, $4  }
0x3a: {  	v20 =	vmin.f32 v6, v15;
	v13 =	vmin.f32 v8, v7;
	v18 =	vmax.f32 v16, v10  }
0x3b: {  	v22 =	vmax.f32 v11, v21;
	v6 =	vmin.f32 v11, v21;
	v19 =	vmax.f32 v18, v13  }
0x3c: {  	v11 =	vmax.f32 v8, v7;
	v8 =	vmin.f32 v22, v20;
	v18 =	vmin.f32 v18, v13  }
0x3d: {  	v7 =	vmax.f32 v22, v20;
	v15 =	vmin.f32 v9, v19;
	v13 =	vmax.f32 v17, v19  }
0x3e: {  	v20 =	vmin.f32 v17, v11  }
0x3f: {  	v17 =	vmin.f32 v17, v19;
	v19 =	vmax.f32 v18, v14;
	v14 =	vmin.f32 v14, v11  }
0x40: {  	v21 =	vld [tilespmem:s22+$0x510];
	v10 =	vmin.f32 v16, v10;
	v16 =	vmin.f32 v9, v18;
	v18 =	vmax.f32 v9, v11  }
0x41: {  	v9 =	vmin.f32 v9, v11;
	v11 =	vld [tilespmem:s22+$0x590];
	v14 =	vmax.f32 v17, v14;
	v10 =	vmax.f32 v10, v12  }
0x42: {  	v24 =	vld [tilespmem:s22+$0x410];
	v22 =	vmin.f32 v18, v7;
	v15 =	vmax.f32 v15, v20;
	v20 =	vmin.f32 v18, v8  }
0x43: {  	v17 =	vld [tilespmem:s22+$0x490];
	v9 =	vmax.f32 v9, v13;
	v12 =	vmax.f32 v16, v14;
	v16 =	vmin.f32 v18, v5  }
0x44: {  	v13 =	vld [tilespmem:s22+$0x290];
	v15 =	vmax.f32 v19, v15;
	v19 =	vmin.f32 v9, v5;
	v23 =	vmin.f32 v9, v7  }
0x45: {  	v14 =	vld [tilespmem:s22+$0x310];
	v9 =	vmax.f32 v9, v7;
	v7 =	vmax.f32 v18, v5;
	v8 =	vmax.f32 v8, v15  }
0x46: {  	v15 =	vmin.f32 v15, v5;
	v19 =	vmax.f32 v22, v19;
	v22 =	vld [tilespmem:s22+$0x210];
	v10 =	vmax.f32 v10, v12  }
0x47: {  	v29 =	vmax.f32 v16, v9;
	v15 =	vmax.f32 v23, v15;
	v12 =	vmax.f32 v8, v19;
	v19 =	vld [tilespmem:s22+$0x390]  }
0x48: {  	v16 =	vimm.f32 $-1.000000020e+30;
	v6 =	vmax.f32 v6, v10;
	v8 =	vmax.f32 v20, v15  }
0x49: {  	v5 =	vmax.f32 v21, v11;
	v15 =	vmax.f32 v6, v8;
	v6 =	vmax.f32 v24, v17  }
0x4a: {  	v8 =	vmin.f32 v21, v11;
	v10 =	vmin.f32 v24, v17;
	v18 =	vmin.f32 v6, v5  }
0x4b: {  	v5 =	vmax.f32 v6, v5;
	v23 =	vmax.f32 v10, v8;
	v9 =	vmin.f32 v22, v13  }
0x4c: {  	v11 =	vmax.f32 v22, v13;
	v13 =	vmax.f32 v14, v19;
	v6 =	vmin.f32 v14, v19  }
0x4d: {  	v14 =	vmin.f32 v11, v13;
	v21 =	vmax.f32 v11, v13;
	v11 =	vmax.f32 v9, v6  }
0x4e: {  	v17 =	vmin.f32 v9, v6;
	v13 =	vimm.f32 $-1.000000020e+30;
	v20 =	vmax.f32 v11, v14  }
0x4f: {  	v22 =	vmin.f32 v11, v14;
	v11 =	vmin.f32 v23, v18;
	v9 =	vmax.f32 v4, v21  }
0x50: {  	s22 =	simm.s32 $0x1000;
	v14 =	vimm.f32 $-1.000000020e+30;
	v24 =	vmin.f32 v4, v20;
	v19 =	vmax.f32 v4, v20  }
.LBB2_5:
0x51: {  	s23 =	sshra.s32 s22, $0x2;
	p0 =	sne.s32 s22, $0x1F000;
	s22 =	sadd.s32 $0x1000, s22;
	v6 =	vmin.f32 v4, v21;
	v25 =	vmax.f32 v22, v13;
	v18 =	vmax.f32 v23, v18  }
0x52: {  	v26 =	vmin.f32 v16, v21;
	v13 =	vmin.f32 v13, v21;
	v23 =	vld [tilespmem:s23+$0x510];
	v6 =	vmax.f32 v24, v6  }
0x53: {  	v16 =	vmin.f32 v16, v22;
	v4 =	vmin.f32 v4, v20;
	v21 =	vld [tilespmem:s23+$0x490];
	v6 =	vmax.f32 v25, v6  }
0x54: {  	v14 =	vmax.f32 v17, v14;
	v17 =	vmin.f32 v9, v11;
	v20 =	vld [tilespmem:s23+$0x310];
	v22 =	vmin.f32 v6, v5  }
0x55: {  	v19 =	vmax.f32 v26, v19;
	v25 =	vmin.f32 v9, v18;
	v6 =	vmax.f32 v11, v6;
	v24 =	vld [tilespmem:s23+$0x590]  }
0x56: {  	v10 =	vmin.f32 v10, v8;
	v8 =	vmin.f32 v19, v5;
	v26 =	vmin.f32 v19, v18;
	v11 =	vld [tilespmem:s23+$0x290]  }
0x57: {  	v4 =	vmax.f32 v4, v13;
	v8 =	vmax.f32 v25, v8;
	v22 =	vmax.f32 v26, v22;
	v27 =	vld [tilespmem:s23+$0x410]  }
0x58: {  	v4 =	vmax.f32 v16, v4;
	v13 =	vmax.f32 v6, v8;
	v6 =	vmax.f32 v17, v22;
	v25 =	vld [tilespmem:s23+$0x210]  }
0x59: {  	v18 =	vmax.f32 v19, v18;
	v4 =	vmax.f32 v14, v4;
	v14 =	vmin.f32 v9, v5;
	v17 =	vld [tilespmem:s23+$0x390]  }
0x5a: {  	v10 =	vmax.f32 v10, v4;
	v19 =	vmax.f32 v23, v24;
	v8 =	vmin.f32 v23, v24  }
0x5b: {  	v16 =	vmax.f32 v9, v5;
	v4 =	vmax.f32 v14, v18;
	v14 =	vmax.f32 v10, v6  }
0x5c: {  	v6 =	vimm.f32 $-1.000000020e+30;
	v5 =	vmax.f32 v27, v21  }
0x5d: {  	v10 =	vmin.f32 v27, v21;
	v9 =	vmin.f32 v25, v11;
	v18 =	vmin.f32 v5, v19  }
.Ltmp1:
0x5e: {  	v11 =	vmax.f32 v25, v11;
	v5 =	vmax.f32 v5, v19;
	v21 =	vmax.f32 v20, v17;
	(pc) =	sbr.rel @p0 .LBB2_5-.Ltmp1, $4  }
0x5f: {  	v23 =	vmax.f32 v10, v8;
	v17 =	vmin.f32 v20, v17;
	v19 =	vmin.f32 v11, v21  }
0x60: {  	v21 =	vmax.f32 v11, v21;
	v11 =	vmax.f32 v9, v17;
	v17 =	vmin.f32 v9, v17  }
0x61: {  	v20 =	vmax.f32 v11, v19;
	v22 =	vmin.f32 v11, v19;
	v11 =	vmin.f32 v23, v18  }
0x62: {  	v9 =	vmax.f32 v16, v21;
	v24 =	vmin.f32 v16, v20;
	v19 =	vmax.f32 v4, v20  }
0x63: {  	v25 =	vmin.f32 v4, v21;
	v26 =	vmax.f32 v22, v13  }
0x64: {  	s22 =	simm.s32 $0x0;
	v18 =	vmax.f32 v23, v18;
	v23 =	vmin.f32 v16, v21;
	v13 =	vmin.f32 v13, v21  }
0x65: {  	v16 =	vmin.f32 v16, v22;
	v4 =	vmin.f32 v4, v20;
	v14 =	vmax.f32 v17, v14;
	v27 =	vld [tilespmem:s22+$0x5A0]  }
0x66: {  	v8 =	vmin.f32 v10, v8;
	v24 =	vmax.f32 v24, v25;
	v25 =	vld [tilespmem:s22+$0x420];
	v19 =	vmax.f32 v23, v19  }
0x67: {  	v20 =	vld [tilespmem:s22+$0x520];
	v22 =	vmin.f32 v9, v18;
	v4 =	vmax.f32 v4, v13;
	v21 =	vmax.f32 v26, v24  }
0x68: {  	v13 =	vld [tilespmem:s22+$0x4A0];
	v23 =	vmin.f32 v19, v5;
	v26 =	vmin.f32 v19, v18;
	v16 =	vmax.f32 v16, v4  }
0x69: {  	v24 =	vld [tilespmem:s22+$0x320];
	v17 =	vmin.f32 v21, v5;
	v22 =	vmax.f32 v22, v23;
	v21 =	vmax.f32 v11, v21  }
0x6a: {  	v23 =	vld [tilespmem:s22+$0x3A0];
	v11 =	vmin.f32 v9, v11;
	v17 =	vmax.f32 v26, v17;
	v4 =	vmax.f32 v21, v22  }
0x6b: {  	v10 =	vld [tilespmem:s22+$0x2A0];
	v17 =	vmax.f32 v11, v17;
	v11 =	vmax.f32 v14, v16;
	v14 =	vmin.f32 v9, v5  }
0x6c: {  	v21 =	vld [tilespmem:s22+$0x220];
	v16 =	vmax.f32 v19, v18;
	v5 =	vmax.f32 v9, v5;
	v8 =	vmax.f32 v8, v11  }
0x6d: {  	v11 =	vmax.f32 v14, v16;
	v9 =	vmax.f32 v20, v27;
	v14 =	vmin.f32 v20, v27  }
0x6e: {  	v22 =	vmax.f32 v8, v17;
	v17 =	vmax.f32 v25, v13;
	v13 =	vmin.f32 v25, v13  }
0x6f: {  	v18 =	vmax.f32 v24, v23;
	v16 =	vmin.f32 v24, v23;
	v8 =	vmax.f32 v17, v9  }
0x70: {  	v24 =	vmin.f32 v17, v9;
	v27 =	vmax.f32 v13, v14;
	v9 =	vmin.f32 v13, v14  }
0x71: {  	v14 =	vimm.f32 $-1.000000020e+30;
	v19 =	vmax.f32 v21, v10;
	v23 =	vmin.f32 v21, v10  }
0x72: {  	v13 =	vmin.f32 v27, v24;
	v10 =	vmin.f32 v19, v18;
	v20 =	vmax.f32 v23, v16  }
0x73: {  	v17 =	vmax.f32 v19, v18;
	v18 =	vimm.f32 $-1.000000020e+30;
	v26 =	vmax.f32 v20, v10  }
0x74: {  	v25 =	vmin.f32 v20, v10;
	v10 =	vmax.f32 v27, v24;
	v24 =	vimm.f32 $-1.000000020e+30  }
0x75: {  	s23 =	simm.s32 $0x1000;
	v20 =	vimm.f32 $-1.000000020e+30;
	v21 =	vmin.f32 v6, v26;
	v19 =	vmax.f32 v6, v26  }
.LBB2_7:
0x76: {  	s24 =	sshra.s32 s23, $0x2;
	p0 =	sne.s32 s23, $0x1F000;
	s23 =	sadd.s32 $0x1000, s23;
	v27 =	vmin.f32 v24, v17;
	v24 =	vmin.f32 v24, v26;
	v26 =	vmax.f32 v25, v20  }
0x77: {  	v16 =	vmin.f32 v23, v16;
	v23 =	vmin.f32 v14, v25;
	v20 =	vmin.f32 v20, v17;
	v28 =	vld [tilespmem:s24+$0x5A0]  }
0x78: {  	v30 =	vmax.f32 v14, v17;
	v16 =	vmax.f32 v16, v18;
	v18 =	vmax.f32 v24, v20;
	v25 =	vld [tilespmem:s24+$0x420]  }
0x79: {  	v20 =	vmin.f32 v30, v10;
	v18 =	vmax.f32 v23, v18;
	v23 =	vmin.f32 v30, v8;
	v31 =	vld [tilespmem:s24+$0x320]  }
0x7a: {  	v14 =	vmin.f32 v14, v17;
	v17 =	vmax.f32 v21, v27;
	v21 =	vmin.f32 v30, v13;
	v24 =	vld [tilespmem:s24+$0x520]  }
0x7b: {  	v19 =	vmax.f32 v14, v19;
	v14 =	vmax.f32 v26, v17;
	v16 =	vmax.f32 v16, v18;
	v27 =	vld [tilespmem:s24+$0x2A0]  }
0x7c: {  	v26 =	vmin.f32 v19, v10;
	v18 =	vmin.f32 v19, v8;
	v32 =	vmin.f32 v14, v8;
	v17 =	vld [tilespmem:s24+$0x4A0]  }
0x7d: {  	v13 =	vmax.f32 v13, v14;
	v14 =	vmax.f32 v20, v18;
	v18 =	vmax.f32 v26, v32;
	v33 =	vld [tilespmem:s24+$0x3A0]  }
0x7e: {  	v9 =	vmax.f32 v9, v16;
	v20 =	vmax.f32 v13, v14;
	v13 =	vmax.f32 v21, v18;
	v26 =	vld [tilespmem:s24+$0x220]  }
0x7f: {  	v18 =	vmax.f32 v9, v13;
	v21 =	vmax.f32 v24, v28;
	v28 =	vmin.f32 v24, v28  }
0x80: {  	v14 =	vmax.f32 v30, v8;
	v8 =	vmax.f32 v19, v10  }
0x81: {  	v24 =	vmax.f32 v23, v8;
	v9 =	vmax.f32 v25, v17  }
0x82: {  	v10 =	vmax.f32 v31, v33;
	v16 =	vmin.f32 v31, v33;
	v8 =	vmax.f32 v9, v21  }
.Ltmp2:
0x83: {  	v17 =	vmin.f32 v25, v17;
	v13 =	vmax.f32 v26, v27;
	v23 =	vmin.f32 v26, v27;
	(pc) =	sbr.rel @p0 .LBB2_7-.Ltmp2, $4  }
0x84: {  	v27 =	vmin.f32 v9, v21;
	v19 =	vmin.f32 v13, v10;
	v25 =	vmax.f32 v23, v16  }
0x85: {  	v30 =	vmax.f32 v17, v28;
	v9 =	vmin.f32 v17, v28;
	v26 =	vmax.f32 v25, v19  }
0x86: {  	v17 =	vmax.f32 v13, v10;
	v13 =	vmin.f32 v30, v27;
	v25 =	vmin.f32 v25, v19  }
0x87: {  	v10 =	vmax.f32 v30, v27;
	v21 =	vmin.f32 v14, v26;
	v19 =	vmax.f32 v24, v26  }
0x88: {  	v27 =	vmin.f32 v24, v17  }
0x89: {  	v24 =	vmin.f32 v24, v26;
	v26 =	vmax.f32 v25, v20;
	v20 =	vmin.f32 v20, v17  }
0x8a: {  	v28 =	vld [tilespmem:s22+$0x530];
	v16 =	vmin.f32 v23, v16;
	v23 =	vmin.f32 v14, v25;
	v25 =	vmax.f32 v14, v17  }
0x8b: {  	v14 =	vmin.f32 v14, v17;
	v31 =	vld [tilespmem:s22+$0x5B0];
	v20 =	vmax.f32 v24, v20;
	v16 =	vmax.f32 v16, v18  }
0x8c: {  	v32 =	vld [tilespmem:s22+$0x430];
	v30 =	vmin.f32 v25, v10;
	v17 =	vmax.f32 v21, v27;
	v21 =	vmin.f32 v25, v13  }
0x8d: {  	v33 =	vld [tilespmem:s22+$0x230];
	v14 =	vmax.f32 v14, v19;
	v18 =	vmax.f32 v23, v20;
	v23 =	vmin.f32 v25, v8  }
0x8e: {  	v24 =	vld [tilespmem:s22+$0x4B0];
	v17 =	vmax.f32 v26, v17;
	v26 =	vmin.f32 v14, v8;
	v27 =	vmin.f32 v14, v10  }
0x8f: {  	v19 =	vld [tilespmem:s22+$0x2B0];
	v14 =	vmax.f32 v14, v10;
	v10 =	vmax.f32 v25, v8;
	v13 =	vmax.f32 v13, v17  }
0x90: {  	v20 =	vld [tilespmem:s22+$0x330];
	v17 =	vmin.f32 v17, v8;
	v26 =	vmax.f32 v30, v26;
	v16 =	vmax.f32 v16, v18  }
0x91: {  	v30 =	vmax.f32 v23, v14;
	v18 =	vmax.f32 v27, v17;
	v17 =	vmax.f32 v13, v26;
	v26 =	vld [tilespmem:s22+$0x3B0]  }
0x92: {  	v23 =	vimm.f32 $-1.000000020e+30;
	v9 =	vmax.f32 v9, v16;
	v13 =	vmax.f32 v21, v18  }
0x93: {  	v8 =	vmax.f32 v28, v31;
	v18 =	vmax.f32 v9, v13;
	v13 =	vmin.f32 v28, v31  }
0x94: {  	v9 =	vmax.f32 v32, v24;
	v14 =	vmin.f32 v33, v19;
	v16 =	vmin.f32 v32, v24  }
0x95: {  	v19 =	vmax.f32 v33, v19;
	v25 =	vmin.f32 v9, v8;
	v8 =	vmax.f32 v9, v8  }
0x96: {  	v32 =	vmax.f32 v16, v13;
	v21 =	vmax.f32 v20, v26;
	v9 =	vmin.f32 v20, v26  }
0x97: {  	v20 =	vmin.f32 v19, v21;
	v28 =	vmax.f32 v19, v21;
	v19 =	vmax.f32 v14, v9  }
0x98: {  	v24 =	vmin.f32 v14, v9;
	v21 =	vimm.f32 $-1.000000020e+30;
	v27 =	vmax.f32 v19, v20  }
0x99: {  	v31 =	vmin.f32 v19, v20;
	v19 =	vmin.f32 v32, v25;
	v14 =	vmax.f32 v6, v28  }
0x9a: {  	s22 =	simm.s32 $0x1000;
	v20 =	vimm.f32 $-1.000000020e+30;
	v33 =	vmin.f32 v6, v27;
	v26 =	vmax.f32 v6, v27  }
.LBB2_9:
0x9b: {  	s23 =	sshra.s32 s22, $0x2;
	p0 =	sne.s32 s22, $0x1F000;
	s22 =	sadd.s32 $0x1000, s22;
	v9 =	vmin.f32 v6, v28;
	v34 =	vmax.f32 v31, v20;
	v25 =	vmax.f32 v32, v25  }
0x9c: {  	v35 =	vmin.f32 v23, v28;
	v20 =	vmin.f32 v20, v28;
	v32 =	vld [tilespmem:s23+$0x530];
	v9 =	vmax.f32 v33, v9  }
0x9d: {  	v23 =	vmin.f32 v23, v31;
	v6 =	vmin.f32 v6, v27;
	v28 =	vld [tilespmem:s23+$0x4B0];
	v9 =	vmax.f32 v34, v9  }
0x9e: {  	v21 =	vmax.f32 v24, v21;
	v24 =	vmin.f32 v14, v19;
	v27 =	vld [tilespmem:s23+$0x330];
	v31 =	vmin.f32 v9, v8  }
0x9f: {  	v26 =	vmax.f32 v35, v26;
	v34 =	vmin.f32 v14, v25;
	v9 =	vmax.f32 v19, v9;
	v33 =	vld [tilespmem:s23+$0x5B0]  }
0xa0: {  	v16 =	vmin.f32 v16, v13;
	v13 =	vmin.f32 v26, v8;
	v35 =	vmin.f32 v26, v25;
	v19 =	vld [tilespmem:s23+$0x2B0]  }
0xa1: {  	v6 =	vmax.f32 v6, v20;
	v13 =	vmax.f32 v34, v13;
	v31 =	vmax.f32 v35, v31;
	v36 =	vld [tilespmem:s23+$0x430]  }
0xa2: {  	v6 =	vmax.f32 v23, v6;
	v20 =	vmax.f32 v9, v13;
	v9 =	vmax.f32 v24, v31;
	v34 =	vld [tilespmem:s23+$0x230]  }
0xa3: {  	v25 =	vmax.f32 v26, v25;
	v6 =	vmax.f32 v21, v6;
	v21 =	vmin.f32 v14, v8;
	v24 =	vld [tilespmem:s23+$0x3B0]  }
0xa4: {  	v16 =	vmax.f32 v16, v6;
	v26 =	vmax.f32 v32, v33;
	v13 =	vmin.f32 v32, v33  }
0xa5: {  	v23 =	vmax.f32 v14, v8;
	v6 =	vmax.f32 v21, v25;
	v21 =	vmax.f32 v16, v9  }
0xa6: {  	v9 =	vimm.f32 $-1.000000020e+30;
	v8 =	vmax.f32 v36, v28  }
0xa7: {  	v16 =	vmin.f32 v36, v28;
	v14 =	vmin.f32 v34, v19;
	v25 =	vmin.f32 v8, v26  }
.Ltmp3:
0xa8: {  	v19 =	vmax.f32 v34, v19;
	v8 =	vmax.f32 v8, v26;
	v28 =	vmax.f32 v27, v24;
	(pc) =	sbr.rel @p0 .LBB2_9-.Ltmp3, $4  }
0xa9: {  	v32 =	vmax.f32 v16, v13;
	v24 =	vmin.f32 v27, v24;
	v26 =	vmin.f32 v19, v28  }
0xaa: {  	v28 =	vmax.f32 v19, v28;
	v19 =	vmax.f32 v14, v24;
	v24 =	vmin.f32 v14, v24  }
0xab: {  	v27 =	vmax.f32 v19, v26;
	v31 =	vmin.f32 v19, v26;
	v19 =	vmin.f32 v32, v25  }
0xac: {  	v14 =	vmax.f32 v23, v28;
	v33 =	vmin.f32 v23, v27;
	v26 =	vmax.f32 v6, v27  }
0xad: {  	v34 =	vmin.f32 v6, v28;
	v35 =	vmax.f32 v31, v20  }
0xae: {  	s22 =	simm.s32 $0x0;
	v25 =	vmax.f32 v32, v25;
	v57 =	vmin.f32 v23, v28;
	v20 =	vmin.f32 v20, v28  }
0xaf: {  	v23 =	vmin.f32 v23, v31;
	v6 =	vmin.f32 v6, v27;
	v21 =	vmax.f32 v24, v21;
	v36 =	vld [tilespmem:s22+$0x5C0]  }
0xb0: {  	v13 =	vmin.f32 v16, v13;
	v33 =	vmax.f32 v33, v34;
	v58 =	vld [tilespmem:s22+$0x440];
	v26 =	vmax.f32 v57, v26  }
0xb1: {  	v31 =	vld [tilespmem:s22+$0x340];
	v59 =	vmin.f32 v14, v25;
	v6 =	vmax.f32 v6, v20;
	v28 =	vmax.f32 v35, v33  }
0xb2: {  	v27 =	vld [tilespmem:s22+$0x540];
	v16 =	vmin.f32 v26, v8;
	v61 =	vmin.f32 v26, v25;
	v23 =	vmax.f32 v23, v6  }
0xb3: {  	v20 =	vld [tilespmem:s22+$0x4C0];
	v33 =	vimm.f32 $-1.000000020e+30;
	v24 =	vmin.f32 v28, v8;
	v16 =	vmax.f32 v59, v16  }
0xb4: {  	v62 =	vld [tilespmem:s22+$0x3C0];
	v28 =	vmax.f32 v19, v28;
	v19 =	vmin.f32 v14, v19;
	v24 =	vmax.f32 v61, v24  }
0xb5: {  	v6 =	vmax.f32 v28, v16;
	v16 =	vmax.f32 v21, v23;
	v21 =	vmin.f32 v14, v8  }
0xb6: {  	v60 =	vld [tilespmem:s22+$0x2C0];
	v23 =	vmax.f32 v26, v25;
	v19 =	vmax.f32 v19, v24;
	v13 =	vmax.f32 v13, v16  }
0xb7: {  	v28 =	vld [tilespmem:s22+$0x240];
	v8 =	vmax.f32 v14, v8;
	v16 =	vmax.f32 v21, v23;
	v25 =	vmax.f32 v13, v19  }
0xb8: {  	v14 =	vmax.f32 v27, v36;
	v19 =	vmin.f32 v27, v36;
	v21 =	vmax.f32 v58, v20  }
0xb9: {  	v24 =	vmax.f32 v31, v62;
	v23 =	vmin.f32 v31, v62;
	v20 =	vmin.f32 v58, v20  }
0xba: {  	v13 =	vmax.f32 v21, v14;
	v21 =	vmin.f32 v21, v14;
	v63 =	vmax.f32 v20, v19  }
0xbb: {  	v14 =	vmin.f32 v20, v19;
	v20 =	vmin.f32 v63, v21;
	v19 =	vmax.f32 v63, v21  }
0xbc: {  	v21 =	vimm.f32 $-1.000000020e+30;
	v26 =	vmax.f32 v28, v60;
	v32 =	vmin.f32 v28, v60  }
0xbd: {  	v27 =	vmin.f32 v26, v24;
	v28 =	vmax.f32 v32, v23;
	v24 =	vmax.f32 v26, v24  }
0xbe: {  	v26 =	vimm.f32 $-1.000000020e+30;
	v35 =	vmax.f32 v28, v27;
	v34 =	vmin.f32 v28, v27  }
0xbf: {  	s23 =	simm.s32 $0x1000;
	v28 =	vimm.f32 $-1.000000020e+30;
	v31 =	vmin.f32 v9, v35;
	v27 =	vmax.f32 v9, v35  }
.LBB2_11:
0xc0: {  	s24 =	sshra.s32 s23, $0x2;
	p0 =	sne.s32 s23, $0x1F000;
	s23 =	sadd.s32 $0x1000, s23;
	v36 =	vmin.f32 v33, v24;
	v33 =	vmin.f32 v33, v35;
	v35 =	vmax.f32 v34, v28  }
0xc1: {  	v23 =	vmin.f32 v32, v23;
	v32 =	vmin.f32 v21, v34;
	v28 =	vmin.f32 v28, v24;
	v37 =	vld [tilespmem:s24+$0x5C0]  }
0xc2: {  	v38 =	vmax.f32 v21, v24;
	v23 =	vmax.f32 v23, v26;
	v26 =	vmax.f32 v33, v28;
	v34 =	vld [tilespmem:s24+$0x440]  }
0xc3: {  	v28 =	vmin.f32 v38, v19;
	v26 =	vmax.f32 v32, v26;
	v32 =	vmin.f32 v38, v13;
	v39 =	vld [tilespmem:s24+$0x340]  }
0xc4: {  	v21 =	vmin.f32 v21, v24;
	v24 =	vmax.f32 v31, v36;
	v31 =	vmin.f32 v38, v20;
	v33 =	vld [tilespmem:s24+$0x540]  }
0xc5: {  	v27 =	vmax.f32 v21, v27;
	v21 =	vmax.f32 v35, v24;
	v23 =	vmax.f32 v23, v26;
	v36 =	vld [tilespmem:s24+$0x2C0]  }
0xc6: {  	v35 =	vmin.f32 v27, v19;
	v26 =	vmin.f32 v27, v13;
	v40 =	vmin.f32 v21, v13;
	v24 =	vld [tilespmem:s24+$0x4C0]  }
0xc7: {  	v20 =	vmax.f32 v20, v21;
	v21 =	vmax.f32 v28, v26;
	v26 =	vmax.f32 v35, v40;
	v41 =	vld [tilespmem:s24+$0x3C0]  }
0xc8: {  	v14 =	vmax.f32 v14, v23;
	v28 =	vmax.f32 v20, v21;
	v20 =	vmax.f32 v31, v26;
	v35 =	vld [tilespmem:s24+$0x240]  }
0xc9: {  	v26 =	vmax.f32 v14, v20;
	v31 =	vmax.f32 v33, v37;
	v37 =	vmin.f32 v33, v37  }
0xca: {  	v21 =	vmax.f32 v38, v13;
	v13 =	vmax.f32 v27, v19  }
0xcb: {  	v33 =	vmax.f32 v32, v13;
	v14 =	vmax.f32 v34, v24  }
0xcc: {  	v19 =	vmax.f32 v39, v41;
	v23 =	vmin.f32 v39, v41;
	v13 =	vmax.f32 v14, v31  }
.Ltmp4:
0xcd: {  	v24 =	vmin.f32 v34, v24;
	v20 =	vmax.f32 v35, v36;
	v32 =	vmin.f32 v35, v36;
	(pc) =	sbr.rel @p0 .LBB2_11-.Ltmp4, $4  }
0xce: {  	v36 =	vmin.f32 v14, v31;
	v27 =	vmin.f32 v20, v19;
	v34 =	vmax.f32 v32, v23  }
0xcf: {  	v38 =	vmax.f32 v24, v37;
	v14 =	vmin.f32 v24, v37;
	v35 =	vmax.f32 v34, v27  }
0xd0: {  	v24 =	vmax.f32 v20, v19;
	v20 =	vmin.f32 v38, v36;
	v34 =	vmin.f32 v34, v27  }
0xd1: {  	v19 =	vmax.f32 v38, v36;
	v31 =	vmin.f32 v21, v35;
	v27 =	vmax.f32 v33, v35  }
0xd2: {  	v36 =	vmin.f32 v33, v24  }
0xd3: {  	v53 =	vmin.f32 v33, v35;
	v54 =	vmax.f32 v34, v28;
	v28 =	vmin.f32 v28, v24;
	v37 =	vld [tilespmem:s22+$0x550]  }
0xd4: {  	v23 =	vmin.f32 v32, v23;
	v55 =	vmin.f32 v21, v34;
	v56 =	vld [tilespmem:s22+$0x4D0];
	v57 =	vmax.f32 v21, v24  }
0xd5: {  	v21 =	vmin.f32 v21, v24;
	v39 =	vld [tilespmem:s22+$0x5D0];
	v33 =	vimm.f32 $-1.000000020e+30;
	v32 =	vimm.f32 $-1.000000020e+30  }
0xd6: {  	v59 =	vld [tilespmem:s22+$0x2D0];
	v28 =	vmax.f32 v53, v28;
	v23 =	vmax.f32 v23, v26;
	v58 =	vmin.f32 v57, v13  }
0xd7: {  	v40 =	vld [tilespmem:s22+$0x450];
	v38 =	vmin.f32 v57, v19;
	v24 =	vmax.f32 v31, v36;
	v31 =	vmin.f32 v57, v20  }
0xd8: {  	v61 =	vld [tilespmem:s22+$0x250];
	v27 =	vmax.f32 v21, v27;
	v26 =	vmax.f32 v55, v28;
	v21 =	vmax.f32 v54, v24  }
0xd9: {  	v24 =	vmin.f32 v27, v13;
	v60 =	vmin.f32 v27, v19;
	v19 =	vmax.f32 v27, v19  }
0xda: {  	v28 =	vld [tilespmem:s22+$0x350];
	v20 =	vmax.f32 v20, v21;
	v21 =	vmin.f32 v21, v13;
	v24 =	vmax.f32 v38, v24  }
0xdb: {  	v23 =	vmax.f32 v23, v26;
	v26 =	vmax.f32 v60, v21;
	v21 =	vmax.f32 v20, v24;
	v20 =	vld [tilespmem:s22+$0x3D0]  }
0xdc: {  	v14 =	vmax.f32 v14, v23;
	v23 =	vmax.f32 v31, v26;
	v31 =	vmax.f32 v58, v19  }
0xdd: {  	v19 =	vmin.f32 v37, v39;
	v27 =	vmin.f32 v61, v59;
	v26 =	vmin.f32 v40, v56  }
0xde: {  	v62 =	vmax.f32 v61, v59;
	v24 =	vmax.f32 v14, v23;
	v14 =	vmax.f32 v57, v13  }
0xdf: {  	v13 =	vmax.f32 v37, v39;
	v23 =	vmax.f32 v40, v56;
	v40 =	vmax.f32 v26, v19  }
0xe0: {  	v35 =	vmin.f32 v23, v13;
	v13 =	vmax.f32 v23, v13;
	v63 =	vmax.f32 v28, v20  }
0xe1: {  	v20 =	vmin.f32 v28, v20;
	v23 =	vmin.f32 v62, v63;
	v38 =	vmax.f32 v62, v63  }
0xe2: {  	v28 =	vmax.f32 v27, v20;
	v34 =	vmin.f32 v27, v20;
	v27 =	vmin.f32 v40, v35  }
0xe3: {  	v37 =	vmax.f32 v28, v23;
	v39 =	vmin.f32 v28, v23;
	v20 =	vmax.f32 v9, v38  }
0xe4: {  	s22 =	simm.s32 $0x1000;
	v28 =	vimm.f32 $-1.000000020e+30;
	v41 =	vmin.f32 v9, v37;
	v36 =	vmax.f32 v9, v37  }
.LBB2_13:
0xe5: {  	s23 =	sshra.s32 s22, $0x2;
	p0 =	sne.s32 s22, $0x1F000;
	s22 =	sadd.s32 $0x1000, s22;
	v23 =	vmin.f32 v9, v38;
	v42 =	vmax.f32 v39, v28;
	v35 =	vmax.f32 v40, v35  }
0xe6: {  	v43 =	vmin.f32 v33, v38;
	v28 =	vmin.f32 v28, v38;
	v40 =	vld [tilespmem:s23+$0x550];
	v23 =	vmax.f32 v41, v23  }
0xe7: {  	v33 =	vmin.f32 v33, v39;
	v9 =	vmin.f32 v9, v37;
	v38 =	vld [tilespmem:s23+$0x4D0];
	v23 =	vmax.f32 v42, v23  }
0xe8: {  	v32 =	vmax.f32 v34, v32;
	v34 =	vmin.f32 v20, v27;
	v37 =	vld [tilespmem:s23+$0x350];
	v39 =	vmin.f32 v23, v13  }
0xe9: {  	v36 =	vmax.f32 v43, v36;
	v42 =	vmin.f32 v20, v35;
	v23 =	vmax.f32 v27, v23;
	v41 =	vld [tilespmem:s23+$0x5D0]  }
0xea: {  	v26 =	vmin.f32 v26, v19;
	v19 =	vmin.f32 v36, v13;
	v43 =	vmin.f32 v36, v35;
	v27 =	vld [tilespmem:s23+$0x2D0]  }
0xeb: {  	v9 =	vmax.f32 v9, v28;
	v19 =	vmax.f32 v42, v19;
	v39 =	vmax.f32 v43, v39;
	v44 =	vld [tilespmem:s23+$0x450]  }
0xec: {  	v9 =	vmax.f32 v33, v9;
	v28 =	vmax.f32 v23, v19;
	v23 =	vmax.f32 v34, v39;
	v42 =	vld [tilespmem:s23+$0x250]  }
0xed: {  	v35 =	vmax.f32 v36, v35;
	v9 =	vmax.f32 v32, v9;
	v32 =	vmin.f32 v20, v13;
	v34 =	vld [tilespmem:s23+$0x3D0]  }
0xee: {  	v26 =	vmax.f32 v26, v9;
	v36 =	vmax.f32 v40, v41;
	v19 =	vmin.f32 v40, v41  }
0xef: {  	v33 =	vmax.f32 v20, v13;
	v9 =	vmax.f32 v32, v35;
	v32 =	vmax.f32 v26, v23  }
0xf0: {  	v23 =	vimm.f32 $-1.000000020e+30;
	v13 =	vmax.f32 v44, v38  }
0xf1: {  	v26 =	vmin.f32 v44, v38;
	v20 =	vmin.f32 v42, v27;
	v35 =	vmin.f32 v13, v36  }
.Ltmp5:
0xf2: {  	v27 =	vmax.f32 v42, v27;
	v13 =	vmax.f32 v13, v36;
	v38 =	vmax.f32 v37, v34;
	(pc) =	sbr.rel @p0 .LBB2_13-.Ltmp5, $4  }
0xf3: {  	v40 =	vmax.f32 v26, v19;
	v34 =	vmin.f32 v37, v34;
	v36 =	vmin.f32 v27, v38  }
0xf4: {  	v38 =	vmax.f32 v27, v38;
	v27 =	vmax.f32 v20, v34;
	v34 =	vmin.f32 v20, v34  }
0xf5: {  	v37 =	vmax.f32 v27, v36;
	v39 =	vmin.f32 v27, v36;
	v27 =	vmin.f32 v40, v35  }
0xf6: {  	v20 =	vmax.f32 v33, v38;
	v41 =	vmin.f32 v33, v37;
	v36 =	vmax.f32 v9, v37  }
0xf7: {  	s22 =	simm.s32 $0x0;
	v42 =	vmin.f32 v9, v38;
	v43 =	vmax.f32 v39, v28  }
0xf8: {  	v35 =	vmax.f32 v40, v35;
	v45 =	vmin.f32 v33, v38;
	v28 =	vmin.f32 v28, v38;
	v44 =	vld [tilespmem:s22+$0x5E0]  }
0xf9: {  	v47 =	vmin.f32 v33, v39;
	v9 =	vmin.f32 v9, v37;
	v32 =	vmax.f32 v34, v32;
	v46 =	vld [tilespmem:s22+$0x460]  }
0xfa: {  	v19 =	vmin.f32 v26, v19;
	v57 =	vmin.f32 v20, v13;
	v41 =	vmax.f32 v41, v42;
	v49 =	vld [tilespmem:s22+$0x360]  }
0xfb: {  	v51 =	vld [tilespmem:s22+$0x560];
	v36 =	vmax.f32 v45, v36;
	v52 =	vmin.f32 v20, v35;
	v9 =	vmax.f32 v9, v28  }
0xfc: {  	v26 =	vld [tilespmem:s22+$0x2E0];
	v48 =	vmax.f32 v43, v41;
	v53 =	vmin.f32 v36, v13;
	v54 =	vmin.f32 v36, v35  }
0xfd: {  	v28 =	vld [tilespmem:s22+$0x4E0];
	v33 =	vmax.f32 v47, v9;
	v58 =	vmax.f32 v36, v35;
	v41 =	vimm.f32 $-1.000000020e+30  }
0xfe: {  	v55 =	vld [tilespmem:s22+$0x3E0];
	v50 =	vmin.f32 v48, v13;
	v40 =	vmax.f32 v52, v53;
	v38 =	vmax.f32 v27, v48  }
0xff: {  	v56 =	vld [tilespmem:s22+$0x260];
	v27 =	vmin.f32 v20, v27;
	v32 =	vmax.f32 v32, v33;
	v13 =	vmax.f32 v20, v13  }
0x100: {  	v20 =	vmax.f32 v57, v58;
	v33 =	vimm.f32 $-1.000000020e+30;
	v34 =	vmax.f32 v54, v50  }
0x101: {  	v9 =	vmax.f32 v38, v40;
	v19 =	vmax.f32 v19, v32;
	v27 =	vmax.f32 v27, v34  }
0x102: {  	v32 =	vmax.f32 v19, v27;
	v27 =	vmax.f32 v51, v44;
	v59 =	vmin.f32 v51, v44  }
0x103: {  	v60 =	vmax.f32 v46, v28;
	v61 =	vmax.f32 v49, v55;
	v34 =	vmin.f32 v49, v55  }
0x104: {  	v62 =	vmax.f32 v56, v26;
	v39 =	vmin.f32 v56, v26;
	v28 =	vmin.f32 v46, v28  }
0x105: {  	v19 =	vmax.f32 v60, v27;
	v26 =	vmin.f32 v62, v61;
	v38 =	vmax.f32 v39, v34  }
0x106: {  	v35 =	vmin.f32 v60, v27;
	v63 =	vmax.f32 v28, v59;
	v27 =	vmin.f32 v28, v59  }
0x107: {  	v36 =	vmax.f32 v62, v61;
	v43 =	vmax.f32 v38, v26;
	v42 =	vmin.f32 v38, v26  }
0x108: {  	v26 =	vmin.f32 v63, v35;
	v28 =	vmax.f32 v63, v35;
	v38 =	vimm.f32 $-1.000000020e+30  }
0x109: {  	s23 =	simm.s32 $0x1000;
	v35 =	vimm.f32 $-1.000000020e+30;
	v40 =	vmin.f32 v23, v43;
	v37 =	vmax.f32 v23, v43  }
.LBB2_15:
0x10a: {  	s24 =	sshra.s32 s23, $0x2;
	p0 =	sne.s32 s23, $0x1F000;
	s23 =	sadd.s32 $0x1000, s23;
	v44 =	vmin.f32 v41, v36;
	v41 =	vmin.f32 v41, v43;
	v43 =	vmax.f32 v42, v38  }
0x10b: {  	v34 =	vmin.f32 v39, v34;
	v39 =	vmin.f32 v33, v42;
	v38 =	vmin.f32 v38, v36;
	v45 =	vld [tilespmem:s24+$0x5E0]  }
0x10c: {  	v46 =	vmax.f32 v33, v36;
	v34 =	vmax.f32 v34, v35;
	v35 =	vmax.f32 v41, v38;
	v42 =	vld [tilespmem:s24+$0x460]  }
0x10d: {  	v38 =	vmin.f32 v46, v28;
	v35 =	vmax.f32 v39, v35;
	v39 =	vmin.f32 v46, v19;
	v47 =	vld [tilespmem:s24+$0x360]  }
0x10e: {  	v33 =	vmin.f32 v33, v36;
	v36 =	vmax.f32 v40, v44;
	v40 =	vmin.f32 v46, v26;
	v41 =	vld [tilespmem:s24+$0x560]  }
0x10f: {  	v37 =	vmax.f32 v33, v37;
	v33 =	vmax.f32 v43, v36;
	v34 =	vmax.f32 v34, v35;
	v44 =	vld [tilespmem:s24+$0x2E0]  }
0x110: {  	v43 =	vmin.f32 v37, v28;
	v35 =	vmin.f32 v37, v19;
	v48 =	vmin.f32 v33, v19;
	v36 =	vld [tilespmem:s24+$0x4E0]  }
0x111: {  	v26 =	vmax.f32 v26, v33;
	v33 =	vmax.f32 v38, v35;
	v35 =	vmax.f32 v43, v48;
	v49 =	vld [tilespmem:s24+$0x3E0]  }
0x112: {  	v38 =	vmax.f32 v26, v33;
	v26 =	vmax.f32 v27, v34;
	v27 =	vmax.f32 v40, v35;
	v43 =	vld [tilespmem:s24+$0x260]  }
0x113: {  	v35 =	vmax.f32 v26, v27;
	v40 =	vmax.f32 v41, v45;
	v45 =	vmin.f32 v41, v45  }
0x114: {  	v33 =	vmax.f32 v46, v19;
	v19 =	vmax.f32 v37, v28  }
0x115: {  	v41 =	vmax.f32 v39, v19;
	v26 =	vmax.f32 v42, v36  }
0x116: {  	v28 =	vmax.f32 v47, v49;
	v34 =	vmin.f32 v47, v49;
	v19 =	vmax.f32 v26, v40  }
.Ltmp6:
0x117: {  	v27 =	vmin.f32 v42, v36;
	v37 =	vmax.f32 v43, v44;
	v39 =	vmin.f32 v43, v44;
	(pc) =	sbr.rel @p0 .LBB2_15-.Ltmp6, $4  }
0x118: {  	v46 =	vmin.f32 v26, v40;
	v42 =	vmin.f32 v37, v28;
	v44 =	vmax.f32 v39, v34  }
0x119: {  	v47 =	vmax.f32 v27, v45;
	v27 =	vmin.f32 v27, v45;
	v43 =	vmax.f32 v44, v42  }
0x11a: {  	v26 =	vmin.f32 v47, v46;
	v36 =	vmax.f32 v37, v28;
	v42 =	vmin.f32 v44, v42  }
0x11b: {  	v28 =	vmax.f32 v47, v46;
	v40 =	vmin.f32 v33, v43;
	v37 =	vmax.f32 v41, v43  }
0x11c: {  	v44 =	vmin.f32 v41, v36  }
0x11d: {  	v53 =	vmin.f32 v41, v43;
	v54 =	vmax.f32 v42, v38;
	v55 =	vmin.f32 v38, v36  }
0x11e: {  	v45 =	vld [tilespmem:s22+$0x5F0];
	v34 =	vmin.f32 v39, v34;
	v56 =	vmin.f32 v33, v42;
	v57 =	vmax.f32 v33, v36  }
0x11f: {  	v41 =	vld [tilespmem:s22+$0x470];
	v60 =	vmin.f32 v33, v36;
	v39 =	vimm.f32 $-1.000000020e+30;
	v38 =	vmax.f32 v53, v55  }
0x120: {  	v62 =	vld [tilespmem:s22+$0x570];
	v34 =	vmax.f32 v34, v35;
	v59 =	vmin.f32 v57, v28;
	v61 =	vmax.f32 v40, v44  }
0x121: {  	v63 =	vld [tilespmem:s22+$0x2F0];
	v33 =	vmax.f32 v60, v37;
	v53 =	vmin.f32 v57, v19;
	v47 =	vmin.f32 v57, v26  }
0x122: {  	v46 =	vld [tilespmem:s22+$0x4F0];
	v58 =	vmax.f32 v56, v38;
	v36 =	vmax.f32 v54, v61;
	v48 =	vmin.f32 v33, v19  }
0x123: {  	v52 =	vld [tilespmem:s22+$0x3F0];
	v49 =	vmin.f32 v33, v28;
	v28 =	vmax.f32 v33, v28;
	v34 =	vmax.f32 v34, v58  }
0x124: {  	v38 =	vld [tilespmem:s22+$0x370];
	v50 =	vmin.f32 v36, v19;
	v36 =	vmax.f32 v26, v36;
	v35 =	vmax.f32 v59, v48  }
0x125: {  	v54 =	vld [tilespmem:s22+$0x270];
	v19 =	vmax.f32 v57, v19;
	v51 =	vmax.f32 v49, v50;
	v26 =	vmax.f32 v36, v35  }
0x126: {  	v27 =	vmax.f32 v27, v34;
	v34 =	vmax.f32 v53, v28;
	v55 =	vmax.f32 v47, v51  }
0x127: {  	v28 =	vmax.f32 v62, v45;
	v56 =	vmin.f32 v62, v45;
	v57 =	vmax.f32 v41, v46  }
0x128: {  	v60 =	vmin.f32 v41, v46;
	v41 =	vimm.f32 $-1.000000020e+30;
	v27 =	vmax.f32 v27, v55  }
0x129: {  	v35 =	vmax.f32 v57, v28;
	v28 =	vmin.f32 v57, v28;
	v33 =	vmin.f32 v60, v56  }
0x12a: {  	v58 =	vmax.f32 v38, v52;
	v38 =	vmin.f32 v38, v52;
	v59 =	vmax.f32 v54, v63  }
0x12b: {  	v43 =	vmin.f32 v54, v63;
	v63 =	vmax.f32 v60, v56;
	v61 =	vmin.f32 v59, v58  }
0x12c: {  	v62 =	vmax.f32 v43, v38;
	v40 =	vmax.f32 v59, v58;
	v37 =	vmin.f32 v63, v28  }
0x12d: {  	v36 =	vmax.f32 v63, v28;
	v28 =	vimm.f32 $-1.000000020e+30;
	v46 =	vmax.f32 v62, v61  }
0x12e: {  	s22 =	simm.s32 $0x1000;
	v45 =	vmin.f32 v62, v61;
	v44 =	vmin.f32 v23, v46;
	v42 =	vmax.f32 v23, v46  }
.LBB2_17:
0x12f: {  	s23 =	sshra.s32 s22, $0x2;
	p0 =	sne.s32 s22, $0x1F000;
	s22 =	sadd.s32 $0x1000, s22;
	v47 =	vmin.f32 v23, v40;
	v23 =	vmin.f32 v23, v46;
	v46 =	vmax.f32 v45, v41  }
0x130: {  	v38 =	vmin.f32 v43, v38;
	v43 =	vmin.f32 v28, v45;
	v41 =	vmin.f32 v41, v40;
	v48 =	vld [tilespmem:s23+$0x5F0]  }
0x131: {  	v49 =	vmax.f32 v28, v40;
	v38 =	vmax.f32 v38, v39;
	v23 =	vmax.f32 v23, v41;
	v45 =	vld [tilespmem:s23+$0x470]  }
0x132: {  	v39 =	vmin.f32 v49, v36;
	v23 =	vmax.f32 v43, v23;
	v43 =	vmin.f32 v49, v35;
	v50 =	vld [tilespmem:s23+$0x370]  }
0x133: {  	v28 =	vmin.f32 v28, v40;
	v40 =	vmax.f32 v44, v47;
	v44 =	vmin.f32 v49, v37;
	v51 =	vld [tilespmem:s23+$0x570]  }
0x134: {  	v42 =	vmax.f32 v28, v42;
	v28 =	vmax.f32 v46, v40;
	v23 =	vmax.f32 v38, v23;
	v47 =	vld [tilespmem:s23+$0x2F0]  }
0x135: {  	v41 =	vmin.f32 v42, v36;
	v38 =	vmin.f32 v42, v35;
	v46 =	vmin.f32 v28, v35;
	v40 =	vld [tilespmem:s23+$0x4F0]  }
0x136: {  	v28 =	vmax.f32 v37, v28;
	v37 =	vmax.f32 v39, v38;
	v38 =	vmax.f32 v41, v46;
	v52 =	vld [tilespmem:s23+$0x3F0]  }
0x137: {  	v23 =	vmax.f32 v33, v23;
	v41 =	vmax.f32 v28, v37;
	v28 =	vmax.f32 v44, v38;
	v46 =	vld [tilespmem:s23+$0x270]  }
0x138: {  	v39 =	vmax.f32 v23, v28;
	v33 =	vmax.f32 v51, v48;
	v37 =	vmin.f32 v51, v48  }
0x139: {  	v28 =	vmax.f32 v49, v35;
	v23 =	vmax.f32 v42, v36  }
0x13a: {  	v23 =	vmax.f32 v43, v23;
	v36 =	vmax.f32 v45, v40  }
0x13b: {  	v42 =	vmax.f32 v50, v52;
	v38 =	vmin.f32 v50, v52;
	v35 =	vmax.f32 v36, v33  }
.Ltmp7:
0x13c: {  	v40 =	vmin.f32 v45, v40;
	v44 =	vmax.f32 v46, v47;
	v43 =	vmin.f32 v46, v47;
	(pc) =	sbr.rel @p0 .LBB2_17-.Ltmp7, $4  }
0x13d: {  	v36 =	vmin.f32 v36, v33;
	v45 =	vmin.f32 v44, v42;
	v47 =	vmax.f32 v43, v38  }
0x13e: {  	v48 =	vmax.f32 v40, v37;
	v33 =	vmin.f32 v40, v37;
	v46 =	vmax.f32 v47, v45  }
0x13f: {  	v37 =	vmin.f32 v48, v36;
	v40 =	vmax.f32 v44, v42;
	v45 =	vmin.f32 v47, v45  }
0x140: {  	v36 =	vmax.f32 v48, v36;
	v44 =	vmin.f32 v28, v46;
	v42 =	vmax.f32 v23, v46  }
0x141: {  	s22 =	sadd.s32 $0x200, s20  }
0x142: {  	s22 =	sshrl.u32 s22, $0x3  }
0x143: {  	s23 =	sshll.u32 s19, $0x3;
	s24 =	smul.u32 $0x1800, s22  }
0x144: {  	s22 =	sand.u32 $0x7FFFFC00, s23  }
0x145: {  	s23 =	sadd.s32 s22, s24  }
0x146: {  	s23 =	sshrl.u32 s23, $0x3  }
0x147: {  	s23 =	sadd.s32 s1, s23  }
0x148: {  	[tilespmem:s13], [sflag:$0x1] =	stream.strided.gather [hbm4b:s23+s11], $0x8000, s12, s11, $0x38;
	[tilespmem:$0x10500] =	vst v63  }
0x149: {  	_ =	swait.ge [sflag:s16], $0x8000  }
0x14a: {  	[sflag:s16] =	ssyncset.done $0x0  }
0x14b: {  	s23 =	simm.s32 $0x0;
	[sflag:s16] =	ssyncadd.s32 $0xFFFF8000  }
0x14c: {  	v47 =	vmin.f32 v23, v40;
	v23 =	vmin.f32 v23, v46;
	v53 =	vmax.f32 v45, v41;
	v48 =	vld [tilespmem:s23+$0x8580]  }
0x14d: {  	v54 =	vmin.f32 v41, v40;
	v38 =	vmin.f32 v43, v38;
	v55 =	vmin.f32 v28, v45;
	v45 =	vld [tilespmem:s23+$0x8400]  }
0x14e: {  	v23 =	vmax.f32 v23, v54;
	v38 =	vmax.f32 v38, v39;
	v39 =	vld [tilespmem:s23+$0x8300]  }
0x14f: {  	v56 =	vmax.f32 v28, v40;
	v23 =	vmax.f32 v55, v23;
	v59 =	vld [tilespmem:s23+$0x8500]  }
0x150: {  	v28 =	vmin.f32 v28, v40;
	v57 =	vmin.f32 v56, v36;
	v23 =	vmax.f32 v38, v23;
	v38 =	vld [tilespmem:s23+$0x8280]  }
0x151: {  	v58 =	vmax.f32 v44, v47;
	v42 =	vmax.f32 v28, v42;
	v51 =	vmin.f32 v56, v37;
	v49 =	vld [tilespmem:s23+$0x8480]  }
0x152: {  	v54 =	vmin.f32 v56, v35;
	v28 =	vmax.f32 v53, v58;
	v60 =	vmin.f32 v42, v35;
	v50 =	vld [tilespmem:s23+$0x8380]  }
0x153: {  	v61 =	vmin.f32 v42, v36;
	v55 =	vmax.f32 v42, v36;
	v62 =	vmin.f32 v28, v35;
	v52 =	vld [tilespmem:s23+$0x8200]  }
0x154: {  	v40 =	vmax.f32 v57, v60;
	v28 =	vmax.f32 v37, v28;
	v63 =	vmax.f32 v61, v62  }
0x155: {  	v41 =	vmax.f32 v54, v55;
	v23 =	vmax.f32 v33, v23;
	v53 =	vmax.f32 v51, v63  }
0x156: {  	v28 =	vmax.f32 v28, v40;
	v33 =	vmax.f32 v23, v53;
	v23 =	vmax.f32 v56, v35  }
0x157: {  	v56 =	vmax.f32 v59, v48;
	v57 =	vmin.f32 v59, v48;
	v58 =	vmax.f32 v45, v49  }
0x158: {  	v59 =	vmax.f32 v39, v50;
	v40 =	vmin.f32 v39, v50;
	v60 =	vmax.f32 v52, v38  }
0x159: {  	v44 =	vmin.f32 v52, v38;
	v61 =	vmin.f32 v45, v49;
	v36 =	vmax.f32 v58, v56  }
0x15a: {  	v62 =	vmin.f32 v60, v59;
	v47 =	vmax.f32 v44, v40;
	v63 =	vmin.f32 v58, v56  }
0x15b: {  	v49 =	vmax.f32 v61, v57;
	v35 =	vmin.f32 v61, v57;
	v39 =	vmax.f32 v60, v59  }
0x15c: {  	v45 =	vmax.f32 v47, v62;
	v46 =	vmin.f32 v47, v62;
	v38 =	vmin.f32 v49, v63  }
0x15d: {  	s24 =	simm.s32 $0x1000;
	v37 =	vmax.f32 v49, v63;
	v43 =	vmin.f32 v7, v45;
	v42 =	vmax.f32 v29, v45  }
.LBB2_19:
0x15e: {  	s25 =	sshra.s32 s24, $0x2;
	p0 =	sne.s32 s24, $0x1F000;
	s24 =	sadd.s32 $0x1000, s24;
	v47 =	vmin.f32 v29, v39;
	v29 =	vmin.f32 v29, v45;
	v45 =	vmax.f32 v46, v12  }
0x15f: {  	v40 =	vmin.f32 v44, v40;
	v44 =	vmin.f32 v7, v46;
	v12 =	vmin.f32 v12, v39;
	v48 =	vld [tilespmem:s25+$0x8580]  }
0x160: {  	v49 =	vmax.f32 v7, v39;
	v15 =	vmax.f32 v40, v15;
	v12 =	vmax.f32 v29, v12;
	v46 =	vld [tilespmem:s25+$0x8400]  }
0x161: {  	v29 =	vmin.f32 v49, v36;
	v12 =	vmax.f32 v44, v12;
	v44 =	vmin.f32 v49, v37;
	v40 =	vld [tilespmem:s25+$0x8300]  }
0x162: {  	v7 =	vmin.f32 v7, v39;
	v39 =	vmax.f32 v43, v47;
	v43 =	vmin.f32 v49, v38;
	v50 =	vld [tilespmem:s25+$0x8500]  }
0x163: {  	v42 =	vmax.f32 v7, v42;
	v7 =	vmax.f32 v45, v39;
	v15 =	vmax.f32 v15, v12;
	v47 =	vld [tilespmem:s25+$0x8280]  }
0x164: {  	v45 =	vmin.f32 v42, v37;
	v12 =	vmin.f32 v42, v36;
	v51 =	vmin.f32 v7, v36;
	v39 =	vld [tilespmem:s25+$0x8480]  }
0x165: {  	v7 =	vmax.f32 v38, v7;
	v12 =	vmax.f32 v44, v12;
	v38 =	vmax.f32 v45, v51;
	v52 =	vld [tilespmem:s25+$0x8380]  }
0x166: {  	v12 =	vmax.f32 v7, v12;
	v7 =	vmax.f32 v35, v15;
	v15 =	vmax.f32 v43, v38;
	v44 =	vld [tilespmem:s25+$0x8200]  }
0x167: {  	v15 =	vmax.f32 v7, v15;
	v35 =	vmax.f32 v50, v48;
	v38 =	vmin.f32 v50, v48  }
0x168: {  	v7 =	vmax.f32 v49, v36;
	v36 =	vmax.f32 v42, v37  }
0x169: {  	v29 =	vmax.f32 v29, v36;
	v37 =	vmax.f32 v46, v39  }
0x16a: {  	v42 =	vmax.f32 v40, v52;
	v40 =	vmin.f32 v40, v52;
	v36 =	vmax.f32 v37, v35  }
.Ltmp8:
0x16b: {  	v39 =	vmin.f32 v46, v39;
	v43 =	vmax.f32 v44, v47;
	v44 =	vmin.f32 v44, v47;
	(pc) =	sbr.rel @p0 .LBB2_19-.Ltmp8, $4  }
0x16c: {  	v37 =	vmin.f32 v37, v35;
	v46 =	vmin.f32 v43, v42;
	v47 =	vmax.f32 v44, v40  }
0x16d: {  	v48 =	vmax.f32 v39, v38;
	v35 =	vmin.f32 v39, v38;
	v45 =	vmax.f32 v47, v46  }
0x16e: {  	v38 =	vmin.f32 v48, v37;
	v39 =	vmax.f32 v43, v42;
	v46 =	vmin.f32 v47, v46  }
0x16f: {  	v37 =	vmax.f32 v48, v37;
	v43 =	vmin.f32 v7, v45;
	v42 =	vmax.f32 v29, v45  }
0x170: {  	v47 =	vmin.f32 v29, v39;
	v59 =	vmax.f32 v46, v12;
	v60 =	vmin.f32 v7, v46;
	v46 =	vld [tilespmem:s23+$0x8510]  }
0x171: {  	v29 =	vmin.f32 v29, v45;
	v40 =	vmin.f32 v44, v40;
	v12 =	vmin.f32 v12, v39;
	v49 =	vld [tilespmem:s23+$0x8410]  }
0x172: {  	v48 =	vmax.f32 v7, v39;
	v7 =	vmin.f32 v7, v39;
	v54 =	vld [tilespmem:s23+$0x8310];
	v15 =	vmax.f32 v40, v15  }
0x173: {  	v51 =	vld [tilespmem:s23+$0x8390];
	v12 =	vmax.f32 v29, v12;
	v61 =	vmin.f32 v48, v36;
	v29 =	vmin.f32 v48, v37  }
0x174: {  	v58 =	vld [tilespmem:s23+$0x8210];
	v62 =	vmax.f32 v43, v47;
	v63 =	vmin.f32 v48, v38;
	v7 =	vmax.f32 v7, v42  }
0x175: {  	v40 =	vld [tilespmem:s23+$0x8490];
	v12 =	vmax.f32 v60, v12;
	v39 =	vmax.f32 v59, v62;
	v42 =	vmin.f32 v7, v36  }
0x176: {  	v55 =	vmin.f32 v7, v37;
	v60 =	vld [tilespmem:s23+$0x8290];
	v7 =	vmax.f32 v7, v37;
	v12 =	vmax.f32 v15, v12  }
0x177: {  	v15 =	vld [tilespmem:s23+$0x8590];
	v50 =	vmin.f32 v39, v36;
	v56 =	vmax.f32 v38, v39;
	v29 =	vmax.f32 v29, v42  }
0x178: {  	v42 =	vmax.f32 v61, v7;
	v57 =	vmax.f32 v55, v50;
	v29 =	vmax.f32 v56, v29  }
0x179: {  	v12 =	vmax.f32 v35, v12;
	v59 =	vmax.f32 v63, v57;
	v61 =	vmax.f32 v54, v51  }
0x17a: {  	v35 =	vmax.f32 v12, v59;
	v12 =	vmax.f32 v48, v36;
	v36 =	vmax.f32 v49, v40  }
0x17b: {  	v7 =	vmin.f32 v49, v40;
	v48 =	vmin.f32 v54, v51;
	v62 =	vmax.f32 v58, v60  }
0x17c: {  	v49 =	vmin.f32 v58, v60;
	v37 =	vmax.f32 v46, v15;
	v15 =	vmin.f32 v46, v15  }
0x17d: {  	v43 =	vmax.f32 v62, v61;
	v40 =	vmin.f32 v62, v61;
	v45 =	vmax.f32 v49, v48  }
0x17e: {  	v38 =	vmin.f32 v36, v37;
	v44 =	vmax.f32 v7, v15;
	v46 =	vmax.f32 v45, v40  }
0x17f: {  	v40 =	vmin.f32 v45, v40;
	v63 =	vmin.f32 v11, v43;
	v45 =	vmin.f32 v5, v43  }
0x180: {  	v15 =	vmin.f32 v7, v15;
	v39 =	vmin.f32 v44, v38;
	v52 =	vmin.f32 v5, v46  }
0x181: {  	s23 =	simm.s32 $0x1000;
	v7 =	vmovc v5;
	v47 =	vmin.f32 v11, v46;
	v50 =	vmax.f32 v40, v4;
	v51 =	vmax.f32 v52, v63  }
.LBB2_21:
0x182: {  	s24 =	sshra.s32 s23, $0x2;
	p0 =	sne.s32 s23, $0x1F000;
	s23 =	sadd.s32 $0x1000, s23;
	v48 =	vmin.f32 v49, v48;
	v49 =	vmax.f32 v50, v51  }
0x183: {  	v5 =	vmax.f32 v5, v43;
	v50 =	vld [tilespmem:s24+$0x8510];
	v51 =	vmax.f32 v39, v49  }
0x184: {  	v36 =	vmax.f32 v36, v37;
	v38 =	vmax.f32 v44, v38;
	v22 =	vmax.f32 v48, v22;
	v52 =	vld [tilespmem:s24+$0x8490]  }
0x185: {  	v44 =	vmin.f32 v5, v36;
	v48 =	vmin.f32 v5, v38;
	v39 =	vmin.f32 v5, v39;
	v37 =	vld [tilespmem:s24+$0x8410]  }
0x186: {  	v4 =	vmin.f32 v4, v43;
	v11 =	vmax.f32 v11, v46;
	v5 =	vmax.f32 v5, v36;
	v53 =	vld [tilespmem:s24+$0x8310]  }
0x187: {  	v40 =	vmin.f32 v7, v40;
	v11 =	vmax.f32 v45, v11;
	v4 =	vmax.f32 v47, v4;
	v7 =	vmovc v5;
	v43 =	vld [tilespmem:s24+$0x8590]  }
0x188: {  	v46 =	vmin.f32 v11, v36;
	v47 =	vmin.f32 v11, v38;
	v36 =	vmin.f32 v49, v36;
	v45 =	vld [tilespmem:s24+$0x8390]  }
0x189: {  	v4 =	vmax.f32 v40, v4;
	v40 =	vmax.f32 v48, v46;
	v46 =	vmax.f32 v47, v36;
	v49 =	vld [tilespmem:s24+$0x8210]  }
0x18a: {  	v22 =	vmax.f32 v22, v4;
	v47 =	vld [tilespmem:s24+$0x8290];
	v36 =	vmax.f32 v37, v52;
	v52 =	vmin.f32 v37, v52  }
0x18b: {  	v4 =	vmax.f32 v51, v40;
	v15 =	vmax.f32 v15, v22;
	v22 =	vmax.f32 v39, v46  }
0x18c: {  	v11 =	vmax.f32 v11, v38;
	v22 =	vmax.f32 v15, v22;
	v37 =	vmax.f32 v50, v43  }
0x18d: {  	v11 =	vmax.f32 v44, v11;
	v15 =	vmin.f32 v50, v43;
	v38 =	vmin.f32 v36, v37  }
0x18e: {  	v40 =	vmax.f32 v53, v45;
	v48 =	vmin.f32 v53, v45;
	v44 =	vmax.f32 v52, v15  }
.Ltmp9:
0x18f: {  	v39 =	vmin.f32 v44, v38;
	v45 =	vmax.f32 v49, v47;
	v49 =	vmin.f32 v49, v47;
	(pc) =	sbr.rel @p0 .LBB2_21-.Ltmp9, $4  }
0x190: {  	v43 =	vmax.f32 v45, v40;
	v40 =	vmin.f32 v45, v40;
	v45 =	vmax.f32 v49, v48  }
0x191: {  	v46 =	vmax.f32 v45, v40;
	v40 =	vmin.f32 v45, v40;
	v51 =	vmin.f32 v11, v43  }
0x192: {  	v15 =	vmin.f32 v52, v15;
	v45 =	vmin.f32 v5, v43;
	v53 =	vmin.f32 v5, v46  }
0x193: {  	v47 =	vmin.f32 v11, v46;
	v50 =	vmax.f32 v40, v4;
	v51 =	vmax.f32 v53, v51  }
0x194: {  	s23 =	simm.s32 $0x0  }
0x195: {  	v48 =	vmin.f32 v49, v48;
	v58 =	vmax.f32 v50, v51;
	v59 =	vld [tilespmem:s23+$0x85A0]  }
0x196: {  	v5 =	vmax.f32 v5, v43;
	v36 =	vmax.f32 v36, v37;
	v38 =	vmax.f32 v44, v38;
	v37 =	vld [tilespmem:s23+$0x8420]  }
0x197: {  	v61 =	vmin.f32 v4, v43;
	v11 =	vmax.f32 v11, v46;
	v22 =	vmax.f32 v48, v22;
	v48 =	vld [tilespmem:s23+$0x8320]  }
0x198: {  	v7 =	vmin.f32 v7, v40;
	v60 =	vmin.f32 v5, v36;
	v52 =	vmin.f32 v5, v38;
	v62 =	vld [tilespmem:s23+$0x8520]  }
0x199: {  	v63 =	vmin.f32 v5, v39;
	v4 =	vmax.f32 v5, v36;
	v5 =	vmax.f32 v45, v11;
	v11 =	vld [tilespmem:s23+$0x82A0]  }
0x19a: {  	v51 =	vmax.f32 v39, v58;
	v53 =	vmax.f32 v47, v61;
	v55 =	vld [tilespmem:s23+$0x84A0];
	v54 =	vmin.f32 v5, v36  }
0x19b: {  	v57 =	vld [tilespmem:s23+$0x83A0];
	v36 =	vmin.f32 v58, v36;
	v56 =	vmin.f32 v5, v38;
	v7 =	vmax.f32 v7, v53  }
0x19c: {  	v5 =	vmax.f32 v5, v38;
	v36 =	vmax.f32 v56, v36;
	v7 =	vmax.f32 v22, v7;
	v22 =	vld [tilespmem:s23+$0x8220]  }
0x19d: {  	v43 =	vmax.f32 v52, v54;
	v15 =	vmax.f32 v15, v7;
	v36 =	vmax.f32 v63, v36  }
0x19e: {  	v7 =	vmax.f32 v51, v43;
	v38 =	vmax.f32 v15, v36;
	v15 =	vmax.f32 v60, v5  }
0x19f: {  	v58 =	vmax.f32 v62, v59;
	v59 =	vmin.f32 v62, v59;
	v60 =	vmax.f32 v37, v55  }
0x1a0: {  	v61 =	vmax.f32 v48, v57;
	v39 =	vmin.f32 v48, v57;
	v5 =	vmax.f32 v60, v58  }
0x1a1: {  	v63 =	vmin.f32 v60, v58;
	v62 =	vmax.f32 v22, v11;
	v44 =	vmin.f32 v22, v11  }
0x1a2: {  	v11 =	vmin.f32 v37, v55;
	v22 =	vmin.f32 v62, v61;
	v48 =	vmax.f32 v44, v39  }
0x1a3: {  	v50 =	vmax.f32 v11, v59;
	v11 =	vmin.f32 v11, v59;
	v37 =	vmax.f32 v62, v61  }
0x1a4: {  	v45 =	vmax.f32 v48, v22;
	v46 =	vmin.f32 v48, v22;
	v36 =	vmin.f32 v50, v63  }
0x1a5: {  	s24 =	simm.s32 $0x1000;
	v22 =	vmax.f32 v50, v63;
	v43 =	vmin.f32 v10, v45;
	v40 =	vmax.f32 v30, v45  }
.LBB2_23:
0x1a6: {  	s25 =	sshra.s32 s24, $0x2;
	p0 =	sne.s32 s24, $0x1F000;
	s24 =	sadd.s32 $0x1000, s24;
	v47 =	vmin.f32 v30, v37;
	v30 =	vmin.f32 v30, v45;
	v45 =	vmax.f32 v46, v17  }
0x1a7: {  	v39 =	vmin.f32 v44, v39;
	v44 =	vmin.f32 v10, v46;
	v17 =	vmin.f32 v17, v37;
	v48 =	vld [tilespmem:s25+$0x85A0]  }
0x1a8: {  	v49 =	vmax.f32 v10, v37;
	v18 =	vmax.f32 v39, v18;
	v17 =	vmax.f32 v30, v17;
	v46 =	vld [tilespmem:s25+$0x8420]  }
0x1a9: {  	v30 =	vmin.f32 v49, v5;
	v17 =	vmax.f32 v44, v17;
	v44 =	vmin.f32 v49, v22;
	v39 =	vld [tilespmem:s25+$0x8320]  }
0x1aa: {  	v10 =	vmin.f32 v10, v37;
	v37 =	vmax.f32 v43, v47;
	v43 =	vmin.f32 v49, v36;
	v50 =	vld [tilespmem:s25+$0x8520]  }
0x1ab: {  	v40 =	vmax.f32 v10, v40;
	v10 =	vmax.f32 v45, v37;
	v18 =	vmax.f32 v18, v17;
	v47 =	vld [tilespmem:s25+$0x82A0]  }
0x1ac: {  	v45 =	vmin.f32 v40, v22;
	v17 =	vmin.f32 v40, v5;
	v51 =	vmin.f32 v10, v5;
	v37 =	vld [tilespmem:s25+$0x84A0]  }
0x1ad: {  	v10 =	vmax.f32 v36, v10;
	v17 =	vmax.f32 v44, v17;
	v36 =	vmax.f32 v45, v51;
	v52 =	vld [tilespmem:s25+$0x83A0]  }
0x1ae: {  	v17 =	vmax.f32 v10, v17;
	v10 =	vmax.f32 v11, v18;
	v11 =	vmax.f32 v43, v36;
	v44 =	vld [tilespmem:s25+$0x8220]  }
0x1af: {  	v18 =	vmax.f32 v10, v11;
	v36 =	vmax.f32 v50, v48;
	v43 =	vmin.f32 v50, v48  }
0x1b0: {  	v10 =	vmax.f32 v49, v5;
	v5 =	vmax.f32 v40, v22  }
0x1b1: {  	v30 =	vmax.f32 v30, v5;
	v11 =	vmax.f32 v46, v37  }
0x1b2: {  	v22 =	vmax.f32 v39, v52;
	v39 =	vmin.f32 v39, v52;
	v5 =	vmax.f32 v11, v36  }
.Ltmp10:
0x1b3: {  	v37 =	vmin.f32 v46, v37;
	v40 =	vmax.f32 v44, v47;
	v44 =	vmin.f32 v44, v47;
	(pc) =	sbr.rel @p0 .LBB2_23-.Ltmp10, $4  }
0x1b4: {  	v48 =	vmin.f32 v11, v36;
	v46 =	vmin.f32 v40, v22;
	v47 =	vmax.f32 v44, v39  }
0x1b5: {  	v49 =	vmax.f32 v37, v43;
	v11 =	vmin.f32 v37, v43;
	v45 =	vmax.f32 v47, v46  }
0x1b6: {  	v36 =	vmin.f32 v49, v48;
	v37 =	vmax.f32 v40, v22;
	v46 =	vmin.f32 v47, v46  }
0x1b7: {  	v22 =	vmax.f32 v49, v48;
	v43 =	vmin.f32 v10, v45;
	v40 =	vmax.f32 v30, v45  }
0x1b8: {  	v47 =	vmin.f32 v30, v37;
	v59 =	vmax.f32 v46, v17;
	v60 =	vmin.f32 v10, v46;
	v46 =	vld [tilespmem:s23+$0x8530]  }
0x1b9: {  	v30 =	vmin.f32 v30, v45;
	v39 =	vmin.f32 v44, v39;
	v17 =	vmin.f32 v17, v37;
	v49 =	vld [tilespmem:s23+$0x8430]  }
0x1ba: {  	v48 =	vmax.f32 v10, v37;
	v10 =	vmin.f32 v10, v37;
	v54 =	vld [tilespmem:s23+$0x8330];
	v18 =	vmax.f32 v39, v18  }
0x1bb: {  	v55 =	vld [tilespmem:s23+$0x85B0];
	v17 =	vmax.f32 v30, v17;
	v61 =	vmin.f32 v48, v5;
	v30 =	vmin.f32 v48, v22  }
0x1bc: {  	v51 =	vld [tilespmem:s23+$0x83B0];
	v62 =	vmax.f32 v43, v47;
	v63 =	vmin.f32 v48, v36;
	v10 =	vmax.f32 v10, v40  }
0x1bd: {  	v39 =	vld [tilespmem:s23+$0x84B0];
	v17 =	vmax.f32 v60, v17;
	v37 =	vmax.f32 v59, v62;
	v56 =	vmin.f32 v10, v22  }
0x1be: {  	v59 =	vld [tilespmem:s23+$0x8230];
	v17 =	vmax.f32 v18, v17;
	v18 =	vmin.f32 v10, v5;
	v50 =	vmin.f32 v37, v5  }
0x1bf: {  	v60 =	vld [tilespmem:s23+$0x82B0];
	v57 =	vmax.f32 v36, v37;
	v18 =	vmax.f32 v30, v18;
	v58 =	vmax.f32 v56, v50  }
0x1c0: {  	v11 =	vmax.f32 v11, v17;
	v30 =	vmax.f32 v57, v18;
	v17 =	vmax.f32 v63, v58  }
0x1c1: {  	v18 =	vmax.f32 v46, v55;
	v36 =	vmax.f32 v11, v17;
	v11 =	vmax.f32 v48, v5  }
0x1c2: {  	v5 =	vmax.f32 v10, v22;
	v10 =	vmin.f32 v49, v39;
	v17 =	vmin.f32 v46, v55  }
0x1c3: {  	v48 =	vmin.f32 v54, v51;
	v43 =	vmax.f32 v61, v5;
	v5 =	vmax.f32 v49, v39  }
0x1c4: {  	v61 =	vmax.f32 v54, v51;
	v44 =	vmax.f32 v10, v17;
	v62 =	vmax.f32 v59, v60  }
0x1c5: {  	v49 =	vmin.f32 v59, v60;
	v17 =	vmin.f32 v10, v17;
	v22 =	vmin.f32 v5, v18  }
0x1c6: {  	v40 =	vmax.f32 v62, v61;
	v39 =	vmin.f32 v62, v61;
	v45 =	vmax.f32 v49, v48  }
0x1c7: {  	v37 =	vmin.f32 v44, v22;
	v46 =	vmax.f32 v45, v39;
	v39 =	vmin.f32 v45, v39  }
0x1c8: {  	v63 =	vmin.f32 v16, v40;
	v45 =	vmin.f32 v8, v40;
	v52 =	vmin.f32 v8, v46  }
0x1c9: {  	s23 =	simm.s32 $0x1000;
	v10 =	vmovc v8;
	v47 =	vmin.f32 v16, v46;
	v50 =	vmax.f32 v39, v6;
	v51 =	vmax.f32 v52, v63  }
.LBB2_25:
0x1ca: {  	s24 =	sshra.s32 s23, $0x2;
	p0 =	sne.s32 s23, $0x1F000;
	s23 =	sadd.s32 $0x1000, s23;
	v48 =	vmin.f32 v49, v48;
	v49 =	vmax.f32 v50, v51  }
0x1cb: {  	v8 =	vmax.f32 v8, v40;
	v50 =	vld [tilespmem:s24+$0x8530];
	v51 =	vmax.f32 v37, v49  }
0x1cc: {  	v5 =	vmax.f32 v5, v18;
	v22 =	vmax.f32 v44, v22;
	v25 =	vmax.f32 v48, v25;
	v52 =	vld [tilespmem:s24+$0x84B0]  }
0x1cd: {  	v44 =	vmin.f32 v8, v5;
	v48 =	vmin.f32 v8, v22;
	v37 =	vmin.f32 v8, v37;
	v18 =	vld [tilespmem:s24+$0x8430]  }
0x1ce: {  	v6 =	vmin.f32 v6, v40;
	v16 =	vmax.f32 v16, v46;
	v8 =	vmax.f32 v8, v5;
	v53 =	vld [tilespmem:s24+$0x8330]  }
0x1cf: {  	v39 =	vmin.f32 v10, v39;
	v16 =	vmax.f32 v45, v16;
	v6 =	vmax.f32 v47, v6;
	v10 =	vmovc v8;
	v40 =	vld [tilespmem:s24+$0x85B0]  }
0x1d0: {  	v46 =	vmin.f32 v16, v5;
	v47 =	vmin.f32 v16, v22;
	v5 =	vmin.f32 v49, v5;
	v45 =	vld [tilespmem:s24+$0x83B0]  }
0x1d1: {  	v6 =	vmax.f32 v39, v6;
	v39 =	vmax.f32 v48, v46;
	v46 =	vmax.f32 v47, v5;
	v49 =	vld [tilespmem:s24+$0x8230]  }
0x1d2: {  	v47 =	vld [tilespmem:s24+$0x82B0];
	v5 =	vmax.f32 v18, v52;
	v52 =	vmin.f32 v18, v52;
	v18 =	vmax.f32 v25, v6  }
0x1d3: {  	v6 =	vmax.f32 v51, v39;
	v25 =	vmax.f32 v37, v46;
	v17 =	vmax.f32 v17, v18  }
0x1d4: {  	v16 =	vmax.f32 v16, v22;
	v18 =	vmax.f32 v50, v40;
	v25 =	vmax.f32 v17, v25  }
0x1d5: {  	v16 =	vmax.f32 v44, v16;
	v17 =	vmin.f32 v50, v40;
	v22 =	vmin.f32 v5, v18  }
0x1d6: {  	v39 =	vmax.f32 v53, v45;
	v48 =	vmin.f32 v53, v45;
	v44 =	vmax.f32 v52, v17  }
.Ltmp11:
0x1d7: {  	v37 =	vmin.f32 v44, v22;
	v45 =	vmax.f32 v49, v47;
	v49 =	vmin.f32 v49, v47;
	(pc) =	sbr.rel @p0 .LBB2_25-.Ltmp11, $4  }
0x1d8: {  	v40 =	vmax.f32 v45, v39;
	v39 =	vmin.f32 v45, v39;
	v45 =	vmax.f32 v49, v48  }
0x1d9: {  	v46 =	vmax.f32 v45, v39;
	v39 =	vmin.f32 v45, v39;
	v51 =	vmin.f32 v16, v40  }
0x1da: {  	v17 =	vmin.f32 v52, v17;
	v45 =	vmin.f32 v8, v40;
	v53 =	vmin.f32 v8, v46  }
0x1db: {  	v47 =	vmin.f32 v16, v46;
	v50 =	vmax.f32 v39, v6;
	v51 =	vmax.f32 v53, v51  }
0x1dc: {  	s23 =	simm.s32 $0x0  }
0x1dd: {  	v59 =	vld [tilespmem:s23+$0x85C0]  }
0x1de: {  	v48 =	vmin.f32 v49, v48;
	v58 =	vmax.f32 v50, v51;
	v52 =	vld [tilespmem:s23+$0x8440]  }
0x1df: {  	v8 =	vmax.f32 v8, v40;
	v18 =	vmax.f32 v5, v18;
	v22 =	vmax.f32 v44, v22;
	v61 =	vld [tilespmem:s23+$0x8340]  }
0x1e0: {  	v6 =	vmin.f32 v6, v40;
	v16 =	vmax.f32 v16, v46;
	v10 =	vmin.f32 v10, v39;
	v63 =	vld [tilespmem:s23+$0x8540]  }
0x1e1: {  	v51 =	vmax.f32 v37, v58;
	v60 =	vmin.f32 v8, v18;
	v62 =	vmin.f32 v8, v22;
	v54 =	vld [tilespmem:s23+$0x82C0]  }
0x1e2: {  	v53 =	vmin.f32 v8, v37;
	v5 =	vmax.f32 v8, v18;
	v8 =	vmax.f32 v45, v16;
	v55 =	vld [tilespmem:s23+$0x84C0]  }
0x1e3: {  	v25 =	vmax.f32 v48, v25;
	v6 =	vmax.f32 v47, v6;
	v57 =	vld [tilespmem:s23+$0x8240];
	v16 =	vmin.f32 v8, v18  }
0x1e4: {  	v18 =	vmin.f32 v58, v18;
	v56 =	vmin.f32 v8, v22;
	v6 =	vmax.f32 v10, v6;
	v10 =	vld [tilespmem:s23+$0x83C0]  }
0x1e5: {  	v16 =	vmax.f32 v62, v16;
	v18 =	vmax.f32 v56, v18;
	v6 =	vmax.f32 v25, v6  }
0x1e6: {  	v6 =	vmax.f32 v17, v6;
	v17 =	vmax.f32 v53, v18;
	v18 =	vmax.f32 v8, v22  }
0x1e7: {  	v8 =	vmax.f32 v51, v16;
	v39 =	vmax.f32 v6, v17;
	v16 =	vmax.f32 v60, v18  }
0x1e8: {  	v17 =	vmax.f32 v63, v59;
	v18 =	vmin.f32 v63, v59;
	v22 =	vmax.f32 v52, v55  }
0x1e9: {  	v59 =	vmax.f32 v57, v54;
	v44 =	vmin.f32 v57, v54;
	v58 =	vmax.f32 v61, v10  }
0x1ea: {  	v25 =	vmin.f32 v61, v10;
	v6 =	vmax.f32 v22, v17;
	v10 =	vmin.f32 v52, v55  }
0x1eb: {  	v62 =	vmin.f32 v22, v17;
	v60 =	vmin.f32 v59, v58;
	v61 =	vmax.f32 v44, v25  }
0x1ec: {  	v63 =	vmax.f32 v10, v18;
	v10 =	vmin.f32 v10, v18;
	v22 =	vmax.f32 v59, v58  }
0x1ed: {  	v45 =	vmax.f32 v61, v60;
	v46 =	vmin.f32 v61, v60;
	v17 =	vmin.f32 v63, v62  }
0x1ee: {  	s24 =	simm.s32 $0x1000;
	v18 =	vmax.f32 v63, v62;
	v40 =	vmin.f32 v14, v45;
	v37 =	vmax.f32 v31, v45  }
.LBB2_27:
0x1ef: {  	s25 =	sshra.s32 s24, $0x2;
	p0 =	sne.s32 s24, $0x1F000;
	s24 =	sadd.s32 $0x1000, s24;
	v47 =	vmin.f32 v31, v22;
	v31 =	vmin.f32 v31, v45;
	v45 =	vmax.f32 v46, v21  }
0x1f0: {  	v25 =	vmin.f32 v44, v25;
	v44 =	vmin.f32 v14, v46;
	v21 =	vmin.f32 v21, v22;
	v48 =	vld [tilespmem:s25+$0x85C0]  }
0x1f1: {  	v49 =	vmax.f32 v14, v22;
	v24 =	vmax.f32 v25, v24;
	v21 =	vmax.f32 v31, v21;
	v46 =	vld [tilespmem:s25+$0x8440]  }
0x1f2: {  	v31 =	vmin.f32 v49, v6;
	v21 =	vmax.f32 v44, v21;
	v44 =	vmin.f32 v49, v18;
	v25 =	vld [tilespmem:s25+$0x8340]  }
0x1f3: {  	v14 =	vmin.f32 v14, v22;
	v22 =	vmax.f32 v40, v47;
	v40 =	vmin.f32 v49, v17;
	v50 =	vld [tilespmem:s25+$0x8540]  }
0x1f4: {  	v37 =	vmax.f32 v14, v37;
	v14 =	vmax.f32 v45, v22;
	v22 =	vmax.f32 v24, v21;
	v47 =	vld [tilespmem:s25+$0x82C0]  }
0x1f5: {  	v21 =	vmin.f32 v37, v6;
	v24 =	vmin.f32 v37, v18;
	v51 =	vmin.f32 v14, v6;
	v45 =	vld [tilespmem:s25+$0x84C0]  }
0x1f6: {  	v14 =	vmax.f32 v17, v14;
	v17 =	vmax.f32 v44, v21;
	v24 =	vmax.f32 v24, v51;
	v52 =	vld [tilespmem:s25+$0x83C0]  }
0x1f7: {  	v10 =	vmax.f32 v10, v22;
	v21 =	vmax.f32 v14, v17;
	v14 =	vmax.f32 v40, v24;
	v44 =	vld [tilespmem:s25+$0x8240]  }
0x1f8: {  	v24 =	vmax.f32 v10, v14;
	v17 =	vmax.f32 v50, v48;
	v22 =	vmin.f32 v50, v48  }
0x1f9: {  	v14 =	vmax.f32 v49, v6;
	v6 =	vmax.f32 v37, v18  }
0x1fa: {  	v31 =	vmax.f32 v31, v6;
	v10 =	vmax.f32 v46, v45  }
0x1fb: {  	v18 =	vmax.f32 v25, v52;
	v25 =	vmin.f32 v25, v52;
	v6 =	vmax.f32 v10, v17  }
.Ltmp12:
0x1fc: {  	v40 =	vmin.f32 v46, v45;
	v37 =	vmax.f32 v44, v47;
	v44 =	vmin.f32 v44, v47;
	(pc) =	sbr.rel @p0 .LBB2_27-.Ltmp12, $4  }
0x1fd: {  	v48 =	vmin.f32 v10, v17;
	v46 =	vmin.f32 v37, v18;
	v47 =	vmax.f32 v44, v25  }
0x1fe: {  	v49 =	vmax.f32 v40, v22;
	v10 =	vmin.f32 v40, v22;
	v45 =	vmax.f32 v47, v46  }
0x1ff: {  	v17 =	vmin.f32 v49, v48;
	v22 =	vmax.f32 v37, v18;
	v46 =	vmin.f32 v47, v46  }
0x200: {  	v18 =	vmax.f32 v49, v48;
	v40 =	vmin.f32 v14, v45;
	v37 =	vmax.f32 v31, v45  }
0x201: {  	v47 =	vmin.f32 v31, v22;
	v31 =	vmin.f32 v31, v45;
	v53 =	vmax.f32 v46, v21  }
0x202: {  	v25 =	vmin.f32 v44, v25;
	v54 =	vmin.f32 v14, v46;
	v21 =	vmin.f32 v21, v22;
	v55 =	vld [tilespmem:s23+$0x8550]  }
0x203: {  	v48 =	vmax.f32 v14, v22;
	v49 =	vld [tilespmem:s23+$0x8450];
	v14 =	vmin.f32 v14, v22;
	v24 =	vmax.f32 v25, v24  }
0x204: {  	v58 =	vld [tilespmem:s23+$0x8350];
	v21 =	vmax.f32 v31, v21;
	v56 =	vmin.f32 v48, v6;
	v31 =	vmin.f32 v48, v18  }
0x205: {  	v51 =	vld [tilespmem:s23+$0x83D0];
	v22 =	vmax.f32 v40, v47;
	v57 =	vmin.f32 v48, v17;
	v14 =	vmax.f32 v14, v37  }
0x206: {  	v25 =	vld [tilespmem:s23+$0x84D0];
	v21 =	vmax.f32 v54, v21;
	v22 =	vmax.f32 v53, v22;
	v37 =	vmin.f32 v14, v6  }
0x207: {  	v59 =	vmin.f32 v14, v18;
	v21 =	vmax.f32 v24, v21;
	v24 =	vld [tilespmem:s23+$0x85D0];
	v50 =	vmin.f32 v22, v6  }
0x208: {  	v61 =	vld [tilespmem:s23+$0x8250];
	v17 =	vmax.f32 v17, v22;
	v22 =	vmax.f32 v31, v37;
	v60 =	vmax.f32 v59, v50  }
0x209: {  	v31 =	vmax.f32 v17, v22;
	v10 =	vmax.f32 v10, v21;
	v22 =	vld [tilespmem:s23+$0x82D0];
	v17 =	vmax.f32 v57, v60  }
0x20a: {  	v37 =	vmax.f32 v10, v17;
	v17 =	vmax.f32 v48, v6;
	v6 =	vmax.f32 v14, v18  }
0x20b: {  	v10 =	vmin.f32 v49, v25;
	v48 =	vmin.f32 v58, v51;
	v44 =	vmax.f32 v56, v6  }
0x20c: {  	v6 =	vmax.f32 v49, v25;
	v18 =	vmax.f32 v55, v24;
	v14 =	vmin.f32 v55, v24  }
0x20d: {  	v24 =	vmax.f32 v58, v51;
	v21 =	vmin.f32 v6, v18;
	v40 =	vmax.f32 v10, v14  }
0x20e: {  	v62 =	vmax.f32 v61, v22;
	v49 =	vmin.f32 v61, v22;
	v14 =	vmin.f32 v10, v14  }
0x20f: {  	v25 =	vmax.f32 v62, v24;
	v24 =	vmin.f32 v62, v24;
	v45 =	vmax.f32 v49, v48  }
0x210: {  	v22 =	vmin.f32 v40, v21;
	v46 =	vmax.f32 v45, v24;
	v24 =	vmin.f32 v45, v24  }
0x211: {  	v63 =	vmin.f32 v20, v25;
	v45 =	vmin.f32 v13, v25;
	v52 =	vmin.f32 v13, v46  }
0x212: {  	s23 =	simm.s32 $0x1000;
	v10 =	vmovc v13;
	v47 =	vmin.f32 v20, v46;
	v50 =	vmax.f32 v24, v9;
	v51 =	vmax.f32 v52, v63  }
.LBB2_29:
0x213: {  	s24 =	sshra.s32 s23, $0x2;
	p0 =	sne.s32 s23, $0x1F000;
	s23 =	sadd.s32 $0x1000, s23;
	v48 =	vmin.f32 v49, v48;
	v49 =	vmax.f32 v50, v51  }
0x214: {  	v13 =	vmax.f32 v13, v25;
	v50 =	vld [tilespmem:s24+$0x8550];
	v51 =	vmax.f32 v22, v49  }
0x215: {  	v6 =	vmax.f32 v6, v18;
	v21 =	vmax.f32 v40, v21;
	v32 =	vmax.f32 v48, v32;
	v52 =	vld [tilespmem:s24+$0x84D0]  }
0x216: {  	v40 =	vmin.f32 v13, v6;
	v48 =	vmin.f32 v13, v21;
	v22 =	vmin.f32 v13, v22;
	v18 =	vld [tilespmem:s24+$0x8450]  }
0x217: {  	v9 =	vmin.f32 v9, v25;
	v20 =	vmax.f32 v20, v46;
	v13 =	vmax.f32 v13, v6;
	v53 =	vld [tilespmem:s24+$0x8350]  }
0x218: {  	v24 =	vmin.f32 v10, v24;
	v20 =	vmax.f32 v45, v20;
	v9 =	vmax.f32 v47, v9;
	v10 =	vmovc v13;
	v25 =	vld [tilespmem:s24+$0x85D0]  }
0x219: {  	v46 =	vmin.f32 v20, v6;
	v47 =	vmin.f32 v20, v21;
	v6 =	vmin.f32 v49, v6;
	v45 =	vld [tilespmem:s24+$0x83D0]  }
0x21a: {  	v9 =	vmax.f32 v24, v9;
	v24 =	vmax.f32 v48, v46;
	v46 =	vmax.f32 v47, v6;
	v49 =	vld [tilespmem:s24+$0x8250]  }
0x21b: {  	v47 =	vld [tilespmem:s24+$0x82D0];
	v6 =	vmax.f32 v18, v52;
	v52 =	vmin.f32 v18, v52;
	v18 =	vmax.f32 v32, v9  }
0x21c: {  	v22 =	vmax.f32 v22, v46;
	v9 =	vmax.f32 v51, v24;
	v14 =	vmax.f32 v14, v18  }
0x21d: {  	v20 =	vmax.f32 v20, v21;
	v18 =	vmax.f32 v50, v25;
	v32 =	vmax.f32 v14, v22  }
0x21e: {  	v20 =	vmax.f32 v40, v20;
	v14 =	vmin.f32 v50, v25;
	v21 =	vmin.f32 v6, v18  }
0x21f: {  	v24 =	vmax.f32 v53, v45;
	v48 =	vmin.f32 v53, v45;
	v40 =	vmax.f32 v52, v14  }
.Ltmp13:
0x220: {  	v22 =	vmin.f32 v40, v21;
	v45 =	vmax.f32 v49, v47;
	v49 =	vmin.f32 v49, v47;
	(pc) =	sbr.rel @p0 .LBB2_29-.Ltmp13, $4  }
0x221: {  	v25 =	vmax.f32 v45, v24;
	v24 =	vmin.f32 v45, v24;
	v45 =	vmax.f32 v49, v48  }
0x222: {  	v46 =	vmax.f32 v45, v24;
	v24 =	vmin.f32 v45, v24;
	v51 =	vmin.f32 v20, v25  }
0x223: {  	v14 =	vmin.f32 v52, v14;
	v45 =	vmin.f32 v13, v25;
	v53 =	vmin.f32 v13, v46  }
0x224: {  	v47 =	vmin.f32 v20, v46;
	v50 =	vmax.f32 v24, v9;
	v51 =	vmax.f32 v53, v51  }
0x225: {  	s23 =	simm.s32 $0x0;
	v48 =	vmin.f32 v49, v48;
	v62 =	vmax.f32 v50, v51  }
0x226: {  	v13 =	vmax.f32 v13, v25;
	v18 =	vmax.f32 v6, v18;
	v21 =	vmax.f32 v40, v21;
	v63 =	vld [tilespmem:s23+$0x85E0]  }
0x227: {  	v9 =	vmin.f32 v9, v25;
	v20 =	vmax.f32 v20, v46;
	v10 =	vmin.f32 v10, v24;
	v52 =	vld [tilespmem:s23+$0x8460]  }
0x228: {  	v51 =	vmax.f32 v22, v62;
	v56 =	vmin.f32 v13, v18;
	v53 =	vld [tilespmem:s23+$0x8360];
	v25 =	vmin.f32 v13, v21  }
0x229: {  	v57 =	vld [tilespmem:s23+$0x8560];
	v22 =	vmin.f32 v13, v22;
	v6 =	vmax.f32 v13, v18;
	v13 =	vmax.f32 v45, v20  }
0x22a: {  	v32 =	vmax.f32 v48, v32;
	v9 =	vmax.f32 v47, v9;
	v24 =	vld [tilespmem:s23+$0x84E0];
	v20 =	vmin.f32 v13, v18  }
0x22b: {  	v18 =	vmin.f32 v62, v18;
	v40 =	vmin.f32 v13, v21;
	v9 =	vmax.f32 v10, v9;
	v10 =	vld [tilespmem:s23+$0x83E0]  }
0x22c: {  	v58 =	vld [tilespmem:s23+$0x82E0];
	v13 =	vmax.f32 v13, v21;
	v18 =	vmax.f32 v40, v18;
	v9 =	vmax.f32 v32, v9  }
0x22d: {  	v20 =	vmax.f32 v25, v20;
	v25 =	vld [tilespmem:s23+$0x8260];
	v14 =	vmax.f32 v14, v9;
	v18 =	vmax.f32 v22, v18  }
0x22e: {  	v21 =	vmax.f32 v56, v13;
	v9 =	vmax.f32 v51, v20;
	v40 =	vmax.f32 v14, v18  }
0x22f: {  	v13 =	vmax.f32 v57, v63;
	v14 =	vmin.f32 v57, v63;
	v18 =	vmax.f32 v52, v24  }
0x230: {  	v24 =	vmin.f32 v52, v24;
	v22 =	vmax.f32 v53, v10;
	v20 =	vmin.f32 v53, v10  }
0x231: {  	v10 =	vmax.f32 v18, v13;
	v62 =	vmin.f32 v18, v13;
	v63 =	vmax.f32 v24, v14  }
0x232: {  	v13 =	vmin.f32 v24, v14;
	v59 =	vmax.f32 v25, v58;
	v25 =	vmin.f32 v25, v58  }
0x233: {  	v18 =	vmin.f32 v63, v62;
	v60 =	vmin.f32 v59, v22;
	v61 =	vmax.f32 v25, v20  }
0x234: {  	v14 =	vmax.f32 v63, v62;
	v22 =	vmax.f32 v59, v22;
	v46 =	vmax.f32 v61, v60  }
0x235: {  	s24 =	simm.s32 $0x1000;
	v45 =	vmin.f32 v61, v60;
	v32 =	vmin.f32 v19, v46;
	v24 =	vmax.f32 v34, v46  }
.LBB2_31:
0x236: {  	s25 =	sshra.s32 s24, $0x2;
	p0 =	sne.s32 s24, $0x1F000;
	s24 =	sadd.s32 $0x1000, s24;
	v47 =	vmin.f32 v34, v22;
	v34 =	vmin.f32 v34, v46;
	v46 =	vmax.f32 v45, v26  }
0x237: {  	v20 =	vmin.f32 v25, v20;
	v25 =	vmin.f32 v19, v45;
	v26 =	vmin.f32 v26, v22;
	v48 =	vld [tilespmem:s25+$0x85E0]  }
0x238: {  	v49 =	vmax.f32 v19, v22;
	v20 =	vmax.f32 v20, v27;
	v26 =	vmax.f32 v34, v26;
	v45 =	vld [tilespmem:s25+$0x8460]  }
0x239: {  	v34 =	vmin.f32 v49, v10;
	v25 =	vmax.f32 v25, v26;
	v26 =	vmin.f32 v49, v14;
	v50 =	vld [tilespmem:s25+$0x8360]  }
0x23a: {  	v19 =	vmin.f32 v19, v22;
	v22 =	vmax.f32 v32, v47;
	v32 =	vmin.f32 v49, v18;
	v27 =	vld [tilespmem:s25+$0x8560]  }
0x23b: {  	v24 =	vmax.f32 v19, v24;
	v19 =	vmax.f32 v46, v22;
	v20 =	vmax.f32 v20, v25;
	v47 =	vld [tilespmem:s25+$0x82E0]  }
0x23c: {  	v46 =	vmin.f32 v24, v14;
	v25 =	vmin.f32 v24, v10;
	v51 =	vmin.f32 v19, v10;
	v22 =	vld [tilespmem:s25+$0x84E0]  }
0x23d: {  	v18 =	vmax.f32 v18, v19;
	v19 =	vmax.f32 v26, v25;
	v25 =	vmax.f32 v46, v51;
	v52 =	vld [tilespmem:s25+$0x83E0]  }
0x23e: {  	v13 =	vmax.f32 v13, v20;
	v26 =	vmax.f32 v18, v19;
	v18 =	vmax.f32 v32, v25;
	v46 =	vld [tilespmem:s25+$0x8260]  }
0x23f: {  	v32 =	vmax.f32 v27, v48;
	v48 =	vmin.f32 v27, v48;
	v27 =	vmax.f32 v13, v18  }
0x240: {  	v19 =	vmax.f32 v49, v10;
	v10 =	vmax.f32 v24, v14  }
0x241: {  	v34 =	vmax.f32 v34, v10;
	v13 =	vmax.f32 v45, v22  }
0x242: {  	v14 =	vmax.f32 v50, v52;
	v20 =	vmin.f32 v50, v52;
	v10 =	vmax.f32 v13, v32  }
.Ltmp14:
0x243: {  	v22 =	vmin.f32 v45, v22;
	v18 =	vmax.f32 v46, v47;
	v25 =	vmin.f32 v46, v47;
	(pc) =	sbr.rel @p0 .LBB2_31-.Ltmp14, $4  }
0x244: {  	v47 =	vmin.f32 v13, v32;
	v24 =	vmin.f32 v18, v14;
	v45 =	vmax.f32 v25, v20  }
0x245: {  	v49 =	vmax.f32 v22, v48;
	v13 =	vmin.f32 v22, v48;
	v46 =	vmax.f32 v45, v24  }
0x246: {  	v22 =	vmax.f32 v18, v14;
	v18 =	vmin.f32 v49, v47;
	v45 =	vmin.f32 v45, v24  }
0x247: {  	v14 =	vmax.f32 v49, v47;
	v32 =	vmin.f32 v19, v46;
	v24 =	vmax.f32 v34, v46  }
0x248: {  	v47 =	vmin.f32 v34, v22  }
0x249: {  	v55 =	vmin.f32 v34, v46;
	v56 =	vmax.f32 v45, v26;
	v26 =	vmin.f32 v26, v22;
	v48 =	vld [tilespmem:s23+$0x85F0]  }
0x24a: {  	v20 =	vmin.f32 v25, v20;
	v25 =	vmin.f32 v19, v45;
	v49 =	vld [tilespmem:s23+$0x8470];
	v57 =	vmax.f32 v19, v22  }
0x24b: {  	v19 =	vmin.f32 v19, v22;
	v58 =	vld [tilespmem:s23+$0x8570];
	v26 =	vmax.f32 v55, v26;
	v20 =	vmax.f32 v20, v27  }
0x24c: {  	v61 =	vld [tilespmem:s23+$0x84F0];
	v27 =	vmin.f32 v57, v14;
	v22 =	vmax.f32 v32, v47;
	v19 =	vmax.f32 v19, v24  }
0x24d: {  	v50 =	vld [tilespmem:s23+$0x83F0];
	v25 =	vmax.f32 v25, v26;
	v22 =	vmax.f32 v56, v22;
	v59 =	vmin.f32 v19, v14  }
0x24e: {  	v24 =	vld [tilespmem:s23+$0x82F0];
	v14 =	vmax.f32 v19, v14;
	v20 =	vmax.f32 v20, v25;
	v25 =	vmin.f32 v19, v10  }
0x24f: {  	v26 =	vld [tilespmem:s23+$0x8370];
	v60 =	vmin.f32 v22, v10;
	v22 =	vmax.f32 v18, v22;
	v25 =	vmax.f32 v27, v25  }
0x250: {  	v18 =	vmin.f32 v57, v18;
	v27 =	vmax.f32 v59, v60;
	v32 =	vmax.f32 v22, v25;
	v22 =	vld [tilespmem:s23+$0x8270]  }
0x251: {  	v13 =	vmax.f32 v13, v20;
	v20 =	vmin.f32 v57, v10;
	v18 =	vmax.f32 v18, v27  }
0x252: {  	v45 =	vmax.f32 v20, v14;
	v14 =	vmax.f32 v58, v48;
	v19 =	vmax.f32 v49, v61  }
0x253: {  	v34 =	vmax.f32 v13, v18;
	v13 =	vmax.f32 v57, v10;
	v18 =	vmin.f32 v58, v48  }
0x254: {  	v10 =	vmax.f32 v19, v14;
	v63 =	vmin.f32 v19, v14;
	v27 =	vmax.f32 v26, v50  }
0x255: {  	v20 =	vmin.f32 v26, v50;
	v26 =	vmax.f32 v22, v24;
	v25 =	vmin.f32 v22, v24  }
0x256: {  	v22 =	vmin.f32 v49, v61;
	v24 =	vmin.f32 v26, v27;
	v62 =	vmax.f32 v25, v20  }
0x257: {  	v49 =	vmax.f32 v22, v18;
	v14 =	vmin.f32 v22, v18;
	v22 =	vmax.f32 v26, v27  }
0x258: {  	v46 =	vmax.f32 v62, v24;
	v27 =	vmin.f32 v62, v24;
	v19 =	vmin.f32 v49, v63  }
0x259: {  	s23 =	simm.s32 $0x1000;
	v18 =	vmax.f32 v49, v63;
	v26 =	vmin.f32 v23, v46;
	v24 =	vmax.f32 v41, v46  }
.LBB2_33:
0x25a: {  	s24 =	sshra.s32 s23, $0x2;
	p0 =	sne.s32 s23, $0x1F000;
	s23 =	sadd.s32 $0x1000, s23;
	v47 =	vmin.f32 v41, v22;
	v41 =	vmin.f32 v41, v46;
	v46 =	vmax.f32 v27, v28  }
0x25b: {  	v20 =	vmin.f32 v25, v20;
	v25 =	vmin.f32 v23, v27;
	v27 =	vmin.f32 v28, v22;
	v48 =	vld [tilespmem:s24+$0x85F0]  }
0x25c: {  	v50 =	vmax.f32 v23, v22;
	v20 =	vmax.f32 v20, v33;
	v27 =	vmax.f32 v41, v27;
	v49 =	vld [tilespmem:s24+$0x8470]  }
0x25d: {  	v28 =	vmin.f32 v50, v18;
	v25 =	vmax.f32 v25, v27;
	v27 =	vmin.f32 v50, v10;
	v51 =	vld [tilespmem:s24+$0x8370]  }
0x25e: {  	v22 =	vmin.f32 v23, v22;
	v23 =	vmax.f32 v26, v47;
	v26 =	vmin.f32 v50, v19;
	v33 =	vld [tilespmem:s24+$0x8570]  }
0x25f: {  	v22 =	vmax.f32 v22, v24;
	v23 =	vmax.f32 v46, v23;
	v20 =	vmax.f32 v20, v25;
	v47 =	vld [tilespmem:s24+$0x82F0]  }
0x260: {  	v41 =	vmin.f32 v22, v18;
	v25 =	vmin.f32 v22, v10;
	v46 =	vmin.f32 v23, v10;
	v24 =	vld [tilespmem:s24+$0x84F0]  }
0x261: {  	v19 =	vmax.f32 v19, v23;
	v23 =	vmax.f32 v28, v25;
	v25 =	vmax.f32 v41, v46;
	v52 =	vld [tilespmem:s24+$0x83F0]  }
0x262: {  	v14 =	vmax.f32 v14, v20;
	v28 =	vmax.f32 v19, v23;
	v19 =	vmax.f32 v26, v25;
	v46 =	vld [tilespmem:s24+$0x8270]  }
0x263: {  	v26 =	vmax.f32 v33, v48;
	v48 =	vmin.f32 v33, v48;
	v33 =	vmax.f32 v14, v19  }
0x264: {  	v23 =	vmax.f32 v50, v10;
	v10 =	vmax.f32 v22, v18  }
0x265: {  	v41 =	vmax.f32 v27, v10;
	v14 =	vmax.f32 v49, v24  }
0x266: {  	v18 =	vmax.f32 v51, v52;
	v20 =	vmin.f32 v51, v52;
	v10 =	vmax.f32 v14, v26  }
.Ltmp15:
0x267: {  	v22 =	vmin.f32 v49, v24;
	v19 =	vmax.f32 v46, v47;
	v25 =	vmin.f32 v46, v47;
	(pc) =	sbr.rel @p0 .LBB2_33-.Ltmp15, $4  }
0x268: {  	v47 =	vmin.f32 v14, v26;
	v24 =	vmin.f32 v19, v18;
	v27 =	vmax.f32 v25, v20  }
0x269: {  	v49 =	vmax.f32 v22, v48;
	v14 =	vmin.f32 v22, v48;
	v46 =	vmax.f32 v27, v24  }
0x26a: {  	v22 =	vmax.f32 v19, v18;
	v19 =	vmin.f32 v49, v47;
	v27 =	vmin.f32 v27, v24  }
0x26b: {  	v18 =	vmax.f32 v49, v47;
	v26 =	vmin.f32 v23, v46;
	v24 =	vmax.f32 v41, v46  }
0x26c: {  	s23 =	sadd.s32 $0x300, s20  }
0x26d: {  	s23 =	sshrl.u32 s23, $0x3  }
0x26e: {  	s23 =	smul.u32 $0x1800, s23;
	_ =	sdelay $0x1  }
0x26f: {  	s22 =	sadd.s32 s22, s23  }
0x270: {  	s22 =	sshrl.u32 s22, $0x3  }
0x271: {  	s22 =	sadd.s32 s1, s22  }
0x272: {  	[tilespmem:s14], [sflag:$0x2] =	stream.strided.gather [hbm4b:s22+s11], $0x8000, s12, s11, $0x38;
	[tilespmem:$0x10500] =	vst v63  }
0x273: {  	_ =	swait.ge [sflag:s15], $0x8000  }
0x274: {  	[sflag:s15] =	ssyncset.done $0x0  }
0x275: {  	s22 =	simm.s32 $0x0;
	[sflag:s15] =	ssyncadd.s32 $0xFFFF8000  }
0x276: {  	v53 =	vmin.f32 v41, v46;
	v54 =	vmax.f32 v27, v28;
	v28 =	vmin.f32 v28, v22;
	v48 =	vld [tilespmem:s22+$0x580]  }
0x277: {  	v20 =	vmin.f32 v25, v20;
	v25 =	vmin.f32 v23, v27;
	v27 =	vmax.f32 v53, v28;
	v49 =	vld [tilespmem:s22+$0x400]  }
0x278: {  	v47 =	vmin.f32 v41, v22;
	v25 =	vmax.f32 v25, v27;
	v27 =	vld [tilespmem:s22+$0x300]  }
0x279: {  	v28 =	vmax.f32 v23, v22;
	v22 =	vmin.f32 v23, v22;
	v23 =	vmax.f32 v26, v47;
	v26 =	vld [tilespmem:s22+$0x500]  }
0x27a: {  	v20 =	vmax.f32 v20, v33;
	v24 =	vmax.f32 v22, v24;
	v22 =	vmax.f32 v54, v23;
	v23 =	vld [tilespmem:s22+$0x280]  }
0x27b: {  	v55 =	vmin.f32 v28, v18;
	v20 =	vmax.f32 v20, v25;
	v57 =	vld [tilespmem:s22+$0x480]  }
0x27c: {  	v25 =	vmin.f32 v24, v10;
	v56 =	vmin.f32 v24, v18;
	v46 =	vmin.f32 v22, v10;
	v59 =	vld [tilespmem:s22+$0x380]  }
0x27d: {  	v22 =	vmax.f32 v19, v22;
	v19 =	vmin.f32 v28, v19;
	v14 =	vmax.f32 v14, v20;
	v20 =	vld [tilespmem:s22+$0x200]  }
0x27e: {  	v18 =	vmax.f32 v24, v18;
	v25 =	vmax.f32 v55, v25;
	v58 =	vmax.f32 v56, v46  }
0x27f: {  	v22 =	vmax.f32 v22, v25;
	v19 =	vmax.f32 v19, v58;
	v25 =	vmin.f32 v28, v10  }
0x280: {  	v24 =	vmax.f32 v14, v19;
	v14 =	vmax.f32 v28, v10;
	v41 =	vmax.f32 v25, v18  }
0x281: {  	v18 =	vmax.f32 v26, v48;
	v19 =	vmin.f32 v26, v48;
	v26 =	vmax.f32 v49, v57  }
0x282: {  	v60 =	vmax.f32 v27, v59;
	v25 =	vmin.f32 v27, v59;
	v27 =	vmax.f32 v20, v23  }
0x283: {  	v28 =	vmin.f32 v20, v23;
	v20 =	vmin.f32 v49, v57;
	v10 =	vmax.f32 v26, v18  }
0x284: {  	v61 =	vmin.f32 v27, v60;
	v62 =	vmax.f32 v28, v25;
	v63 =	vmin.f32 v26, v18  }
0x285: {  	v50 =	vmax.f32 v20, v19;
	v19 =	vmin.f32 v20, v19;
	v23 =	vmax.f32 v27, v60  }
0x286: {  	v33 =	vmax.f32 v62, v61;
	v46 =	vmin.f32 v62, v61;
	v18 =	vmin.f32 v50, v63  }
0x287: {  	s23 =	simm.s32 $0x1000;
	v20 =	vmax.f32 v50, v63;
	v27 =	vmin.f32 v12, v33;
	v26 =	vmax.f32 v42, v33  }
.LBB2_35:
0x288: {  	s24 =	sshra.s32 s23, $0x2;
	p0 =	sne.s32 s23, $0x1F000;
	s23 =	sadd.s32 $0x1000, s23;
	v47 =	vmin.f32 v42, v23;
	v33 =	vmin.f32 v42, v33;
	v42 =	vmax.f32 v46, v29  }
0x289: {  	v25 =	vmin.f32 v28, v25;
	v28 =	vmin.f32 v12, v46;
	v29 =	vmin.f32 v29, v23;
	v48 =	vld [tilespmem:s24+$0x580]  }
0x28a: {  	v49 =	vmax.f32 v12, v23;
	v25 =	vmax.f32 v25, v35;
	v29 =	vmax.f32 v33, v29;
	v46 =	vld [tilespmem:s24+$0x400]  }
0x28b: {  	v50 =	vmin.f32 v49, v10;
	v28 =	vmax.f32 v28, v29;
	v29 =	vmin.f32 v49, v20;
	v33 =	vld [tilespmem:s24+$0x300]  }
0x28c: {  	v12 =	vmin.f32 v12, v23;
	v23 =	vmax.f32 v27, v47;
	v27 =	vmin.f32 v49, v18;
	v35 =	vld [tilespmem:s24+$0x500]  }
0x28d: {  	v26 =	vmax.f32 v12, v26;
	v12 =	vmax.f32 v42, v23;
	v23 =	vmax.f32 v25, v28;
	v47 =	vld [tilespmem:s24+$0x280]  }
0x28e: {  	v25 =	vmin.f32 v26, v10;
	v28 =	vmin.f32 v26, v20;
	v42 =	vmin.f32 v12, v10;
	v51 =	vld [tilespmem:s24+$0x480]  }
0x28f: {  	v12 =	vmax.f32 v18, v12;
	v18 =	vmax.f32 v29, v25;
	v25 =	vmax.f32 v28, v42;
	v52 =	vld [tilespmem:s24+$0x380]  }
0x290: {  	v29 =	vmax.f32 v12, v18;
	v12 =	vmax.f32 v19, v23;
	v18 =	vmax.f32 v27, v25;
	v28 =	vld [tilespmem:s24+$0x200]  }
0x291: {  	v19 =	vmax.f32 v35, v48;
	v23 =	vmin.f32 v35, v48;
	v35 =	vmax.f32 v12, v18  }
0x292: {  	v12 =	vmax.f32 v49, v10;
	v10 =	vmax.f32 v26, v20  }
0x293: {  	v42 =	vmax.f32 v50, v10;
	v18 =	vmax.f32 v46, v51  }
0x294: {  	v20 =	vmax.f32 v33, v52;
	v25 =	vmin.f32 v33, v52;
	v10 =	vmax.f32 v18, v19  }
.Ltmp16:
0x295: {  	v27 =	vmin.f32 v46, v51;
	v26 =	vmax.f32 v28, v47;
	v28 =	vmin.f32 v28, v47;
	(pc) =	sbr.rel @p0 .LBB2_35-.Ltmp16, $4  }
0x296: {  	v48 =	vmin.f32 v18, v19;
	v46 =	vmin.f32 v26, v20;
	v47 =	vmax.f32 v28, v25  }
0x297: {  	v49 =	vmax.f32 v27, v23;
	v19 =	vmin.f32 v27, v23;
	v33 =	vmax.f32 v47, v46  }
0x298: {  	v18 =	vmin.f32 v49, v48;
	v23 =	vmax.f32 v26, v20;
	v46 =	vmin.f32 v47, v46  }
0x299: {  	v20 =	vmax.f32 v49, v48;
	v27 =	vmin.f32 v12, v33;
	v26 =	vmax.f32 v42, v33  }
0x29a: {  	v47 =	vmin.f32 v42, v23;
	v33 =	vmin.f32 v42, v33;
	v55 =	vmax.f32 v46, v29  }
0x29b: {  	v25 =	vmin.f32 v28, v25;
	v28 =	vmin.f32 v12, v46;
	v29 =	vmin.f32 v29, v23;
	v56 =	vld [tilespmem:s22+$0x510]  }
0x29c: {  	v48 =	vmax.f32 v12, v23;
	v57 =	vld [tilespmem:s22+$0x490];
	v12 =	vmin.f32 v12, v23;
	v25 =	vmax.f32 v25, v35  }
0x29d: {  	v49 =	vld [tilespmem:s22+$0x410];
	v29 =	vmax.f32 v33, v29;
	v58 =	vmin.f32 v48, v20;
	v23 =	vmax.f32 v27, v47  }
0x29e: {  	v59 =	vld [tilespmem:s22+$0x310];
	v27 =	vmin.f32 v48, v18;
	v12 =	vmax.f32 v12, v26;
	v28 =	vmax.f32 v28, v29  }
0x29f: {  	v51 =	vld [tilespmem:s22+$0x390];
	v29 =	vmin.f32 v48, v10;
	v23 =	vmax.f32 v55, v23;
	v60 =	vmin.f32 v12, v20  }
0x2a0: {  	v26 =	vld [tilespmem:s22+$0x590];
	v25 =	vmax.f32 v25, v28;
	v28 =	vmin.f32 v12, v10;
	v50 =	vmin.f32 v23, v10  }
0x2a1: {  	v61 =	vld [tilespmem:s22+$0x210];
	v18 =	vmax.f32 v18, v23;
	v23 =	vmax.f32 v58, v28;
	v28 =	vmax.f32 v60, v50  }
0x2a2: {  	v12 =	vmax.f32 v12, v20;
	v18 =	vmax.f32 v18, v23;
	v23 =	vmax.f32 v27, v28;
	v27 =	vld [tilespmem:s22+$0x290]  }
0x2a3: {  	v10 =	vmax.f32 v48, v10;
	v19 =	vmax.f32 v19, v25;
	v33 =	vmax.f32 v29, v12  }
0x2a4: {  	v20 =	vmax.f32 v49, v57;
	v12 =	vmin.f32 v49, v57;
	v28 =	vmax.f32 v59, v51  }
0x2a5: {  	v25 =	vmax.f32 v19, v23;
	v23 =	vmax.f32 v56, v26;
	v19 =	vmin.f32 v56, v26  }
0x2a6: {  	v48 =	vmin.f32 v59, v51;
	v26 =	vmin.f32 v20, v23;
	v35 =	vmax.f32 v12, v19  }
0x2a7: {  	v19 =	vmin.f32 v12, v19;
	v62 =	vmax.f32 v61, v27;
	v49 =	vmin.f32 v61, v27  }
0x2a8: {  	v29 =	vmax.f32 v62, v28;
	v28 =	vmin.f32 v62, v28;
	v42 =	vmax.f32 v49, v48  }
0x2a9: {  	v27 =	vmin.f32 v35, v26;
	v46 =	vmax.f32 v42, v28;
	v28 =	vmin.f32 v42, v28  }
0x2aa: {  	v63 =	vmin.f32 v15, v29;
	v42 =	vmin.f32 v4, v29;
	v52 =	vmin.f32 v4, v46  }
0x2ab: {  	s22 =	simm.s32 $0x1000;
	v12 =	vmovc v4;
	v47 =	vmin.f32 v15, v46;
	v50 =	vmax.f32 v28, v7;
	v51 =	vmax.f32 v52, v63  }
.LBB2_37:
0x2ac: {  	s23 =	sshra.s32 s22, $0x2;
	p0 =	sne.s32 s22, $0x1F000;
	s22 =	sadd.s32 $0x1000, s22;
	v48 =	vmin.f32 v49, v48;
	v49 =	vmax.f32 v50, v51  }
0x2ad: {  	v4 =	vmax.f32 v4, v29;
	v50 =	vld [tilespmem:s23+$0x510];
	v51 =	vmax.f32 v27, v49  }
0x2ae: {  	v20 =	vmax.f32 v20, v23;
	v26 =	vmax.f32 v35, v26;
	v38 =	vmax.f32 v48, v38;
	v52 =	vld [tilespmem:s23+$0x490]  }
0x2af: {  	v35 =	vmin.f32 v4, v20;
	v48 =	vmin.f32 v4, v26;
	v27 =	vmin.f32 v4, v27;
	v23 =	vld [tilespmem:s23+$0x410]  }
0x2b0: {  	v7 =	vmin.f32 v7, v29;
	v15 =	vmax.f32 v15, v46;
	v4 =	vmax.f32 v4, v20;
	v53 =	vld [tilespmem:s23+$0x310]  }
0x2b1: {  	v28 =	vmin.f32 v12, v28;
	v15 =	vmax.f32 v42, v15;
	v7 =	vmax.f32 v47, v7;
	v12 =	vmovc v4;
	v29 =	vld [tilespmem:s23+$0x590]  }
0x2b2: {  	v46 =	vmin.f32 v15, v20;
	v47 =	vmin.f32 v15, v26;
	v20 =	vmin.f32 v49, v20;
	v42 =	vld [tilespmem:s23+$0x390]  }
0x2b3: {  	v7 =	vmax.f32 v28, v7;
	v28 =	vmax.f32 v48, v46;
	v46 =	vmax.f32 v47, v20;
	v49 =	vld [tilespmem:s23+$0x210]  }
0x2b4: {  	v47 =	vld [tilespmem:s23+$0x290];
	v20 =	vmax.f32 v23, v52;
	v52 =	vmin.f32 v23, v52;
	v23 =	vmax.f32 v38, v7  }
0x2b5: {  	v27 =	vmax.f32 v27, v46;
	v7 =	vmax.f32 v51, v28;
	v19 =	vmax.f32 v19, v23  }
0x2b6: {  	v15 =	vmax.f32 v15, v26;
	v23 =	vmax.f32 v50, v29;
	v38 =	vmax.f32 v19, v27  }
0x2b7: {  	v15 =	vmax.f32 v35, v15;
	v19 =	vmin.f32 v50, v29;
	v26 =	vmin.f32 v20, v23  }
0x2b8: {  	v28 =	vmax.f32 v53, v42;
	v48 =	vmin.f32 v53, v42;
	v35 =	vmax.f32 v52, v19  }
.Ltmp17:
0x2b9: {  	v27 =	vmin.f32 v35, v26;
	v42 =	vmax.f32 v49, v47;
	v49 =	vmin.f32 v49, v47;
	(pc) =	sbr.rel @p0 .LBB2_37-.Ltmp17, $4  }
0x2ba: {  	v29 =	vmax.f32 v42, v28;
	v28 =	vmin.f32 v42, v28;
	v42 =	vmax.f32 v49, v48  }
0x2bb: {  	v46 =	vmax.f32 v42, v28;
	v28 =	vmin.f32 v42, v28;
	v51 =	vmin.f32 v15, v29  }
0x2bc: {  	v19 =	vmin.f32 v52, v19;
	v42 =	vmin.f32 v4, v29;
	v53 =	vmin.f32 v4, v46  }
0x2bd: {  	v47 =	vmin.f32 v15, v46;
	v50 =	vmax.f32 v28, v7;
	v51 =	vmax.f32 v53, v51  }
0x2be: {  	s22 =	simm.s32 $0x0;
	v48 =	vmin.f32 v49, v48;
	v62 =	vmax.f32 v50, v51  }
0x2bf: {  	v4 =	vmax.f32 v4, v29;
	v20 =	vmax.f32 v20, v23;
	v26 =	vmax.f32 v35, v26;
	v63 =	vld [tilespmem:s22+$0x5A0]  }
0x2c0: {  	v7 =	vmin.f32 v7, v29;
	v15 =	vmax.f32 v15, v46;
	v12 =	vmin.f32 v12, v28;
	v23 =	vld [tilespmem:s22+$0x420]  }
0x2c1: {  	v51 =	vmax.f32 v27, v62;
	v38 =	vmax.f32 v48, v38;
	v53 =	vmin.f32 v4, v20;
	v54 =	vld [tilespmem:s22+$0x320]  }
0x2c2: {  	v29 =	vmin.f32 v4, v26;
	v55 =	vld [tilespmem:s22+$0x520];
	v27 =	vmin.f32 v4, v27;
	v15 =	vmax.f32 v42, v15  }
0x2c3: {  	v4 =	vmax.f32 v4, v20;
	v7 =	vmax.f32 v47, v7;
	v57 =	vld [tilespmem:s22+$0x4A0];
	v28 =	vmin.f32 v15, v20  }
0x2c4: {  	v20 =	vmin.f32 v62, v20;
	v58 =	vmin.f32 v15, v26;
	v7 =	vmax.f32 v12, v7;
	v12 =	vld [tilespmem:s22+$0x3A0]  }
0x2c5: {  	v56 =	vld [tilespmem:s22+$0x2A0];
	v15 =	vmax.f32 v15, v26;
	v20 =	vmax.f32 v58, v20;
	v7 =	vmax.f32 v38, v7  }
0x2c6: {  	v28 =	vmax.f32 v29, v28;
	v29 =	vld [tilespmem:s22+$0x220];
	v19 =	vmax.f32 v19, v7;
	v20 =	vmax.f32 v27, v20  }
0x2c7: {  	v15 =	vmax.f32 v53, v15;
	v7 =	vmax.f32 v51, v28;
	v28 =	vmax.f32 v19, v20  }
0x2c8: {  	v19 =	vmax.f32 v55, v63;
	v20 =	vmin.f32 v55, v63;
	v26 =	vmax.f32 v23, v57  }
0x2c9: {  	v23 =	vmin.f32 v23, v57;
	v59 =	vmax.f32 v54, v12;
	v27 =	vmin.f32 v54, v12  }
0x2ca: {  	v12 =	vmax.f32 v26, v19;
	v62 =	vmin.f32 v26, v19;
	v63 =	vmax.f32 v23, v20  }
0x2cb: {  	v20 =	vmin.f32 v23, v20;
	v60 =	vmax.f32 v29, v56;
	v38 =	vmin.f32 v29, v56  }
0x2cc: {  	v19 =	vmin.f32 v63, v62;
	v29 =	vmin.f32 v60, v59;
	v61 =	vmax.f32 v38, v27  }
0x2cd: {  	v23 =	vmax.f32 v63, v62;
	v26 =	vmax.f32 v60, v59;
	v42 =	vmax.f32 v61, v29  }
0x2ce: {  	s23 =	simm.s32 $0x1000;
	v46 =	vmin.f32 v61, v29;
	v35 =	vmin.f32 v11, v42;
	v29 =	vmax.f32 v43, v42  }
.LBB2_39:
0x2cf: {  	s24 =	sshra.s32 s23, $0x2;
	p0 =	sne.s32 s23, $0x1F000;
	s23 =	sadd.s32 $0x1000, s23;
	v47 =	vmin.f32 v43, v26;
	v42 =	vmin.f32 v43, v42;
	v43 =	vmax.f32 v46, v30  }
0x2d0: {  	v27 =	vmin.f32 v38, v27;
	v38 =	vmin.f32 v11, v46;
	v30 =	vmin.f32 v30, v26;
	v48 =	vld [tilespmem:s24+$0x5A0]  }
0x2d1: {  	v49 =	vmax.f32 v11, v26;
	v27 =	vmax.f32 v27, v36;
	v30 =	vmax.f32 v42, v30;
	v46 =	vld [tilespmem:s24+$0x420]  }
0x2d2: {  	v36 =	vmin.f32 v49, v23;
	v30 =	vmax.f32 v38, v30;
	v38 =	vmin.f32 v49, v12;
	v42 =	vld [tilespmem:s24+$0x320]  }
0x2d3: {  	v11 =	vmin.f32 v11, v26;
	v26 =	vmax.f32 v35, v47;
	v35 =	vmin.f32 v49, v19;
	v50 =	vld [tilespmem:s24+$0x520]  }
0x2d4: {  	v29 =	vmax.f32 v11, v29;
	v11 =	vmax.f32 v43, v26;
	v26 =	vmax.f32 v27, v30;
	v47 =	vld [tilespmem:s24+$0x2A0]  }
0x2d5: {  	v27 =	vmin.f32 v29, v12;
	v30 =	vmin.f32 v29, v23;
	v43 =	vmin.f32 v11, v12;
	v51 =	vld [tilespmem:s24+$0x4A0]  }
0x2d6: {  	v11 =	vmax.f32 v19, v11;
	v19 =	vmax.f32 v36, v27;
	v27 =	vmax.f32 v30, v43;
	v52 =	vld [tilespmem:s24+$0x3A0]  }
0x2d7: {  	v30 =	vmax.f32 v11, v19;
	v11 =	vmax.f32 v20, v26;
	v19 =	vmax.f32 v35, v27;
	v53 =	vld [tilespmem:s24+$0x220]  }
0x2d8: {  	v36 =	vmax.f32 v11, v19;
	v20 =	vmax.f32 v50, v48;
	v26 =	vmin.f32 v50, v48  }
0x2d9: {  	v11 =	vmax.f32 v49, v12;
	v12 =	vmax.f32 v29, v23  }
0x2da: {  	v43 =	vmax.f32 v38, v12;
	v19 =	vmax.f32 v46, v51  }
0x2db: {  	v23 =	vmax.f32 v42, v52;
	v27 =	vmin.f32 v42, v52;
	v12 =	vmax.f32 v19, v20  }
.Ltmp18:
0x2dc: {  	v35 =	vmin.f32 v46, v51;
	v29 =	vmax.f32 v53, v47;
	v38 =	vmin.f32 v53, v47;
	(pc) =	sbr.rel @p0 .LBB2_39-.Ltmp18, $4  }
0x2dd: {  	v48 =	vmin.f32 v19, v20;
	v46 =	vmin.f32 v29, v23;
	v47 =	vmax.f32 v38, v27  }
0x2de: {  	v49 =	vmax.f32 v35, v26;
	v20 =	vmin.f32 v35, v26;
	v42 =	vmax.f32 v47, v46  }
0x2df: {  	v19 =	vmin.f32 v49, v48;
	v26 =	vmax.f32 v29, v23;
	v46 =	vmin.f32 v47, v46  }
0x2e0: {  	v23 =	vmax.f32 v49, v48;
	v35 =	vmin.f32 v11, v42;
	v29 =	vmax.f32 v43, v42  }
0x2e1: {  	v47 =	vmin.f32 v43, v26;
	v42 =	vmin.f32 v43, v42;
	v60 =	vmax.f32 v46, v30;
	v62 =	vld [tilespmem:s22+$0x530]  }
0x2e2: {  	v27 =	vmin.f32 v38, v27;
	v61 =	vmin.f32 v11, v46;
	v30 =	vmin.f32 v30, v26;
	v63 =	vld [tilespmem:s22+$0x4B0]  }
0x2e3: {  	v48 =	vmax.f32 v11, v26;
	v49 =	vld [tilespmem:s22+$0x430];
	v11 =	vmin.f32 v11, v26;
	v27 =	vmax.f32 v27, v36  }
0x2e4: {  	v57 =	vld [tilespmem:s22+$0x330];
	v30 =	vmax.f32 v42, v30;
	v54 =	vmin.f32 v48, v12;
	v55 =	vmin.f32 v48, v23  }
0x2e5: {  	v51 =	vld [tilespmem:s22+$0x3B0];
	v26 =	vmax.f32 v35, v47;
	v56 =	vmin.f32 v48, v19;
	v29 =	vmax.f32 v11, v29  }
0x2e6: {  	v59 =	vld [tilespmem:s22+$0x230];
	v30 =	vmax.f32 v61, v30;
	v11 =	vmax.f32 v60, v26;
	v58 =	vmin.f32 v29, v23  }
0x2e7: {  	v60 =	vld [tilespmem:s22+$0x2B0];
	v26 =	vmax.f32 v27, v30;
	v27 =	vmin.f32 v29, v12;
	v50 =	vmin.f32 v11, v12  }
0x2e8: {  	v30 =	vld [tilespmem:s22+$0x5B0];
	v11 =	vmax.f32 v19, v11;
	v19 =	vmax.f32 v55, v27;
	v27 =	vmax.f32 v58, v50  }
0x2e9: {  	v19 =	vmax.f32 v11, v19;
	v11 =	vmax.f32 v20, v26;
	v20 =	vmax.f32 v56, v27  }
0x2ea: {  	v61 =	vmax.f32 v57, v51;
	v26 =	vmax.f32 v11, v20;
	v11 =	vmax.f32 v48, v12  }
0x2eb: {  	v12 =	vmax.f32 v29, v23;
	v23 =	vmax.f32 v49, v63;
	v48 =	vmin.f32 v57, v51  }
0x2ec: {  	v35 =	vmax.f32 v54, v12;
	v12 =	vmin.f32 v49, v63;
	v49 =	vmin.f32 v59, v60  }
0x2ed: {  	v27 =	vmax.f32 v62, v30;
	v20 =	vmin.f32 v62, v30;
	v62 =	vmax.f32 v59, v60  }
0x2ee: {  	v43 =	vmax.f32 v49, v48;
	v29 =	vmin.f32 v23, v27;
	v42 =	vmax.f32 v12, v20  }
0x2ef: {  	v38 =	vmax.f32 v62, v61;
	v36 =	vmin.f32 v62, v61;
	v20 =	vmin.f32 v12, v20  }
0x2f0: {  	v30 =	vmin.f32 v42, v29;
	v46 =	vmax.f32 v43, v36;
	v36 =	vmin.f32 v43, v36  }
0x2f1: {  	v63 =	vmin.f32 v16, v38;
	v43 =	vmin.f32 v5, v38;
	v52 =	vmin.f32 v5, v46  }
0x2f2: {  	s22 =	simm.s32 $0x1000;
	v12 =	vmovc v5;
	v47 =	vmin.f32 v16, v46;
	v50 =	vmax.f32 v36, v8;
	v51 =	vmax.f32 v52, v63  }
.LBB2_41:
0x2f3: {  	s23 =	sshra.s32 s22, $0x2;
	p0 =	sne.s32 s22, $0x1F000;
	s22 =	sadd.s32 $0x1000, s22;
	v48 =	vmin.f32 v49, v48;
	v49 =	vmax.f32 v50, v51  }
0x2f4: {  	v5 =	vmax.f32 v5, v38;
	v50 =	vld [tilespmem:s23+$0x530];
	v51 =	vmax.f32 v30, v49  }
0x2f5: {  	v23 =	vmax.f32 v23, v27;
	v29 =	vmax.f32 v42, v29;
	v39 =	vmax.f32 v48, v39;
	v52 =	vld [tilespmem:s23+$0x4B0]  }
0x2f6: {  	v42 =	vmin.f32 v5, v23;
	v48 =	vmin.f32 v5, v29;
	v30 =	vmin.f32 v5, v30;
	v27 =	vld [tilespmem:s23+$0x430]  }
0x2f7: {  	v8 =	vmin.f32 v8, v38;
	v16 =	vmax.f32 v16, v46;
	v5 =	vmax.f32 v5, v23;
	v53 =	vld [tilespmem:s23+$0x330]  }
0x2f8: {  	v36 =	vmin.f32 v12, v36;
	v16 =	vmax.f32 v43, v16;
	v8 =	vmax.f32 v47, v8;
	v12 =	vmovc v5;
	v38 =	vld [tilespmem:s23+$0x5B0]  }
0x2f9: {  	v46 =	vmin.f32 v16, v23;
	v47 =	vmin.f32 v16, v29;
	v23 =	vmin.f32 v49, v23;
	v43 =	vld [tilespmem:s23+$0x3B0]  }
0x2fa: {  	v8 =	vmax.f32 v36, v8;
	v36 =	vmax.f32 v48, v46;
	v46 =	vmax.f32 v47, v23;
	v49 =	vld [tilespmem:s23+$0x230]  }
0x2fb: {  	v47 =	vld [tilespmem:s23+$0x2B0];
	v23 =	vmax.f32 v27, v52;
	v52 =	vmin.f32 v27, v52;
	v27 =	vmax.f32 v39, v8  }
0x2fc: {  	v30 =	vmax.f32 v30, v46;
	v8 =	vmax.f32 v51, v36;
	v20 =	vmax.f32 v20, v27  }
0x2fd: {  	v16 =	vmax.f32 v16, v29;
	v27 =	vmax.f32 v50, v38;
	v39 =	vmax.f32 v20, v30  }
0x2fe: {  	v16 =	vmax.f32 v42, v16;
	v20 =	vmin.f32 v50, v38;
	v29 =	vmin.f32 v23, v27  }
0x2ff: {  	v36 =	vmax.f32 v53, v43;
	v48 =	vmin.f32 v53, v43;
	v42 =	vmax.f32 v52, v20  }
.Ltmp19:
0x300: {  	v30 =	vmin.f32 v42, v29;
	v43 =	vmax.f32 v49, v47;
	v49 =	vmin.f32 v49, v47;
	(pc) =	sbr.rel @p0 .LBB2_41-.Ltmp19, $4  }
0x301: {  	v38 =	vmax.f32 v43, v36;
	v36 =	vmin.f32 v43, v36;
	v43 =	vmax.f32 v49, v48  }
0x302: {  	v46 =	vmax.f32 v43, v36;
	v36 =	vmin.f32 v43, v36;
	v51 =	vmin.f32 v16, v38  }
0x303: {  	v20 =	vmin.f32 v52, v20;
	v43 =	vmin.f32 v5, v38;
	v53 =	vmin.f32 v5, v46  }
0x304: {  	v47 =	vmin.f32 v16, v46;
	v50 =	vmax.f32 v36, v8;
	v51 =	vmax.f32 v53, v51  }
0x305: {  	s22 =	simm.s32 $0x0  }
0x306: {  	v48 =	vmin.f32 v49, v48;
	v60 =	vmax.f32 v50, v51;
	v61 =	vld [tilespmem:s22+$0x5C0]  }
0x307: {  	v5 =	vmax.f32 v5, v38;
	v23 =	vmax.f32 v23, v27;
	v29 =	vmax.f32 v42, v29;
	v27 =	vld [tilespmem:s22+$0x440]  }
0x308: {  	v8 =	vmin.f32 v8, v38;
	v16 =	vmax.f32 v16, v46;
	v12 =	vmin.f32 v12, v36;
	v63 =	vld [tilespmem:s22+$0x340]  }
0x309: {  	v51 =	vmax.f32 v30, v60;
	v39 =	vmax.f32 v48, v39;
	v62 =	vmin.f32 v5, v23;
	v53 =	vld [tilespmem:s22+$0x540]  }
0x30a: {  	v52 =	vmin.f32 v5, v29;
	v30 =	vmin.f32 v5, v30;
	v16 =	vmax.f32 v43, v16;
	v54 =	vld [tilespmem:s22+$0x2C0]  }
0x30b: {  	v5 =	vmax.f32 v5, v23;
	v8 =	vmax.f32 v47, v8;
	v56 =	vld [tilespmem:s22+$0x4C0];
	v55 =	vmin.f32 v16, v23  }
0x30c: {  	v58 =	vld [tilespmem:s22+$0x240];
	v23 =	vmin.f32 v60, v23;
	v57 =	vmin.f32 v16, v29;
	v8 =	vmax.f32 v12, v8  }
0x30d: {  	v12 =	vld [tilespmem:s22+$0x3C0];
	v16 =	vmax.f32 v16, v29;
	v23 =	vmax.f32 v57, v23;
	v8 =	vmax.f32 v39, v8  }
0x30e: {  	v36 =	vmax.f32 v52, v55;
	v20 =	vmax.f32 v20, v8;
	v23 =	vmax.f32 v30, v23  }
0x30f: {  	v16 =	vmax.f32 v62, v16;
	v8 =	vmax.f32 v51, v36;
	v29 =	vmax.f32 v20, v23  }
0x310: {  	v20 =	vmax.f32 v53, v61;
	v23 =	vmin.f32 v53, v61;
	v30 =	vmax.f32 v27, v56  }
0x311: {  	v60 =	vmax.f32 v58, v54;
	v42 =	vmin.f32 v58, v54;
	v27 =	vmin.f32 v27, v56  }
0x312: {  	v59 =	vmax.f32 v63, v12;
	v36 =	vmin.f32 v63, v12;
	v12 =	vmax.f32 v30, v20  }
0x313: {  	v30 =	vmin.f32 v30, v20;
	v63 =	vmax.f32 v27, v23;
	v23 =	vmin.f32 v27, v23  }
0x314: {  	v61 =	vmin.f32 v60, v59;
	v62 =	vmax.f32 v42, v36;
	v27 =	vmax.f32 v60, v59  }
0x315: {  	v20 =	vmin.f32 v63, v30;
	v30 =	vmax.f32 v63, v30;
	v43 =	vmax.f32 v62, v61  }
0x316: {  	s23 =	simm.s32 $0x1000;
	v46 =	vmin.f32 v62, v61;
	v39 =	vmin.f32 v17, v43;
	v38 =	vmax.f32 v44, v43  }
.LBB2_43:
0x317: {  	s24 =	sshra.s32 s23, $0x2;
	p0 =	sne.s32 s23, $0x1F000;
	s23 =	sadd.s32 $0x1000, s23;
	v47 =	vmin.f32 v44, v27;
	v43 =	vmin.f32 v44, v43;
	v44 =	vmax.f32 v46, v31  }
0x318: {  	v36 =	vmin.f32 v42, v36;
	v42 =	vmin.f32 v17, v46;
	v31 =	vmin.f32 v31, v27;
	v48 =	vld [tilespmem:s24+$0x5C0]  }
0x319: {  	v49 =	vmax.f32 v17, v27;
	v36 =	vmax.f32 v36, v37;
	v31 =	vmax.f32 v43, v31;
	v46 =	vld [tilespmem:s24+$0x440]  }
0x31a: {  	v37 =	vmin.f32 v49, v30;
	v31 =	vmax.f32 v42, v31;
	v42 =	vmin.f32 v49, v12;
	v43 =	vld [tilespmem:s24+$0x340]  }
0x31b: {  	v17 =	vmin.f32 v17, v27;
	v27 =	vmax.f32 v39, v47;
	v39 =	vmin.f32 v49, v20;
	v50 =	vld [tilespmem:s24+$0x540]  }
0x31c: {  	v38 =	vmax.f32 v17, v38;
	v17 =	vmax.f32 v44, v27;
	v27 =	vmax.f32 v36, v31;
	v47 =	vld [tilespmem:s24+$0x2C0]  }
0x31d: {  	v31 =	vmin.f32 v38, v12;
	v36 =	vmin.f32 v38, v30;
	v44 =	vmin.f32 v17, v12;
	v51 =	vld [tilespmem:s24+$0x4C0]  }
0x31e: {  	v17 =	vmax.f32 v20, v17;
	v20 =	vmax.f32 v37, v31;
	v36 =	vmax.f32 v36, v44;
	v52 =	vld [tilespmem:s24+$0x3C0]  }
0x31f: {  	v31 =	vmax.f32 v17, v20;
	v17 =	vmax.f32 v23, v27;
	v20 =	vmax.f32 v39, v36;
	v53 =	vld [tilespmem:s24+$0x240]  }
0x320: {  	v37 =	vmax.f32 v17, v20;
	v23 =	vmax.f32 v50, v48;
	v27 =	vmin.f32 v50, v48  }
0x321: {  	v17 =	vmax.f32 v49, v12;
	v12 =	vmax.f32 v38, v30  }
0x322: {  	v44 =	vmax.f32 v42, v12;
	v20 =	vmax.f32 v46, v51  }
0x323: {  	v30 =	vmax.f32 v43, v52;
	v36 =	vmin.f32 v43, v52;
	v12 =	vmax.f32 v20, v23  }
.Ltmp20:
0x324: {  	v39 =	vmin.f32 v46, v51;
	v38 =	vmax.f32 v53, v47;
	v42 =	vmin.f32 v53, v47;
	(pc) =	sbr.rel @p0 .LBB2_43-.Ltmp20, $4  }
0x325: {  	v48 =	vmin.f32 v20, v23;
	v46 =	vmin.f32 v38, v30;
	v47 =	vmax.f32 v42, v36  }
0x326: {  	v49 =	vmax.f32 v39, v27;
	v23 =	vmin.f32 v39, v27;
	v43 =	vmax.f32 v47, v46  }
0x327: {  	v20 =	vmin.f32 v49, v48;
	v27 =	vmax.f32 v38, v30;
	v46 =	vmin.f32 v47, v46  }
0x328: {  	v30 =	vmax.f32 v49, v48;
	v39 =	vmin.f32 v17, v43;
	v38 =	vmax.f32 v44, v43  }
0x329: {  	v47 =	vmin.f32 v44, v27;
	v43 =	vmin.f32 v44, v43;
	v58 =	vmax.f32 v46, v31  }
0x32a: {  	v36 =	vmin.f32 v42, v36;
	v59 =	vmin.f32 v17, v46;
	v31 =	vmin.f32 v31, v27;
	v46 =	vld [tilespmem:s22+$0x550]  }
0x32b: {  	v48 =	vmax.f32 v17, v27;
	v49 =	vld [tilespmem:s22+$0x450];
	v17 =	vmin.f32 v17, v27;
	v36 =	vmax.f32 v36, v37  }
0x32c: {  	v63 =	vld [tilespmem:s22+$0x350];
	v31 =	vmax.f32 v43, v31;
	v60 =	vmin.f32 v48, v12;
	v61 =	vmin.f32 v48, v30  }
0x32d: {  	v54 =	vld [tilespmem:s22+$0x5D0];
	v27 =	vmax.f32 v39, v47;
	v62 =	vmin.f32 v48, v20;
	v17 =	vmax.f32 v17, v38  }
0x32e: {  	v51 =	vld [tilespmem:s22+$0x3D0];
	v31 =	vmax.f32 v59, v31;
	v27 =	vmax.f32 v58, v27;
	v55 =	vmin.f32 v17, v12  }
0x32f: {  	v37 =	vld [tilespmem:s22+$0x4D0];
	v56 =	vmin.f32 v17, v30;
	v17 =	vmax.f32 v17, v30;
	v31 =	vmax.f32 v36, v31  }
0x330: {  	v58 =	vld [tilespmem:s22+$0x250];
	v50 =	vmin.f32 v27, v12;
	v20 =	vmax.f32 v20, v27;
	v27 =	vmax.f32 v61, v55  }
0x331: {  	v59 =	vld [tilespmem:s22+$0x2D0];
	v12 =	vmax.f32 v48, v12;
	v57 =	vmax.f32 v56, v50;
	v20 =	vmax.f32 v20, v27  }
0x332: {  	v23 =	vmax.f32 v23, v31;
	v31 =	vmax.f32 v60, v17;
	v27 =	vmax.f32 v62, v57  }
0x333: {  	v36 =	vmax.f32 v46, v54;
	v60 =	vmax.f32 v63, v51;
	v27 =	vmax.f32 v23, v27  }
0x334: {  	v30 =	vmax.f32 v49, v37;
	v17 =	vmin.f32 v49, v37;
	v23 =	vmin.f32 v46, v54  }
0x335: {  	v48 =	vmin.f32 v63, v51;
	v37 =	vmin.f32 v30, v36;
	v43 =	vmax.f32 v17, v23  }
0x336: {  	v61 =	vmax.f32 v58, v59;
	v49 =	vmin.f32 v58, v59;
	v23 =	vmin.f32 v17, v23  }
0x337: {  	v38 =	vmin.f32 v43, v37;
	v62 =	vmin.f32 v61, v60;
	v44 =	vmax.f32 v49, v48  }
0x338: {  	v42 =	vmax.f32 v61, v60;
	v46 =	vmax.f32 v44, v62;
	v39 =	vmin.f32 v44, v62  }
0x339: {  	v63 =	vmin.f32 v21, v42;
	v44 =	vmin.f32 v6, v42;
	v52 =	vmin.f32 v6, v46  }
0x33a: {  	s22 =	simm.s32 $0x1000;
	v17 =	vmovc v6;
	v47 =	vmin.f32 v21, v46;
	v50 =	vmax.f32 v39, v9;
	v51 =	vmax.f32 v52, v63  }
.LBB2_45:
0x33b: {  	s23 =	sshra.s32 s22, $0x2;
	p0 =	sne.s32 s22, $0x1F000;
	s22 =	sadd.s32 $0x1000, s22;
	v48 =	vmin.f32 v49, v48;
	v49 =	vmax.f32 v50, v51  }
0x33c: {  	v6 =	vmax.f32 v6, v42;
	v50 =	vld [tilespmem:s23+$0x550];
	v51 =	vmax.f32 v38, v49  }
0x33d: {  	v30 =	vmax.f32 v30, v36;
	v37 =	vmax.f32 v43, v37;
	v40 =	vmax.f32 v48, v40;
	v52 =	vld [tilespmem:s23+$0x4D0]  }
0x33e: {  	v43 =	vmin.f32 v6, v30;
	v48 =	vmin.f32 v6, v37;
	v38 =	vmin.f32 v6, v38;
	v36 =	vld [tilespmem:s23+$0x450]  }
0x33f: {  	v9 =	vmin.f32 v9, v42;
	v21 =	vmax.f32 v21, v46;
	v6 =	vmax.f32 v6, v30;
	v53 =	vld [tilespmem:s23+$0x350]  }
0x340: {  	v39 =	vmin.f32 v17, v39;
	v21 =	vmax.f32 v44, v21;
	v9 =	vmax.f32 v47, v9;
	v17 =	vmovc v6;
	v42 =	vld [tilespmem:s23+$0x5D0]  }
0x341: {  	v46 =	vmin.f32 v21, v30;
	v47 =	vmin.f32 v21, v37;
	v30 =	vmin.f32 v49, v30;
	v44 =	vld [tilespmem:s23+$0x3D0]  }
0x342: {  	v9 =	vmax.f32 v39, v9;
	v39 =	vmax.f32 v48, v46;
	v46 =	vmax.f32 v47, v30;
	v49 =	vld [tilespmem:s23+$0x250]  }
0x343: {  	v47 =	vld [tilespmem:s23+$0x2D0];
	v30 =	vmax.f32 v36, v52;
	v52 =	vmin.f32 v36, v52;
	v36 =	vmax.f32 v40, v9  }
0x344: {  	v38 =	vmax.f32 v38, v46;
	v9 =	vmax.f32 v51, v39;
	v23 =	vmax.f32 v23, v36  }
0x345: {  	v21 =	vmax.f32 v21, v37;
	v36 =	vmax.f32 v50, v42;
	v40 =	vmax.f32 v23, v38  }
0x346: {  	v21 =	vmax.f32 v43, v21;
	v23 =	vmin.f32 v50, v42;
	v37 =	vmin.f32 v30, v36  }
0x347: {  	v39 =	vmax.f32 v53, v44;
	v48 =	vmin.f32 v53, v44;
	v43 =	vmax.f32 v52, v23  }
.Ltmp21:
0x348: {  	v38 =	vmin.f32 v43, v37;
	v44 =	vmax.f32 v49, v47;
	v49 =	vmin.f32 v49, v47;
	(pc) =	sbr.rel @p0 .LBB2_45-.Ltmp21, $4  }
0x349: {  	v42 =	vmax.f32 v44, v39;
	v39 =	vmin.f32 v44, v39;
	v44 =	vmax.f32 v49, v48  }
0x34a: {  	v46 =	vmax.f32 v44, v39;
	v39 =	vmin.f32 v44, v39;
	v51 =	vmin.f32 v21, v42  }
0x34b: {  	v23 =	vmin.f32 v52, v23;
	v44 =	vmin.f32 v6, v42;
	v53 =	vmin.f32 v6, v46  }
0x34c: {  	v47 =	vmin.f32 v21, v46;
	v50 =	vmax.f32 v39, v9;
	v51 =	vmax.f32 v53, v51  }
0x34d: {  	s22 =	simm.s32 $0x0  }
0x34e: {  	v63 =	vmax.f32 v50, v51;
	v50 =	vld [tilespmem:s22+$0x5E0]  }
0x34f: {  	v48 =	vmin.f32 v49, v48;
	v52 =	vld [tilespmem:s22+$0x460]  }
0x350: {  	v6 =	vmax.f32 v6, v42;
	v30 =	vmax.f32 v30, v36;
	v37 =	vmax.f32 v43, v37;
	v43 =	vld [tilespmem:s22+$0x360]  }
0x351: {  	v9 =	vmin.f32 v9, v42;
	v21 =	vmax.f32 v21, v46;
	v17 =	vmin.f32 v17, v39;
	v58 =	vld [tilespmem:s22+$0x560]  }
0x352: {  	v51 =	vmax.f32 v38, v63;
	v55 =	vmax.f32 v48, v40;
	v56 =	vmin.f32 v6, v30;
	v60 =	vld [tilespmem:s22+$0x2E0]  }
0x353: {  	v57 =	vmin.f32 v6, v37;
	v59 =	vmin.f32 v6, v38;
	v21 =	vmax.f32 v44, v21;
	v62 =	vld [tilespmem:s22+$0x4E0]  }
0x354: {  	v6 =	vmax.f32 v6, v30;
	v9 =	vmax.f32 v47, v9;
	v53 =	vld [tilespmem:s22+$0x3E0];
	v61 =	vmin.f32 v21, v30  }
0x355: {  	v54 =	vld [tilespmem:s22+$0x260];
	v30 =	vmin.f32 v63, v30;
	v63 =	vmin.f32 v21, v37;
	v9 =	vmax.f32 v17, v9  }
0x356: {  	v21 =	vmax.f32 v21, v37;
	v30 =	vmax.f32 v63, v30;
	v9 =	vmax.f32 v55, v9  }
0x357: {  	v17 =	vmax.f32 v57, v61;
	v23 =	vmax.f32 v23, v9;
	v30 =	vmax.f32 v59, v30  }
0x358: {  	v9 =	vmax.f32 v51, v17;
	v17 =	vmax.f32 v56, v21;
	v30 =	vmax.f32 v23, v30  }
0x359: {  	v23 =	vmax.f32 v58, v50;
	v55 =	vmin.f32 v58, v50;
	v56 =	vmax.f32 v52, v62  }
0x35a: {  	v57 =	vmax.f32 v43, v53;
	v21 =	vmin.f32 v43, v53;
	v58 =	vmax.f32 v54, v60  }
0x35b: {  	v42 =	vmin.f32 v54, v60;
	v59 =	vmin.f32 v52, v62;
	v36 =	vmax.f32 v56, v23  }
0x35c: {  	v60 =	vmin.f32 v58, v57;
	v61 =	vmax.f32 v42, v21;
	v62 =	vmin.f32 v56, v23  }
0x35d: {  	v63 =	vmax.f32 v59, v55;
	v23 =	vmin.f32 v59, v55;
	v39 =	vmax.f32 v58, v57  }
0x35e: {  	v46 =	vmax.f32 v61, v60;
	v44 =	vmin.f32 v61, v60;
	v38 =	vmin.f32 v63, v62  }
0x35f: {  	s23 =	simm.s32 $0x1000;
	v37 =	vmax.f32 v63, v62;
	v43 =	vmin.f32 v13, v46;
	v40 =	vmax.f32 v45, v46  }
.LBB2_47:
0x360: {  	s24 =	sshra.s32 s23, $0x2;
	p0 =	sne.s32 s23, $0x1F000;
	s23 =	sadd.s32 $0x1000, s23;
	v47 =	vmin.f32 v45, v39;
	v45 =	vmin.f32 v45, v46;
	v46 =	vmax.f32 v44, v32  }
0x361: {  	v21 =	vmin.f32 v42, v21;
	v42 =	vmin.f32 v13, v44;
	v32 =	vmin.f32 v32, v39;
	v48 =	vld [tilespmem:s24+$0x5E0]  }
0x362: {  	v49 =	vmax.f32 v13, v39;
	v21 =	vmax.f32 v21, v34;
	v32 =	vmax.f32 v45, v32;
	v44 =	vld [tilespmem:s24+$0x460]  }
0x363: {  	v34 =	vmin.f32 v49, v37;
	v32 =	vmax.f32 v42, v32;
	v42 =	vmin.f32 v49, v36;
	v50 =	vld [tilespmem:s24+$0x360]  }
0x364: {  	v13 =	vmin.f32 v13, v39;
	v39 =	vmax.f32 v43, v47;
	v43 =	vmin.f32 v49, v38;
	v45 =	vld [tilespmem:s24+$0x560]  }
0x365: {  	v40 =	vmax.f32 v13, v40;
	v13 =	vmax.f32 v46, v39;
	v21 =	vmax.f32 v21, v32;
	v47 =	vld [tilespmem:s24+$0x2E0]  }
0x366: {  	v46 =	vmin.f32 v40, v37;
	v32 =	vmin.f32 v40, v36;
	v51 =	vmin.f32 v13, v36;
	v39 =	vld [tilespmem:s24+$0x4E0]  }
0x367: {  	v13 =	vmax.f32 v38, v13;
	v32 =	vmax.f32 v34, v32;
	v34 =	vmax.f32 v46, v51;
	v52 =	vld [tilespmem:s24+$0x3E0]  }
0x368: {  	v32 =	vmax.f32 v13, v32;
	v13 =	vmax.f32 v23, v21;
	v21 =	vmax.f32 v43, v34;
	v38 =	vld [tilespmem:s24+$0x260]  }
0x369: {  	v34 =	vmax.f32 v13, v21;
	v23 =	vmax.f32 v45, v48;
	v43 =	vmin.f32 v45, v48  }
0x36a: {  	v13 =	vmax.f32 v49, v36;
	v21 =	vmax.f32 v40, v37  }
0x36b: {  	v45 =	vmax.f32 v42, v21;
	v37 =	vmax.f32 v44, v39  }
0x36c: {  	v40 =	vmax.f32 v50, v52;
	v21 =	vmin.f32 v50, v52;
	v36 =	vmax.f32 v37, v23  }
.Ltmp22:
0x36d: {  	v48 =	vmax.f32 v38, v47;
	v42 =	vmin.f32 v38, v47;
	v38 =	vmin.f32 v44, v39;
	(pc) =	sbr.rel @p0 .LBB2_47-.Ltmp22, $4  }
0x36e: {  	v37 =	vmin.f32 v37, v23;
	v44 =	vmin.f32 v48, v40;
	v47 =	vmax.f32 v42, v21  }
0x36f: {  	v49 =	vmax.f32 v38, v43;
	v23 =	vmin.f32 v38, v43;
	v46 =	vmax.f32 v47, v44  }
0x370: {  	v39 =	vmax.f32 v48, v40;
	v44 =	vmin.f32 v47, v44;
	v38 =	vmin.f32 v49, v37  }
0x371: {  	v37 =	vmax.f32 v49, v37;
	v43 =	vmin.f32 v13, v46;
	v40 =	vmax.f32 v45, v46  }
0x372: {  	v47 =	vmin.f32 v45, v39  }
0x373: {  	v53 =	vmin.f32 v45, v46;
	v54 =	vmax.f32 v44, v32;
	v55 =	vmin.f32 v32, v39;
	v48 =	vld [tilespmem:s22+$0x5F0]  }
0x374: {  	v21 =	vmin.f32 v42, v21;
	v56 =	vmin.f32 v13, v44;
	v44 =	vld [tilespmem:s22+$0x470];
	v57 =	vmax.f32 v13, v39  }
0x375: {  	v13 =	vmin.f32 v13, v39;
	v60 =	vld [tilespmem:s22+$0x570];
	v32 =	vmax.f32 v53, v55;
	v21 =	vmax.f32 v21, v34  }
0x376: {  	v49 =	vld [tilespmem:s22+$0x4F0];
	v58 =	vmin.f32 v57, v37;
	v59 =	vmax.f32 v43, v47;
	v13 =	vmax.f32 v13, v40  }
0x377: {  	v50 =	vld [tilespmem:s22+$0x3F0];
	v51 =	vmin.f32 v57, v38;
	v32 =	vmax.f32 v56, v32;
	v39 =	vmax.f32 v54, v59  }
0x378: {  	v52 =	vld [tilespmem:s22+$0x270];
	v61 =	vmin.f32 v13, v37;
	v54 =	vmin.f32 v57, v36;
	v55 =	vmax.f32 v13, v37  }
0x379: {  	v34 =	vld [tilespmem:s22+$0x370];
	v32 =	vmax.f32 v21, v32;
	v21 =	vmin.f32 v13, v36;
	v62 =	vmin.f32 v39, v36  }
0x37a: {  	v40 =	vld [tilespmem:s22+$0x2F0];
	v39 =	vmax.f32 v38, v39;
	v13 =	vmax.f32 v57, v36;
	v21 =	vmax.f32 v58, v21  }
0x37b: {  	v63 =	vmax.f32 v61, v62;
	v23 =	vmax.f32 v23, v32;
	v32 =	vmax.f32 v54, v55  }
0x37c: {  	v21 =	vmax.f32 v39, v21;
	v53 =	vmax.f32 v51, v63;
	v56 =	vmax.f32 v60, v48  }
0x37d: {  	v57 =	vmin.f32 v60, v48;
	v58 =	vmax.f32 v44, v49;
	v61 =	vmin.f32 v44, v49  }
0x37e: {  	v23 =	vmax.f32 v23, v53;
	v59 =	vmax.f32 v34, v50;
	v39 =	vmin.f32 v34, v50  }
0x37f: {  	v34 =	vmax.f32 v58, v56;
	v60 =	vmax.f32 v52, v40;
	v43 =	vmin.f32 v52, v40  }
0x380: {  	v63 =	vmin.f32 v58, v56;
	v49 =	vmax.f32 v61, v57;
	v36 =	vmin.f32 v61, v57  }
0x381: {  	v62 =	vmin.f32 v60, v59;
	v47 =	vmax.f32 v43, v39;
	v40 =	vmax.f32 v60, v59  }
0x382: {  	v38 =	vmin.f32 v49, v63;
	v37 =	vmax.f32 v49, v63;
	v46 =	vmax.f32 v47, v62  }
0x383: {  	s22 =	simm.s32 $0x1000;
	v45 =	vmin.f32 v47, v62;
	v44 =	vmin.f32 v14, v46;
	v42 =	vmax.f32 v41, v46  }
.LBB2_49:
0x384: {  	s23 =	sshra.s32 s22, $0x2;
	p0 =	sne.s32 s22, $0x1F000;
	s22 =	sadd.s32 $0x1000, s22;
	v47 =	vmin.f32 v41, v40;
	v41 =	vmin.f32 v41, v46;
	v46 =	vmax.f32 v45, v22  }
0x385: {  	v39 =	vmin.f32 v43, v39;
	v43 =	vmin.f32 v14, v45;
	v22 =	vmin.f32 v22, v40;
	v48 =	vld [tilespmem:s23+$0x5F0]  }
0x386: {  	v49 =	vmax.f32 v14, v40;
	v24 =	vmax.f32 v39, v24;
	v22 =	vmax.f32 v41, v22;
	v45 =	vld [tilespmem:s23+$0x470]  }
0x387: {  	v41 =	vmin.f32 v49, v34;
	v22 =	vmax.f32 v43, v22;
	v43 =	vmin.f32 v49, v37;
	v39 =	vld [tilespmem:s23+$0x370]  }
0x388: {  	v14 =	vmin.f32 v14, v40;
	v40 =	vmax.f32 v44, v47;
	v44 =	vmin.f32 v49, v38;
	v50 =	vld [tilespmem:s23+$0x570]  }
0x389: {  	v42 =	vmax.f32 v14, v42;
	v14 =	vmax.f32 v46, v40;
	v24 =	vmax.f32 v24, v22;
	v47 =	vld [tilespmem:s23+$0x2F0]  }
0x38a: {  	v46 =	vmin.f32 v42, v37;
	v22 =	vmin.f32 v42, v34;
	v51 =	vmin.f32 v14, v34;
	v40 =	vld [tilespmem:s23+$0x4F0]  }
0x38b: {  	v14 =	vmax.f32 v38, v14;
	v22 =	vmax.f32 v43, v22;
	v38 =	vmax.f32 v46, v51;
	v52 =	vld [tilespmem:s23+$0x3F0]  }
0x38c: {  	v22 =	vmax.f32 v14, v22;
	v14 =	vmax.f32 v36, v24;
	v24 =	vmax.f32 v44, v38;
	v43 =	vld [tilespmem:s23+$0x270]  }
0x38d: {  	v24 =	vmax.f32 v14, v24;
	v36 =	vmax.f32 v50, v48;
	v38 =	vmin.f32 v50, v48  }
0x38e: {  	v14 =	vmax.f32 v49, v34;
	v34 =	vmax.f32 v42, v37  }
0x38f: {  	v41 =	vmax.f32 v41, v34;
	v37 =	vmax.f32 v45, v40  }
0x390: {  	v42 =	vmax.f32 v39, v52;
	v39 =	vmin.f32 v39, v52;
	v34 =	vmax.f32 v37, v36  }
.Ltmp23:
0x391: {  	v40 =	vmin.f32 v45, v40;
	v44 =	vmax.f32 v43, v47;
	v43 =	vmin.f32 v43, v47;
	(pc) =	sbr.rel @p0 .LBB2_49-.Ltmp23, $4  }
0x392: {  	v37 =	vmin.f32 v37, v36;
	v45 =	vmin.f32 v44, v42;
	v47 =	vmax.f32 v43, v39  }
0x393: {  	v48 =	vmax.f32 v40, v38;
	v36 =	vmin.f32 v40, v38;
	v46 =	vmax.f32 v47, v45  }
0x394: {  	v38 =	vmin.f32 v48, v37;
	v40 =	vmax.f32 v44, v42;
	v45 =	vmin.f32 v47, v45  }
0x395: {  	v37 =	vmax.f32 v48, v37;
	v44 =	vmin.f32 v14, v46;
	v42 =	vmax.f32 v41, v46  }
0x396: {  	s19 =	sadd.s32 $0x80, s19  }
0x397: {  	s22 =	sadd.s32 $0x400, s20;
	p1 =	sgt.s32 s19, $0x2FF  }
0x398: {  	p0 =	seq.s32 s21, $0x5;
	s20 =	smov.u32 @p1 s22  }
0x399: {  	s19 =	simm.s32 @p1 $0x0;
	s22 =	sshrl.u32 @!p0 s20, $0x3  }
0x39a: {  	s23 =	smul.u32 @!p0 $0x1800, s22;
	s22 =	sshll.u32 @!p0 s19, $0x3  }
0x39b: {  	s22 =	sand.u32 @!p0 $0x7FFFFC00, s22  }
0x39c: {  	s23 =	sadd.s32 @!p0 s22, s23  }
0x39d: {  	s24 =	simm.s32 @!p0 $0x400;
	s23 =	sshrl.u32 @!p0 s23, $0x3  }
0x39e: {  	s25 =	simm.s32 @!p0 $0x1800;
	s26 =	simm.s32 @!p0 $0x200;
	s23 =	sadd.s32 @!p0 s1, s23  }
0x39f: {  	[tilespmem:s26], [sflag:$0x1] =	stream.strided.gather @!p0 [hbm4b:s23+s24], $0x8000, s25, s24, $0x38;
	[tilespmem:$0x10500] =	vst v63  }
0x3a0: {  	_ =	swait.ge [sflag:s16], $0x8000  }
0x3a1: {  	[sflag:s16] =	ssyncset.done $0x0  }
0x3a2: {  	s24 =	simm.s32 $0x0;
	[sflag:s16] =	ssyncadd.s32 $0xFFFF8000  }
0x3a3: {  	v47 =	vmin.f32 v41, v40;
	v48 =	vld [tilespmem:s24+$0x8580]  }
0x3a4: {  	v55 =	vmax.f32 v45, v22;
	v39 =	vmin.f32 v43, v39;
	v56 =	vmin.f32 v14, v45;
	v45 =	vld [tilespmem:s24+$0x8400]  }
0x3a5: {  	v54 =	vmin.f32 v41, v46;
	v22 =	vmin.f32 v22, v40;
	v24 =	vmax.f32 v39, v24;
	v39 =	vld [tilespmem:s24+$0x8300]  }
0x3a6: {  	v57 =	vmax.f32 v14, v40;
	v14 =	vmin.f32 v14, v40;
	v22 =	vmax.f32 v54, v22;
	v60 =	vld [tilespmem:s24+$0x8500]  }
0x3a7: {  	v58 =	vmin.f32 v57, v37;
	v59 =	vmax.f32 v44, v47;
	v14 =	vmax.f32 v14, v42;
	v42 =	vld [tilespmem:s24+$0x8280]  }
0x3a8: {  	v51 =	vmin.f32 v57, v38;
	v54 =	vmin.f32 v57, v34;
	v22 =	vmax.f32 v56, v22;
	v49 =	vld [tilespmem:s24+$0x8480]  }
0x3a9: {  	v40 =	vmax.f32 v55, v59;
	v61 =	vmin.f32 v14, v37;
	v55 =	vmax.f32 v14, v37;
	v50 =	vld [tilespmem:s24+$0x8380]  }
0x3aa: {  	v24 =	vmax.f32 v24, v22;
	v22 =	vmin.f32 v14, v34;
	v62 =	vmin.f32 v40, v34;
	v52 =	vld [tilespmem:s24+$0x8200]  }
0x3ab: {  	v40 =	vmax.f32 v38, v40;
	v14 =	vmax.f32 v57, v34;
	v63 =	vmax.f32 v61, v62  }
0x3ac: {  	v22 =	vmax.f32 v58, v22;
	v24 =	vmax.f32 v36, v24;
	v53 =	vmax.f32 v51, v63  }
0x3ad: {  	v34 =	vmax.f32 v54, v55;
	v22 =	vmax.f32 v40, v22;
	v24 =	vmax.f32 v24, v53  }
0x3ae: {  	v56 =	vmax.f32 v60, v48;
	v57 =	vmin.f32 v60, v48;
	v58 =	vmax.f32 v45, v49  }
0x3af: {  	v59 =	vmax.f32 v39, v50;
	v41 =	vmin.f32 v39, v50;
	v60 =	vmax.f32 v52, v42  }
0x3b0: {  	v44 =	vmin.f32 v52, v42;
	v61 =	vmin.f32 v45, v49;
	v36 =	vmax.f32 v58, v56  }
0x3b1: {  	v62 =	vmin.f32 v60, v59;
	v46 =	vmax.f32 v44, v41;
	v63 =	vmin.f32 v58, v56  }
0x3b2: {  	v49 =	vmax.f32 v61, v57;
	v37 =	vmin.f32 v61, v57;
	v40 =	vmax.f32 v60, v59  }
0x3b3: {  	v45 =	vmax.f32 v46, v62;
	v46 =	vmin.f32 v46, v62;
	v39 =	vmin.f32 v49, v63  }
0x3b4: {  	s23 =	sadd.s32 $0x1, s21;
	s25 =	simm.s32 $0x1000;
	v38 =	vmax.f32 v49, v63;
	v43 =	vmin.f32 v10, v45;
	v42 =	vmax.f32 v33, v45  }
.LBB2_51:
0x3b5: {  	s26 =	sshra.s32 s25, $0x2;
	p1 =	sne.s32 s25, $0x1F000;
	s25 =	sadd.s32 $0x1000, s25;
	v47 =	vmin.f32 v33, v40;
	v33 =	vmin.f32 v33, v45;
	v45 =	vmax.f32 v46, v18  }
0x3b6: {  	v41 =	vmin.f32 v44, v41;
	v44 =	vmin.f32 v10, v46;
	v18 =	vmin.f32 v18, v40;
	v48 =	vld [tilespmem:s26+$0x8580]  }
0x3b7: {  	v49 =	vmax.f32 v10, v40;
	v25 =	vmax.f32 v41, v25;
	v18 =	vmax.f32 v33, v18;
	v46 =	vld [tilespmem:s26+$0x8400]  }
0x3b8: {  	v33 =	vmin.f32 v49, v36;
	v18 =	vmax.f32 v44, v18;
	v44 =	vmin.f32 v49, v38;
	v41 =	vld [tilespmem:s26+$0x8300]  }
0x3b9: {  	v10 =	vmin.f32 v10, v40;
	v40 =	vmax.f32 v43, v47;
	v43 =	vmin.f32 v49, v39;
	v50 =	vld [tilespmem:s26+$0x8500]  }
0x3ba: {  	v42 =	vmax.f32 v10, v42;
	v10 =	vmax.f32 v45, v40;
	v25 =	vmax.f32 v25, v18;
	v47 =	vld [tilespmem:s26+$0x8280]  }
0x3bb: {  	v45 =	vmin.f32 v42, v38;
	v18 =	vmin.f32 v42, v36;
	v51 =	vmin.f32 v10, v36;
	v40 =	vld [tilespmem:s26+$0x8480]  }
0x3bc: {  	v10 =	vmax.f32 v39, v10;
	v18 =	vmax.f32 v44, v18;
	v39 =	vmax.f32 v45, v51;
	v52 =	vld [tilespmem:s26+$0x8380]  }
0x3bd: {  	v18 =	vmax.f32 v10, v18;
	v10 =	vmax.f32 v37, v25;
	v25 =	vmax.f32 v43, v39;
	v44 =	vld [tilespmem:s26+$0x8200]  }
0x3be: {  	v25 =	vmax.f32 v10, v25;
	v37 =	vmax.f32 v50, v48;
	v39 =	vmin.f32 v50, v48  }
0x3bf: {  	v10 =	vmax.f32 v49, v36;
	v36 =	vmax.f32 v42, v38  }
0x3c0: {  	v33 =	vmax.f32 v33, v36;
	v38 =	vmax.f32 v46, v40  }
0x3c1: {  	v42 =	vmax.f32 v41, v52;
	v41 =	vmin.f32 v41, v52;
	v36 =	vmax.f32 v38, v37  }
.Ltmp24:
0x3c2: {  	v40 =	vmin.f32 v46, v40;
	v43 =	vmax.f32 v44, v47;
	v44 =	vmin.f32 v44, v47;
	(pc) =	sbr.rel @p1 .LBB2_51-.Ltmp24, $4  }
0x3c3: {  	v38 =	vmin.f32 v38, v37;
	v46 =	vmin.f32 v43, v42;
	v47 =	vmax.f32 v44, v41  }
0x3c4: {  	v48 =	vmax.f32 v40, v39;
	v37 =	vmin.f32 v40, v39;
	v45 =	vmax.f32 v47, v46  }
0x3c5: {  	v39 =	vmin.f32 v48, v38;
	v40 =	vmax.f32 v43, v42;
	v46 =	vmin.f32 v47, v46  }
0x3c6: {  	v38 =	vmax.f32 v48, v38;
	v43 =	vmin.f32 v10, v45;
	v42 =	vmax.f32 v33, v45  }
0x3c7: {  	v47 =	vmin.f32 v33, v40;
	v54 =	vmin.f32 v33, v45;
	v55 =	vmax.f32 v46, v18  }
0x3c8: {  	v41 =	vmin.f32 v44, v41;
	v56 =	vmin.f32 v10, v46;
	v18 =	vmin.f32 v18, v40;
	v46 =	vld [tilespmem:s24+$0x8510]  }
0x3c9: {  	v48 =	vmax.f32 v10, v40;
	v49 =	vld [tilespmem:s24+$0x8410];
	v10 =	vmin.f32 v10, v40;
	v25 =	vmax.f32 v41, v25  }
0x3ca: {  	v61 =	vld [tilespmem:s24+$0x8310];
	v18 =	vmax.f32 v54, v18;
	v57 =	vmin.f32 v48, v36;
	v58 =	vmin.f32 v48, v38  }
0x3cb: {  	v62 =	vld [tilespmem:s24+$0x8590];
	v59 =	vmax.f32 v43, v47;
	v60 =	vmin.f32 v48, v39;
	v42 =	vmax.f32 v10, v42  }
0x3cc: {  	v51 =	vld [tilespmem:s24+$0x8390];
	v18 =	vmax.f32 v56, v18;
	v10 =	vmax.f32 v55, v59;
	v63 =	vmin.f32 v42, v38  }
0x3cd: {  	v41 =	vld [tilespmem:s24+$0x8490];
	v56 =	vmax.f32 v42, v38;
	v18 =	vmax.f32 v25, v18;
	v25 =	vmin.f32 v42, v36  }
0x3ce: {  	v54 =	vld [tilespmem:s24+$0x8210];
	v50 =	vmin.f32 v10, v36;
	v10 =	vmax.f32 v39, v10;
	v33 =	vmax.f32 v57, v56  }
0x3cf: {  	v55 =	vld [tilespmem:s24+$0x8290];
	v25 =	vmax.f32 v58, v25;
	v53 =	vmax.f32 v63, v50;
	v18 =	vmax.f32 v37, v18  }
0x3d0: {  	v10 =	vmax.f32 v10, v25;
	v25 =	vmax.f32 v60, v53;
	v39 =	vmax.f32 v46, v62  }
0x3d1: {  	v58 =	vmin.f32 v46, v62;
	v59 =	vmax.f32 v61, v51;
	v18 =	vmax.f32 v18, v25  }
0x3d2: {  	v25 =	vmax.f32 v48, v36;
	v38 =	vmax.f32 v49, v41;
	v57 =	vmin.f32 v49, v41  }
0x3d3: {  	v48 =	vmin.f32 v61, v51;
	v40 =	vmin.f32 v38, v39;
	v44 =	vmax.f32 v57, v58  }
0x3d4: {  	v60 =	vmax.f32 v54, v55;
	v49 =	vmin.f32 v54, v55;
	v37 =	vmin.f32 v57, v58  }
0x3d5: {  	v41 =	vmin.f32 v44, v40;
	v61 =	vmin.f32 v60, v59;
	v62 =	vmax.f32 v49, v48  }
0x3d6: {  	v43 =	vmax.f32 v60, v59;
	v46 =	vmax.f32 v62, v61;
	v42 =	vmin.f32 v62, v61  }
0x3d7: {  	v63 =	vmin.f32 v15, v43;
	v45 =	vmin.f32 v4, v43;
	v52 =	vmin.f32 v4, v46  }
0x3d8: {  	s24 =	simm.s32 $0x1000;
	v36 =	vmovc v4;
	v47 =	vmin.f32 v15, v46;
	v50 =	vmax.f32 v42, v7;
	v51 =	vmax.f32 v52, v63  }
.LBB2_53:
0x3d9: {  	s25 =	sshra.s32 s24, $0x2;
	p1 =	sne.s32 s24, $0x1F000;
	s24 =	sadd.s32 $0x1000, s24;
	v48 =	vmin.f32 v49, v48;
	v49 =	vmax.f32 v50, v51  }
0x3da: {  	v4 =	vmax.f32 v4, v43;
	v50 =	vld [tilespmem:s25+$0x8510];
	v51 =	vmax.f32 v41, v49  }
0x3db: {  	v38 =	vmax.f32 v38, v39;
	v40 =	vmax.f32 v44, v40;
	v28 =	vmax.f32 v48, v28;
	v52 =	vld [tilespmem:s25+$0x8490]  }
0x3dc: {  	v44 =	vmin.f32 v4, v38;
	v48 =	vmin.f32 v4, v40;
	v41 =	vmin.f32 v4, v41;
	v39 =	vld [tilespmem:s25+$0x8410]  }
0x3dd: {  	v7 =	vmin.f32 v7, v43;
	v15 =	vmax.f32 v15, v46;
	v4 =	vmax.f32 v4, v38;
	v53 =	vld [tilespmem:s25+$0x8310]  }
0x3de: {  	v42 =	vmin.f32 v36, v42;
	v15 =	vmax.f32 v45, v15;
	v7 =	vmax.f32 v47, v7;
	v36 =	vmovc v4;
	v43 =	vld [tilespmem:s25+$0x8590]  }
0x3df: {  	v46 =	vmin.f32 v15, v38;
	v47 =	vmin.f32 v15, v40;
	v38 =	vmin.f32 v49, v38;
	v45 =	vld [tilespmem:s25+$0x8390]  }
0x3e0: {  	v7 =	vmax.f32 v42, v7;
	v42 =	vmax.f32 v48, v46;
	v46 =	vmax.f32 v47, v38;
	v49 =	vld [tilespmem:s25+$0x8210]  }
0x3e1: {  	v28 =	vmax.f32 v28, v7;
	v47 =	vld [tilespmem:s25+$0x8290];
	v38 =	vmax.f32 v39, v52;
	v52 =	vmin.f32 v39, v52  }
0x3e2: {  	v7 =	vmax.f32 v51, v42;
	v28 =	vmax.f32 v37, v28;
	v37 =	vmax.f32 v41, v46  }
0x3e3: {  	v15 =	vmax.f32 v15, v40;
	v28 =	vmax.f32 v28, v37;
	v39 =	vmax.f32 v50, v43  }
0x3e4: {  	v15 =	vmax.f32 v44, v15;
	v37 =	vmin.f32 v50, v43;
	v40 =	vmin.f32 v38, v39  }
0x3e5: {  	v42 =	vmax.f32 v53, v45;
	v48 =	vmin.f32 v53, v45;
	v44 =	vmax.f32 v52, v37  }
.Ltmp25:
0x3e6: {  	v41 =	vmin.f32 v44, v40;
	v45 =	vmax.f32 v49, v47;
	v49 =	vmin.f32 v49, v47;
	(pc) =	sbr.rel @p1 .LBB2_53-.Ltmp25, $4  }
0x3e7: {  	v43 =	vmax.f32 v45, v42;
	v42 =	vmin.f32 v45, v42;
	v45 =	vmax.f32 v49, v48  }
0x3e8: {  	v46 =	vmax.f32 v45, v42;
	v42 =	vmin.f32 v45, v42;
	v51 =	vmin.f32 v15, v43  }
0x3e9: {  	v37 =	vmin.f32 v52, v37;
	v45 =	vmin.f32 v4, v43;
	v53 =	vmin.f32 v4, v46  }
0x3ea: {  	v47 =	vmin.f32 v15, v46;
	v50 =	vmax.f32 v42, v7;
	v51 =	vmax.f32 v53, v51  }
0x3eb: {  	s24 =	simm.s32 $0x0  }
0x3ec: {  	v55 =	vmax.f32 v50, v51;
	v50 =	vld [tilespmem:s24+$0x85A0]  }
0x3ed: {  	v48 =	vmin.f32 v49, v48;
	v38 =	vmax.f32 v38, v39;
	v39 =	vld [tilespmem:s24+$0x8420]  }
0x3ee: {  	v4 =	vmax.f32 v4, v43;
	v28 =	vmax.f32 v48, v28;
	v48 =	vld [tilespmem:s24+$0x8320]  }
0x3ef: {  	v40 =	vmax.f32 v44, v40;
	v7 =	vmin.f32 v7, v43;
	v15 =	vmax.f32 v15, v46;
	v58 =	vld [tilespmem:s24+$0x8520]  }
0x3f0: {  	v36 =	vmin.f32 v36, v42;
	v51 =	vmax.f32 v41, v55;
	v56 =	vmin.f32 v4, v38;
	v60 =	vld [tilespmem:s24+$0x82A0]  }
0x3f1: {  	v57 =	vmin.f32 v4, v40;
	v59 =	vmin.f32 v4, v41;
	v15 =	vmax.f32 v45, v15;
	v62 =	vld [tilespmem:s24+$0x84A0]  }
0x3f2: {  	v4 =	vmax.f32 v4, v38;
	v7 =	vmax.f32 v47, v7;
	v52 =	vld [tilespmem:s24+$0x83A0];
	v61 =	vmin.f32 v15, v38  }
0x3f3: {  	v53 =	vld [tilespmem:s24+$0x8220];
	v38 =	vmin.f32 v55, v38;
	v63 =	vmin.f32 v15, v40;
	v7 =	vmax.f32 v36, v7  }
0x3f4: {  	v54 =	vmax.f32 v15, v40;
	v38 =	vmax.f32 v63, v38;
	v7 =	vmax.f32 v28, v7  }
0x3f5: {  	v42 =	vmax.f32 v57, v61;
	v7 =	vmax.f32 v37, v7;
	v28 =	vmax.f32 v59, v38  }
0x3f6: {  	v15 =	vmax.f32 v51, v42;
	v7 =	vmax.f32 v7, v28;
	v28 =	vmax.f32 v56, v54  }
0x3f7: {  	v55 =	vmax.f32 v58, v50;
	v56 =	vmin.f32 v58, v50;
	v57 =	vmax.f32 v39, v62  }
0x3f8: {  	v58 =	vmax.f32 v48, v52;
	v41 =	vmin.f32 v48, v52;
	v59 =	vmax.f32 v53, v60  }
0x3f9: {  	v44 =	vmin.f32 v53, v60;
	v39 =	vmin.f32 v39, v62;
	v36 =	vmax.f32 v57, v55  }
0x3fa: {  	v60 =	vmin.f32 v59, v58;
	v61 =	vmax.f32 v44, v41;
	v62 =	vmin.f32 v57, v55  }
0x3fb: {  	v63 =	vmax.f32 v39, v56;
	v37 =	vmin.f32 v39, v56;
	v40 =	vmax.f32 v59, v58  }
0x3fc: {  	v45 =	vmax.f32 v61, v60;
	v46 =	vmin.f32 v61, v60;
	v39 =	vmin.f32 v63, v62  }
0x3fd: {  	s25 =	simm.s32 $0x1000;
	v38 =	vmax.f32 v63, v62;
	v43 =	vmin.f32 v11, v45;
	v42 =	vmax.f32 v35, v45  }
.LBB2_55:
0x3fe: {  	s26 =	sshra.s32 s25, $0x2;
	p1 =	sne.s32 s25, $0x1F000;
	s25 =	sadd.s32 $0x1000, s25;
	v47 =	vmin.f32 v35, v40;
	v35 =	vmin.f32 v35, v45;
	v45 =	vmax.f32 v46, v19  }
0x3ff: {  	v41 =	vmin.f32 v44, v41;
	v44 =	vmin.f32 v11, v46;
	v19 =	vmin.f32 v19, v40;
	v48 =	vld [tilespmem:s26+$0x85A0]  }
0x400: {  	v49 =	vmax.f32 v11, v40;
	v26 =	vmax.f32 v41, v26;
	v19 =	vmax.f32 v35, v19;
	v46 =	vld [tilespmem:s26+$0x8420]  }
0x401: {  	v35 =	vmin.f32 v49, v36;
	v19 =	vmax.f32 v44, v19;
	v44 =	vmin.f32 v49, v38;
	v41 =	vld [tilespmem:s26+$0x8320]  }
0x402: {  	v11 =	vmin.f32 v11, v40;
	v40 =	vmax.f32 v43, v47;
	v43 =	vmin.f32 v49, v39;
	v50 =	vld [tilespmem:s26+$0x8520]  }
0x403: {  	v42 =	vmax.f32 v11, v42;
	v11 =	vmax.f32 v45, v40;
	v26 =	vmax.f32 v26, v19;
	v47 =	vld [tilespmem:s26+$0x82A0]  }
0x404: {  	v45 =	vmin.f32 v42, v38;
	v19 =	vmin.f32 v42, v36;
	v51 =	vmin.f32 v11, v36;
	v40 =	vld [tilespmem:s26+$0x84A0]  }
0x405: {  	v11 =	vmax.f32 v39, v11;
	v19 =	vmax.f32 v44, v19;
	v39 =	vmax.f32 v45, v51;
	v52 =	vld [tilespmem:s26+$0x83A0]  }
0x406: {  	v19 =	vmax.f32 v11, v19;
	v11 =	vmax.f32 v37, v26;
	v26 =	vmax.f32 v43, v39;
	v44 =	vld [tilespmem:s26+$0x8220]  }
0x407: {  	v26 =	vmax.f32 v11, v26;
	v37 =	vmax.f32 v50, v48;
	v39 =	vmin.f32 v50, v48  }
0x408: {  	v11 =	vmax.f32 v49, v36;
	v36 =	vmax.f32 v42, v38  }
0x409: {  	v35 =	vmax.f32 v35, v36;
	v38 =	vmax.f32 v46, v40  }
0x40a: {  	v42 =	vmax.f32 v41, v52;
	v41 =	vmin.f32 v41, v52;
	v36 =	vmax.f32 v38, v37  }
.Ltmp26:
0x40b: {  	v40 =	vmin.f32 v46, v40;
	v43 =	vmax.f32 v44, v47;
	v44 =	vmin.f32 v44, v47;
	(pc) =	sbr.rel @p1 .LBB2_55-.Ltmp26, $4  }
0x40c: {  	v38 =	vmin.f32 v38, v37;
	v46 =	vmin.f32 v43, v42;
	v47 =	vmax.f32 v44, v41  }
0x40d: {  	v48 =	vmax.f32 v40, v39;
	v37 =	vmin.f32 v40, v39;
	v45 =	vmax.f32 v47, v46  }
0x40e: {  	v39 =	vmin.f32 v48, v38;
	v40 =	vmax.f32 v43, v42;
	v46 =	vmin.f32 v47, v46  }
0x40f: {  	v38 =	vmax.f32 v48, v38;
	v43 =	vmin.f32 v11, v45;
	v42 =	vmax.f32 v35, v45  }
0x410: {  	v47 =	vmin.f32 v35, v40;
	v54 =	vmin.f32 v35, v45;
	v55 =	vmax.f32 v46, v19  }
0x411: {  	v41 =	vmin.f32 v44, v41;
	v56 =	vmin.f32 v11, v46;
	v19 =	vmin.f32 v19, v40;
	v46 =	vld [tilespmem:s24+$0x8530]  }
0x412: {  	v48 =	vmax.f32 v11, v40;
	v49 =	vld [tilespmem:s24+$0x8430];
	v11 =	vmin.f32 v11, v40;
	v26 =	vmax.f32 v41, v26  }
0x413: {  	v61 =	vld [tilespmem:s24+$0x8330];
	v19 =	vmax.f32 v54, v19;
	v57 =	vmin.f32 v48, v36;
	v58 =	vmin.f32 v48, v38  }
0x414: {  	v62 =	vld [tilespmem:s24+$0x85B0];
	v59 =	vmax.f32 v43, v47;
	v60 =	vmin.f32 v48, v39;
	v42 =	vmax.f32 v11, v42  }
0x415: {  	v51 =	vld [tilespmem:s24+$0x83B0];
	v19 =	vmax.f32 v56, v19;
	v11 =	vmax.f32 v55, v59;
	v63 =	vmin.f32 v42, v38  }
0x416: {  	v41 =	vld [tilespmem:s24+$0x84B0];
	v56 =	vmax.f32 v42, v38;
	v26 =	vmax.f32 v26, v19;
	v19 =	vmin.f32 v42, v36  }
0x417: {  	v54 =	vld [tilespmem:s24+$0x8230];
	v50 =	vmin.f32 v11, v36;
	v11 =	vmax.f32 v39, v11;
	v19 =	vmax.f32 v58, v19  }
0x418: {  	v55 =	vld [tilespmem:s24+$0x82B0];
	v35 =	vmax.f32 v57, v56;
	v53 =	vmax.f32 v63, v50;
	v19 =	vmax.f32 v11, v19  }
0x419: {  	v11 =	vmax.f32 v37, v26;
	v26 =	vmax.f32 v60, v53;
	v39 =	vmax.f32 v46, v62  }
0x41a: {  	v58 =	vmin.f32 v46, v62;
	v59 =	vmax.f32 v61, v51;
	v11 =	vmax.f32 v11, v26  }
0x41b: {  	v26 =	vmax.f32 v48, v36;
	v38 =	vmax.f32 v49, v41;
	v57 =	vmin.f32 v49, v41  }
0x41c: {  	v48 =	vmin.f32 v61, v51;
	v40 =	vmin.f32 v38, v39;
	v44 =	vmax.f32 v57, v58  }
0x41d: {  	v60 =	vmax.f32 v54, v55;
	v49 =	vmin.f32 v54, v55;
	v37 =	vmin.f32 v57, v58  }
0x41e: {  	v41 =	vmin.f32 v44, v40;
	v61 =	vmin.f32 v60, v59;
	v62 =	vmax.f32 v49, v48  }
0x41f: {  	v43 =	vmax.f32 v60, v59;
	v46 =	vmax.f32 v62, v61;
	v42 =	vmin.f32 v62, v61  }
0x420: {  	v63 =	vmin.f32 v16, v43;
	v45 =	vmin.f32 v5, v43;
	v52 =	vmin.f32 v5, v46  }
0x421: {  	s24 =	simm.s32 $0x1000;
	v36 =	vmovc v5;
	v47 =	vmin.f32 v16, v46;
	v50 =	vmax.f32 v42, v8;
	v51 =	vmax.f32 v52, v63  }
.LBB2_57:
0x422: {  	s25 =	sshra.s32 s24, $0x2;
	p1 =	sne.s32 s24, $0x1F000;
	s24 =	sadd.s32 $0x1000, s24;
	v48 =	vmin.f32 v49, v48;
	v49 =	vmax.f32 v50, v51  }
0x423: {  	v5 =	vmax.f32 v5, v43;
	v50 =	vld [tilespmem:s25+$0x8530];
	v51 =	vmax.f32 v41, v49  }
0x424: {  	v38 =	vmax.f32 v38, v39;
	v40 =	vmax.f32 v44, v40;
	v29 =	vmax.f32 v48, v29;
	v52 =	vld [tilespmem:s25+$0x84B0]  }
0x425: {  	v44 =	vmin.f32 v5, v38;
	v48 =	vmin.f32 v5, v40;
	v41 =	vmin.f32 v5, v41;
	v39 =	vld [tilespmem:s25+$0x8430]  }
0x426: {  	v8 =	vmin.f32 v8, v43;
	v16 =	vmax.f32 v16, v46;
	v5 =	vmax.f32 v5, v38;
	v53 =	vld [tilespmem:s25+$0x8330]  }
0x427: {  	v42 =	vmin.f32 v36, v42;
	v16 =	vmax.f32 v45, v16;
	v8 =	vmax.f32 v47, v8;
	v36 =	vmovc v5;
	v43 =	vld [tilespmem:s25+$0x85B0]  }
0x428: {  	v46 =	vmin.f32 v16, v38;
	v47 =	vmin.f32 v16, v40;
	v38 =	vmin.f32 v49, v38;
	v45 =	vld [tilespmem:s25+$0x83B0]  }
0x429: {  	v8 =	vmax.f32 v42, v8;
	v42 =	vmax.f32 v48, v46;
	v46 =	vmax.f32 v47, v38;
	v49 =	vld [tilespmem:s25+$0x8230]  }
0x42a: {  	v29 =	vmax.f32 v29, v8;
	v47 =	vld [tilespmem:s25+$0x82B0];
	v38 =	vmax.f32 v39, v52;
	v52 =	vmin.f32 v39, v52  }
0x42b: {  	v8 =	vmax.f32 v51, v42;
	v29 =	vmax.f32 v37, v29;
	v37 =	vmax.f32 v41, v46  }
0x42c: {  	v16 =	vmax.f32 v16, v40;
	v29 =	vmax.f32 v29, v37;
	v39 =	vmax.f32 v50, v43  }
0x42d: {  	v16 =	vmax.f32 v44, v16;
	v37 =	vmin.f32 v50, v43;
	v40 =	vmin.f32 v38, v39  }
0x42e: {  	v42 =	vmax.f32 v53, v45;
	v48 =	vmin.f32 v53, v45;
	v44 =	vmax.f32 v52, v37  }
.Ltmp27:
0x42f: {  	v41 =	vmin.f32 v44, v40;
	v45 =	vmax.f32 v49, v47;
	v49 =	vmin.f32 v49, v47;
	(pc) =	sbr.rel @p1 .LBB2_57-.Ltmp27, $4  }
0x430: {  	v43 =	vmax.f32 v45, v42;
	v42 =	vmin.f32 v45, v42;
	v45 =	vmax.f32 v49, v48  }
0x431: {  	v46 =	vmax.f32 v45, v42;
	v42 =	vmin.f32 v45, v42;
	v51 =	vmin.f32 v16, v43  }
0x432: {  	v37 =	vmin.f32 v52, v37;
	v45 =	vmin.f32 v5, v43;
	v53 =	vmin.f32 v5, v46  }
0x433: {  	v47 =	vmin.f32 v16, v46;
	v50 =	vmax.f32 v42, v8;
	v51 =	vmax.f32 v53, v51  }
0x434: {  	s24 =	simm.s32 $0x0  }
0x435: {  	v55 =	vmax.f32 v50, v51;
	v50 =	vld [tilespmem:s24+$0x85C0]  }
0x436: {  	v48 =	vmin.f32 v49, v48;
	v38 =	vmax.f32 v38, v39;
	v39 =	vld [tilespmem:s24+$0x8440]  }
0x437: {  	v5 =	vmax.f32 v5, v43;
	v29 =	vmax.f32 v48, v29;
	v48 =	vld [tilespmem:s24+$0x8340]  }
0x438: {  	v40 =	vmax.f32 v44, v40;
	v8 =	vmin.f32 v8, v43;
	v16 =	vmax.f32 v16, v46;
	v58 =	vld [tilespmem:s24+$0x8540]  }
0x439: {  	v36 =	vmin.f32 v36, v42;
	v51 =	vmax.f32 v41, v55;
	v56 =	vmin.f32 v5, v38;
	v60 =	vld [tilespmem:s24+$0x82C0]  }
0x43a: {  	v57 =	vmin.f32 v5, v40;
	v59 =	vmin.f32 v5, v41;
	v16 =	vmax.f32 v45, v16;
	v62 =	vld [tilespmem:s24+$0x84C0]  }
0x43b: {  	v5 =	vmax.f32 v5, v38;
	v8 =	vmax.f32 v47, v8;
	v52 =	vld [tilespmem:s24+$0x83C0];
	v61 =	vmin.f32 v16, v38  }
0x43c: {  	v53 =	vld [tilespmem:s24+$0x8240];
	v38 =	vmin.f32 v55, v38;
	v63 =	vmin.f32 v16, v40;
	v8 =	vmax.f32 v36, v8  }
0x43d: {  	v54 =	vmax.f32 v16, v40;
	v38 =	vmax.f32 v63, v38;
	v8 =	vmax.f32 v29, v8  }
0x43e: {  	v42 =	vmax.f32 v57, v61;
	v8 =	vmax.f32 v37, v8;
	v29 =	vmax.f32 v59, v38  }
0x43f: {  	v16 =	vmax.f32 v51, v42;
	v8 =	vmax.f32 v8, v29;
	v29 =	vmax.f32 v56, v54  }
0x440: {  	v55 =	vmax.f32 v58, v50;
	v56 =	vmin.f32 v58, v50;
	v57 =	vmax.f32 v39, v62  }
0x441: {  	v58 =	vmax.f32 v48, v52;
	v41 =	vmin.f32 v48, v52;
	v59 =	vmax.f32 v53, v60  }
0x442: {  	v44 =	vmin.f32 v53, v60;
	v39 =	vmin.f32 v39, v62;
	v36 =	vmax.f32 v57, v55  }
0x443: {  	v60 =	vmin.f32 v59, v58;
	v61 =	vmax.f32 v44, v41;
	v62 =	vmin.f32 v57, v55  }
0x444: {  	v63 =	vmax.f32 v39, v56;
	v37 =	vmin.f32 v39, v56;
	v40 =	vmax.f32 v59, v58  }
0x445: {  	v45 =	vmax.f32 v61, v60;
	v46 =	vmin.f32 v61, v60;
	v39 =	vmin.f32 v63, v62  }
0x446: {  	s25 =	simm.s32 $0x1000;
	v38 =	vmax.f32 v63, v62;
	v43 =	vmin.f32 v12, v45;
	v42 =	vmax.f32 v31, v45  }
.LBB2_59:
0x447: {  	s26 =	sshra.s32 s25, $0x2;
	p1 =	sne.s32 s25, $0x1F000;
	s25 =	sadd.s32 $0x1000, s25;
	v47 =	vmin.f32 v31, v40;
	v31 =	vmin.f32 v31, v45;
	v45 =	vmax.f32 v46, v20  }
0x448: {  	v41 =	vmin.f32 v44, v41;
	v44 =	vmin.f32 v12, v46;
	v20 =	vmin.f32 v20, v40;
	v48 =	vld [tilespmem:s26+$0x85C0]  }
0x449: {  	v49 =	vmax.f32 v12, v40;
	v27 =	vmax.f32 v41, v27;
	v20 =	vmax.f32 v31, v20;
	v46 =	vld [tilespmem:s26+$0x8440]  }
0x44a: {  	v31 =	vmin.f32 v49, v36;
	v20 =	vmax.f32 v44, v20;
	v44 =	vmin.f32 v49, v38;
	v41 =	vld [tilespmem:s26+$0x8340]  }
0x44b: {  	v12 =	vmin.f32 v12, v40;
	v40 =	vmax.f32 v43, v47;
	v43 =	vmin.f32 v49, v39;
	v50 =	vld [tilespmem:s26+$0x8540]  }
0x44c: {  	v42 =	vmax.f32 v12, v42;
	v12 =	vmax.f32 v45, v40;
	v27 =	vmax.f32 v27, v20;
	v47 =	vld [tilespmem:s26+$0x82C0]  }
0x44d: {  	v45 =	vmin.f32 v42, v38;
	v20 =	vmin.f32 v42, v36;
	v51 =	vmin.f32 v12, v36;
	v40 =	vld [tilespmem:s26+$0x84C0]  }
0x44e: {  	v12 =	vmax.f32 v39, v12;
	v20 =	vmax.f32 v44, v20;
	v39 =	vmax.f32 v45, v51;
	v52 =	vld [tilespmem:s26+$0x83C0]  }
0x44f: {  	v20 =	vmax.f32 v12, v20;
	v12 =	vmax.f32 v37, v27;
	v27 =	vmax.f32 v43, v39;
	v44 =	vld [tilespmem:s26+$0x8240]  }
0x450: {  	v27 =	vmax.f32 v12, v27;
	v37 =	vmax.f32 v50, v48;
	v39 =	vmin.f32 v50, v48  }
0x451: {  	v12 =	vmax.f32 v49, v36;
	v36 =	vmax.f32 v42, v38  }
0x452: {  	v31 =	vmax.f32 v31, v36;
	v38 =	vmax.f32 v46, v40  }
0x453: {  	v42 =	vmax.f32 v41, v52;
	v41 =	vmin.f32 v41, v52;
	v36 =	vmax.f32 v38, v37  }
.Ltmp28:
0x454: {  	v40 =	vmin.f32 v46, v40;
	v43 =	vmax.f32 v44, v47;
	v44 =	vmin.f32 v44, v47;
	(pc) =	sbr.rel @p1 .LBB2_59-.Ltmp28, $4  }
0x455: {  	v38 =	vmin.f32 v38, v37;
	v46 =	vmin.f32 v43, v42;
	v47 =	vmax.f32 v44, v41  }
0x456: {  	v48 =	vmax.f32 v40, v39;
	v37 =	vmin.f32 v40, v39;
	v45 =	vmax.f32 v47, v46  }
0x457: {  	v39 =	vmin.f32 v48, v38;
	v40 =	vmax.f32 v43, v42;
	v46 =	vmin.f32 v47, v46  }
0x458: {  	v38 =	vmax.f32 v48, v38;
	v43 =	vmin.f32 v12, v45;
	v42 =	vmax.f32 v31, v45  }
0x459: {  	v47 =	vmin.f32 v31, v40;
	v56 =	vmax.f32 v46, v20;
	v57 =	vmin.f32 v12, v46;
	v46 =	vld [tilespmem:s24+$0x8550]  }
0x45a: {  	v31 =	vmin.f32 v31, v45;
	v41 =	vmin.f32 v44, v41;
	v20 =	vmin.f32 v20, v40;
	v58 =	vld [tilespmem:s24+$0x84D0]  }
0x45b: {  	v48 =	vmax.f32 v12, v40;
	v49 =	vld [tilespmem:s24+$0x8450];
	v12 =	vmin.f32 v12, v40;
	v27 =	vmax.f32 v41, v27  }
0x45c: {  	v62 =	vld [tilespmem:s24+$0x8350];
	v20 =	vmax.f32 v31, v20;
	v59 =	vmin.f32 v48, v36;
	v31 =	vmin.f32 v48, v38  }
0x45d: {  	v63 =	vld [tilespmem:s24+$0x85D0];
	v60 =	vmax.f32 v43, v47;
	v61 =	vmin.f32 v48, v39;
	v42 =	vmax.f32 v12, v42  }
0x45e: {  	v51 =	vld [tilespmem:s24+$0x83D0];
	v20 =	vmax.f32 v57, v20;
	v12 =	vmax.f32 v56, v60;
	v54 =	vmin.f32 v42, v38  }
0x45f: {  	v27 =	vmax.f32 v27, v20;
	v20 =	vmin.f32 v42, v36;
	v50 =	vmin.f32 v12, v36  }
0x460: {  	v55 =	vld [tilespmem:s24+$0x8250];
	v12 =	vmax.f32 v39, v12;
	v20 =	vmax.f32 v31, v20;
	v31 =	vmax.f32 v54, v50  }
0x461: {  	v56 =	vld [tilespmem:s24+$0x82D0];
	v20 =	vmax.f32 v12, v20;
	v12 =	vmax.f32 v37, v27;
	v27 =	vmax.f32 v61, v31  }
0x462: {  	v31 =	vmax.f32 v48, v36;
	v39 =	vmax.f32 v46, v63;
	v57 =	vmin.f32 v49, v58  }
0x463: {  	v48 =	vmin.f32 v62, v51;
	v12 =	vmax.f32 v12, v27;
	v27 =	vmax.f32 v42, v38  }
0x464: {  	v38 =	vmax.f32 v49, v58;
	v58 =	vmin.f32 v46, v63;
	v27 =	vmax.f32 v59, v27  }
0x465: {  	v40 =	vmin.f32 v38, v39;
	v59 =	vmax.f32 v62, v51;
	v44 =	vmax.f32 v57, v58  }
0x466: {  	v60 =	vmax.f32 v55, v56;
	v49 =	vmin.f32 v55, v56;
	v37 =	vmin.f32 v57, v58  }
0x467: {  	v41 =	vmin.f32 v44, v40;
	v61 =	vmin.f32 v60, v59;
	v62 =	vmax.f32 v49, v48  }
0x468: {  	v43 =	vmax.f32 v60, v59;
	v46 =	vmax.f32 v62, v61;
	v42 =	vmin.f32 v62, v61  }
0x469: {  	v63 =	vmin.f32 v17, v43;
	v45 =	vmin.f32 v6, v43;
	v52 =	vmin.f32 v6, v46  }
0x46a: {  	s24 =	simm.s32 $0x1000;
	v36 =	vmovc v6;
	v47 =	vmin.f32 v17, v46;
	v50 =	vmax.f32 v42, v9;
	v51 =	vmax.f32 v52, v63  }
.LBB2_61:
0x46b: {  	s25 =	sshra.s32 s24, $0x2;
	p1 =	sne.s32 s24, $0x1F000;
	s24 =	sadd.s32 $0x1000, s24;
	v48 =	vmin.f32 v49, v48;
	v49 =	vmax.f32 v50, v51  }
0x46c: {  	v6 =	vmax.f32 v6, v43;
	v50 =	vld [tilespmem:s25+$0x8550];
	v51 =	vmax.f32 v41, v49  }
0x46d: {  	v38 =	vmax.f32 v38, v39;
	v40 =	vmax.f32 v44, v40;
	v30 =	vmax.f32 v48, v30;
	v52 =	vld [tilespmem:s25+$0x84D0]  }
0x46e: {  	v44 =	vmin.f32 v6, v38;
	v48 =	vmin.f32 v6, v40;
	v41 =	vmin.f32 v6, v41;
	v39 =	vld [tilespmem:s25+$0x8450]  }
0x46f: {  	v9 =	vmin.f32 v9, v43;
	v17 =	vmax.f32 v17, v46;
	v6 =	vmax.f32 v6, v38;
	v53 =	vld [tilespmem:s25+$0x8350]  }
0x470: {  	v42 =	vmin.f32 v36, v42;
	v17 =	vmax.f32 v45, v17;
	v9 =	vmax.f32 v47, v9;
	v36 =	vmovc v6;
	v43 =	vld [tilespmem:s25+$0x85D0]  }
0x471: {  	v46 =	vmin.f32 v17, v38;
	v47 =	vmin.f32 v17, v40;
	v38 =	vmin.f32 v49, v38;
	v45 =	vld [tilespmem:s25+$0x83D0]  }
0x472: {  	v9 =	vmax.f32 v42, v9;
	v42 =	vmax.f32 v48, v46;
	v46 =	vmax.f32 v47, v38;
	v49 =	vld [tilespmem:s25+$0x8250]  }
0x473: {  	v30 =	vmax.f32 v30, v9;
	v47 =	vld [tilespmem:s25+$0x82D0];
	v38 =	vmax.f32 v39, v52;
	v52 =	vmin.f32 v39, v52  }
0x474: {  	v9 =	vmax.f32 v51, v42;
	v30 =	vmax.f32 v37, v30;
	v37 =	vmax.f32 v41, v46  }
0x475: {  	v17 =	vmax.f32 v17, v40;
	v30 =	vmax.f32 v30, v37;
	v39 =	vmax.f32 v50, v43  }
0x476: {  	v17 =	vmax.f32 v44, v17;
	v37 =	vmin.f32 v50, v43;
	v40 =	vmin.f32 v38, v39  }
0x477: {  	v42 =	vmax.f32 v53, v45;
	v48 =	vmin.f32 v53, v45;
	v44 =	vmax.f32 v52, v37  }
.Ltmp29:
0x478: {  	v41 =	vmin.f32 v44, v40;
	v45 =	vmax.f32 v49, v47;
	v49 =	vmin.f32 v49, v47;
	(pc) =	sbr.rel @p1 .LBB2_61-.Ltmp29, $4  }
0x479: {  	v43 =	vmax.f32 v45, v42;
	v42 =	vmin.f32 v45, v42;
	v45 =	vmax.f32 v49, v48  }
0x47a: {  	v46 =	vmax.f32 v45, v42;
	v42 =	vmin.f32 v45, v42;
	v51 =	vmin.f32 v17, v43  }
0x47b: {  	v37 =	vmin.f32 v52, v37;
	v45 =	vmin.f32 v6, v43;
	v53 =	vmin.f32 v6, v46  }
0x47c: {  	v47 =	vmin.f32 v17, v46;
	v50 =	vmax.f32 v42, v9;
	v51 =	vmax.f32 v53, v51  }
0x47d: {  	s24 =	simm.s32 $0x0  }
0x47e: {  	v55 =	vmax.f32 v50, v51;
	v50 =	vld [tilespmem:s24+$0x85E0]  }
0x47f: {  	v48 =	vmin.f32 v49, v48;
	v38 =	vmax.f32 v38, v39;
	v39 =	vld [tilespmem:s24+$0x8460]  }
0x480: {  	v6 =	vmax.f32 v6, v43;
	v30 =	vmax.f32 v48, v30;
	v48 =	vld [tilespmem:s24+$0x8360]  }
0x481: {  	v40 =	vmax.f32 v44, v40;
	v9 =	vmin.f32 v9, v43;
	v17 =	vmax.f32 v17, v46;
	v58 =	vld [tilespmem:s24+$0x8560]  }
0x482: {  	v36 =	vmin.f32 v36, v42;
	v51 =	vmax.f32 v41, v55;
	v56 =	vmin.f32 v6, v38;
	v60 =	vld [tilespmem:s24+$0x82E0]  }
0x483: {  	v57 =	vmin.f32 v6, v40;
	v59 =	vmin.f32 v6, v41;
	v17 =	vmax.f32 v45, v17;
	v62 =	vld [tilespmem:s24+$0x84E0]  }
0x484: {  	v6 =	vmax.f32 v6, v38;
	v9 =	vmax.f32 v47, v9;
	v52 =	vld [tilespmem:s24+$0x83E0];
	v61 =	vmin.f32 v17, v38  }
0x485: {  	v53 =	vld [tilespmem:s24+$0x8260];
	v38 =	vmin.f32 v55, v38;
	v63 =	vmin.f32 v17, v40;
	v9 =	vmax.f32 v36, v9  }
0x486: {  	v54 =	vmax.f32 v17, v40;
	v38 =	vmax.f32 v63, v38;
	v9 =	vmax.f32 v30, v9  }
0x487: {  	v42 =	vmax.f32 v57, v61;
	v9 =	vmax.f32 v37, v9;
	v30 =	vmax.f32 v59, v38  }
0x488: {  	v17 =	vmax.f32 v51, v42;
	v9 =	vmax.f32 v9, v30;
	v30 =	vmax.f32 v56, v54  }
0x489: {  	v55 =	vmax.f32 v58, v50;
	v56 =	vmin.f32 v58, v50;
	v57 =	vmax.f32 v39, v62  }
0x48a: {  	v58 =	vmax.f32 v48, v52;
	v40 =	vmin.f32 v48, v52;
	v59 =	vmax.f32 v53, v60  }
0x48b: {  	v43 =	vmin.f32 v53, v60;
	v39 =	vmin.f32 v39, v62;
	v36 =	vmax.f32 v57, v55  }
0x48c: {  	v60 =	vmin.f32 v59, v58;
	v61 =	vmax.f32 v43, v40;
	v62 =	vmin.f32 v57, v55  }
0x48d: {  	v63 =	vmax.f32 v39, v56;
	v37 =	vmin.f32 v39, v56;
	v41 =	vmax.f32 v59, v58  }
0x48e: {  	v46 =	vmax.f32 v61, v60;
	v45 =	vmin.f32 v61, v60;
	v39 =	vmin.f32 v63, v62  }
0x48f: {  	s25 =	simm.s32 $0x1000;
	v38 =	vmax.f32 v63, v62;
	v44 =	vmin.f32 v13, v46;
	v42 =	vmax.f32 v32, v46  }
.LBB2_63:
0x490: {  	s26 =	sshra.s32 s25, $0x2;
	p1 =	sne.s32 s25, $0x1F000;
	s25 =	sadd.s32 $0x1000, s25;
	v47 =	vmin.f32 v32, v41;
	v32 =	vmin.f32 v32, v46;
	v46 =	vmax.f32 v45, v21  }
0x491: {  	v40 =	vmin.f32 v43, v40;
	v43 =	vmin.f32 v13, v45;
	v21 =	vmin.f32 v21, v41;
	v48 =	vld [tilespmem:s26+$0x85E0]  }
0x492: {  	v49 =	vmax.f32 v13, v41;
	v23 =	vmax.f32 v40, v23;
	v21 =	vmax.f32 v32, v21;
	v45 =	vld [tilespmem:s26+$0x8460]  }
0x493: {  	v32 =	vmin.f32 v49, v36;
	v21 =	vmax.f32 v43, v21;
	v43 =	vmin.f32 v49, v38;
	v40 =	vld [tilespmem:s26+$0x8360]  }
0x494: {  	v13 =	vmin.f32 v13, v41;
	v41 =	vmax.f32 v44, v47;
	v44 =	vmin.f32 v49, v39;
	v50 =	vld [tilespmem:s26+$0x8560]  }
0x495: {  	v42 =	vmax.f32 v13, v42;
	v13 =	vmax.f32 v46, v41;
	v23 =	vmax.f32 v23, v21;
	v47 =	vld [tilespmem:s26+$0x82E0]  }
0x496: {  	v46 =	vmin.f32 v42, v38;
	v21 =	vmin.f32 v42, v36;
	v51 =	vmin.f32 v13, v36;
	v41 =	vld [tilespmem:s26+$0x84E0]  }
0x497: {  	v13 =	vmax.f32 v39, v13;
	v21 =	vmax.f32 v43, v21;
	v39 =	vmax.f32 v46, v51;
	v52 =	vld [tilespmem:s26+$0x83E0]  }
0x498: {  	v21 =	vmax.f32 v13, v21;
	v13 =	vmax.f32 v37, v23;
	v23 =	vmax.f32 v44, v39;
	v43 =	vld [tilespmem:s26+$0x8260]  }
0x499: {  	v23 =	vmax.f32 v13, v23;
	v37 =	vmax.f32 v50, v48;
	v39 =	vmin.f32 v50, v48  }
0x49a: {  	v13 =	vmax.f32 v49, v36;
	v36 =	vmax.f32 v42, v38  }
0x49b: {  	v32 =	vmax.f32 v32, v36;
	v38 =	vmax.f32 v45, v41  }
0x49c: {  	v42 =	vmax.f32 v40, v52;
	v40 =	vmin.f32 v40, v52;
	v36 =	vmax.f32 v38, v37  }
.Ltmp30:
0x49d: {  	v41 =	vmin.f32 v45, v41;
	v44 =	vmax.f32 v43, v47;
	v43 =	vmin.f32 v43, v47;
	(pc) =	sbr.rel @p1 .LBB2_63-.Ltmp30, $4  }
0x49e: {  	v38 =	vmin.f32 v38, v37;
	v45 =	vmin.f32 v44, v42;
	v47 =	vmax.f32 v43, v40  }
0x49f: {  	v48 =	vmax.f32 v41, v39;
	v37 =	vmin.f32 v41, v39;
	v46 =	vmax.f32 v47, v45  }
0x4a0: {  	v39 =	vmin.f32 v48, v38;
	v41 =	vmax.f32 v44, v42;
	v45 =	vmin.f32 v47, v45  }
0x4a1: {  	v38 =	vmax.f32 v48, v38;
	v44 =	vmin.f32 v13, v46;
	v42 =	vmax.f32 v32, v46  }
0x4a2: {  	v47 =	vmin.f32 v32, v41;
	v48 =	vld [tilespmem:s24+$0x85F0]  }
0x4a3: {  	v53 =	vmin.f32 v32, v46;
	v54 =	vmax.f32 v45, v21;
	v55 =	vmin.f32 v13, v45;
	v45 =	vld [tilespmem:s24+$0x8470]  }
0x4a4: {  	v21 =	vmin.f32 v21, v41;
	v40 =	vmin.f32 v43, v40;
	v56 =	vmax.f32 v13, v41;
	v59 =	vld [tilespmem:s24+$0x8570]  }
0x4a5: {  	v13 =	vmin.f32 v13, v41;
	v60 =	vld [tilespmem:s24+$0x82F0];
	v21 =	vmax.f32 v53, v21;
	v23 =	vmax.f32 v40, v23  }
0x4a6: {  	v49 =	vld [tilespmem:s24+$0x84F0];
	v57 =	vmin.f32 v56, v38;
	v58 =	vmax.f32 v44, v47;
	v13 =	vmax.f32 v13, v42  }
0x4a7: {  	v50 =	vld [tilespmem:s24+$0x83F0];
	v51 =	vmin.f32 v56, v39;
	v53 =	vmin.f32 v56, v36;
	v21 =	vmax.f32 v55, v21  }
0x4a8: {  	v52 =	vld [tilespmem:s24+$0x8270];
	v41 =	vmax.f32 v54, v58;
	v61 =	vmin.f32 v13, v38;
	v54 =	vmax.f32 v13, v38  }
0x4a9: {  	v40 =	vld [tilespmem:s24+$0x8370];
	v23 =	vmax.f32 v23, v21;
	v21 =	vmin.f32 v13, v36;
	v62 =	vmin.f32 v41, v36  }
0x4aa: {  	v41 =	vmax.f32 v39, v41;
	v32 =	vmax.f32 v53, v54;
	v21 =	vmax.f32 v57, v21  }
0x4ab: {  	v63 =	vmax.f32 v61, v62;
	v23 =	vmax.f32 v37, v23;
	v21 =	vmax.f32 v41, v21  }
0x4ac: {  	v39 =	vmax.f32 v51, v63;
	v55 =	vmax.f32 v59, v48;
	v57 =	vmax.f32 v45, v49  }
0x4ad: {  	v43 =	vmin.f32 v52, v60;
	v13 =	vmax.f32 v23, v39;
	v23 =	vmax.f32 v56, v36  }
0x4ae: {  	v56 =	vmin.f32 v59, v48;
	v58 =	vmax.f32 v40, v50;
	v40 =	vmin.f32 v40, v50  }
0x4af: {  	v36 =	vmax.f32 v57, v55;
	v59 =	vmax.f32 v52, v60;
	v60 =	vmin.f32 v45, v49  }
0x4b0: {  	v63 =	vmin.f32 v57, v55;
	v61 =	vmin.f32 v59, v58;
	v62 =	vmax.f32 v43, v40  }
0x4b1: {  	v49 =	vmax.f32 v60, v56;
	v38 =	vmin.f32 v60, v56;
	v41 =	vmax.f32 v59, v58  }
0x4b2: {  	v45 =	vmax.f32 v62, v61;
	v46 =	vmin.f32 v62, v61;
	v39 =	vmin.f32 v49, v63  }
0x4b3: {  	s24 =	simm.s32 $0x1000;
	v37 =	vmax.f32 v49, v63;
	v44 =	vmin.f32 v14, v45;
	v42 =	vmax.f32 v34, v45  }
.LBB2_65:
0x4b4: {  	s25 =	sshra.s32 s24, $0x2;
	p1 =	sne.s32 s24, $0x1F000;
	s24 =	sadd.s32 $0x1000, s24;
	v47 =	vmin.f32 v34, v41;
	v34 =	vmin.f32 v34, v45;
	v45 =	vmax.f32 v46, v22  }
0x4b5: {  	v40 =	vmin.f32 v43, v40;
	v43 =	vmin.f32 v14, v46;
	v22 =	vmin.f32 v22, v41;
	v48 =	vld [tilespmem:s25+$0x85F0]  }
0x4b6: {  	v49 =	vmax.f32 v14, v41;
	v24 =	vmax.f32 v40, v24;
	v22 =	vmax.f32 v34, v22;
	v46 =	vld [tilespmem:s25+$0x8470]  }
0x4b7: {  	v34 =	vmin.f32 v49, v36;
	v22 =	vmax.f32 v43, v22;
	v43 =	vmin.f32 v49, v37;
	v40 =	vld [tilespmem:s25+$0x8370]  }
0x4b8: {  	v14 =	vmin.f32 v14, v41;
	v41 =	vmax.f32 v44, v47;
	v44 =	vmin.f32 v49, v39;
	v50 =	vld [tilespmem:s25+$0x8570]  }
0x4b9: {  	v42 =	vmax.f32 v14, v42;
	v14 =	vmax.f32 v45, v41;
	v24 =	vmax.f32 v24, v22;
	v47 =	vld [tilespmem:s25+$0x82F0]  }
0x4ba: {  	v45 =	vmin.f32 v42, v37;
	v22 =	vmin.f32 v42, v36;
	v51 =	vmin.f32 v14, v36;
	v41 =	vld [tilespmem:s25+$0x84F0]  }
0x4bb: {  	v14 =	vmax.f32 v39, v14;
	v22 =	vmax.f32 v43, v22;
	v39 =	vmax.f32 v45, v51;
	v52 =	vld [tilespmem:s25+$0x83F0]  }
0x4bc: {  	v22 =	vmax.f32 v14, v22;
	v14 =	vmax.f32 v38, v24;
	v24 =	vmax.f32 v44, v39;
	v43 =	vld [tilespmem:s25+$0x8270]  }
0x4bd: {  	v24 =	vmax.f32 v14, v24;
	v38 =	vmax.f32 v50, v48;
	v39 =	vmin.f32 v50, v48  }
0x4be: {  	v14 =	vmax.f32 v49, v36;
	v36 =	vmax.f32 v42, v37  }
0x4bf: {  	v34 =	vmax.f32 v34, v36;
	v37 =	vmax.f32 v46, v41  }
0x4c0: {  	v42 =	vmax.f32 v40, v52;
	v40 =	vmin.f32 v40, v52;
	v36 =	vmax.f32 v37, v38  }
.Ltmp31:
0x4c1: {  	v41 =	vmin.f32 v46, v41;
	v44 =	vmax.f32 v43, v47;
	v43 =	vmin.f32 v43, v47;
	(pc) =	sbr.rel @p1 .LBB2_65-.Ltmp31, $4  }
0x4c2: {  	v37 =	vmin.f32 v37, v38;
	v46 =	vmin.f32 v44, v42;
	v47 =	vmax.f32 v43, v40  }
0x4c3: {  	v48 =	vmax.f32 v41, v39;
	v38 =	vmin.f32 v41, v39;
	v45 =	vmax.f32 v47, v46  }
0x4c4: {  	v39 =	vmin.f32 v48, v37;
	v41 =	vmax.f32 v44, v42;
	v46 =	vmin.f32 v47, v46  }
0x4c5: {  	v37 =	vmax.f32 v48, v37;
	v44 =	vmin.f32 v14, v45;
	v42 =	vmax.f32 v34, v45  }
0x4c6: {  	v25 =	vmul.f32 v25, v0  }
0x4c7: {  	v47 =	vmin.f32 v34, v41;
	v33 =	vmul.f32 v33, v1;
	v4 =	vmul.f32 v4, v0  }
0x4c8: {  	v51 =	vmin.f32 v34, v45;
	v28 =	vmul.f32 v28, v1;
	v10 =	vmul.f32 v10, v2  }
0x4c9: {  	v52 =	vmax.f32 v46, v22;
	v18 =	vmul.f32 v18, v3;
	v15 =	vmul.f32 v15, v2  }
0x4ca: {  	v53 =	vmin.f32 v22, v41;
	v45 =	vmul.f32 v35, v1;
	v5 =	vmul.f32 v5, v0  }
0x4cb: {  	v54 =	vmin.f32 v14, v46;
	v46 =	vmul.f32 v29, v1;
	v7 =	vmul.f32 v7, v3  }
0x4cc: {  	v40 =	vmin.f32 v43, v40;
	v19 =	vmul.f32 v19, v2;
	v11 =	vmul.f32 v11, v3  }
0x4cd: {  	v55 =	vmax.f32 v14, v41;
	v8 =	vmul.f32 v8, v3;
	v49 =	vmul.f32 v31, v0  }
0x4ce: {  	v57 =	vmin.f32 v14, v41;
	v50 =	vmul.f32 v27, v1;
	v6 =	vmul.f32 v6, v0  }
0x4cf: {  	v12 =	vmul.f32 v12, v3;
	v22 =	vmax.f32 v51, v53;
	v24 =	vmax.f32 v40, v24  }
0x4d0: {  	v56 =	vmin.f32 v55, v37;
	v58 =	vmax.f32 v44, v47;
	v59 =	vmin.f32 v55, v39  }
0x4d1: {  	v14 =	vmax.f32 v57, v42;
	v44 =	vmul.f32 v26, v0;
	v47 =	vmul.f32 v16, v2  }
0x4d2: {  	v42 =	vmin.f32 v55, v36;
	v51 =	vmul.f32 v20, v2;
	v53 =	vmul.f32 v17, v2  }
0x4d3: {  	v43 =	vmax.f32 v55, v36;
	v55 =	vmul.f32 v32, v1;
	v57 =	vmul.f32 v21, v2  }
0x4d4: {  	v22 =	vmax.f32 v54, v22;
	v41 =	vmax.f32 v52, v58;
	v60 =	vmin.f32 v14, v37  }
0x4d5: {  	v62 =	vmin.f32 v14, v36;
	v14 =	vmax.f32 v14, v37;
	v25 =	vadd.f32 v33, v25  }
0x4d6: {  	v4 =	vadd.f32 v28, v4;
	v5 =	vadd.f32 v46, v5;
	v52 =	vmul.f32 v30, v1  }
0x4d7: {  	s24 =	sadd.s32 @!p0 $0x100, s20;
	v54 =	vmul.f32 v23, v0;
	v22 =	vmax.f32 v24, v22;
	v61 =	vmin.f32 v41, v36  }
0x4d8: {  	s24 =	sshrl.u32 @!p0 s24, $0x3;
	v63 =	vmax.f32 v39, v41;
	v40 =	vmax.f32 v56, v62;
	v14 =	vmax.f32 v42, v14  }
0x4d9: {  	s24 =	smul.u32 @!p0 $0x1800, s24;
	v56 =	vmul.f32 v43, v0;
	v24 =	vmax.f32 v60, v61;
	v10 =	vadd.f32 v10, v25  }
0x4da: {  	v22 =	vmax.f32 v38, v22;
	v4 =	vadd.f32 v15, v4;
	v25 =	vadd.f32 v45, v44  }
0x4db: {  	s25 =	simm.s32 @!p0 $0x1800;
	v39 =	vmax.f32 v63, v40;
	s22 =	sadd.s32 @!p0 s22, s24;
	v5 =	vadd.f32 v47, v5;
	v6 =	vadd.f32 v52, v6  }
0x4dc: {  	s26 =	simm.s32 @!p0 $0x8200;
	s21 =	sshll.u32 s21, $0x7;
	v14 =	vmul.f32 v14, v1;
	s22 =	sshrl.u32 @!p0 s22, $0x3;
	v10 =	vadd.f32 v18, v10;
	v4 =	vadd.f32 v7, v4  }
0x4dd: {  	s21 =	sand.u32 $0x3FFFFF80, s21;
	s24 =	simm.s32 @!p0 $0x400;
	v61 =	vmul.f32 v13, v3;
	v48 =	vadd.f32 v19, v25;
	s22 =	sadd.s32 @!p0 s1, s22;
	v5 =	vadd.f32 v8, v5  }
0x4de: {  	v24 =	vmax.f32 v59, v24;
	v6 =	vadd.f32 v53, v6;
	v8 =	vadd.f32 v55, v54;
	[tilespmem:s26], [sflag:$0x2] =	stream.strided.gather @!p0 [hbm4b:s22+s24], $0x8000, s25, s24, $0x38;
	[tilespmem:$0x10500] =	vst v63  }
0x4df: {  	v7 =	vadd.f32 v11, v48;
	v11 =	vadd.f32 v50, v49;
	[tilespmem:s21+$0x10210] =	vst v4;
	v4 =	vmul.f32 v9, v3  }
0x4e0: {  	v59 =	vmul.f32 v39, v2;
	v58 =	vadd.f32 v14, v56;
	[tilespmem:s21+$0x10200] =	vst v10;
	v8 =	vadd.f32 v57, v8  }
0x4e1: {  	v22 =	vmax.f32 v22, v24;
	p0 =	sne.s32 s23, $0x6;
	[tilespmem:s21+$0x10230] =	vst v5;
	v11 =	vadd.f32 v51, v11;
	v4 =	vadd.f32 v4, v6  }
.Ltmp32:
0x4e2: {  	v62 =	vmul.f32 v22, v3;
	v5 =	vadd.f32 v59, v58;
	[tilespmem:s21+$0x10220] =	vst v7;
	v63 =	vadd.f32 v61, v8;
	(pc) =	sbr.rel @p0 .LBB2_2-.Ltmp32, $4  }
0x4e3: {  	v60 =	vadd.f32 v12, v11;
	[tilespmem:s21+$0x10250] =	vst v4  }
0x4e4: {  	v4 =	vadd.f32 v62, v5;
	[tilespmem:s21+$0x10260] =	vst v63  }
0x4e5: {  	[tilespmem:s21+$0x10240] =	vst v60  }
0x4e6: {  	[tilespmem:s21+$0x10270] =	vst v4;
	s21 =	smov.u32 s23  }
0x4e7: {  	s18 =	sadd.s32 $0x1, s18  }
0x4e8: {  	p0 =	sne.s32 s18, s9  }
.Ltmp33:
0x4e9: {  	_ = 	snop;
	(pc) =	sbr.rel @p0 .LBB2_1-.Ltmp33, $4  }
0x4ea: {  	[hbm4b:s8+s3] =	stream.linear.scatter [tilespmem:s17], [sflag:$0x3], $0x300, $0x38;
	[tilespmem:$0x10500] =	vst v63  }
0x4eb: {  	_ =	swait.ge [sflag:s10], $0x300  }
0x4ec: {  	[sflag:s10] =	ssyncset.done $0x0  }
0x4ed: {  	[sflag:s10] =	ssyncadd.s32 $0xFFFFFD00  }
0x4ee: {  	_ =	sfence.sel $0x180000  }
0x4ef: {  	[bflag:$0x0] =	sbarrier.arrive $0xFFFF  }
0x4f0: {  	p0 =	sne.s32 s2, $0x0;
	_ =	strace $0x90000047  }
0x4f1: {  	s0 =	sadd.s32 @!p0 $0x100000, s0;
	[bflag:$0x2] =	sbarrier.arrive $0xFFFF  }
0x4f2: {  	[sflag:s0] =	ssyncadd.tile.s32 @!p0 $0x1;
	_ =	shalt  }
.Lfunc_end2:
_tile_overlayer_lowered:
.L_overlay_start_2:
0x4f3: {  	(tag) =	ssettag $0x2  }
0x4f4: {  	s0 =	rddreg [dreg:$0x0];
	s2 =	stileid.u32  }
0x4f5: {  	s1 =	rddreg [dreg:$0x1];
	p0 =	sne.s32 s2, $0x0  }
0x4f6: {  	s3 =	rddreg [dreg:$0x2];
	[bflag:$0x3] =	sbarrier.arrive $0xFFFF;
	s2 =	simm.s32 @!p0 $0x1C03  }
0x4f7: {  	[timem:s3], [sflag:s2] =	dma.local @!p0 [hbm:s0], s1  }
0x4f8: {  	s0 =	simm.s32 @!p0 $0x3  }
0x4f9: {  	_ =	swait.ge @!p0 [sflag:s0], s1  }
0x4fa: {  	s1 =	ssub.s32 @!p0 $0x0, s1;
	[sflag:s0] =	ssyncset.done @!p0 $0x0  }
0x4fb: {  	[sflag:s0] =	ssyncadd.s32 @!p0 s1  }
0x4fc: {  	[bflag:$0x3] =	sbarrier.arrive $0xFFFF  }
0x4fd: {  	_ =	shalt  }

</sc_bundles>
